<compile_context>
chip_gen: v7x
topology: tpu7x:2x2x1
jax: 0.10.2.dev20260603
libtpu: 0.0.44.dev20260713+nightly
codegen_flags: <defaults>
</compile_context>

<pallas_src>
import functools

import jax
import jax.numpy as jnp
from jax import lax
from jax.experimental import pallas as pl
from jax.experimental.pallas import tpu as pltpu
from jax.experimental.pallas import tpu_sc as plsc

f32 = jnp.float32
i32 = jnp.int32

_N = 10000
_E = 320000
_IN = 128
_HID = 256
_OUT = 128

_NP = 10240
_RB = 1024
_RPT = _NP // 16
_K = 128
_NCH = 80
_EH = 16 * _NCH * _K
_E2 = _E // 2
_NSC = 2
_F = 128

_mesh = plsc.VectorSubcoreMesh(core_axis_name="c", subcore_axis_name="s")



_KS = 320
_NST = _NCH * _K // _KS

@functools.partial(
    pl.kernel,
    out_type=jax.ShapeDtypeStruct((_NSC * _NP, _F), f32),
    mesh=_mesh,
    scratch_types=[
        pltpu.VMEM_SHARED((_NP, _F), f32),
        pltpu.VMEM((_KS,), i32),
        pltpu.VMEM((_KS,), i32),
        pltpu.VMEM((_KS,), i32),
        pltpu.VMEM((_KS,), i32),
        pltpu.VMEM((_KS, _F), f32),
        pltpu.SemaphoreType.DMA,
        pltpu.SemaphoreType.DMA,
        pltpu.SemaphoreType.DMA,
    ],
)
def _sc_scatter(g_hbm, srcx_hbm, dstx_hbm, zeros_hbm, out_hbm, acc,
                src0, dst0, src1, dst1, rowsv, gsem, isem0, isem1):
    c = lax.axis_index("c")
    s = lax.axis_index("s")
    row0 = s * _RPT
    srcs = (src0, src1)
    dsts = (dst0, dst1)
    isems = (isem0, isem1)
    base = c * _EH + s * (_NCH * _K)

    def idx_load(t, b):
        off = base + t * _KS
        pltpu.async_copy(srcx_hbm.at[pl.ds(off, _KS)], srcs[b], isems[b])
        pltpu.async_copy(dstx_hbm.at[pl.ds(off, _KS)], dsts[b], isems[b])

    def idx_wait(t, b):
        off = base + t * _KS
        pltpu.make_async_copy(srcx_hbm.at[pl.ds(off, _KS)], srcs[b],
                              isems[b]).wait()
        pltpu.make_async_copy(dstx_hbm.at[pl.ds(off, _KS)], dsts[b],
                              isems[b]).wait()

    def work(t, b):
        pltpu.async_copy(g_hbm.at[srcs[b]], rowsv, gsem).wait()
        pltpu.sync_copy(rowsv, acc.at[dsts[b]], add=True)

    idx_load(0, 0)
    pltpu.sync_copy(zeros_hbm, acc.at[pl.ds(row0, _RPT)])
    plsc.subcore_barrier()

    def body(blk, carry):
        t0 = blk * 2
        for u in range(2):
            idx_load(t0 + u + 1, 1 - u)
            idx_wait(t0 + u, u)
            work(t0 + u, u)
        return carry

    lax.fori_loop(0, _NST // 2 - 1, body, 0)
    idx_load(_NST - 1, 1)
    idx_wait(_NST - 2, 0)
    work(_NST - 2, 0)
    idx_wait(_NST - 1, 1)
    work(_NST - 1, 1)

    plsc.subcore_barrier()
    stage = rowsv.at[pl.ds(0, _K)]
    for t in range(_RPT // _K):
        r = row0 + t * _K
        pltpu.sync_copy(acc.at[pl.ds(r, _K)], stage)
        pltpu.sync_copy(stage, out_hbm.at[pl.ds(c * _NP + r, _K)])



def _tc1_body(x_ref, w_ref, deg_ref, gs_ref, gf_ref, dinv_ref):
    deg = deg_ref[0, :, 0:1] + deg_ref[1, :, 0:1] + 1.0
    dinv = lax.rsqrt(deg)
    h = jnp.dot(x_ref[...], w_ref[...], preferred_element_type=f32)
    g = h * dinv
    half = _HID // 2
    gs_ref[0] = g[:, :half]
    gs_ref[1] = g[:, half:]
    gf_ref[...] = g
    dinv_ref[...] = dinv


def _tc1(x_pad, W1, degacc):
    grid = (_NP // _RB,)
    return pl.pallas_call(
        _tc1_body,
        grid=grid,
        in_specs=[
            pl.BlockSpec((_RB, _IN), lambda i: (i, 0)),
            pl.BlockSpec((_IN, _HID), lambda i: (0, 0)),
            pl.BlockSpec((2, _RB, 128), lambda i: (0, i, 0)),
        ],
        out_specs=[
            pl.BlockSpec((2, _RB, _HID // 2), lambda i: (0, i, 0)),
            pl.BlockSpec((_RB, _HID), lambda i: (i, 0)),
            pl.BlockSpec((_RB, 1), lambda i: (i, 0)),
        ],
        out_shape=[
            jax.ShapeDtypeStruct((2, _NP, _HID // 2), f32),
            jax.ShapeDtypeStruct((_NP, _HID), f32),
            jax.ShapeDtypeStruct((_NP, 1), f32),
        ],
    )(x_pad, W1, degacc)


def _tc2_body(acca_ref, accb_ref, gf_ref, dinv_ref, b_ref, w_ref, g2f_ref):
    accf = jnp.concatenate([acca_ref[0] + accb_ref[0],
                            acca_ref[1] + accb_ref[1]], axis=1)
    dinv = dinv_ref[...]
    h2 = jnp.maximum(dinv * (accf + gf_ref[...]) + b_ref[...], 0.0)
    g2f_ref[...] = jnp.dot(h2, w_ref[...], preferred_element_type=f32) * dinv


def _tc2(acc1a, acc1b, g1f, dinv, b1, W2):
    grid = (_NP // _RB,)
    return pl.pallas_call(
        _tc2_body,
        grid=grid,
        in_specs=[
            pl.BlockSpec((2, _RB, _HID // 2), lambda i: (0, i, 0)),
            pl.BlockSpec((2, _RB, _HID // 2), lambda i: (0, i, 0)),
            pl.BlockSpec((_RB, _HID), lambda i: (i, 0)),
            pl.BlockSpec((_RB, 1), lambda i: (i, 0)),
            pl.BlockSpec((1, _HID), lambda i: (0, 0)),
            pl.BlockSpec((_HID, _OUT), lambda i: (0, 0)),
        ],
        out_specs=pl.BlockSpec((_RB, _OUT), lambda i: (i, 0)),
        out_shape=jax.ShapeDtypeStruct((_NSC * _NP, _OUT), f32),
    )(acc1a, acc1b, g1f, dinv, b1, W2)


def _tc3_body(acc_ref, g2f_ref, dinv_ref, b_ref, out_ref):
    accf = acc_ref[0] + acc_ref[1]
    out_ref[...] = dinv_ref[...] * (accf + g2f_ref[...]) + b_ref[...]


def _tc3(acc2, g2f, dinv, b2):
    grid = (_NP // _RB,)
    return pl.pallas_call(
        _tc3_body,
        grid=grid,
        in_specs=[
            pl.BlockSpec((2, _RB, _OUT), lambda i: (0, i, 0)),
            pl.BlockSpec((_RB, _OUT), lambda i: (i, 0)),
            pl.BlockSpec((_RB, 1), lambda i: (i, 0)),
            pl.BlockSpec((1, _OUT), lambda i: (0, 0)),
        ],
        out_specs=pl.BlockSpec((_RB, _OUT), lambda i: (i, 0)),
        out_shape=jax.ShapeDtypeStruct((_NP, _OUT), f32),
    )(acc2, g2f, dinv, b2)



@jax.jit
def _run(x, edge_index, W1, b1, W2, b2):
    ei = edge_index.astype(i32)
    dum = jnp.full((_EH - _E2,), _N, dtype=i32)
    srcA, srcB = ei[0, :_E2], ei[0, _E2:]
    dstA, dstB = ei[1, :_E2], ei[1, _E2:]

    x_pad = jnp.zeros((_NP, _IN), f32).at[:_N].set(x)
    zeros_acc = jnp.zeros((_RPT, _F), f32)

    srcx_eo = jnp.concatenate([srcA, dum, srcB, dum])
    dstx_eo = jnp.concatenate([dstA, dum, dstB, dum])
    srcx_a = jnp.concatenate([srcA, dum, srcA + _NP, dum])
    dstx_a = jnp.concatenate([dstA, dum, dstA, dum])
    srcx_b = jnp.concatenate([srcB, dum, srcB + _NP, dum])
    dstx_b = jnp.concatenate([dstB, dum, dstB, dum])

    onehot_tbl = jnp.zeros((_NSC * _NP, _F), f32).at[:, 0].set(1.0)
    degacc = _sc_scatter(onehot_tbl, srcx_eo, dstx_eo, zeros_acc)
    degacc = degacc.reshape(_NSC, _NP, _F)

    g1s, g1f, dinv = _tc1(x_pad, W1, degacc)

    g1tbl = g1s.reshape(_NSC * _NP, _F)
    acc1a = _sc_scatter(g1tbl, srcx_a, dstx_a, zeros_acc).reshape(
        _NSC, _NP, _F)
    acc1b = _sc_scatter(g1tbl, srcx_b, dstx_b, zeros_acc).reshape(
        _NSC, _NP, _F)

    g2pad = _tc2(acc1a, acc1b, g1f, dinv, b1.reshape(1, _HID), W2)

    acc2 = _sc_scatter(g2pad, srcx_eo, dstx_eo, zeros_acc)
    acc2 = acc2.reshape(_NSC, _NP, _OUT)

    out = _tc3(acc2, g2pad, dinv, b2.reshape(1, _OUT))
    return out[:_N]


def kernel(x, edge_index, W1, b1, W2, b2):
    return _run(x, edge_index, W1, b1, W2, b2)

# --- scband reference (transcript-rebuilt; emitter-appended) ---
"""Pipeline reference for scband-gcnnet-82197084111147 (READ-ONLY COPY).

The authoritative reference and input builder live on the scoring server;
editing this copy changes nothing except your own understanding.
"""

import jax, jax.numpy as jnp
import numpy as np

N_NODES = 10000
N_EDGES = 320000
IN_CH = 128
HID = 256
OUT_CH = 128


def setup_inputs(seed: int = 0) -> dict:
    key = jax.random.key(seed)
    k1, k2, k3, k4, k5, k6 = jax.random.split(key, 6)
    x = jax.random.normal(k1, (N_NODES, IN_CH), dtype=jnp.float32)
    edge_index = jax.random.randint(k2, (2, N_EDGES), 0, N_NODES, dtype=jnp.int64)
    W1 = jax.random.normal(k3, (IN_CH, HID), dtype=jnp.float32) * (1.0 / np.sqrt(IN_CH))
    b1 = jnp.zeros((HID,), dtype=jnp.float32)
    W2 = jax.random.normal(k4, (HID, OUT_CH), dtype=jnp.float32) * (1.0 / np.sqrt(HID))
    b2 = jnp.zeros((OUT_CH,), dtype=jnp.float32)
    return {"x": x, "edge_index": edge_index, "W1": W1, "b1": b1, "W2": W2, "b2": b2}


def gcn_conv(x, edge_index, W, b, n_nodes):
    # GCNConv with symmetric normalization and self-loops (PyG semantics).
    loop = jnp.arange(n_nodes, dtype=edge_index.dtype)
    src = jnp.concatenate([edge_index[0], loop])
    dst = jnp.concatenate([edge_index[1], loop])
    deg = jax.ops.segment_sum(jnp.ones_like(dst, dtype=x.dtype), dst, num_segments=n_nodes)
    dinv = jnp.where(deg > 0, deg ** -0.5, 0.0)
    norm = dinv[src] * dinv[dst]
    h = x @ W
    msg = h[src] * norm[:, None]
    out = jax.ops.segment_sum(msg, dst, num_segments=n_nodes)
    return out + b


def reference(x, edge_index, W1, b1, W2, b2):
    n = x.shape[0]
    h = gcn_conv(x, edge_index, W1, b1, n)
    h = jax.nn.relu(h)
    out = gcn_conv(h, edge_index, W2, b2, n)
    return out

if __name__ == "__main__":
    import jax
    _d = setup_inputs()
    print(jax.jit(kernel)(*tuple(_d.values())))

</pallas_src>

<mosaic_0001>
#map = affine_map<(d0, d1) -> (0, 0)>
#map1 = affine_map<(d0, d1) -> (0)>
module attributes {stable_mosaic.version = 14 : i64} {
  func.func @_sc_scatter(%arg0: i32, %arg1: i32, %arg2: memref<20480x128xf32, #tpu.memory_space<hbm>>, %arg3: memref<327680xi32, #tpu.memory_space<hbm>>, %arg4: memref<327680xi32, #tpu.memory_space<hbm>>, %arg5: memref<640x128xf32, #tpu.memory_space<hbm>>, %arg6: memref<20480x128xf32, #tpu.memory_space<hbm>>, %arg7: memref<10240x128xf32, #tpu.memory_space<vmem_shared>>, %arg8: memref<320xi32, #tpu.memory_space<vmem>>, %arg9: memref<320xi32, #tpu.memory_space<vmem>>, %arg10: memref<320xi32, #tpu.memory_space<vmem>>, %arg11: memref<320xi32, #tpu.memory_space<vmem>>, %arg12: memref<320x128xf32, #tpu.memory_space<vmem>>, %arg13: memref<!tpu.dma_semaphore, #tpu.memory_space<semaphore_mem>>, %arg14: memref<!tpu.dma_semaphore, #tpu.memory_space<semaphore_mem>>, %arg15: memref<!tpu.dma_semaphore, #tpu.memory_space<semaphore_mem>>) attributes {dimension_semantics = [#tpu.dimension_semantics<core_parallel>, #tpu.dimension_semantics<subcore_parallel>], iteration_bounds = array<i64: 2, 16>, scalar_prefetch = 0 : i64, scratch_operands = 9 : i64, tpu.core_type = #tpu.core_type<sc_vector_subcore>, window_params = [{transform_indices = #map}, {transform_indices = #map1}, {transform_indices = #map1}, {transform_indices = #map}, {transform_indices = #map}]} {
    %mul3A = arith.constant 640 : i32
    %mul3A_0 = arith.muli %arg1, %mul3A : i32
    %mul3A_1 = arith.constant 163840 : i32
    %mul3A_2 = arith.muli %arg0, %mul3A_1 : i32
    %mul3A_3 = arith.constant 10240 : i32
    %mul3A_4 = arith.muli %arg1, %mul3A_3 : i32
    %add3A = arith.addi %mul3A_2, %mul3A_4 : i32
    %add3A_5 = arith.constant 0 : i32
    %add3A_6 = arith.addi %add3A, %add3A_5 : i32
    %dma_start3A = tpu.memref_slice %arg3[%add3A_6] : memref<327680xi32, #tpu.memory_space<hbm>> -> memref<320xi32, #tpu.memory_space<hbm>>
    %dma_start3A_7 = tpu.memref_slice %arg3[%add3A_6] : memref<327680xi32, #tpu.memory_space<hbm>> -> memref<320xi32, #tpu.memory_space<hbm>>
    tpu.enqueue_dma source(%dma_start3A_7 : memref<320xi32, #tpu.memory_space<hbm>>) target(%arg8 : memref<320xi32, #tpu.memory_space<vmem>>) target_semaphore(%arg14 : memref<!tpu.dma_semaphore, #tpu.memory_space<semaphore_mem>>)
    %dma_start3A_8 = tpu.memref_slice %arg4[%add3A_6] : memref<327680xi32, #tpu.memory_space<hbm>> -> memref<320xi32, #tpu.memory_space<hbm>>
    %dma_start3A_9 = tpu.memref_slice %arg4[%add3A_6] : memref<327680xi32, #tpu.memory_space<hbm>> -> memref<320xi32, #tpu.memory_space<hbm>>
    tpu.enqueue_dma source(%dma_start3A_9 : memref<320xi32, #tpu.memory_space<hbm>>) target(%arg9 : memref<320xi32, #tpu.memory_space<vmem>>) target_semaphore(%arg14 : memref<!tpu.dma_semaphore, #tpu.memory_space<semaphore_mem>>)
    "tpu.region"() ({
      %run_scoped3A = tpu.sem_alloc : memref<!tpu.dma_semaphore, #tpu.memory_space<semaphore_mem>>
      %dma_start3A_70 = arith.constant 0 : i32
      %dma_start3A_71 = tpu.memref_slice %arg7[%mul3A_0, %dma_start3A_70] : memref<10240x128xf32, #tpu.memory_space<vmem_shared>> -> memref<640x128xf32, #tpu.memory_space<vmem_shared>>
      tpu.enqueue_dma source(%arg5 : memref<640x128xf32, #tpu.memory_space<hbm>>) target(%dma_start3A_71 : memref<640x128xf32, #tpu.memory_space<vmem_shared>>) target_semaphore(%run_scoped3A : memref<!tpu.dma_semaphore, #tpu.memory_space<semaphore_mem>>)
      %dma_wait3A_72 = arith.constant 0 : i32
      %dma_wait3A_73 = tpu.memref_slice %arg7[%mul3A_0, %dma_wait3A_72] : memref<10240x128xf32, #tpu.memory_space<vmem_shared>> -> memref<640x128xf32, #tpu.memory_space<vmem_shared>>
      tpu.wait_dma2 semaphore(%run_scoped3A : memref<!tpu.dma_semaphore, #tpu.memory_space<semaphore_mem>>) src(%arg5 : memref<640x128xf32, #tpu.memory_space<hbm>>) dst(%dma_wait3A_73 : memref<640x128xf32, #tpu.memory_space<vmem_shared>>)
      tpu.yield
    }) : () -> ()
    %barrier3A = arith.constant 0 : index
    tpu.barrier barrier_id(%barrier3A)
    %scan3A = arith.constant 0 : i32
    %scan3A_10 = arith.constant 0 : i32
    %scan3A_11 = arith.constant 15 : i32
    %scan3A_12 = arith.addi %scan3A_10, %scan3A_11 : i32
    %scan3A_13 = arith.constant 1 : i32
    scf.for %scan3A_70 = %scan3A_10 to %scan3A_12 step %scan3A_13  : i32 {
      %mul3A_71 = arith.constant 2 : i32
      %mul3A_72 = arith.muli %scan3A_70, %mul3A_71 : i32
      %add3A_73 = arith.constant 0 : i32
      %add3A_74 = arith.addi %mul3A_72, %add3A_73 : i32
      %add3A_75 = arith.constant 1 : i32
      %add3A_76 = arith.addi %add3A_74, %add3A_75 : i32
      %mul3A_77 = arith.constant 320 : i32
      %mul3A_78 = arith.muli %add3A_76, %mul3A_77 : i32
      %add3A_79 = arith.addi %add3A, %mul3A_78 : i32
      %dma_start3A_80 = tpu.memref_slice %arg3[%add3A_79] : memref<327680xi32, #tpu.memory_space<hbm>> -> memref<320xi32, #tpu.memory_space<hbm>>
      %dma_start3A_81 = tpu.memref_slice %arg3[%add3A_79] : memref<327680xi32, #tpu.memory_space<hbm>> -> memref<320xi32, #tpu.memory_space<hbm>>
      tpu.enqueue_dma source(%dma_start3A_81 : memref<320xi32, #tpu.memory_space<hbm>>) target(%arg10 : memref<320xi32, #tpu.memory_space<vmem>>) target_semaphore(%arg15 : memref<!tpu.dma_semaphore, #tpu.memory_space<semaphore_mem>>)
      %dma_start3A_82 = tpu.memref_slice %arg4[%add3A_79] : memref<327680xi32, #tpu.memory_space<hbm>> -> memref<320xi32, #tpu.memory_space<hbm>>
      %dma_start3A_83 = tpu.memref_slice %arg4[%add3A_79] : memref<327680xi32, #tpu.memory_space<hbm>> -> memref<320xi32, #tpu.memory_space<hbm>>
      tpu.enqueue_dma source(%dma_start3A_83 : memref<320xi32, #tpu.memory_space<hbm>>) target(%arg11 : memref<320xi32, #tpu.memory_space<vmem>>) target_semaphore(%arg15 : memref<!tpu.dma_semaphore, #tpu.memory_space<semaphore_mem>>)
      %add3A_84 = arith.constant 0 : i32
      %add3A_85 = arith.addi %mul3A_72, %add3A_84 : i32
      %mul3A_86 = arith.constant 320 : i32
      %mul3A_87 = arith.muli %add3A_85, %mul3A_86 : i32
      %add3A_88 = arith.addi %add3A, %mul3A_87 : i32
      %dma_wait3A_89 = tpu.memref_slice %arg3[%add3A_88] : memref<327680xi32, #tpu.memory_space<hbm>> -> memref<320xi32, #tpu.memory_space<hbm>>
      %dma_wait3A_90 = tpu.memref_slice %arg3[%add3A_88] : memref<327680xi32, #tpu.memory_space<hbm>> -> memref<320xi32, #tpu.memory_space<hbm>>
      tpu.wait_dma2 semaphore(%arg14 : memref<!tpu.dma_semaphore, #tpu.memory_space<semaphore_mem>>) src(%dma_wait3A_90 : memref<320xi32, #tpu.memory_space<hbm>>) dst(%arg8 : memref<320xi32, #tpu.memory_space<vmem>>)
      %dma_wait3A_91 = tpu.memref_slice %arg4[%add3A_88] : memref<327680xi32, #tpu.memory_space<hbm>> -> memref<320xi32, #tpu.memory_space<hbm>>
      %dma_wait3A_92 = tpu.memref_slice %arg4[%add3A_88] : memref<327680xi32, #tpu.memory_space<hbm>> -> memref<320xi32, #tpu.memory_space<hbm>>
      tpu.wait_dma2 semaphore(%arg14 : memref<!tpu.dma_semaphore, #tpu.memory_space<semaphore_mem>>) src(%dma_wait3A_92 : memref<320xi32, #tpu.memory_space<hbm>>) dst(%arg9 : memref<320xi32, #tpu.memory_space<vmem>>)
      %add3A_93 = arith.constant 0 : i32
      %add3A_94 = arith.addi %mul3A_72, %add3A_93 : i32
      %dma_start3A_95 = arith.constant 0 : i32
      %dma_start3A_96 = arith.constant 0 : i32
      %dma_start3A_97 = tpu.memref_slice %arg2[%dma_start3A_95, %dma_start3A_96] : memref<20480x128xf32, #tpu.memory_space<hbm>> -> memref<20480x128xf32, #tpu.memory_space<hbm>>
      tpu.enqueue_indirect_dma source(%dma_start3A_97 : memref<20480x128xf32, #tpu.memory_space<hbm>>) target(%arg12 : memref<320x128xf32, #tpu.memory_space<vmem>>) offsets(%arg8 : memref<320xi32, #tpu.memory_space<vmem>>) semaphore(%arg13 : memref<!tpu.dma_semaphore, #tpu.memory_space<semaphore_mem>>)
      %dma_wait3A_98 = arith.constant 0 : i32
      %dma_wait3A_99 = arith.constant 0 : i32
      %dma_wait3A_100 = tpu.memref_slice %arg2[%dma_wait3A_98, %dma_wait3A_99] : memref<20480x128xf32, #tpu.memory_space<hbm>> -> memref<20480x128xf32, #tpu.memory_space<hbm>>
      tpu.wait_indirect_dma semaphore(%arg13 : memref<!tpu.dma_semaphore, #tpu.memory_space<semaphore_mem>>) src(%dma_wait3A_100 : memref<20480x128xf32, #tpu.memory_space<hbm>>) dst(%arg12 : memref<320x128xf32, #tpu.memory_space<vmem>>)
      "tpu.region"() ({
        %run_scoped3A = tpu.sem_alloc : memref<!tpu.dma_semaphore, #tpu.memory_space<semaphore_mem>>
        %dma_start3A_129 = arith.constant 0 : i32
        %dma_start3A_130 = arith.constant 0 : i32
        %dma_start3A_131 = tpu.memref_slice %arg7[%dma_start3A_129, %dma_start3A_130] : memref<10240x128xf32, #tpu.memory_space<vmem_shared>> -> memref<10240x128xf32, #tpu.memory_space<vmem_shared>>
        tpu.enqueue_indirect_dma source(%arg12 : memref<320x128xf32, #tpu.memory_space<vmem>>) target(%dma_start3A_131 : memref<10240x128xf32, #tpu.memory_space<vmem_shared>>) offsets(%arg9 : memref<320xi32, #tpu.memory_space<vmem>>) semaphore(%run_scoped3A : memref<!tpu.dma_semaphore, #tpu.memory_space<semaphore_mem>>) {add = true}
        %dma_wait3A_132 = arith.constant 0 : i32
        %dma_wait3A_133 = arith.constant 0 : i32
        %dma_wait3A_134 = tpu.memref_slice %arg7[%dma_wait3A_132, %dma_wait3A_133] : memref<10240x128xf32, #tpu.memory_space<vmem_shared>> -> memref<10240x128xf32, #tpu.memory_space<vmem_shared>>
        tpu.wait_indirect_dma semaphore(%run_scoped3A : memref<!tpu.dma_semaphore, #tpu.memory_space<semaphore_mem>>) src(%arg12 : memref<320x128xf32, #tpu.memory_space<vmem>>) dst(%dma_wait3A_134 : memref<10240x128xf32, #tpu.memory_space<vmem_shared>>)
        tpu.yield
      }) : () -> ()
      %add3A_101 = arith.constant 1 : i32
      %add3A_102 = arith.addi %mul3A_72, %add3A_101 : i32
      %add3A_103 = arith.constant 1 : i32
      %add3A_104 = arith.addi %add3A_102, %add3A_103 : i32
      %mul3A_105 = arith.constant 320 : i32
      %mul3A_106 = arith.muli %add3A_104, %mul3A_105 : i32
      %add3A_107 = arith.addi %add3A, %mul3A_106 : i32
      %dma_start3A_108 = tpu.memref_slice %arg3[%add3A_107] : memref<327680xi32, #tpu.memory_space<hbm>> -> memref<320xi32, #tpu.memory_space<hbm>>
      %dma_start3A_109 = tpu.memref_slice %arg3[%add3A_107] : memref<327680xi32, #tpu.memory_space<hbm>> -> memref<320xi32, #tpu.memory_space<hbm>>
      tpu.enqueue_dma source(%dma_start3A_109 : memref<320xi32, #tpu.memory_space<hbm>>) target(%arg8 : memref<320xi32, #tpu.memory_space<vmem>>) target_semaphore(%arg14 : memref<!tpu.dma_semaphore, #tpu.memory_space<semaphore_mem>>)
      %dma_start3A_110 = tpu.memref_slice %arg4[%add3A_107] : memref<327680xi32, #tpu.memory_space<hbm>> -> memref<320xi32, #tpu.memory_space<hbm>>
      %dma_start3A_111 = tpu.memref_slice %arg4[%add3A_107] : memref<327680xi32, #tpu.memory_space<hbm>> -> memref<320xi32, #tpu.memory_space<hbm>>
      tpu.enqueue_dma source(%dma_start3A_111 : memref<320xi32, #tpu.memory_space<hbm>>) target(%arg9 : memref<320xi32, #tpu.memory_space<vmem>>) target_semaphore(%arg14 : memref<!tpu.dma_semaphore, #tpu.memory_space<semaphore_mem>>)
      %add3A_112 = arith.constant 1 : i32
      %add3A_113 = arith.addi %mul3A_72, %add3A_112 : i32
      %mul3A_114 = arith.constant 320 : i32
      %mul3A_115 = arith.muli %add3A_113, %mul3A_114 : i32
      %add3A_116 = arith.addi %add3A, %mul3A_115 : i32
      %dma_wait3A_117 = tpu.memref_slice %arg3[%add3A_116] : memref<327680xi32, #tpu.memory_space<hbm>> -> memref<320xi32, #tpu.memory_space<hbm>>
      %dma_wait3A_118 = tpu.memref_slice %arg3[%add3A_116] : memref<327680xi32, #tpu.memory_space<hbm>> -> memref<320xi32, #tpu.memory_space<hbm>>
      tpu.wait_dma2 semaphore(%arg15 : memref<!tpu.dma_semaphore, #tpu.memory_space<semaphore_mem>>) src(%dma_wait3A_118 : memref<320xi32, #tpu.memory_space<hbm>>) dst(%arg10 : memref<320xi32, #tpu.memory_space<vmem>>)
      %dma_wait3A_119 = tpu.memref_slice %arg4[%add3A_116] : memref<327680xi32, #tpu.memory_space<hbm>> -> memref<320xi32, #tpu.memory_space<hbm>>
      %dma_wait3A_120 = tpu.memref_slice %arg4[%add3A_116] : memref<327680xi32, #tpu.memory_space<hbm>> -> memref<320xi32, #tpu.memory_space<hbm>>
      tpu.wait_dma2 semaphore(%arg15 : memref<!tpu.dma_semaphore, #tpu.memory_space<semaphore_mem>>) src(%dma_wait3A_120 : memref<320xi32, #tpu.memory_space<hbm>>) dst(%arg11 : memref<320xi32, #tpu.memory_space<vmem>>)
      %add3A_121 = arith.constant 1 : i32
      %add3A_122 = arith.addi %mul3A_72, %add3A_121 : i32
      %dma_start3A_123 = arith.constant 0 : i32
      %dma_start3A_124 = arith.constant 0 : i32
      %dma_start3A_125 = tpu.memref_slice %arg2[%dma_start3A_123, %dma_start3A_124] : memref<20480x128xf32, #tpu.memory_space<hbm>> -> memref<20480x128xf32, #tpu.memory_space<hbm>>
      tpu.enqueue_indirect_dma source(%dma_start3A_125 : memref<20480x128xf32, #tpu.memory_space<hbm>>) target(%arg12 : memref<320x128xf32, #tpu.memory_space<vmem>>) offsets(%arg10 : memref<320xi32, #tpu.memory_space<vmem>>) semaphore(%arg13 : memref<!tpu.dma_semaphore, #tpu.memory_space<semaphore_mem>>)
      %dma_wait3A_126 = arith.constant 0 : i32
      %dma_wait3A_127 = arith.constant 0 : i32
      %dma_wait3A_128 = tpu.memref_slice %arg2[%dma_wait3A_126, %dma_wait3A_127] : memref<20480x128xf32, #tpu.memory_space<hbm>> -> memref<20480x128xf32, #tpu.memory_space<hbm>>
      tpu.wait_indirect_dma semaphore(%arg13 : memref<!tpu.dma_semaphore, #tpu.memory_space<semaphore_mem>>) src(%dma_wait3A_128 : memref<20480x128xf32, #tpu.memory_space<hbm>>) dst(%arg12 : memref<320x128xf32, #tpu.memory_space<vmem>>)
      "tpu.region"() ({
        %run_scoped3A = tpu.sem_alloc : memref<!tpu.dma_semaphore, #tpu.memory_space<semaphore_mem>>
        %dma_start3A_129 = arith.constant 0 : i32
        %dma_start3A_130 = arith.constant 0 : i32
        %dma_start3A_131 = tpu.memref_slice %arg7[%dma_start3A_129, %dma_start3A_130] : memref<10240x128xf32, #tpu.memory_space<vmem_shared>> -> memref<10240x128xf32, #tpu.memory_space<vmem_shared>>
        tpu.enqueue_indirect_dma source(%arg12 : memref<320x128xf32, #tpu.memory_space<vmem>>) target(%dma_start3A_131 : memref<10240x128xf32, #tpu.memory_space<vmem_shared>>) offsets(%arg11 : memref<320xi32, #tpu.memory_space<vmem>>) semaphore(%run_scoped3A : memref<!tpu.dma_semaphore, #tpu.memory_space<semaphore_mem>>) {add = true}
        %dma_wait3A_132 = arith.constant 0 : i32
        %dma_wait3A_133 = arith.constant 0 : i32
        %dma_wait3A_134 = tpu.memref_slice %arg7[%dma_wait3A_132, %dma_wait3A_133] : memref<10240x128xf32, #tpu.memory_space<vmem_shared>> -> memref<10240x128xf32, #tpu.memory_space<vmem_shared>>
        tpu.wait_indirect_dma semaphore(%run_scoped3A : memref<!tpu.dma_semaphore, #tpu.memory_space<semaphore_mem>>) src(%arg12 : memref<320x128xf32, #tpu.memory_space<vmem>>) dst(%dma_wait3A_134 : memref<10240x128xf32, #tpu.memory_space<vmem_shared>>)
        tpu.yield
      }) : () -> ()
    }
    %scan3A_14 = arith.constant 15 : i32
    %add3A_15 = arith.constant 9920 : i32
    %add3A_16 = arith.addi %add3A, %add3A_15 : i32
    %dma_start3A_17 = tpu.memref_slice %arg3[%add3A_16] : memref<327680xi32, #tpu.memory_space<hbm>> -> memref<320xi32, #tpu.memory_space<hbm>>
    %dma_start3A_18 = tpu.memref_slice %arg3[%add3A_16] : memref<327680xi32, #tpu.memory_space<hbm>> -> memref<320xi32, #tpu.memory_space<hbm>>
    tpu.enqueue_dma source(%dma_start3A_18 : memref<320xi32, #tpu.memory_space<hbm>>) target(%arg10 : memref<320xi32, #tpu.memory_space<vmem>>) target_semaphore(%arg15 : memref<!tpu.dma_semaphore, #tpu.memory_space<semaphore_mem>>)
    %dma_start3A_19 = tpu.memref_slice %arg4[%add3A_16] : memref<327680xi32, #tpu.memory_space<hbm>> -> memref<320xi32, #tpu.memory_space<hbm>>
    %dma_start3A_20 = tpu.memref_slice %arg4[%add3A_16] : memref<327680xi32, #tpu.memory_space<hbm>> -> memref<320xi32, #tpu.memory_space<hbm>>
    tpu.enqueue_dma source(%dma_start3A_20 : memref<320xi32, #tpu.memory_space<hbm>>) target(%arg11 : memref<320xi32, #tpu.memory_space<vmem>>) target_semaphore(%arg15 : memref<!tpu.dma_semaphore, #tpu.memory_space<semaphore_mem>>)
    %add3A_21 = arith.constant 9600 : i32
    %add3A_22 = arith.addi %add3A, %add3A_21 : i32
    %dma_wait3A = tpu.memref_slice %arg3[%add3A_22] : memref<327680xi32, #tpu.memory_space<hbm>> -> memref<320xi32, #tpu.memory_space<hbm>>
    %dma_wait3A_23 = tpu.memref_slice %arg3[%add3A_22] : memref<327680xi32, #tpu.memory_space<hbm>> -> memref<320xi32, #tpu.memory_space<hbm>>
    tpu.wait_dma2 semaphore(%arg14 : memref<!tpu.dma_semaphore, #tpu.memory_space<semaphore_mem>>) src(%dma_wait3A_23 : memref<320xi32, #tpu.memory_space<hbm>>) dst(%arg8 : memref<320xi32, #tpu.memory_space<vmem>>)
    %dma_wait3A_24 = tpu.memref_slice %arg4[%add3A_22] : memref<327680xi32, #tpu.memory_space<hbm>> -> memref<320xi32, #tpu.memory_space<hbm>>
    %dma_wait3A_25 = tpu.memref_slice %arg4[%add3A_22] : memref<327680xi32, #tpu.memory_space<hbm>> -> memref<320xi32, #tpu.memory_space<hbm>>
    tpu.wait_dma2 semaphore(%arg14 : memref<!tpu.dma_semaphore, #tpu.memory_space<semaphore_mem>>) src(%dma_wait3A_25 : memref<320xi32, #tpu.memory_space<hbm>>) dst(%arg9 : memref<320xi32, #tpu.memory_space<vmem>>)
    %dma_start3A_26 = arith.constant 0 : i32
    %dma_start3A_27 = arith.constant 0 : i32
    %dma_start3A_28 = tpu.memref_slice %arg2[%dma_start3A_26, %dma_start3A_27] : memref<20480x128xf32, #tpu.memory_space<hbm>> -> memref<20480x128xf32, #tpu.memory_space<hbm>>
    tpu.enqueue_indirect_dma source(%dma_start3A_28 : memref<20480x128xf32, #tpu.memory_space<hbm>>) target(%arg12 : memref<320x128xf32, #tpu.memory_space<vmem>>) offsets(%arg8 : memref<320xi32, #tpu.memory_space<vmem>>) semaphore(%arg13 : memref<!tpu.dma_semaphore, #tpu.memory_space<semaphore_mem>>)
    %dma_wait3A_29 = arith.constant 0 : i32
    %dma_wait3A_30 = arith.constant 0 : i32
    %dma_wait3A_31 = tpu.memref_slice %arg2[%dma_wait3A_29, %dma_wait3A_30] : memref<20480x128xf32, #tpu.memory_space<hbm>> -> memref<20480x128xf32, #tpu.memory_space<hbm>>
    tpu.wait_indirect_dma semaphore(%arg13 : memref<!tpu.dma_semaphore, #tpu.memory_space<semaphore_mem>>) src(%dma_wait3A_31 : memref<20480x128xf32, #tpu.memory_space<hbm>>) dst(%arg12 : memref<320x128xf32, #tpu.memory_space<vmem>>)
    "tpu.region"() ({
      %run_scoped3A = tpu.sem_alloc : memref<!tpu.dma_semaphore, #tpu.memory_space<semaphore_mem>>
      %dma_start3A_70 = arith.constant 0 : i32
      %dma_start3A_71 = arith.constant 0 : i32
      %dma_start3A_72 = tpu.memref_slice %arg7[%dma_start3A_70, %dma_start3A_71] : memref<10240x128xf32, #tpu.memory_space<vmem_shared>> -> memref<10240x128xf32, #tpu.memory_space<vmem_shared>>
      tpu.enqueue_indirect_dma source(%arg12 : memref<320x128xf32, #tpu.memory_space<vmem>>) target(%dma_start3A_72 : memref<10240x128xf32, #tpu.memory_space<vmem_shared>>) offsets(%arg9 : memref<320xi32, #tpu.memory_space<vmem>>) semaphore(%run_scoped3A : memref<!tpu.dma_semaphore, #tpu.memory_space<semaphore_mem>>) {add = true}
      %dma_wait3A_73 = arith.constant 0 : i32
      %dma_wait3A_74 = arith.constant 0 : i32
      %dma_wait3A_75 = tpu.memref_slice %arg7[%dma_wait3A_73, %dma_wait3A_74] : memref<10240x128xf32, #tpu.memory_space<vmem_shared>> -> memref<10240x128xf32, #tpu.memory_space<vmem_shared>>
      tpu.wait_indirect_dma semaphore(%run_scoped3A : memref<!tpu.dma_semaphore, #tpu.memory_space<semaphore_mem>>) src(%arg12 : memref<320x128xf32, #tpu.memory_space<vmem>>) dst(%dma_wait3A_75 : memref<10240x128xf32, #tpu.memory_space<vmem_shared>>)
      tpu.yield
    }) : () -> ()
    %add3A_32 = arith.constant 9920 : i32
    %add3A_33 = arith.addi %add3A, %add3A_32 : i32
    %dma_wait3A_34 = tpu.memref_slice %arg3[%add3A_33] : memref<327680xi32, #tpu.memory_space<hbm>> -> memref<320xi32, #tpu.memory_space<hbm>>
    %dma_wait3A_35 = tpu.memref_slice %arg3[%add3A_33] : memref<327680xi32, #tpu.memory_space<hbm>> -> memref<320xi32, #tpu.memory_space<hbm>>
    tpu.wait_dma2 semaphore(%arg15 : memref<!tpu.dma_semaphore, #tpu.memory_space<semaphore_mem>>) src(%dma_wait3A_35 : memref<320xi32, #tpu.memory_space<hbm>>) dst(%arg10 : memref<320xi32, #tpu.memory_space<vmem>>)
    %dma_wait3A_36 = tpu.memref_slice %arg4[%add3A_33] : memref<327680xi32, #tpu.memory_space<hbm>> -> memref<320xi32, #tpu.memory_space<hbm>>
    %dma_wait3A_37 = tpu.memref_slice %arg4[%add3A_33] : memref<327680xi32, #tpu.memory_space<hbm>> -> memref<320xi32, #tpu.memory_space<hbm>>
    tpu.wait_dma2 semaphore(%arg15 : memref<!tpu.dma_semaphore, #tpu.memory_space<semaphore_mem>>) src(%dma_wait3A_37 : memref<320xi32, #tpu.memory_space<hbm>>) dst(%arg11 : memref<320xi32, #tpu.memory_space<vmem>>)
    %dma_start3A_38 = arith.constant 0 : i32
    %dma_start3A_39 = arith.constant 0 : i32
    %dma_start3A_40 = tpu.memref_slice %arg2[%dma_start3A_38, %dma_start3A_39] : memref<20480x128xf32, #tpu.memory_space<hbm>> -> memref<20480x128xf32, #tpu.memory_space<hbm>>
    tpu.enqueue_indirect_dma source(%dma_start3A_40 : memref<20480x128xf32, #tpu.memory_space<hbm>>) target(%arg12 : memref<320x128xf32, #tpu.memory_space<vmem>>) offsets(%arg10 : memref<320xi32, #tpu.memory_space<vmem>>) semaphore(%arg13 : memref<!tpu.dma_semaphore, #tpu.memory_space<semaphore_mem>>)
    %dma_wait3A_41 = arith.constant 0 : i32
    %dma_wait3A_42 = arith.constant 0 : i32
    %dma_wait3A_43 = tpu.memref_slice %arg2[%dma_wait3A_41, %dma_wait3A_42] : memref<20480x128xf32, #tpu.memory_space<hbm>> -> memref<20480x128xf32, #tpu.memory_space<hbm>>
    tpu.wait_indirect_dma semaphore(%arg13 : memref<!tpu.dma_semaphore, #tpu.memory_space<semaphore_mem>>) src(%dma_wait3A_43 : memref<20480x128xf32, #tpu.memory_space<hbm>>) dst(%arg12 : memref<320x128xf32, #tpu.memory_space<vmem>>)
    "tpu.region"() ({
      %run_scoped3A = tpu.sem_alloc : memref<!tpu.dma_semaphore, #tpu.memory_space<semaphore_mem>>
      %dma_start3A_70 = arith.constant 0 : i32
      %dma_start3A_71 = arith.constant 0 : i32
      %dma_start3A_72 = tpu.memref_slice %arg7[%dma_start3A_70, %dma_start3A_71] : memref<10240x128xf32, #tpu.memory_space<vmem_shared>> -> memref<10240x128xf32, #tpu.memory_space<vmem_shared>>
      tpu.enqueue_indirect_dma source(%arg12 : memref<320x128xf32, #tpu.memory_space<vmem>>) target(%dma_start3A_72 : memref<10240x128xf32, #tpu.memory_space<vmem_shared>>) offsets(%arg11 : memref<320xi32, #tpu.memory_space<vmem>>) semaphore(%run_scoped3A : memref<!tpu.dma_semaphore, #tpu.memory_space<semaphore_mem>>) {add = true}
      %dma_wait3A_73 = arith.constant 0 : i32
      %dma_wait3A_74 = arith.constant 0 : i32
      %dma_wait3A_75 = tpu.memref_slice %arg7[%dma_wait3A_73, %dma_wait3A_74] : memref<10240x128xf32, #tpu.memory_space<vmem_shared>> -> memref<10240x128xf32, #tpu.memory_space<vmem_shared>>
      tpu.wait_indirect_dma semaphore(%run_scoped3A : memref<!tpu.dma_semaphore, #tpu.memory_space<semaphore_mem>>) src(%arg12 : memref<320x128xf32, #tpu.memory_space<vmem>>) dst(%dma_wait3A_75 : memref<10240x128xf32, #tpu.memory_space<vmem_shared>>)
      tpu.yield
    }) : () -> ()
    %barrier3A_44 = arith.constant 0 : index
    tpu.barrier barrier_id(%barrier3A_44)
    %add3A_45 = arith.constant 0 : i32
    %add3A_46 = arith.addi %mul3A_0, %add3A_45 : i32
    "tpu.region"() ({
      %run_scoped3A = tpu.sem_alloc : memref<!tpu.dma_semaphore, #tpu.memory_space<semaphore_mem>>
      %dma_start3A_70 = arith.constant 0 : i32
      %dma_start3A_71 = arith.constant 0 : i32
      %dma_start3A_72 = tpu.memref_slice %arg12[%dma_start3A_70, %dma_start3A_71] : memref<320x128xf32, #tpu.memory_space<vmem>> -> memref<128x128xf32, #tpu.memory_space<vmem>>
      %dma_start3A_73 = arith.constant 0 : i32
      %dma_start3A_74 = tpu.memref_slice %arg7[%add3A_46, %dma_start3A_73] : memref<10240x128xf32, #tpu.memory_space<vmem_shared>> -> memref<128x128xf32, #tpu.memory_space<vmem_shared>>
      %dma_start3A_75 = arith.constant 0 : i32
      %dma_start3A_76 = arith.constant 0 : i32
      %dma_start3A_77 = tpu.memref_slice %arg12[%dma_start3A_75, %dma_start3A_76] : memref<320x128xf32, #tpu.memory_space<vmem>> -> memref<128x128xf32, #tpu.memory_space<vmem>>
      %dma_start3A_78 = arith.constant 0 : i32
      %dma_start3A_79 = tpu.memref_slice %arg7[%add3A_46, %dma_start3A_78] : memref<10240x128xf32, #tpu.memory_space<vmem_shared>> -> memref<128x128xf32, #tpu.memory_space<vmem_shared>>
      tpu.enqueue_dma source(%dma_start3A_79 : memref<128x128xf32, #tpu.memory_space<vmem_shared>>) target(%dma_start3A_77 : memref<128x128xf32, #tpu.memory_space<vmem>>) target_semaphore(%run_scoped3A : memref<!tpu.dma_semaphore, #tpu.memory_space<semaphore_mem>>)
      %dma_wait3A_80 = arith.constant 0 : i32
      %dma_wait3A_81 = arith.constant 0 : i32
      %dma_wait3A_82 = tpu.memref_slice %arg12[%dma_wait3A_80, %dma_wait3A_81] : memref<320x128xf32, #tpu.memory_space<vmem>> -> memref<128x128xf32, #tpu.memory_space<vmem>>
      %dma_wait3A_83 = arith.constant 0 : i32
      %dma_wait3A_84 = tpu.memref_slice %arg7[%add3A_46, %dma_wait3A_83] : memref<10240x128xf32, #tpu.memory_space<vmem_shared>> -> memref<128x128xf32, #tpu.memory_space<vmem_shared>>
      %dma_wait3A_85 = arith.constant 0 : i32
      %dma_wait3A_86 = arith.constant 0 : i32
      %dma_wait3A_87 = tpu.memref_slice %arg12[%dma_wait3A_85, %dma_wait3A_86] : memref<320x128xf32, #tpu.memory_space<vmem>> -> memref<128x128xf32, #tpu.memory_space<vmem>>
      %dma_wait3A_88 = arith.constant 0 : i32
      %dma_wait3A_89 = tpu.memref_slice %arg7[%add3A_46, %dma_wait3A_88] : memref<10240x128xf32, #tpu.memory_space<vmem_shared>> -> memref<128x128xf32, #tpu.memory_space<vmem_shared>>
      tpu.wait_dma2 semaphore(%run_scoped3A : memref<!tpu.dma_semaphore, #tpu.memory_space<semaphore_mem>>) src(%dma_wait3A_89 : memref<128x128xf32, #tpu.memory_space<vmem_shared>>) dst(%dma_wait3A_87 : memref<128x128xf32, #tpu.memory_space<vmem>>)
      tpu.yield
    }) : () -> ()
    %mul3A_47 = arith.constant 10240 : i32
    %mul3A_48 = arith.muli %arg0, %mul3A_47 : i32
    %add3A_49 = arith.addi %mul3A_48, %add3A_46 : i32
    "tpu.region"() ({
      %run_scoped3A = tpu.sem_alloc : memref<!tpu.dma_semaphore, #tpu.memory_space<semaphore_mem>>
      %dma_start3A_70 = arith.constant 0 : i32
      %dma_start3A_71 = arith.constant 0 : i32
      %dma_start3A_72 = tpu.memref_slice %arg12[%dma_start3A_70, %dma_start3A_71] : memref<320x128xf32, #tpu.memory_space<vmem>> -> memref<128x128xf32, #tpu.memory_space<vmem>>
      %dma_start3A_73 = arith.constant 0 : i32
      %dma_start3A_74 = tpu.memref_slice %arg6[%add3A_49, %dma_start3A_73] : memref<20480x128xf32, #tpu.memory_space<hbm>> -> memref<128x128xf32, #tpu.memory_space<hbm>>
      %dma_start3A_75 = arith.constant 0 : i32
      %dma_start3A_76 = tpu.memref_slice %arg6[%add3A_49, %dma_start3A_75] : memref<20480x128xf32, #tpu.memory_space<hbm>> -> memref<128x128xf32, #tpu.memory_space<hbm>>
      %dma_start3A_77 = arith.constant 0 : i32
      %dma_start3A_78 = arith.constant 0 : i32
      %dma_start3A_79 = tpu.memref_slice %arg12[%dma_start3A_77, %dma_start3A_78] : memref<320x128xf32, #tpu.memory_space<vmem>> -> memref<128x128xf32, #tpu.memory_space<vmem>>
      tpu.enqueue_dma source(%dma_start3A_79 : memref<128x128xf32, #tpu.memory_space<vmem>>) target(%dma_start3A_76 : memref<128x128xf32, #tpu.memory_space<hbm>>) target_semaphore(%run_scoped3A : memref<!tpu.dma_semaphore, #tpu.memory_space<semaphore_mem>>)
      %dma_wait3A_80 = arith.constant 0 : i32
      %dma_wait3A_81 = arith.constant 0 : i32
      %dma_wait3A_82 = tpu.memref_slice %arg12[%dma_wait3A_80, %dma_wait3A_81] : memref<320x128xf32, #tpu.memory_space<vmem>> -> memref<128x128xf32, #tpu.memory_space<vmem>>
      %dma_wait3A_83 = arith.constant 0 : i32
      %dma_wait3A_84 = tpu.memref_slice %arg6[%add3A_49, %dma_wait3A_83] : memref<20480x128xf32, #tpu.memory_space<hbm>> -> memref<128x128xf32, #tpu.memory_space<hbm>>
      %dma_wait3A_85 = arith.constant 0 : i32
      %dma_wait3A_86 = tpu.memref_slice %arg6[%add3A_49, %dma_wait3A_85] : memref<20480x128xf32, #tpu.memory_space<hbm>> -> memref<128x128xf32, #tpu.memory_space<hbm>>
      %dma_wait3A_87 = arith.constant 0 : i32
      %dma_wait3A_88 = arith.constant 0 : i32
      %dma_wait3A_89 = tpu.memref_slice %arg12[%dma_wait3A_87, %dma_wait3A_88] : memref<320x128xf32, #tpu.memory_space<vmem>> -> memref<128x128xf32, #tpu.memory_space<vmem>>
      tpu.wait_dma2 semaphore(%run_scoped3A : memref<!tpu.dma_semaphore, #tpu.memory_space<semaphore_mem>>) src(%dma_wait3A_89 : memref<128x128xf32, #tpu.memory_space<vmem>>) dst(%dma_wait3A_86 : memref<128x128xf32, #tpu.memory_space<hbm>>)
      tpu.yield
    }) : () -> ()
    %add3A_50 = arith.constant 128 : i32
    %add3A_51 = arith.addi %mul3A_0, %add3A_50 : i32
    "tpu.region"() ({
      %run_scoped3A = tpu.sem_alloc : memref<!tpu.dma_semaphore, #tpu.memory_space<semaphore_mem>>
      %dma_start3A_70 = arith.constant 0 : i32
      %dma_start3A_71 = arith.constant 0 : i32
      %dma_start3A_72 = tpu.memref_slice %arg12[%dma_start3A_70, %dma_start3A_71] : memref<320x128xf32, #tpu.memory_space<vmem>> -> memref<128x128xf32, #tpu.memory_space<vmem>>
      %dma_start3A_73 = arith.constant 0 : i32
      %dma_start3A_74 = tpu.memref_slice %arg7[%add3A_51, %dma_start3A_73] : memref<10240x128xf32, #tpu.memory_space<vmem_shared>> -> memref<128x128xf32, #tpu.memory_space<vmem_shared>>
      %dma_start3A_75 = arith.constant 0 : i32
      %dma_start3A_76 = arith.constant 0 : i32
      %dma_start3A_77 = tpu.memref_slice %arg12[%dma_start3A_75, %dma_start3A_76] : memref<320x128xf32, #tpu.memory_space<vmem>> -> memref<128x128xf32, #tpu.memory_space<vmem>>
      %dma_start3A_78 = arith.constant 0 : i32
      %dma_start3A_79 = tpu.memref_slice %arg7[%add3A_51, %dma_start3A_78] : memref<10240x128xf32, #tpu.memory_space<vmem_shared>> -> memref<128x128xf32, #tpu.memory_space<vmem_shared>>
      tpu.enqueue_dma source(%dma_start3A_79 : memref<128x128xf32, #tpu.memory_space<vmem_shared>>) target(%dma_start3A_77 : memref<128x128xf32, #tpu.memory_space<vmem>>) target_semaphore(%run_scoped3A : memref<!tpu.dma_semaphore, #tpu.memory_space<semaphore_mem>>)
      %dma_wait3A_80 = arith.constant 0 : i32
      %dma_wait3A_81 = arith.constant 0 : i32
      %dma_wait3A_82 = tpu.memref_slice %arg12[%dma_wait3A_80, %dma_wait3A_81] : memref<320x128xf32, #tpu.memory_space<vmem>> -> memref<128x128xf32, #tpu.memory_space<vmem>>
      %dma_wait3A_83 = arith.constant 0 : i32
      %dma_wait3A_84 = tpu.memref_slice %arg7[%add3A_51, %dma_wait3A_83] : memref<10240x128xf32, #tpu.memory_space<vmem_shared>> -> memref<128x128xf32, #tpu.memory_space<vmem_shared>>
      %dma_wait3A_85 = arith.constant 0 : i32
      %dma_wait3A_86 = arith.constant 0 : i32
      %dma_wait3A_87 = tpu.memref_slice %arg12[%dma_wait3A_85, %dma_wait3A_86] : memref<320x128xf32, #tpu.memory_space<vmem>> -> memref<128x128xf32, #tpu.memory_space<vmem>>
      %dma_wait3A_88 = arith.constant 0 : i32
      %dma_wait3A_89 = tpu.memref_slice %arg7[%add3A_51, %dma_wait3A_88] : memref<10240x128xf32, #tpu.memory_space<vmem_shared>> -> memref<128x128xf32, #tpu.memory_space<vmem_shared>>
      tpu.wait_dma2 semaphore(%run_scoped3A : memref<!tpu.dma_semaphore, #tpu.memory_space<semaphore_mem>>) src(%dma_wait3A_89 : memref<128x128xf32, #tpu.memory_space<vmem_shared>>) dst(%dma_wait3A_87 : memref<128x128xf32, #tpu.memory_space<vmem>>)
      tpu.yield
    }) : () -> ()
    %mul3A_52 = arith.constant 10240 : i32
    %mul3A_53 = arith.muli %arg0, %mul3A_52 : i32
    %add3A_54 = arith.addi %mul3A_53, %add3A_51 : i32
    "tpu.region"() ({
      %run_scoped3A = tpu.sem_alloc : memref<!tpu.dma_semaphore, #tpu.memory_space<semaphore_mem>>
      %dma_start3A_70 = arith.constant 0 : i32
      %dma_start3A_71 = arith.constant 0 : i32
      %dma_start3A_72 = tpu.memref_slice %arg12[%dma_start3A_70, %dma_start3A_71] : memref<320x128xf32, #tpu.memory_space<vmem>> -> memref<128x128xf32, #tpu.memory_space<vmem>>
      %dma_start3A_73 = arith.constant 0 : i32
      %dma_start3A_74 = tpu.memref_slice %arg6[%add3A_54, %dma_start3A_73] : memref<20480x128xf32, #tpu.memory_space<hbm>> -> memref<128x128xf32, #tpu.memory_space<hbm>>
      %dma_start3A_75 = arith.constant 0 : i32
      %dma_start3A_76 = tpu.memref_slice %arg6[%add3A_54, %dma_start3A_75] : memref<20480x128xf32, #tpu.memory_space<hbm>> -> memref<128x128xf32, #tpu.memory_space<hbm>>
      %dma_start3A_77 = arith.constant 0 : i32
      %dma_start3A_78 = arith.constant 0 : i32
      %dma_start3A_79 = tpu.memref_slice %arg12[%dma_start3A_77, %dma_start3A_78] : memref<320x128xf32, #tpu.memory_space<vmem>> -> memref<128x128xf32, #tpu.memory_space<vmem>>
      tpu.enqueue_dma source(%dma_start3A_79 : memref<128x128xf32, #tpu.memory_space<vmem>>) target(%dma_start3A_76 : memref<128x128xf32, #tpu.memory_space<hbm>>) target_semaphore(%run_scoped3A : memref<!tpu.dma_semaphore, #tpu.memory_space<semaphore_mem>>)
      %dma_wait3A_80 = arith.constant 0 : i32
      %dma_wait3A_81 = arith.constant 0 : i32
      %dma_wait3A_82 = tpu.memref_slice %arg12[%dma_wait3A_80, %dma_wait3A_81] : memref<320x128xf32, #tpu.memory_space<vmem>> -> memref<128x128xf32, #tpu.memory_space<vmem>>
      %dma_wait3A_83 = arith.constant 0 : i32
      %dma_wait3A_84 = tpu.memref_slice %arg6[%add3A_54, %dma_wait3A_83] : memref<20480x128xf32, #tpu.memory_space<hbm>> -> memref<128x128xf32, #tpu.memory_space<hbm>>
      %dma_wait3A_85 = arith.constant 0 : i32
      %dma_wait3A_86 = tpu.memref_slice %arg6[%add3A_54, %dma_wait3A_85] : memref<20480x128xf32, #tpu.memory_space<hbm>> -> memref<128x128xf32, #tpu.memory_space<hbm>>
      %dma_wait3A_87 = arith.constant 0 : i32
      %dma_wait3A_88 = arith.constant 0 : i32
      %dma_wait3A_89 = tpu.memref_slice %arg12[%dma_wait3A_87, %dma_wait3A_88] : memref<320x128xf32, #tpu.memory_space<vmem>> -> memref<128x128xf32, #tpu.memory_space<vmem>>
      tpu.wait_dma2 semaphore(%run_scoped3A : memref<!tpu.dma_semaphore, #tpu.memory_space<semaphore_mem>>) src(%dma_wait3A_89 : memref<128x128xf32, #tpu.memory_space<vmem>>) dst(%dma_wait3A_86 : memref<128x128xf32, #tpu.memory_space<hbm>>)
      tpu.yield
    }) : () -> ()
    %add3A_55 = arith.constant 256 : i32
    %add3A_56 = arith.addi %mul3A_0, %add3A_55 : i32
    "tpu.region"() ({
      %run_scoped3A = tpu.sem_alloc : memref<!tpu.dma_semaphore, #tpu.memory_space<semaphore_mem>>
      %dma_start3A_70 = arith.constant 0 : i32
      %dma_start3A_71 = arith.constant 0 : i32
      %dma_start3A_72 = tpu.memref_slice %arg12[%dma_start3A_70, %dma_start3A_71] : memref<320x128xf32, #tpu.memory_space<vmem>> -> memref<128x128xf32, #tpu.memory_space<vmem>>
      %dma_start3A_73 = arith.constant 0 : i32
      %dma_start3A_74 = tpu.memref_slice %arg7[%add3A_56, %dma_start3A_73] : memref<10240x128xf32, #tpu.memory_space<vmem_shared>> -> memref<128x128xf32, #tpu.memory_space<vmem_shared>>
      %dma_start3A_75 = arith.constant 0 : i32
      %dma_start3A_76 = arith.constant 0 : i32
      %dma_start3A_77 = tpu.memref_slice %arg12[%dma_start3A_75, %dma_start3A_76] : memref<320x128xf32, #tpu.memory_space<vmem>> -> memref<128x128xf32, #tpu.memory_space<vmem>>
      %dma_start3A_78 = arith.constant 0 : i32
      %dma_start3A_79 = tpu.memref_slice %arg7[%add3A_56, %dma_start3A_78] : memref<10240x128xf32, #tpu.memory_space<vmem_shared>> -> memref<128x128xf32, #tpu.memory_space<vmem_shared>>
      tpu.enqueue_dma source(%dma_start3A_79 : memref<128x128xf32, #tpu.memory_space<vmem_shared>>) target(%dma_start3A_77 : memref<128x128xf32, #tpu.memory_space<vmem>>) target_semaphore(%run_scoped3A : memref<!tpu.dma_semaphore, #tpu.memory_space<semaphore_mem>>)
      %dma_wait3A_80 = arith.constant 0 : i32
      %dma_wait3A_81 = arith.constant 0 : i32
      %dma_wait3A_82 = tpu.memref_slice %arg12[%dma_wait3A_80, %dma_wait3A_81] : memref<320x128xf32, #tpu.memory_space<vmem>> -> memref<128x128xf32, #tpu.memory_space<vmem>>
      %dma_wait3A_83 = arith.constant 0 : i32
      %dma_wait3A_84 = tpu.memref_slice %arg7[%add3A_56, %dma_wait3A_83] : memref<10240x128xf32, #tpu.memory_space<vmem_shared>> -> memref<128x128xf32, #tpu.memory_space<vmem_shared>>
      %dma_wait3A_85 = arith.constant 0 : i32
      %dma_wait3A_86 = arith.constant 0 : i32
      %dma_wait3A_87 = tpu.memref_slice %arg12[%dma_wait3A_85, %dma_wait3A_86] : memref<320x128xf32, #tpu.memory_space<vmem>> -> memref<128x128xf32, #tpu.memory_space<vmem>>
      %dma_wait3A_88 = arith.constant 0 : i32
      %dma_wait3A_89 = tpu.memref_slice %arg7[%add3A_56, %dma_wait3A_88] : memref<10240x128xf32, #tpu.memory_space<vmem_shared>> -> memref<128x128xf32, #tpu.memory_space<vmem_shared>>
      tpu.wait_dma2 semaphore(%run_scoped3A : memref<!tpu.dma_semaphore, #tpu.memory_space<semaphore_mem>>) src(%dma_wait3A_89 : memref<128x128xf32, #tpu.memory_space<vmem_shared>>) dst(%dma_wait3A_87 : memref<128x128xf32, #tpu.memory_space<vmem>>)
      tpu.yield
    }) : () -> ()
    %mul3A_57 = arith.constant 10240 : i32
    %mul3A_58 = arith.muli %arg0, %mul3A_57 : i32
    %add3A_59 = arith.addi %mul3A_58, %add3A_56 : i32
    "tpu.region"() ({
      %run_scoped3A = tpu.sem_alloc : memref<!tpu.dma_semaphore, #tpu.memory_space<semaphore_mem>>
      %dma_start3A_70 = arith.constant 0 : i32
      %dma_start3A_71 = arith.constant 0 : i32
      %dma_start3A_72 = tpu.memref_slice %arg12[%dma_start3A_70, %dma_start3A_71] : memref<320x128xf32, #tpu.memory_space<vmem>> -> memref<128x128xf32, #tpu.memory_space<vmem>>
      %dma_start3A_73 = arith.constant 0 : i32
      %dma_start3A_74 = tpu.memref_slice %arg6[%add3A_59, %dma_start3A_73] : memref<20480x128xf32, #tpu.memory_space<hbm>> -> memref<128x128xf32, #tpu.memory_space<hbm>>
      %dma_start3A_75 = arith.constant 0 : i32
      %dma_start3A_76 = tpu.memref_slice %arg6[%add3A_59, %dma_start3A_75] : memref<20480x128xf32, #tpu.memory_space<hbm>> -> memref<128x128xf32, #tpu.memory_space<hbm>>
      %dma_start3A_77 = arith.constant 0 : i32
      %dma_start3A_78 = arith.constant 0 : i32
      %dma_start3A_79 = tpu.memref_slice %arg12[%dma_start3A_77, %dma_start3A_78] : memref<320x128xf32, #tpu.memory_space<vmem>> -> memref<128x128xf32, #tpu.memory_space<vmem>>
      tpu.enqueue_dma source(%dma_start3A_79 : memref<128x128xf32, #tpu.memory_space<vmem>>) target(%dma_start3A_76 : memref<128x128xf32, #tpu.memory_space<hbm>>) target_semaphore(%run_scoped3A : memref<!tpu.dma_semaphore, #tpu.memory_space<semaphore_mem>>)
      %dma_wait3A_80 = arith.constant 0 : i32
      %dma_wait3A_81 = arith.constant 0 : i32
      %dma_wait3A_82 = tpu.memref_slice %arg12[%dma_wait3A_80, %dma_wait3A_81] : memref<320x128xf32, #tpu.memory_space<vmem>> -> memref<128x128xf32, #tpu.memory_space<vmem>>
      %dma_wait3A_83 = arith.constant 0 : i32
      %dma_wait3A_84 = tpu.memref_slice %arg6[%add3A_59, %dma_wait3A_83] : memref<20480x128xf32, #tpu.memory_space<hbm>> -> memref<128x128xf32, #tpu.memory_space<hbm>>
      %dma_wait3A_85 = arith.constant 0 : i32
      %dma_wait3A_86 = tpu.memref_slice %arg6[%add3A_59, %dma_wait3A_85] : memref<20480x128xf32, #tpu.memory_space<hbm>> -> memref<128x128xf32, #tpu.memory_space<hbm>>
      %dma_wait3A_87 = arith.constant 0 : i32
      %dma_wait3A_88 = arith.constant 0 : i32
      %dma_wait3A_89 = tpu.memref_slice %arg12[%dma_wait3A_87, %dma_wait3A_88] : memref<320x128xf32, #tpu.memory_space<vmem>> -> memref<128x128xf32, #tpu.memory_space<vmem>>
      tpu.wait_dma2 semaphore(%run_scoped3A : memref<!tpu.dma_semaphore, #tpu.memory_space<semaphore_mem>>) src(%dma_wait3A_89 : memref<128x128xf32, #tpu.memory_space<vmem>>) dst(%dma_wait3A_86 : memref<128x128xf32, #tpu.memory_space<hbm>>)
      tpu.yield
    }) : () -> ()
    %add3A_60 = arith.constant 384 : i32
    %add3A_61 = arith.addi %mul3A_0, %add3A_60 : i32
    "tpu.region"() ({
      %run_scoped3A = tpu.sem_alloc : memref<!tpu.dma_semaphore, #tpu.memory_space<semaphore_mem>>
      %dma_start3A_70 = arith.constant 0 : i32
      %dma_start3A_71 = arith.constant 0 : i32
      %dma_start3A_72 = tpu.memref_slice %arg12[%dma_start3A_70, %dma_start3A_71] : memref<320x128xf32, #tpu.memory_space<vmem>> -> memref<128x128xf32, #tpu.memory_space<vmem>>
      %dma_start3A_73 = arith.constant 0 : i32
      %dma_start3A_74 = tpu.memref_slice %arg7[%add3A_61, %dma_start3A_73] : memref<10240x128xf32, #tpu.memory_space<vmem_shared>> -> memref<128x128xf32, #tpu.memory_space<vmem_shared>>
      %dma_start3A_75 = arith.constant 0 : i32
      %dma_start3A_76 = arith.constant 0 : i32
      %dma_start3A_77 = tpu.memref_slice %arg12[%dma_start3A_75, %dma_start3A_76] : memref<320x128xf32, #tpu.memory_space<vmem>> -> memref<128x128xf32, #tpu.memory_space<vmem>>
      %dma_start3A_78 = arith.constant 0 : i32
      %dma_start3A_79 = tpu.memref_slice %arg7[%add3A_61, %dma_start3A_78] : memref<10240x128xf32, #tpu.memory_space<vmem_shared>> -> memref<128x128xf32, #tpu.memory_space<vmem_shared>>
      tpu.enqueue_dma source(%dma_start3A_79 : memref<128x128xf32, #tpu.memory_space<vmem_shared>>) target(%dma_start3A_77 : memref<128x128xf32, #tpu.memory_space<vmem>>) target_semaphore(%run_scoped3A : memref<!tpu.dma_semaphore, #tpu.memory_space<semaphore_mem>>)
      %dma_wait3A_80 = arith.constant 0 : i32
      %dma_wait3A_81 = arith.constant 0 : i32
      %dma_wait3A_82 = tpu.memref_slice %arg12[%dma_wait3A_80, %dma_wait3A_81] : memref<320x128xf32, #tpu.memory_space<vmem>> -> memref<128x128xf32, #tpu.memory_space<vmem>>
      %dma_wait3A_83 = arith.constant 0 : i32
      %dma_wait3A_84 = tpu.memref_slice %arg7[%add3A_61, %dma_wait3A_83] : memref<10240x128xf32, #tpu.memory_space<vmem_shared>> -> memref<128x128xf32, #tpu.memory_space<vmem_shared>>
      %dma_wait3A_85 = arith.constant 0 : i32
      %dma_wait3A_86 = arith.constant 0 : i32
      %dma_wait3A_87 = tpu.memref_slice %arg12[%dma_wait3A_85, %dma_wait3A_86] : memref<320x128xf32, #tpu.memory_space<vmem>> -> memref<128x128xf32, #tpu.memory_space<vmem>>
      %dma_wait3A_88 = arith.constant 0 : i32
      %dma_wait3A_89 = tpu.memref_slice %arg7[%add3A_61, %dma_wait3A_88] : memref<10240x128xf32, #tpu.memory_space<vmem_shared>> -> memref<128x128xf32, #tpu.memory_space<vmem_shared>>
      tpu.wait_dma2 semaphore(%run_scoped3A : memref<!tpu.dma_semaphore, #tpu.memory_space<semaphore_mem>>) src(%dma_wait3A_89 : memref<128x128xf32, #tpu.memory_space<vmem_shared>>) dst(%dma_wait3A_87 : memref<128x128xf32, #tpu.memory_space<vmem>>)
      tpu.yield
    }) : () -> ()
    %mul3A_62 = arith.constant 10240 : i32
    %mul3A_63 = arith.muli %arg0, %mul3A_62 : i32
    %add3A_64 = arith.addi %mul3A_63, %add3A_61 : i32
    "tpu.region"() ({
      %run_scoped3A = tpu.sem_alloc : memref<!tpu.dma_semaphore, #tpu.memory_space<semaphore_mem>>
      %dma_start3A_70 = arith.constant 0 : i32
      %dma_start3A_71 = arith.constant 0 : i32
      %dma_start3A_72 = tpu.memref_slice %arg12[%dma_start3A_70, %dma_start3A_71] : memref<320x128xf32, #tpu.memory_space<vmem>> -> memref<128x128xf32, #tpu.memory_space<vmem>>
      %dma_start3A_73 = arith.constant 0 : i32
      %dma_start3A_74 = tpu.memref_slice %arg6[%add3A_64, %dma_start3A_73] : memref<20480x128xf32, #tpu.memory_space<hbm>> -> memref<128x128xf32, #tpu.memory_space<hbm>>
      %dma_start3A_75 = arith.constant 0 : i32
      %dma_start3A_76 = tpu.memref_slice %arg6[%add3A_64, %dma_start3A_75] : memref<20480x128xf32, #tpu.memory_space<hbm>> -> memref<128x128xf32, #tpu.memory_space<hbm>>
      %dma_start3A_77 = arith.constant 0 : i32
      %dma_start3A_78 = arith.constant 0 : i32
      %dma_start3A_79 = tpu.memref_slice %arg12[%dma_start3A_77, %dma_start3A_78] : memref<320x128xf32, #tpu.memory_space<vmem>> -> memref<128x128xf32, #tpu.memory_space<vmem>>
      tpu.enqueue_dma source(%dma_start3A_79 : memref<128x128xf32, #tpu.memory_space<vmem>>) target(%dma_start3A_76 : memref<128x128xf32, #tpu.memory_space<hbm>>) target_semaphore(%run_scoped3A : memref<!tpu.dma_semaphore, #tpu.memory_space<semaphore_mem>>)
      %dma_wait3A_80 = arith.constant 0 : i32
      %dma_wait3A_81 = arith.constant 0 : i32
      %dma_wait3A_82 = tpu.memref_slice %arg12[%dma_wait3A_80, %dma_wait3A_81] : memref<320x128xf32, #tpu.memory_space<vmem>> -> memref<128x128xf32, #tpu.memory_space<vmem>>
      %dma_wait3A_83 = arith.constant 0 : i32
      %dma_wait3A_84 = tpu.memref_slice %arg6[%add3A_64, %dma_wait3A_83] : memref<20480x128xf32, #tpu.memory_space<hbm>> -> memref<128x128xf32, #tpu.memory_space<hbm>>
      %dma_wait3A_85 = arith.constant 0 : i32
      %dma_wait3A_86 = tpu.memref_slice %arg6[%add3A_64, %dma_wait3A_85] : memref<20480x128xf32, #tpu.memory_space<hbm>> -> memref<128x128xf32, #tpu.memory_space<hbm>>
      %dma_wait3A_87 = arith.constant 0 : i32
      %dma_wait3A_88 = arith.constant 0 : i32
      %dma_wait3A_89 = tpu.memref_slice %arg12[%dma_wait3A_87, %dma_wait3A_88] : memref<320x128xf32, #tpu.memory_space<vmem>> -> memref<128x128xf32, #tpu.memory_space<vmem>>
      tpu.wait_dma2 semaphore(%run_scoped3A : memref<!tpu.dma_semaphore, #tpu.memory_space<semaphore_mem>>) src(%dma_wait3A_89 : memref<128x128xf32, #tpu.memory_space<vmem>>) dst(%dma_wait3A_86 : memref<128x128xf32, #tpu.memory_space<hbm>>)
      tpu.yield
    }) : () -> ()
    %add3A_65 = arith.constant 512 : i32
    %add3A_66 = arith.addi %mul3A_0, %add3A_65 : i32
    "tpu.region"() ({
      %run_scoped3A = tpu.sem_alloc : memref<!tpu.dma_semaphore, #tpu.memory_space<semaphore_mem>>
      %dma_start3A_70 = arith.constant 0 : i32
      %dma_start3A_71 = arith.constant 0 : i32
      %dma_start3A_72 = tpu.memref_slice %arg12[%dma_start3A_70, %dma_start3A_71] : memref<320x128xf32, #tpu.memory_space<vmem>> -> memref<128x128xf32, #tpu.memory_space<vmem>>
      %dma_start3A_73 = arith.constant 0 : i32
      %dma_start3A_74 = tpu.memref_slice %arg7[%add3A_66, %dma_start3A_73] : memref<10240x128xf32, #tpu.memory_space<vmem_shared>> -> memref<128x128xf32, #tpu.memory_space<vmem_shared>>
      %dma_start3A_75 = arith.constant 0 : i32
      %dma_start3A_76 = arith.constant 0 : i32
      %dma_start3A_77 = tpu.memref_slice %arg12[%dma_start3A_75, %dma_start3A_76] : memref<320x128xf32, #tpu.memory_space<vmem>> -> memref<128x128xf32, #tpu.memory_space<vmem>>
      %dma_start3A_78 = arith.constant 0 : i32
      %dma_start3A_79 = tpu.memref_slice %arg7[%add3A_66, %dma_start3A_78] : memref<10240x128xf32, #tpu.memory_space<vmem_shared>> -> memref<128x128xf32, #tpu.memory_space<vmem_shared>>
      tpu.enqueue_dma source(%dma_start3A_79 : memref<128x128xf32, #tpu.memory_space<vmem_shared>>) target(%dma_start3A_77 : memref<128x128xf32, #tpu.memory_space<vmem>>) target_semaphore(%run_scoped3A : memref<!tpu.dma_semaphore, #tpu.memory_space<semaphore_mem>>)
      %dma_wait3A_80 = arith.constant 0 : i32
      %dma_wait3A_81 = arith.constant 0 : i32
      %dma_wait3A_82 = tpu.memref_slice %arg12[%dma_wait3A_80, %dma_wait3A_81] : memref<320x128xf32, #tpu.memory_space<vmem>> -> memref<128x128xf32, #tpu.memory_space<vmem>>
      %dma_wait3A_83 = arith.constant 0 : i32
      %dma_wait3A_84 = tpu.memref_slice %arg7[%add3A_66, %dma_wait3A_83] : memref<10240x128xf32, #tpu.memory_space<vmem_shared>> -> memref<128x128xf32, #tpu.memory_space<vmem_shared>>
      %dma_wait3A_85 = arith.constant 0 : i32
      %dma_wait3A_86 = arith.constant 0 : i32
      %dma_wait3A_87 = tpu.memref_slice %arg12[%dma_wait3A_85, %dma_wait3A_86] : memref<320x128xf32, #tpu.memory_space<vmem>> -> memref<128x128xf32, #tpu.memory_space<vmem>>
      %dma_wait3A_88 = arith.constant 0 : i32
      %dma_wait3A_89 = tpu.memref_slice %arg7[%add3A_66, %dma_wait3A_88] : memref<10240x128xf32, #tpu.memory_space<vmem_shared>> -> memref<128x128xf32, #tpu.memory_space<vmem_shared>>
      tpu.wait_dma2 semaphore(%run_scoped3A : memref<!tpu.dma_semaphore, #tpu.memory_space<semaphore_mem>>) src(%dma_wait3A_89 : memref<128x128xf32, #tpu.memory_space<vmem_shared>>) dst(%dma_wait3A_87 : memref<128x128xf32, #tpu.memory_space<vmem>>)
      tpu.yield
    }) : () -> ()
    %mul3A_67 = arith.constant 10240 : i32
    %mul3A_68 = arith.muli %arg0, %mul3A_67 : i32
    %add3A_69 = arith.addi %mul3A_68, %add3A_66 : i32
    "tpu.region"() ({
      %run_scoped3A = tpu.sem_alloc : memref<!tpu.dma_semaphore, #tpu.memory_space<semaphore_mem>>
      %dma_start3A_70 = arith.constant 0 : i32
      %dma_start3A_71 = arith.constant 0 : i32
      %dma_start3A_72 = tpu.memref_slice %arg12[%dma_start3A_70, %dma_start3A_71] : memref<320x128xf32, #tpu.memory_space<vmem>> -> memref<128x128xf32, #tpu.memory_space<vmem>>
      %dma_start3A_73 = arith.constant 0 : i32
      %dma_start3A_74 = tpu.memref_slice %arg6[%add3A_69, %dma_start3A_73] : memref<20480x128xf32, #tpu.memory_space<hbm>> -> memref<128x128xf32, #tpu.memory_space<hbm>>
      %dma_start3A_75 = arith.constant 0 : i32
      %dma_start3A_76 = tpu.memref_slice %arg6[%add3A_69, %dma_start3A_75] : memref<20480x128xf32, #tpu.memory_space<hbm>> -> memref<128x128xf32, #tpu.memory_space<hbm>>
      %dma_start3A_77 = arith.constant 0 : i32
      %dma_start3A_78 = arith.constant 0 : i32
      %dma_start3A_79 = tpu.memref_slice %arg12[%dma_start3A_77, %dma_start3A_78] : memref<320x128xf32, #tpu.memory_space<vmem>> -> memref<128x128xf32, #tpu.memory_space<vmem>>
      tpu.enqueue_dma source(%dma_start3A_79 : memref<128x128xf32, #tpu.memory_space<vmem>>) target(%dma_start3A_76 : memref<128x128xf32, #tpu.memory_space<hbm>>) target_semaphore(%run_scoped3A : memref<!tpu.dma_semaphore, #tpu.memory_space<semaphore_mem>>)
      %dma_wait3A_80 = arith.constant 0 : i32
      %dma_wait3A_81 = arith.constant 0 : i32
      %dma_wait3A_82 = tpu.memref_slice %arg12[%dma_wait3A_80, %dma_wait3A_81] : memref<320x128xf32, #tpu.memory_space<vmem>> -> memref<128x128xf32, #tpu.memory_space<vmem>>
      %dma_wait3A_83 = arith.constant 0 : i32
      %dma_wait3A_84 = tpu.memref_slice %arg6[%add3A_69, %dma_wait3A_83] : memref<20480x128xf32, #tpu.memory_space<hbm>> -> memref<128x128xf32, #tpu.memory_space<hbm>>
      %dma_wait3A_85 = arith.constant 0 : i32
      %dma_wait3A_86 = tpu.memref_slice %arg6[%add3A_69, %dma_wait3A_85] : memref<20480x128xf32, #tpu.memory_space<hbm>> -> memref<128x128xf32, #tpu.memory_space<hbm>>
      %dma_wait3A_87 = arith.constant 0 : i32
      %dma_wait3A_88 = arith.constant 0 : i32
      %dma_wait3A_89 = tpu.memref_slice %arg12[%dma_wait3A_87, %dma_wait3A_88] : memref<320x128xf32, #tpu.memory_space<vmem>> -> memref<128x128xf32, #tpu.memory_space<vmem>>
      tpu.wait_dma2 semaphore(%run_scoped3A : memref<!tpu.dma_semaphore, #tpu.memory_space<semaphore_mem>>) src(%dma_wait3A_89 : memref<128x128xf32, #tpu.memory_space<vmem>>) dst(%dma_wait3A_86 : memref<128x128xf32, #tpu.memory_space<hbm>>)
      tpu.yield
    }) : () -> ()
    return
  }
}

#map = affine_map<(d0, d1) -> (0, 0)>
#map1 = affine_map<(d0, d1) -> (0)>
module attributes {stable_mosaic.version = 14 : i64} {
  func.func @_sc_scatter(%arg0: i32, %arg1: i32, %arg2: memref<20480x128xf32, #tpu.memory_space<hbm>>, %arg3: memref<327680xi32, #tpu.memory_space<hbm>>, %arg4: memref<327680xi32, #tpu.memory_space<hbm>>, %arg5: memref<640x128xf32, #tpu.memory_space<hbm>>, %arg6: memref<20480x128xf32, #tpu.memory_space<hbm>>, %arg7: memref<10240x128xf32, #tpu.memory_space<vmem_shared>>, %arg8: memref<320xi32, #tpu.memory_space<vmem>>, %arg9: memref<320xi32, #tpu.memory_space<vmem>>, %arg10: memref<320xi32, #tpu.memory_space<vmem>>, %arg11: memref<320xi32, #tpu.memory_space<vmem>>, %arg12: memref<320x128xf32, #tpu.memory_space<vmem>>, %arg13: memref<!tpu.dma_semaphore, #tpu.memory_space<semaphore_mem>>, %arg14: memref<!tpu.dma_semaphore, #tpu.memory_space<semaphore_mem>>, %arg15: memref<!tpu.dma_semaphore, #tpu.memory_space<semaphore_mem>>) attributes {dimension_semantics = [#tpu.dimension_semantics<core_parallel>, #tpu.dimension_semantics<subcore_parallel>], iteration_bounds = array<i64: 2, 16>, scalar_prefetch = 0 : i64, scratch_operands = 9 : i64, tpu.core_type = #tpu.core_type<sc_vector_subcore>, window_params = [{transform_indices = #map}, {transform_indices = #map1}, {transform_indices = #map1}, {transform_indices = #map}, {transform_indices = #map}]} {
    %mul3A = arith.constant 640 : i32
    %mul3A_0 = arith.muli %arg1, %mul3A : i32
    %mul3A_1 = arith.constant 163840 : i32
    %mul3A_2 = arith.muli %arg0, %mul3A_1 : i32
    %mul3A_3 = arith.constant 10240 : i32
    %mul3A_4 = arith.muli %arg1, %mul3A_3 : i32
    %add3A = arith.addi %mul3A_2, %mul3A_4 : i32
    %add3A_5 = arith.constant 0 : i32
    %add3A_6 = arith.addi %add3A, %add3A_5 : i32
    %dma_start3A = tpu.memref_slice %arg3[%add3A_6] : memref<327680xi32, #tpu.memory_space<hbm>> -> memref<320xi32, #tpu.memory_space<hbm>>
    %dma_start3A_7 = tpu.memref_slice %arg3[%add3A_6] : memref<327680xi32, #tpu.memory_space<hbm>> -> memref<320xi32, #tpu.memory_space<hbm>>
    tpu.enqueue_dma source(%dma_start3A_7 : memref<320xi32, #tpu.memory_space<hbm>>) target(%arg8 : memref<320xi32, #tpu.memory_space<vmem>>) target_semaphore(%arg14 : memref<!tpu.dma_semaphore, #tpu.memory_space<semaphore_mem>>)
    %dma_start3A_8 = tpu.memref_slice %arg4[%add3A_6] : memref<327680xi32, #tpu.memory_space<hbm>> -> memref<320xi32, #tpu.memory_space<hbm>>
    %dma_start3A_9 = tpu.memref_slice %arg4[%add3A_6] : memref<327680xi32, #tpu.memory_space<hbm>> -> memref<320xi32, #tpu.memory_space<hbm>>
    tpu.enqueue_dma source(%dma_start3A_9 : memref<320xi32, #tpu.memory_space<hbm>>) target(%arg9 : memref<320xi32, #tpu.memory_space<vmem>>) target_semaphore(%arg14 : memref<!tpu.dma_semaphore, #tpu.memory_space<semaphore_mem>>)
    "tpu.region"() ({
      %run_scoped3A = tpu.sem_alloc : memref<!tpu.dma_semaphore, #tpu.memory_space<semaphore_mem>>
      %dma_start3A_70 = arith.constant 0 : i32
      %dma_start3A_71 = tpu.memref_slice %arg7[%mul3A_0, %dma_start3A_70] : memref<10240x128xf32, #tpu.memory_space<vmem_shared>> -> memref<640x128xf32, #tpu.memory_space<vmem_shared>>
      tpu.enqueue_dma source(%arg5 : memref<640x128xf32, #tpu.memory_space<hbm>>) target(%dma_start3A_71 : memref<640x128xf32, #tpu.memory_space<vmem_shared>>) target_semaphore(%run_scoped3A : memref<!tpu.dma_semaphore, #tpu.memory_space<semaphore_mem>>)
      %dma_wait3A_72 = arith.constant 0 : i32
      %dma_wait3A_73 = tpu.memref_slice %arg7[%mul3A_0, %dma_wait3A_72] : memref<10240x128xf32, #tpu.memory_space<vmem_shared>> -> memref<640x128xf32, #tpu.memory_space<vmem_shared>>
      tpu.wait_dma2 semaphore(%run_scoped3A : memref<!tpu.dma_semaphore, #tpu.memory_space<semaphore_mem>>) src(%arg5 : memref<640x128xf32, #tpu.memory_space<hbm>>) dst(%dma_wait3A_73 : memref<640x128xf32, #tpu.memory_space<vmem_shared>>)
      tpu.yield
    }) : () -> ()
    %barrier3A = arith.constant 0 : index
    tpu.barrier barrier_id(%barrier3A)
    %scan3A = arith.constant 0 : i32
    %scan3A_10 = arith.constant 0 : i32
    %scan3A_11 = arith.constant 15 : i32
    %scan3A_12 = arith.addi %scan3A_10, %scan3A_11 : i32
    %scan3A_13 = arith.constant 1 : i32
    scf.for %scan3A_70 = %scan3A_10 to %scan3A_12 step %scan3A_13  : i32 {
      %mul3A_71 = arith.constant 2 : i32
      %mul3A_72 = arith.muli %scan3A_70, %mul3A_71 : i32
      %add3A_73 = arith.constant 0 : i32
      %add3A_74 = arith.addi %mul3A_72, %add3A_73 : i32
      %add3A_75 = arith.constant 1 : i32
      %add3A_76 = arith.addi %add3A_74, %add3A_75 : i32
      %mul3A_77 = arith.constant 320 : i32
      %mul3A_78 = arith.muli %add3A_76, %mul3A_77 : i32
      %add3A_79 = arith.addi %add3A, %mul3A_78 : i32
      %dma_start3A_80 = tpu.memref_slice %arg3[%add3A_79] : memref<327680xi32, #tpu.memory_space<hbm>> -> memref<320xi32, #tpu.memory_space<hbm>>
      %dma_start3A_81 = tpu.memref_slice %arg3[%add3A_79] : memref<327680xi32, #tpu.memory_space<hbm>> -> memref<320xi32, #tpu.memory_space<hbm>>
      tpu.enqueue_dma source(%dma_start3A_81 : memref<320xi32, #tpu.memory_space<hbm>>) target(%arg10 : memref<320xi32, #tpu.memory_space<vmem>>) target_semaphore(%arg15 : memref<!tpu.dma_semaphore, #tpu.memory_space<semaphore_mem>>)
      %dma_start3A_82 = tpu.memref_slice %arg4[%add3A_79] : memref<327680xi32, #tpu.memory_space<hbm>> -> memref<320xi32, #tpu.memory_space<hbm>>
      %dma_start3A_83 = tpu.memref_slice %arg4[%add3A_79] : memref<327680xi32, #tpu.memory_space<hbm>> -> memref<320xi32, #tpu.memory_space<hbm>>
      tpu.enqueue_dma source(%dma_start3A_83 : memref<320xi32, #tpu.memory_space<hbm>>) target(%arg11 : memref<320xi32, #tpu.memory_space<vmem>>) target_semaphore(%arg15 : memref<!tpu.dma_semaphore, #tpu.memory_space<semaphore_mem>>)
      %add3A_84 = arith.constant 0 : i32
      %add3A_85 = arith.addi %mul3A_72, %add3A_84 : i32
      %mul3A_86 = arith.constant 320 : i32
      %mul3A_87 = arith.muli %add3A_85, %mul3A_86 : i32
      %add3A_88 = arith.addi %add3A, %mul3A_87 : i32
      %dma_wait3A_89 = tpu.memref_slice %arg3[%add3A_88] : memref<327680xi32, #tpu.memory_space<hbm>> -> memref<320xi32, #tpu.memory_space<hbm>>
      %dma_wait3A_90 = tpu.memref_slice %arg3[%add3A_88] : memref<327680xi32, #tpu.memory_space<hbm>> -> memref<320xi32, #tpu.memory_space<hbm>>
      tpu.wait_dma2 semaphore(%arg14 : memref<!tpu.dma_semaphore, #tpu.memory_space<semaphore_mem>>) src(%dma_wait3A_90 : memref<320xi32, #tpu.memory_space<hbm>>) dst(%arg8 : memref<320xi32, #tpu.memory_space<vmem>>)
      %dma_wait3A_91 = tpu.memref_slice %arg4[%add3A_88] : memref<327680xi32, #tpu.memory_space<hbm>> -> memref<320xi32, #tpu.memory_space<hbm>>
      %dma_wait3A_92 = tpu.memref_slice %arg4[%add3A_88] : memref<327680xi32, #tpu.memory_space<hbm>> -> memref<320xi32, #tpu.memory_space<hbm>>
      tpu.wait_dma2 semaphore(%arg14 : memref<!tpu.dma_semaphore, #tpu.memory_space<semaphore_mem>>) src(%dma_wait3A_92 : memref<320xi32, #tpu.memory_space<hbm>>) dst(%arg9 : memref<320xi32, #tpu.memory_space<vmem>>)
      %add3A_93 = arith.constant 0 : i32
      %add3A_94 = arith.addi %mul3A_72, %add3A_93 : i32
      %dma_start3A_95 = arith.constant 0 : i32
      %dma_start3A_96 = arith.constant 0 : i32
      %dma_start3A_97 = tpu.memref_slice %arg2[%dma_start3A_95, %dma_start3A_96] : memref<20480x128xf32, #tpu.memory_space<hbm>> -> memref<20480x128xf32, #tpu.memory_space<hbm>>
      tpu.enqueue_indirect_dma source(%dma_start3A_97 : memref<20480x128xf32, #tpu.memory_space<hbm>>) target(%arg12 : memref<320x128xf32, #tpu.memory_space<vmem>>) offsets(%arg8 : memref<320xi32, #tpu.memory_space<vmem>>) semaphore(%arg13 : memref<!tpu.dma_semaphore, #tpu.memory_space<semaphore_mem>>)
      %dma_wait3A_98 = arith.constant 0 : i32
      %dma_wait3A_99 = arith.constant 0 : i32
      %dma_wait3A_100 = tpu.memref_slice %arg2[%dma_wait3A_98, %dma_wait3A_99] : memref<20480x128xf32, #tpu.memory_space<hbm>> -> memref<20480x128xf32, #tpu.memory_space<hbm>>
      tpu.wait_indirect_dma semaphore(%arg13 : memref<!tpu.dma_semaphore, #tpu.memory_space<semaphore_mem>>) src(%dma_wait3A_100 : memref<20480x128xf32, #tpu.memory_space<hbm>>) dst(%arg12 : memref<320x128xf32, #tpu.memory_space<vmem>>)
      "tpu.region"() ({
        %run_scoped3A = tpu.sem_alloc : memref<!tpu.dma_semaphore, #tpu.memory_space<semaphore_mem>>
        %dma_start3A_129 = arith.constant 0 : i32
        %dma_start3A_130 = arith.constant 0 : i32
        %dma_start3A_131 = tpu.memref_slice %arg7[%dma_start3A_129, %dma_start3A_130] : memref<10240x128xf32, #tpu.memory_space<vmem_shared>> -> memref<10240x128xf32, #tpu.memory_space<vmem_shared>>
        tpu.enqueue_indirect_dma source(%arg12 : memref<320x128xf32, #tpu.memory_space<vmem>>) target(%dma_start3A_131 : memref<10240x128xf32, #tpu.memory_space<vmem_shared>>) offsets(%arg9 : memref<320xi32, #tpu.memory_space<vmem>>) semaphore(%run_scoped3A : memref<!tpu.dma_semaphore, #tpu.memory_space<semaphore_mem>>) {add = true}
        %dma_wait3A_132 = arith.constant 0 : i32
        %dma_wait3A_133 = arith.constant 0 : i32
        %dma_wait3A_134 = tpu.memref_slice %arg7[%dma_wait3A_132, %dma_wait3A_133] : memref<10240x128xf32, #tpu.memory_space<vmem_shared>> -> memref<10240x128xf32, #tpu.memory_space<vmem_shared>>
        tpu.wait_indirect_dma semaphore(%run_scoped3A : memref<!tpu.dma_semaphore, #tpu.memory_space<semaphore_mem>>) src(%arg12 : memref<320x128xf32, #tpu.memory_space<vmem>>) dst(%dma_wait3A_134 : memref<10240x128xf32, #tpu.memory_space<vmem_shared>>)
        tpu.yield
      }) : () -> ()
      %add3A_101 = arith.constant 1 : i32
      %add3A_102 = arith.addi %mul3A_72, %add3A_101 : i32
      %add3A_103 = arith.constant 1 : i32
      %add3A_104 = arith.addi %add3A_102, %add3A_103 : i32
      %mul3A_105 = arith.constant 320 : i32
      %mul3A_106 = arith.muli %add3A_104, %mul3A_105 : i32
      %add3A_107 = arith.addi %add3A, %mul3A_106 : i32
      %dma_start3A_108 = tpu.memref_slice %arg3[%add3A_107] : memref<327680xi32, #tpu.memory_space<hbm>> -> memref<320xi32, #tpu.memory_space<hbm>>
      %dma_start3A_109 = tpu.memref_slice %arg3[%add3A_107] : memref<327680xi32, #tpu.memory_space<hbm>> -> memref<320xi32, #tpu.memory_space<hbm>>
      tpu.enqueue_dma source(%dma_start3A_109 : memref<320xi32, #tpu.memory_space<hbm>>) target(%arg8 : memref<320xi32, #tpu.memory_space<vmem>>) target_semaphore(%arg14 : memref<!tpu.dma_semaphore, #tpu.memory_space<semaphore_mem>>)
      %dma_start3A_110 = tpu.memref_slice %arg4[%add3A_107] : memref<327680xi32, #tpu.memory_space<hbm>> -> memref<320xi32, #tpu.memory_space<hbm>>
      %dma_start3A_111 = tpu.memref_slice %arg4[%add3A_107] : memref<327680xi32, #tpu.memory_space<hbm>> -> memref<320xi32, #tpu.memory_space<hbm>>
      tpu.enqueue_dma source(%dma_start3A_111 : memref<320xi32, #tpu.memory_space<hbm>>) target(%arg9 : memref<320xi32, #tpu.memory_space<vmem>>) target_semaphore(%arg14 : memref<!tpu.dma_semaphore, #tpu.memory_space<semaphore_mem>>)
      %add3A_112 = arith.constant 1 : i32
      %add3A_113 = arith.addi %mul3A_72, %add3A_112 : i32
      %mul3A_114 = arith.constant 320 : i32
      %mul3A_115 = arith.muli %add3A_113, %mul3A_114 : i32
      %add3A_116 = arith.addi %add3A, %mul3A_115 : i32
      %dma_wait3A_117 = tpu.memref_slice %arg3[%add3A_116] : memref<327680xi32, #tpu.memory_space<hbm>> -> memref<320xi32, #tpu.memory_space<hbm>>
      %dma_wait3A_118 = tpu.memref_slice %arg3[%add3A_116] : memref<327680xi32, #tpu.memory_space<hbm>> -> memref<320xi32, #tpu.memory_space<hbm>>
      tpu.wait_dma2 semaphore(%arg15 : memref<!tpu.dma_semaphore, #tpu.memory_space<semaphore_mem>>) src(%dma_wait3A_118 : memref<320xi32, #tpu.memory_space<hbm>>) dst(%arg10 : memref<320xi32, #tpu.memory_space<vmem>>)
      %dma_wait3A_119 = tpu.memref_slice %arg4[%add3A_116] : memref<327680xi32, #tpu.memory_space<hbm>> -> memref<320xi32, #tpu.memory_space<hbm>>
      %dma_wait3A_120 = tpu.memref_slice %arg4[%add3A_116] : memref<327680xi32, #tpu.memory_space<hbm>> -> memref<320xi32, #tpu.memory_space<hbm>>
      tpu.wait_dma2 semaphore(%arg15 : memref<!tpu.dma_semaphore, #tpu.memory_space<semaphore_mem>>) src(%dma_wait3A_120 : memref<320xi32, #tpu.memory_space<hbm>>) dst(%arg11 : memref<320xi32, #tpu.memory_space<vmem>>)
      %add3A_121 = arith.constant 1 : i32
      %add3A_122 = arith.addi %mul3A_72, %add3A_121 : i32
      %dma_start3A_123 = arith.constant 0 : i32
      %dma_start3A_124 = arith.constant 0 : i32
      %dma_start3A_125 = tpu.memref_slice %arg2[%dma_start3A_123, %dma_start3A_124] : memref<20480x128xf32, #tpu.memory_space<hbm>> -> memref<20480x128xf32, #tpu.memory_space<hbm>>
      tpu.enqueue_indirect_dma source(%dma_start3A_125 : memref<20480x128xf32, #tpu.memory_space<hbm>>) target(%arg12 : memref<320x128xf32, #tpu.memory_space<vmem>>) offsets(%arg10 : memref<320xi32, #tpu.memory_space<vmem>>) semaphore(%arg13 : memref<!tpu.dma_semaphore, #tpu.memory_space<semaphore_mem>>)
      %dma_wait3A_126 = arith.constant 0 : i32
      %dma_wait3A_127 = arith.constant 0 : i32
      %dma_wait3A_128 = tpu.memref_slice %arg2[%dma_wait3A_126, %dma_wait3A_127] : memref<20480x128xf32, #tpu.memory_space<hbm>> -> memref<20480x128xf32, #tpu.memory_space<hbm>>
      tpu.wait_indirect_dma semaphore(%arg13 : memref<!tpu.dma_semaphore, #tpu.memory_space<semaphore_mem>>) src(%dma_wait3A_128 : memref<20480x128xf32, #tpu.memory_space<hbm>>) dst(%arg12 : memref<320x128xf32, #tpu.memory_space<vmem>>)
      "tpu.region"() ({
        %run_scoped3A = tpu.sem_alloc : memref<!tpu.dma_semaphore, #tpu.memory_space<semaphore_mem>>
        %dma_start3A_129 = arith.constant 0 : i32
        %dma_start3A_130 = arith.constant 0 : i32
        %dma_start3A_131 = tpu.memref_slice %arg7[%dma_start3A_129, %dma_start3A_130] : memref<10240x128xf32, #tpu.memory_space<vmem_shared>> -> memref<10240x128xf32, #tpu.memory_space<vmem_shared>>
        tpu.enqueue_indirect_dma source(%arg12 : memref<320x128xf32, #tpu.memory_space<vmem>>) target(%dma_start3A_131 : memref<10240x128xf32, #tpu.memory_space<vmem_shared>>) offsets(%arg11 : memref<320xi32, #tpu.memory_space<vmem>>) semaphore(%run_scoped3A : memref<!tpu.dma_semaphore, #tpu.memory_space<semaphore_mem>>) {add = true}
        %dma_wait3A_132 = arith.constant 0 : i32
        %dma_wait3A_133 = arith.constant 0 : i32
        %dma_wait3A_134 = tpu.memref_slice %arg7[%dma_wait3A_132, %dma_wait3A_133] : memref<10240x128xf32, #tpu.memory_space<vmem_shared>> -> memref<10240x128xf32, #tpu.memory_space<vmem_shared>>
        tpu.wait_indirect_dma semaphore(%run_scoped3A : memref<!tpu.dma_semaphore, #tpu.memory_space<semaphore_mem>>) src(%arg12 : memref<320x128xf32, #tpu.memory_space<vmem>>) dst(%dma_wait3A_134 : memref<10240x128xf32, #tpu.memory_space<vmem_shared>>)
        tpu.yield
      }) : () -> ()
    }
    %scan3A_14 = arith.constant 15 : i32
    %add3A_15 = arith.constant 9920 : i32
    %add3A_16 = arith.addi %add3A, %add3A_15 : i32
    %dma_start3A_17 = tpu.memref_slice %arg3[%add3A_16] : memref<327680xi32, #tpu.memory_space<hbm>> -> memref<320xi32, #tpu.memory_space<hbm>>
    %dma_start3A_18 = tpu.memref_slice %arg3[%add3A_16] : memref<327680xi32, #tpu.memory_space<hbm>> -> memref<320xi32, #tpu.memory_space<hbm>>
    tpu.enqueue_dma source(%dma_start3A_18 : memref<320xi32, #tpu.memory_space<hbm>>) target(%arg10 : memref<320xi32, #tpu.memory_space<vmem>>) target_semaphore(%arg15 : memref<!tpu.dma_semaphore, #tpu.memory_space<semaphore_mem>>)
    %dma_start3A_19 = tpu.memref_slice %arg4[%add3A_16] : memref<327680xi32, #tpu.memory_space<hbm>> -> memref<320xi32, #tpu.memory_space<hbm>>
    %dma_start3A_20 = tpu.memref_slice %arg4[%add3A_16] : memref<327680xi32, #tpu.memory_space<hbm>> -> memref<320xi32, #tpu.memory_space<hbm>>
    tpu.enqueue_dma source(%dma_start3A_20 : memref<320xi32, #tpu.memory_space<hbm>>) target(%arg11 : memref<320xi32, #tpu.memory_space<vmem>>) target_semaphore(%arg15 : memref<!tpu.dma_semaphore, #tpu.memory_space<semaphore_mem>>)
    %add3A_21 = arith.constant 9600 : i32
    %add3A_22 = arith.addi %add3A, %add3A_21 : i32
    %dma_wait3A = tpu.memref_slice %arg3[%add3A_22] : memref<327680xi32, #tpu.memory_space<hbm>> -> memref<320xi32, #tpu.memory_space<hbm>>
    %dma_wait3A_23 = tpu.memref_slice %arg3[%add3A_22] : memref<327680xi32, #tpu.memory_space<hbm>> -> memref<320xi32, #tpu.memory_space<hbm>>
    tpu.wait_dma2 semaphore(%arg14 : memref<!tpu.dma_semaphore, #tpu.memory_space<semaphore_mem>>) src(%dma_wait3A_23 : memref<320xi32, #tpu.memory_space<hbm>>) dst(%arg8 : memref<320xi32, #tpu.memory_space<vmem>>)
    %dma_wait3A_24 = tpu.memref_slice %arg4[%add3A_22] : memref<327680xi32, #tpu.memory_space<hbm>> -> memref<320xi32, #tpu.memory_space<hbm>>
    %dma_wait3A_25 = tpu.memref_slice %arg4[%add3A_22] : memref<327680xi32, #tpu.memory_space<hbm>> -> memref<320xi32, #tpu.memory_space<hbm>>
    tpu.wait_dma2 semaphore(%arg14 : memref<!tpu.dma_semaphore, #tpu.memory_space<semaphore_mem>>) src(%dma_wait3A_25 : memref<320xi32, #tpu.memory_space<hbm>>) dst(%arg9 : memref<320xi32, #tpu.memory_space<vmem>>)
    %dma_start3A_26 = arith.constant 0 : i32
    %dma_start3A_27 = arith.constant 0 : i32
    %dma_start3A_28 = tpu.memref_slice %arg2[%dma_start3A_26, %dma_start3A_27] : memref<20480x128xf32, #tpu.memory_space<hbm>> -> memref<20480x128xf32, #tpu.memory_space<hbm>>
    tpu.enqueue_indirect_dma source(%dma_start3A_28 : memref<20480x128xf32, #tpu.memory_space<hbm>>) target(%arg12 : memref<320x128xf32, #tpu.memory_space<vmem>>) offsets(%arg8 : memref<320xi32, #tpu.memory_space<vmem>>) semaphore(%arg13 : memref<!tpu.dma_semaphore, #tpu.memory_space<semaphore_mem>>)
    %dma_wait3A_29 = arith.constant 0 : i32
    %dma_wait3A_30 = arith.constant 0 : i32
    %dma_wait3A_31 = tpu.memref_slice %arg2[%dma_wait3A_29, %dma_wait3A_30] : memref<20480x128xf32, #tpu.memory_space<hbm>> -> memref<20480x128xf32, #tpu.memory_space<hbm>>
    tpu.wait_indirect_dma semaphore(%arg13 : memref<!tpu.dma_semaphore, #tpu.memory_space<semaphore_mem>>) src(%dma_wait3A_31 : memref<20480x128xf32, #tpu.memory_space<hbm>>) dst(%arg12 : memref<320x128xf32, #tpu.memory_space<vmem>>)
    "tpu.region"() ({
      %run_scoped3A = tpu.sem_alloc : memref<!tpu.dma_semaphore, #tpu.memory_space<semaphore_mem>>
      %dma_start3A_70 = arith.constant 0 : i32
      %dma_start3A_71 = arith.constant 0 : i32
      %dma_start3A_72 = tpu.memref_slice %arg7[%dma_start3A_70, %dma_start3A_71] : memref<10240x128xf32, #tpu.memory_space<vmem_shared>> -> memref<10240x128xf32, #tpu.memory_space<vmem_shared>>
      tpu.enqueue_indirect_dma source(%arg12 : memref<320x128xf32, #tpu.memory_space<vmem>>) target(%dma_start3A_72 : memref<10240x128xf32, #tpu.memory_space<vmem_shared>>) offsets(%arg9 : memref<320xi32, #tpu.memory_space<vmem>>) semaphore(%run_scoped3A : memref<!tpu.dma_semaphore, #tpu.memory_space<semaphore_mem>>) {add = true}
      %dma_wait3A_73 = arith.constant 0 : i32
      %dma_wait3A_74 = arith.constant 0 : i32
      %dma_wait3A_75 = tpu.memref_slice %arg7[%dma_wait3A_73, %dma_wait3A_74] : memref<10240x128xf32, #tpu.memory_space<vmem_shared>> -> memref<10240x128xf32, #tpu.memory_space<vmem_shared>>
      tpu.wait_indirect_dma semaphore(%run_scoped3A : memref<!tpu.dma_semaphore, #tpu.memory_space<semaphore_mem>>) src(%arg12 : memref<320x128xf32, #tpu.memory_space<vmem>>) dst(%dma_wait3A_75 : memref<10240x128xf32, #tpu.memory_space<vmem_shared>>)
      tpu.yield
    }) : () -> ()
    %add3A_32 = arith.constant 9920 : i32
    %add3A_33 = arith.addi %add3A, %add3A_32 : i32
    %dma_wait3A_34 = tpu.memref_slice %arg3[%add3A_33] : memref<327680xi32, #tpu.memory_space<hbm>> -> memref<320xi32, #tpu.memory_space<hbm>>
    %dma_wait3A_35 = tpu.memref_slice %arg3[%add3A_33] : memref<327680xi32, #tpu.memory_space<hbm>> -> memref<320xi32, #tpu.memory_space<hbm>>
    tpu.wait_dma2 semaphore(%arg15 : memref<!tpu.dma_semaphore, #tpu.memory_space<semaphore_mem>>) src(%dma_wait3A_35 : memref<320xi32, #tpu.memory_space<hbm>>) dst(%arg10 : memref<320xi32, #tpu.memory_space<vmem>>)
    %dma_wait3A_36 = tpu.memref_slice %arg4[%add3A_33] : memref<327680xi32, #tpu.memory_space<hbm>> -> memref<320xi32, #tpu.memory_space<hbm>>
    %dma_wait3A_37 = tpu.memref_slice %arg4[%add3A_33] : memref<327680xi32, #tpu.memory_space<hbm>> -> memref<320xi32, #tpu.memory_space<hbm>>
    tpu.wait_dma2 semaphore(%arg15 : memref<!tpu.dma_semaphore, #tpu.memory_space<semaphore_mem>>) src(%dma_wait3A_37 : memref<320xi32, #tpu.memory_space<hbm>>) dst(%arg11 : memref<320xi32, #tpu.memory_space<vmem>>)
    %dma_start3A_38 = arith.constant 0 : i32
    %dma_start3A_39 = arith.constant 0 : i32
    %dma_start3A_40 = tpu.memref_slice %arg2[%dma_start3A_38, %dma_start3A_39] : memref<20480x128xf32, #tpu.memory_space<hbm>> -> memref<20480x128xf32, #tpu.memory_space<hbm>>
    tpu.enqueue_indirect_dma source(%dma_start3A_40 : memref<20480x128xf32, #tpu.memory_space<hbm>>) target(%arg12 : memref<320x128xf32, #tpu.memory_space<vmem>>) offsets(%arg10 : memref<320xi32, #tpu.memory_space<vmem>>) semaphore(%arg13 : memref<!tpu.dma_semaphore, #tpu.memory_space<semaphore_mem>>)
    %dma_wait3A_41 = arith.constant 0 : i32
    %dma_wait3A_42 = arith.constant 0 : i32
    %dma_wait3A_43 = tpu.memref_slice %arg2[%dma_wait3A_41, %dma_wait3A_42] : memref<20480x128xf32, #tpu.memory_space<hbm>> -> memref<20480x128xf32, #tpu.memory_space<hbm>>
    tpu.wait_indirect_dma semaphore(%arg13 : memref<!tpu.dma_semaphore, #tpu.memory_space<semaphore_mem>>) src(%dma_wait3A_43 : memref<20480x128xf32, #tpu.memory_space<hbm>>) dst(%arg12 : memref<320x128xf32, #tpu.memory_space<vmem>>)
    "tpu.region"() ({
      %run_scoped3A = tpu.sem_alloc : memref<!tpu.dma_semaphore, #tpu.memory_space<semaphore_mem>>
      %dma_start3A_70 = arith.constant 0 : i32
      %dma_start3A_71 = arith.constant 0 : i32
      %dma_start3A_72 = tpu.memref_slice %arg7[%dma_start3A_70, %dma_start3A_71] : memref<10240x128xf32, #tpu.memory_space<vmem_shared>> -> memref<10240x128xf32, #tpu.memory_space<vmem_shared>>
      tpu.enqueue_indirect_dma source(%arg12 : memref<320x128xf32, #tpu.memory_space<vmem>>) target(%dma_start3A_72 : memref<10240x128xf32, #tpu.memory_space<vmem_shared>>) offsets(%arg11 : memref<320xi32, #tpu.memory_space<vmem>>) semaphore(%run_scoped3A : memref<!tpu.dma_semaphore, #tpu.memory_space<semaphore_mem>>) {add = true}
      %dma_wait3A_73 = arith.constant 0 : i32
      %dma_wait3A_74 = arith.constant 0 : i32
      %dma_wait3A_75 = tpu.memref_slice %arg7[%dma_wait3A_73, %dma_wait3A_74] : memref<10240x128xf32, #tpu.memory_space<vmem_shared>> -> memref<10240x128xf32, #tpu.memory_space<vmem_shared>>
      tpu.wait_indirect_dma semaphore(%run_scoped3A : memref<!tpu.dma_semaphore, #tpu.memory_space<semaphore_mem>>) src(%arg12 : memref<320x128xf32, #tpu.memory_space<vmem>>) dst(%dma_wait3A_75 : memref<10240x128xf32, #tpu.memory_space<vmem_shared>>)
      tpu.yield
    }) : () -> ()
    %barrier3A_44 = arith.constant 0 : index
    tpu.barrier barrier_id(%barrier3A_44)
    %add3A_45 = arith.constant 0 : i32
    %add3A_46 = arith.addi %mul3A_0, %add3A_45 : i32
    "tpu.region"() ({
      %run_scoped3A = tpu.sem_alloc : memref<!tpu.dma_semaphore, #tpu.memory_space<semaphore_mem>>
      %dma_start3A_70 = arith.constant 0 : i32
      %dma_start3A_71 = arith.constant 0 : i32
      %dma_start3A_72 = tpu.memref_slice %arg12[%dma_start3A_70, %dma_start3A_71] : memref<320x128xf32, #tpu.memory_space<vmem>> -> memref<128x128xf32, #tpu.memory_space<vmem>>
      %dma_start3A_73 = arith.constant 0 : i32
      %dma_start3A_74 = tpu.memref_slice %arg7[%add3A_46, %dma_start3A_73] : memref<10240x128xf32, #tpu.memory_space<vmem_shared>> -> memref<128x128xf32, #tpu.memory_space<vmem_shared>>
      %dma_start3A_75 = arith.constant 0 : i32
      %dma_start3A_76 = arith.constant 0 : i32
      %dma_start3A_77 = tpu.memref_slice %arg12[%dma_start3A_75, %dma_start3A_76] : memref<320x128xf32, #tpu.memory_space<vmem>> -> memref<128x128xf32, #tpu.memory_space<vmem>>
      %dma_start3A_78 = arith.constant 0 : i32
      %dma_start3A_79 = tpu.memref_slice %arg7[%add3A_46, %dma_start3A_78] : memref<10240x128xf32, #tpu.memory_space<vmem_shared>> -> memref<128x128xf32, #tpu.memory_space<vmem_shared>>
      tpu.enqueue_dma source(%dma_start3A_79 : memref<128x128xf32, #tpu.memory_space<vmem_shared>>) target(%dma_start3A_77 : memref<128x128xf32, #tpu.memory_space<vmem>>) target_semaphore(%run_scoped3A : memref<!tpu.dma_semaphore, #tpu.memory_space<semaphore_mem>>)
      %dma_wait3A_80 = arith.constant 0 : i32
      %dma_wait3A_81 = arith.constant 0 : i32
      %dma_wait3A_82 = tpu.memref_slice %arg12[%dma_wait3A_80, %dma_wait3A_81] : memref<320x128xf32, #tpu.memory_space<vmem>> -> memref<128x128xf32, #tpu.memory_space<vmem>>
      %dma_wait3A_83 = arith.constant 0 : i32
      %dma_wait3A_84 = tpu.memref_slice %arg7[%add3A_46, %dma_wait3A_83] : memref<10240x128xf32, #tpu.memory_space<vmem_shared>> -> memref<128x128xf32, #tpu.memory_space<vmem_shared>>
      %dma_wait3A_85 = arith.constant 0 : i32
      %dma_wait3A_86 = arith.constant 0 : i32
      %dma_wait3A_87 = tpu.memref_slice %arg12[%dma_wait3A_85, %dma_wait3A_86] : memref<320x128xf32, #tpu.memory_space<vmem>> -> memref<128x128xf32, #tpu.memory_space<vmem>>
      %dma_wait3A_88 = arith.constant 0 : i32
      %dma_wait3A_89 = tpu.memref_slice %arg7[%add3A_46, %dma_wait3A_88] : memref<10240x128xf32, #tpu.memory_space<vmem_shared>> -> memref<128x128xf32, #tpu.memory_space<vmem_shared>>
      tpu.wait_dma2 semaphore(%run_scoped3A : memref<!tpu.dma_semaphore, #tpu.memory_space<semaphore_mem>>) src(%dma_wait3A_89 : memref<128x128xf32, #tpu.memory_space<vmem_shared>>) dst(%dma_wait3A_87 : memref<128x128xf32, #tpu.memory_space<vmem>>)
      tpu.yield
    }) : () -> ()
    %mul3A_47 = arith.constant 10240 : i32
    %mul3A_48 = arith.muli %arg0, %mul3A_47 : i32
    %add3A_49 = arith.addi %mul3A_48, %add3A_46 : i32
    "tpu.region"() ({
      %run_scoped3A = tpu.sem_alloc : memref<!tpu.dma_semaphore, #tpu.memory_space<semaphore_mem>>
      %dma_start3A_70 = arith.constant 0 : i32
      %dma_start3A_71 = arith.constant 0 : i32
      %dma_start3A_72 = tpu.memref_slice %arg12[%dma_start3A_70, %dma_start3A_71] : memref<320x128xf32, #tpu.memory_space<vmem>> -> memref<128x128xf32, #tpu.memory_space<vmem>>
      %dma_start3A_73 = arith.constant 0 : i32
      %dma_start3A_74 = tpu.memref_slice %arg6[%add3A_49, %dma_start3A_73] : memref<20480x128xf32, #tpu.memory_space<hbm>> -> memref<128x128xf32, #tpu.memory_space<hbm>>
      %dma_start3A_75 = arith.constant 0 : i32
      %dma_start3A_76 = tpu.memref_slice %arg6[%add3A_49, %dma_start3A_75] : memref<20480x128xf32, #tpu.memory_space<hbm>> -> memref<128x128xf32, #tpu.memory_space<hbm>>
      %dma_start3A_77 = arith.constant 0 : i32
      %dma_start3A_78 = arith.constant 0 : i32
      %dma_start3A_79 = tpu.memref_slice %arg12[%dma_start3A_77, %dma_start3A_78] : memref<320x128xf32, #tpu.memory_space<vmem>> -> memref<128x128xf32, #tpu.memory_space<vmem>>
      tpu.enqueue_dma source(%dma_start3A_79 : memref<128x128xf32, #tpu.memory_space<vmem>>) target(%dma_start3A_76 : memref<128x128xf32, #tpu.memory_space<hbm>>) target_semaphore(%run_scoped3A : memref<!tpu.dma_semaphore, #tpu.memory_space<semaphore_mem>>)
      %dma_wait3A_80 = arith.constant 0 : i32
      %dma_wait3A_81 = arith.constant 0 : i32
      %dma_wait3A_82 = tpu.memref_slice %arg12[%dma_wait3A_80, %dma_wait3A_81] : memref<320x128xf32, #tpu.memory_space<vmem>> -> memref<128x128xf32, #tpu.memory_space<vmem>>
      %dma_wait3A_83 = arith.constant 0 : i32
      %dma_wait3A_84 = tpu.memref_slice %arg6[%add3A_49, %dma_wait3A_83] : memref<20480x128xf32, #tpu.memory_space<hbm>> -> memref<128x128xf32, #tpu.memory_space<hbm>>
      %dma_wait3A_85 = arith.constant 0 : i32
      %dma_wait3A_86 = tpu.memref_slice %arg6[%add3A_49, %dma_wait3A_85] : memref<20480x128xf32, #tpu.memory_space<hbm>> -> memref<128x128xf32, #tpu.memory_space<hbm>>
      %dma_wait3A_87 = arith.constant 0 : i32
      %dma_wait3A_88 = arith.constant 0 : i32
      %dma_wait3A_89 = tpu.memref_slice %arg12[%dma_wait3A_87, %dma_wait3A_88] : memref<320x128xf32, #tpu.memory_space<vmem>> -> memref<128x128xf32, #tpu.memory_space<vmem>>
      tpu.wait_dma2 semaphore(%run_scoped3A : memref<!tpu.dma_semaphore, #tpu.memory_space<semaphore_mem>>) src(%dma_wait3A_89 : memref<128x128xf32, #tpu.memory_space<vmem>>) dst(%dma_wait3A_86 : memref<128x128xf32, #tpu.memory_space<hbm>>)
      tpu.yield
    }) : () -> ()
    %add3A_50 = arith.constant 128 : i32
    %add3A_51 = arith.addi %mul3A_0, %add3A_50 : i32
    "tpu.region"() ({
      %run_scoped3A = tpu.sem_alloc : memref<!tpu.dma_semaphore, #tpu.memory_space<semaphore_mem>>
      %dma_start3A_70 = arith.constant 0 : i32
      %dma_start3A_71 = arith.constant 0 : i32
      %dma_start3A_72 = tpu.memref_slice %arg12[%dma_start3A_70, %dma_start3A_71] : memref<320x128xf32, #tpu.memory_space<vmem>> -> memref<128x128xf32, #tpu.memory_space<vmem>>
      %dma_start3A_73 = arith.constant 0 : i32
      %dma_start3A_74 = tpu.memref_slice %arg7[%add3A_51, %dma_start3A_73] : memref<10240x128xf32, #tpu.memory_space<vmem_shared>> -> memref<128x128xf32, #tpu.memory_space<vmem_shared>>
      %dma_start3A_75 = arith.constant 0 : i32
      %dma_start3A_76 = arith.constant 0 : i32
      %dma_start3A_77 = tpu.memref_slice %arg12[%dma_start3A_75, %dma_start3A_76] : memref<320x128xf32, #tpu.memory_space<vmem>> -> memref<128x128xf32, #tpu.memory_space<vmem>>
      %dma_start3A_78 = arith.constant 0 : i32
      %dma_start3A_79 = tpu.memref_slice %arg7[%add3A_51, %dma_start3A_78] : memref<10240x128xf32, #tpu.memory_space<vmem_shared>> -> memref<128x128xf32, #tpu.memory_space<vmem_shared>>
      tpu.enqueue_dma source(%dma_start3A_79 : memref<128x128xf32, #tpu.memory_space<vmem_shared>>) target(%dma_start3A_77 : memref<128x128xf32, #tpu.memory_space<vmem>>) target_semaphore(%run_scoped3A : memref<!tpu.dma_semaphore, #tpu.memory_space<semaphore_mem>>)
      %dma_wait3A_80 = arith.constant 0 : i32
      %dma_wait3A_81 = arith.constant 0 : i32
      %dma_wait3A_82 = tpu.memref_slice %arg12[%dma_wait3A_80, %dma_wait3A_81] : memref<320x128xf32, #tpu.memory_space<vmem>> -> memref<128x128xf32, #tpu.memory_space<vmem>>
      %dma_wait3A_83 = arith.constant 0 : i32
      %dma_wait3A_84 = tpu.memref_slice %arg7[%add3A_51, %dma_wait3A_83] : memref<10240x128xf32, #tpu.memory_space<vmem_shared>> -> memref<128x128xf32, #tpu.memory_space<vmem_shared>>
      %dma_wait3A_85 = arith.constant 0 : i32
      %dma_wait3A_86 = arith.constant 0 : i32
      %dma_wait3A_87 = tpu.memref_slice %arg12[%dma_wait3A_85, %dma_wait3A_86] : memref<320x128xf32, #tpu.memory_space<vmem>> -> memref<128x128xf32, #tpu.memory_space<vmem>>
      %dma_wait3A_88 = arith.constant 0 : i32
      %dma_wait3A_89 = tpu.memref_slice %arg7[%add3A_51, %dma_wait3A_88] : memref<10240x128xf32, #tpu.memory_space<vmem_shared>> -> memref<128x128xf32, #tpu.memory_space<vmem_shared>>
      tpu.wait_dma2 semaphore(%run_scoped3A : memref<!tpu.dma_semaphore, #tpu.memory_space<semaphore_mem>>) src(%dma_wait3A_89 : memref<128x128xf32, #tpu.memory_space<vmem_shared>>) dst(%dma_wait3A_87 : memref<128x128xf32, #tpu.memory_space<vmem>>)
      tpu.yield
    }) : () -> ()
    %mul3A_52 = arith.constant 10240 : i32
    %mul3A_53 = arith.muli %arg0, %mul3A_52 : i32
    %add3A_54 = arith.addi %mul3A_53, %add3A_51 : i32
    "tpu.region"() ({
      %run_scoped3A = tpu.sem_alloc : memref<!tpu.dma_semaphore, #tpu.memory_space<semaphore_mem>>
      %dma_start3A_70 = arith.constant 0 : i32
      %dma_start3A_71 = arith.constant 0 : i32
      %dma_start3A_72 = tpu.memref_slice %arg12[%dma_start3A_70, %dma_start3A_71] : memref<320x128xf32, #tpu.memory_space<vmem>> -> memref<128x128xf32, #tpu.memory_space<vmem>>
      %dma_start3A_73 = arith.constant 0 : i32
      %dma_start3A_74 = tpu.memref_slice %arg6[%add3A_54, %dma_start3A_73] : memref<20480x128xf32, #tpu.memory_space<hbm>> -> memref<128x128xf32, #tpu.memory_space<hbm>>
      %dma_start3A_75 = arith.constant 0 : i32
      %dma_start3A_76 = tpu.memref_slice %arg6[%add3A_54, %dma_start3A_75] : memref<20480x128xf32, #tpu.memory_space<hbm>> -> memref<128x128xf32, #tpu.memory_space<hbm>>
      %dma_start3A_77 = arith.constant 0 : i32
      %dma_start3A_78 = arith.constant 0 : i32
      %dma_start3A_79 = tpu.memref_slice %arg12[%dma_start3A_77, %dma_start3A_78] : memref<320x128xf32, #tpu.memory_space<vmem>> -> memref<128x128xf32, #tpu.memory_space<vmem>>
      tpu.enqueue_dma source(%dma_start3A_79 : memref<128x128xf32, #tpu.memory_space<vmem>>) target(%dma_start3A_76 : memref<128x128xf32, #tpu.memory_space<hbm>>) target_semaphore(%run_scoped3A : memref<!tpu.dma_semaphore, #tpu.memory_space<semaphore_mem>>)
      %dma_wait3A_80 = arith.constant 0 : i32
      %dma_wait3A_81 = arith.constant 0 : i32
      %dma_wait3A_82 = tpu.memref_slice %arg12[%dma_wait3A_80, %dma_wait3A_81] : memref<320x128xf32, #tpu.memory_space<vmem>> -> memref<128x128xf32, #tpu.memory_space<vmem>>
      %dma_wait3A_83 = arith.constant 0 : i32
      %dma_wait3A_84 = tpu.memref_slice %arg6[%add3A_54, %dma_wait3A_83] : memref<20480x128xf32, #tpu.memory_space<hbm>> -> memref<128x128xf32, #tpu.memory_space<hbm>>
      %dma_wait3A_85 = arith.constant 0 : i32
      %dma_wait3A_86 = tpu.memref_slice %arg6[%add3A_54, %dma_wait3A_85] : memref<20480x128xf32, #tpu.memory_space<hbm>> -> memref<128x128xf32, #tpu.memory_space<hbm>>
      %dma_wait3A_87 = arith.constant 0 : i32
      %dma_wait3A_88 = arith.constant 0 : i32
      %dma_wait3A_89 = tpu.memref_slice %arg12[%dma_wait3A_87, %dma_wait3A_88] : memref<320x128xf32, #tpu.memory_space<vmem>> -> memref<128x128xf32, #tpu.memory_space<vmem>>
      tpu.wait_dma2 semaphore(%run_scoped3A : memref<!tpu.dma_semaphore, #tpu.memory_space<semaphore_mem>>) src(%dma_wait3A_89 : memref<128x128xf32, #tpu.memory_space<vmem>>) dst(%dma_wait3A_86 : memref<128x128xf32, #tpu.memory_space<hbm>>)
      tpu.yield
    }) : () -> ()
    %add3A_55 = arith.constant 256 : i32
    %add3A_56 = arith.addi %mul3A_0, %add3A_55 : i32
    "tpu.region"() ({
      %run_scoped3A = tpu.sem_alloc : memref<!tpu.dma_semaphore, #tpu.memory_space<semaphore_mem>>
      %dma_start3A_70 = arith.constant 0 : i32
      %dma_start3A_71 = arith.constant 0 : i32
      %dma_start3A_72 = tpu.memref_slice %arg12[%dma_start3A_70, %dma_start3A_71] : memref<320x128xf32, #tpu.memory_space<vmem>> -> memref<128x128xf32, #tpu.memory_space<vmem>>
      %dma_start3A_73 = arith.constant 0 : i32
      %dma_start3A_74 = tpu.memref_slice %arg7[%add3A_56, %dma_start3A_73] : memref<10240x128xf32, #tpu.memory_space<vmem_shared>> -> memref<128x128xf32, #tpu.memory_space<vmem_shared>>
      %dma_start3A_75 = arith.constant 0 : i32
      %dma_start3A_76 = arith.constant 0 : i32
      %dma_start3A_77 = tpu.memref_slice %arg12[%dma_start3A_75, %dma_start3A_76] : memref<320x128xf32, #tpu.memory_space<vmem>> -> memref<128x128xf32, #tpu.memory_space<vmem>>
      %dma_start3A_78 = arith.constant 0 : i32
      %dma_start3A_79 = tpu.memref_slice %arg7[%add3A_56, %dma_start3A_78] : memref<10240x128xf32, #tpu.memory_space<vmem_shared>> -> memref<128x128xf32, #tpu.memory_space<vmem_shared>>
      tpu.enqueue_dma source(%dma_start3A_79 : memref<128x128xf32, #tpu.memory_space<vmem_shared>>) target(%dma_start3A_77 : memref<128x128xf32, #tpu.memory_space<vmem>>) target_semaphore(%run_scoped3A : memref<!tpu.dma_semaphore, #tpu.memory_space<semaphore_mem>>)
      %dma_wait3A_80 = arith.constant 0 : i32
      %dma_wait3A_81 = arith.constant 0 : i32
      %dma_wait3A_82 = tpu.memref_slice %arg12[%dma_wait3A_80, %dma_wait3A_81] : memref<320x128xf32, #tpu.memory_space<vmem>> -> memref<128x128xf32, #tpu.memory_space<vmem>>
      %dma_wait3A_83 = arith.constant 0 : i32
      %dma_wait3A_84 = tpu.memref_slice %arg7[%add3A_56, %dma_wait3A_83] : memref<10240x128xf32, #tpu.memory_space<vmem_shared>> -> memref<128x128xf32, #tpu.memory_space<vmem_shared>>
      %dma_wait3A_85 = arith.constant 0 : i32
      %dma_wait3A_86 = arith.constant 0 : i32
      %dma_wait3A_87 = tpu.memref_slice %arg12[%dma_wait3A_85, %dma_wait3A_86] : memref<320x128xf32, #tpu.memory_space<vmem>> -> memref<128x128xf32, #tpu.memory_space<vmem>>
      %dma_wait3A_88 = arith.constant 0 : i32
      %dma_wait3A_89 = tpu.memref_slice %arg7[%add3A_56, %dma_wait3A_88] : memref<10240x128xf32, #tpu.memory_space<vmem_shared>> -> memref<128x128xf32, #tpu.memory_space<vmem_shared>>
      tpu.wait_dma2 semaphore(%run_scoped3A : memref<!tpu.dma_semaphore, #tpu.memory_space<semaphore_mem>>) src(%dma_wait3A_89 : memref<128x128xf32, #tpu.memory_space<vmem_shared>>) dst(%dma_wait3A_87 : memref<128x128xf32, #tpu.memory_space<vmem>>)
      tpu.yield
    }) : () -> ()
    %mul3A_57 = arith.constant 10240 : i32
    %mul3A_58 = arith.muli %arg0, %mul3A_57 : i32
    %add3A_59 = arith.addi %mul3A_58, %add3A_56 : i32
    "tpu.region"() ({
      %run_scoped3A = tpu.sem_alloc : memref<!tpu.dma_semaphore, #tpu.memory_space<semaphore_mem>>
      %dma_start3A_70 = arith.constant 0 : i32
      %dma_start3A_71 = arith.constant 0 : i32
      %dma_start3A_72 = tpu.memref_slice %arg12[%dma_start3A_70, %dma_start3A_71] : memref<320x128xf32, #tpu.memory_space<vmem>> -> memref<128x128xf32, #tpu.memory_space<vmem>>
      %dma_start3A_73 = arith.constant 0 : i32
      %dma_start3A_74 = tpu.memref_slice %arg6[%add3A_59, %dma_start3A_73] : memref<20480x128xf32, #tpu.memory_space<hbm>> -> memref<128x128xf32, #tpu.memory_space<hbm>>
      %dma_start3A_75 = arith.constant 0 : i32
      %dma_start3A_76 = tpu.memref_slice %arg6[%add3A_59, %dma_start3A_75] : memref<20480x128xf32, #tpu.memory_space<hbm>> -> memref<128x128xf32, #tpu.memory_space<hbm>>
      %dma_start3A_77 = arith.constant 0 : i32
      %dma_start3A_78 = arith.constant 0 : i32
      %dma_start3A_79 = tpu.memref_slice %arg12[%dma_start3A_77, %dma_start3A_78] : memref<320x128xf32, #tpu.memory_space<vmem>> -> memref<128x128xf32, #tpu.memory_space<vmem>>
      tpu.enqueue_dma source(%dma_start3A_79 : memref<128x128xf32, #tpu.memory_space<vmem>>) target(%dma_start3A_76 : memref<128x128xf32, #tpu.memory_space<hbm>>) target_semaphore(%run_scoped3A : memref<!tpu.dma_semaphore, #tpu.memory_space<semaphore_mem>>)
      %dma_wait3A_80 = arith.constant 0 : i32
      %dma_wait3A_81 = arith.constant 0 : i32
      %dma_wait3A_82 = tpu.memref_slice %arg12[%dma_wait3A_80, %dma_wait3A_81] : memref<320x128xf32, #tpu.memory_space<vmem>> -> memref<128x128xf32, #tpu.memory_space<vmem>>
      %dma_wait3A_83 = arith.constant 0 : i32
      %dma_wait3A_84 = tpu.memref_slice %arg6[%add3A_59, %dma_wait3A_83] : memref<20480x128xf32, #tpu.memory_space<hbm>> -> memref<128x128xf32, #tpu.memory_space<hbm>>
      %dma_wait3A_85 = arith.constant 0 : i32
      %dma_wait3A_86 = tpu.memref_slice %arg6[%add3A_59, %dma_wait3A_85] : memref<20480x128xf32, #tpu.memory_space<hbm>> -> memref<128x128xf32, #tpu.memory_space<hbm>>
      %dma_wait3A_87 = arith.constant 0 : i32
      %dma_wait3A_88 = arith.constant 0 : i32
      %dma_wait3A_89 = tpu.memref_slice %arg12[%dma_wait3A_87, %dma_wait3A_88] : memref<320x128xf32, #tpu.memory_space<vmem>> -> memref<128x128xf32, #tpu.memory_space<vmem>>
      tpu.wait_dma2 semaphore(%run_scoped3A : memref<!tpu.dma_semaphore, #tpu.memory_space<semaphore_mem>>) src(%dma_wait3A_89 : memref<128x128xf32, #tpu.memory_space<vmem>>) dst(%dma_wait3A_86 : memref<128x128xf32, #tpu.memory_space<hbm>>)
      tpu.yield
    }) : () -> ()
    %add3A_60 = arith.constant 384 : i32
    %add3A_61 = arith.addi %mul3A_0, %add3A_60 : i32
    "tpu.region"() ({
      %run_scoped3A = tpu.sem_alloc : memref<!tpu.dma_semaphore, #tpu.memory_space<semaphore_mem>>
      %dma_start3A_70 = arith.constant 0 : i32
      %dma_start3A_71 = arith.constant 0 : i32
      %dma_start3A_72 = tpu.memref_slice %arg12[%dma_start3A_70, %dma_start3A_71] : memref<320x128xf32, #tpu.memory_space<vmem>> -> memref<128x128xf32, #tpu.memory_space<vmem>>
      %dma_start3A_73 = arith.constant 0 : i32
      %dma_start3A_74 = tpu.memref_slice %arg7[%add3A_61, %dma_start3A_73] : memref<10240x128xf32, #tpu.memory_space<vmem_shared>> -> memref<128x128xf32, #tpu.memory_space<vmem_shared>>
      %dma_start3A_75 = arith.constant 0 : i32
      %dma_start3A_76 = arith.constant 0 : i32
      %dma_start3A_77 = tpu.memref_slice %arg12[%dma_start3A_75, %dma_start3A_76] : memref<320x128xf32, #tpu.memory_space<vmem>> -> memref<128x128xf32, #tpu.memory_space<vmem>>
      %dma_start3A_78 = arith.constant 0 : i32
      %dma_start3A_79 = tpu.memref_slice %arg7[%add3A_61, %dma_start3A_78] : memref<10240x128xf32, #tpu.memory_space<vmem_shared>> -> memref<128x128xf32, #tpu.memory_space<vmem_shared>>
      tpu.enqueue_dma source(%dma_start3A_79 : memref<128x128xf32, #tpu.memory_space<vmem_shared>>) target(%dma_start3A_77 : memref<128x128xf32, #tpu.memory_space<vmem>>) target_semaphore(%run_scoped3A : memref<!tpu.dma_semaphore, #tpu.memory_space<semaphore_mem>>)
      %dma_wait3A_80 = arith.constant 0 : i32
      %dma_wait3A_81 = arith.constant 0 : i32
      %dma_wait3A_82 = tpu.memref_slice %arg12[%dma_wait3A_80, %dma_wait3A_81] : memref<320x128xf32, #tpu.memory_space<vmem>> -> memref<128x128xf32, #tpu.memory_space<vmem>>
      %dma_wait3A_83 = arith.constant 0 : i32
      %dma_wait3A_84 = tpu.memref_slice %arg7[%add3A_61, %dma_wait3A_83] : memref<10240x128xf32, #tpu.memory_space<vmem_shared>> -> memref<128x128xf32, #tpu.memory_space<vmem_shared>>
      %dma_wait3A_85 = arith.constant 0 : i32
      %dma_wait3A_86 = arith.constant 0 : i32
      %dma_wait3A_87 = tpu.memref_slice %arg12[%dma_wait3A_85, %dma_wait3A_86] : memref<320x128xf32, #tpu.memory_space<vmem>> -> memref<128x128xf32, #tpu.memory_space<vmem>>
      %dma_wait3A_88 = arith.constant 0 : i32
      %dma_wait3A_89 = tpu.memref_slice %arg7[%add3A_61, %dma_wait3A_88] : memref<10240x128xf32, #tpu.memory_space<vmem_shared>> -> memref<128x128xf32, #tpu.memory_space<vmem_shared>>
      tpu.wait_dma2 semaphore(%run_scoped3A : memref<!tpu.dma_semaphore, #tpu.memory_space<semaphore_mem>>) src(%dma_wait3A_89 : memref<128x128xf32, #tpu.memory_space<vmem_shared>>) dst(%dma_wait3A_87 : memref<128x128xf32, #tpu.memory_space<vmem>>)
      tpu.yield
    }) : () -> ()
    %mul3A_62 = arith.constant 10240 : i32
    %mul3A_63 = arith.muli %arg0, %mul3A_62 : i32
    %add3A_64 = arith.addi %mul3A_63, %add3A_61 : i32
    "tpu.region"() ({
      %run_scoped3A = tpu.sem_alloc : memref<!tpu.dma_semaphore, #tpu.memory_space<semaphore_mem>>
      %dma_start3A_70 = arith.constant 0 : i32
      %dma_start3A_71 = arith.constant 0 : i32
      %dma_start3A_72 = tpu.memref_slice %arg12[%dma_start3A_70, %dma_start3A_71] : memref<320x128xf32, #tpu.memory_space<vmem>> -> memref<128x128xf32, #tpu.memory_space<vmem>>
      %dma_start3A_73 = arith.constant 0 : i32
      %dma_start3A_74 = tpu.memref_slice %arg6[%add3A_64, %dma_start3A_73] : memref<20480x128xf32, #tpu.memory_space<hbm>> -> memref<128x128xf32, #tpu.memory_space<hbm>>
      %dma_start3A_75 = arith.constant 0 : i32
      %dma_start3A_76 = tpu.memref_slice %arg6[%add3A_64, %dma_start3A_75] : memref<20480x128xf32, #tpu.memory_space<hbm>> -> memref<128x128xf32, #tpu.memory_space<hbm>>
      %dma_start3A_77 = arith.constant 0 : i32
      %dma_start3A_78 = arith.constant 0 : i32
      %dma_start3A_79 = tpu.memref_slice %arg12[%dma_start3A_77, %dma_start3A_78] : memref<320x128xf32, #tpu.memory_space<vmem>> -> memref<128x128xf32, #tpu.memory_space<vmem>>
      tpu.enqueue_dma source(%dma_start3A_79 : memref<128x128xf32, #tpu.memory_space<vmem>>) target(%dma_start3A_76 : memref<128x128xf32, #tpu.memory_space<hbm>>) target_semaphore(%run_scoped3A : memref<!tpu.dma_semaphore, #tpu.memory_space<semaphore_mem>>)
      %dma_wait3A_80 = arith.constant 0 : i32
      %dma_wait3A_81 = arith.constant 0 : i32
      %dma_wait3A_82 = tpu.memref_slice %arg12[%dma_wait3A_80, %dma_wait3A_81] : memref<320x128xf32, #tpu.memory_space<vmem>> -> memref<128x128xf32, #tpu.memory_space<vmem>>
      %dma_wait3A_83 = arith.constant 0 : i32
      %dma_wait3A_84 = tpu.memref_slice %arg6[%add3A_64, %dma_wait3A_83] : memref<20480x128xf32, #tpu.memory_space<hbm>> -> memref<128x128xf32, #tpu.memory_space<hbm>>
      %dma_wait3A_85 = arith.constant 0 : i32
      %dma_wait3A_86 = tpu.memref_slice %arg6[%add3A_64, %dma_wait3A_85] : memref<20480x128xf32, #tpu.memory_space<hbm>> -> memref<128x128xf32, #tpu.memory_space<hbm>>
      %dma_wait3A_87 = arith.constant 0 : i32
      %dma_wait3A_88 = arith.constant 0 : i32
      %dma_wait3A_89 = tpu.memref_slice %arg12[%dma_wait3A_87, %dma_wait3A_88] : memref<320x128xf32, #tpu.memory_space<vmem>> -> memref<128x128xf32, #tpu.memory_space<vmem>>
      tpu.wait_dma2 semaphore(%run_scoped3A : memref<!tpu.dma_semaphore, #tpu.memory_space<semaphore_mem>>) src(%dma_wait3A_89 : memref<128x128xf32, #tpu.memory_space<vmem>>) dst(%dma_wait3A_86 : memref<128x128xf32, #tpu.memory_space<hbm>>)
      tpu.yield
    }) : () -> ()
    %add3A_65 = arith.constant 512 : i32
    %add3A_66 = arith.addi %mul3A_0, %add3A_65 : i32
    "tpu.region"() ({
      %run_scoped3A = tpu.sem_alloc : memref<!tpu.dma_semaphore, #tpu.memory_space<semaphore_mem>>
      %dma_start3A_70 = arith.constant 0 : i32
      %dma_start3A_71 = arith.constant 0 : i32
      %dma_start3A_72 = tpu.memref_slice %arg12[%dma_start3A_70, %dma_start3A_71] : memref<320x128xf32, #tpu.memory_space<vmem>> -> memref<128x128xf32, #tpu.memory_space<vmem>>
      %dma_start3A_73 = arith.constant 0 : i32
      %dma_start3A_74 = tpu.memref_slice %arg7[%add3A_66, %dma_start3A_73] : memref<10240x128xf32, #tpu.memory_space<vmem_shared>> -> memref<128x128xf32, #tpu.memory_space<vmem_shared>>
      %dma_start3A_75 = arith.constant 0 : i32
      %dma_start3A_76 = arith.constant 0 : i32
      %dma_start3A_77 = tpu.memref_slice %arg12[%dma_start3A_75, %dma_start3A_76] : memref<320x128xf32, #tpu.memory_space<vmem>> -> memref<128x128xf32, #tpu.memory_space<vmem>>
      %dma_start3A_78 = arith.constant 0 : i32
      %dma_start3A_79 = tpu.memref_slice %arg7[%add3A_66, %dma_start3A_78] : memref<10240x128xf32, #tpu.memory_space<vmem_shared>> -> memref<128x128xf32, #tpu.memory_space<vmem_shared>>
      tpu.enqueue_dma source(%dma_start3A_79 : memref<128x128xf32, #tpu.memory_space<vmem_shared>>) target(%dma_start3A_77 : memref<128x128xf32, #tpu.memory_space<vmem>>) target_semaphore(%run_scoped3A : memref<!tpu.dma_semaphore, #tpu.memory_space<semaphore_mem>>)
      %dma_wait3A_80 = arith.constant 0 : i32
      %dma_wait3A_81 = arith.constant 0 : i32
      %dma_wait3A_82 = tpu.memref_slice %arg12[%dma_wait3A_80, %dma_wait3A_81] : memref<320x128xf32, #tpu.memory_space<vmem>> -> memref<128x128xf32, #tpu.memory_space<vmem>>
      %dma_wait3A_83 = arith.constant 0 : i32
      %dma_wait3A_84 = tpu.memref_slice %arg7[%add3A_66, %dma_wait3A_83] : memref<10240x128xf32, #tpu.memory_space<vmem_shared>> -> memref<128x128xf32, #tpu.memory_space<vmem_shared>>
      %dma_wait3A_85 = arith.constant 0 : i32
      %dma_wait3A_86 = arith.constant 0 : i32
      %dma_wait3A_87 = tpu.memref_slice %arg12[%dma_wait3A_85, %dma_wait3A_86] : memref<320x128xf32, #tpu.memory_space<vmem>> -> memref<128x128xf32, #tpu.memory_space<vmem>>
      %dma_wait3A_88 = arith.constant 0 : i32
      %dma_wait3A_89 = tpu.memref_slice %arg7[%add3A_66, %dma_wait3A_88] : memref<10240x128xf32, #tpu.memory_space<vmem_shared>> -> memref<128x128xf32, #tpu.memory_space<vmem_shared>>
      tpu.wait_dma2 semaphore(%run_scoped3A : memref<!tpu.dma_semaphore, #tpu.memory_space<semaphore_mem>>) src(%dma_wait3A_89 : memref<128x128xf32, #tpu.memory_space<vmem_shared>>) dst(%dma_wait3A_87 : memref<128x128xf32, #tpu.memory_space<vmem>>)
      tpu.yield
    }) : () -> ()
    %mul3A_67 = arith.constant 10240 : i32
    %mul3A_68 = arith.muli %arg0, %mul3A_67 : i32
    %add3A_69 = arith.addi %mul3A_68, %add3A_66 : i32
    "tpu.region"() ({
      %run_scoped3A = tpu.sem_alloc : memref<!tpu.dma_semaphore, #tpu.memory_space<semaphore_mem>>
      %dma_start3A_70 = arith.constant 0 : i32
      %dma_start3A_71 = arith.constant 0 : i32
      %dma_start3A_72 = tpu.memref_slice %arg12[%dma_start3A_70, %dma_start3A_71] : memref<320x128xf32, #tpu.memory_space<vmem>> -> memref<128x128xf32, #tpu.memory_space<vmem>>
      %dma_start3A_73 = arith.constant 0 : i32
      %dma_start3A_74 = tpu.memref_slice %arg6[%add3A_69, %dma_start3A_73] : memref<20480x128xf32, #tpu.memory_space<hbm>> -> memref<128x128xf32, #tpu.memory_space<hbm>>
      %dma_start3A_75 = arith.constant 0 : i32
      %dma_start3A_76 = tpu.memref_slice %arg6[%add3A_69, %dma_start3A_75] : memref<20480x128xf32, #tpu.memory_space<hbm>> -> memref<128x128xf32, #tpu.memory_space<hbm>>
      %dma_start3A_77 = arith.constant 0 : i32
      %dma_start3A_78 = arith.constant 0 : i32
      %dma_start3A_79 = tpu.memref_slice %arg12[%dma_start3A_77, %dma_start3A_78] : memref<320x128xf32, #tpu.memory_space<vmem>> -> memref<128x128xf32, #tpu.memory_space<vmem>>
      tpu.enqueue_dma source(%dma_start3A_79 : memref<128x128xf32, #tpu.memory_space<vmem>>) target(%dma_start3A_76 : memref<128x128xf32, #tpu.memory_space<hbm>>) target_semaphore(%run_scoped3A : memref<!tpu.dma_semaphore, #tpu.memory_space<semaphore_mem>>)
      %dma_wait3A_80 = arith.constant 0 : i32
      %dma_wait3A_81 = arith.constant 0 : i32
      %dma_wait3A_82 = tpu.memref_slice %arg12[%dma_wait3A_80, %dma_wait3A_81] : memref<320x128xf32, #tpu.memory_space<vmem>> -> memref<128x128xf32, #tpu.memory_space<vmem>>
      %dma_wait3A_83 = arith.constant 0 : i32
      %dma_wait3A_84 = tpu.memref_slice %arg6[%add3A_69, %dma_wait3A_83] : memref<20480x128xf32, #tpu.memory_space<hbm>> -> memref<128x128xf32, #tpu.memory_space<hbm>>
      %dma_wait3A_85 = arith.constant 0 : i32
      %dma_wait3A_86 = tpu.memref_slice %arg6[%add3A_69, %dma_wait3A_85] : memref<20480x128xf32, #tpu.memory_space<hbm>> -> memref<128x128xf32, #tpu.memory_space<hbm>>
      %dma_wait3A_87 = arith.constant 0 : i32
      %dma_wait3A_88 = arith.constant 0 : i32
      %dma_wait3A_89 = tpu.memref_slice %arg12[%dma_wait3A_87, %dma_wait3A_88] : memref<320x128xf32, #tpu.memory_space<vmem>> -> memref<128x128xf32, #tpu.memory_space<vmem>>
      tpu.wait_dma2 semaphore(%run_scoped3A : memref<!tpu.dma_semaphore, #tpu.memory_space<semaphore_mem>>) src(%dma_wait3A_89 : memref<128x128xf32, #tpu.memory_space<vmem>>) dst(%dma_wait3A_86 : memref<128x128xf32, #tpu.memory_space<hbm>>)
      tpu.yield
    }) : () -> ()
    return
  }
}

#map = affine_map<(d0, d1) -> (0, 0)>
#map1 = affine_map<(d0, d1) -> (0)>
module attributes {stable_mosaic.version = 14 : i64} {
  func.func @_sc_scatter(%arg0: i32, %arg1: i32, %arg2: memref<20480x128xf32, #tpu.memory_space<hbm>>, %arg3: memref<327680xi32, #tpu.memory_space<hbm>>, %arg4: memref<327680xi32, #tpu.memory_space<hbm>>, %arg5: memref<640x128xf32, #tpu.memory_space<hbm>>, %arg6: memref<20480x128xf32, #tpu.memory_space<hbm>>, %arg7: memref<10240x128xf32, #tpu.memory_space<vmem_shared>>, %arg8: memref<320xi32, #tpu.memory_space<vmem>>, %arg9: memref<320xi32, #tpu.memory_space<vmem>>, %arg10: memref<320xi32, #tpu.memory_space<vmem>>, %arg11: memref<320xi32, #tpu.memory_space<vmem>>, %arg12: memref<320x128xf32, #tpu.memory_space<vmem>>, %arg13: memref<!tpu.dma_semaphore, #tpu.memory_space<semaphore_mem>>, %arg14: memref<!tpu.dma_semaphore, #tpu.memory_space<semaphore_mem>>, %arg15: memref<!tpu.dma_semaphore, #tpu.memory_space<semaphore_mem>>) attributes {dimension_semantics = [#tpu.dimension_semantics<core_parallel>, #tpu.dimension_semantics<subcore_parallel>], iteration_bounds = array<i64: 2, 16>, scalar_prefetch = 0 : i64, scratch_operands = 9 : i64, tpu.core_type = #tpu.core_type<sc_vector_subcore>, window_params = [{transform_indices = #map}, {transform_indices = #map1}, {transform_indices = #map1}, {transform_indices = #map}, {transform_indices = #map}]} {
    %mul3A = arith.constant 640 : i32
    %mul3A_0 = arith.muli %arg1, %mul3A : i32
    %mul3A_1 = arith.constant 163840 : i32
    %mul3A_2 = arith.muli %arg0, %mul3A_1 : i32
    %mul3A_3 = arith.constant 10240 : i32
    %mul3A_4 = arith.muli %arg1, %mul3A_3 : i32
    %add3A = arith.addi %mul3A_2, %mul3A_4 : i32
    %add3A_5 = arith.constant 0 : i32
    %add3A_6 = arith.addi %add3A, %add3A_5 : i32
    %dma_start3A = tpu.memref_slice %arg3[%add3A_6] : memref<327680xi32, #tpu.memory_space<hbm>> -> memref<320xi32, #tpu.memory_space<hbm>>
    %dma_start3A_7 = tpu.memref_slice %arg3[%add3A_6] : memref<327680xi32, #tpu.memory_space<hbm>> -> memref<320xi32, #tpu.memory_space<hbm>>
    tpu.enqueue_dma source(%dma_start3A_7 : memref<320xi32, #tpu.memory_space<hbm>>) target(%arg8 : memref<320xi32, #tpu.memory_space<vmem>>) target_semaphore(%arg14 : memref<!tpu.dma_semaphore, #tpu.memory_space<semaphore_mem>>)
    %dma_start3A_8 = tpu.memref_slice %arg4[%add3A_6] : memref<327680xi32, #tpu.memory_space<hbm>> -> memref<320xi32, #tpu.memory_space<hbm>>
    %dma_start3A_9 = tpu.memref_slice %arg4[%add3A_6] : memref<327680xi32, #tpu.memory_space<hbm>> -> memref<320xi32, #tpu.memory_space<hbm>>
    tpu.enqueue_dma source(%dma_start3A_9 : memref<320xi32, #tpu.memory_space<hbm>>) target(%arg9 : memref<320xi32, #tpu.memory_space<vmem>>) target_semaphore(%arg14 : memref<!tpu.dma_semaphore, #tpu.memory_space<semaphore_mem>>)
    "tpu.region"() ({
      %run_scoped3A = tpu.sem_alloc : memref<!tpu.dma_semaphore, #tpu.memory_space<semaphore_mem>>
      %dma_start3A_70 = arith.constant 0 : i32
      %dma_start3A_71 = tpu.memref_slice %arg7[%mul3A_0, %dma_start3A_70] : memref<10240x128xf32, #tpu.memory_space<vmem_shared>> -> memref<640x128xf32, #tpu.memory_space<vmem_shared>>
      tpu.enqueue_dma source(%arg5 : memref<640x128xf32, #tpu.memory_space<hbm>>) target(%dma_start3A_71 : memref<640x128xf32, #tpu.memory_space<vmem_shared>>) target_semaphore(%run_scoped3A : memref<!tpu.dma_semaphore, #tpu.memory_space<semaphore_mem>>)
      %dma_wait3A_72 = arith.constant 0 : i32
      %dma_wait3A_73 = tpu.memref_slice %arg7[%mul3A_0, %dma_wait3A_72] : memref<10240x128xf32, #tpu.memory_space<vmem_shared>> -> memref<640x128xf32, #tpu.memory_space<vmem_shared>>
      tpu.wait_dma2 semaphore(%run_scoped3A : memref<!tpu.dma_semaphore, #tpu.memory_space<semaphore_mem>>) src(%arg5 : memref<640x128xf32, #tpu.memory_space<hbm>>) dst(%dma_wait3A_73 : memref<640x128xf32, #tpu.memory_space<vmem_shared>>)
      tpu.yield
    }) : () -> ()
    %barrier3A = arith.constant 0 : index
    tpu.barrier barrier_id(%barrier3A)
    %scan3A = arith.constant 0 : i32
    %scan3A_10 = arith.constant 0 : i32
    %scan3A_11 = arith.constant 15 : i32
    %scan3A_12 = arith.addi %scan3A_10, %scan3A_11 : i32
    %scan3A_13 = arith.constant 1 : i32
    scf.for %scan3A_70 = %scan3A_10 to %scan3A_12 step %scan3A_13  : i32 {
      %mul3A_71 = arith.constant 2 : i32
      %mul3A_72 = arith.muli %scan3A_70, %mul3A_71 : i32
      %add3A_73 = arith.constant 0 : i32
      %add3A_74 = arith.addi %mul3A_72, %add3A_73 : i32
      %add3A_75 = arith.constant 1 : i32
      %add3A_76 = arith.addi %add3A_74, %add3A_75 : i32
      %mul3A_77 = arith.constant 320 : i32
      %mul3A_78 = arith.muli %add3A_76, %mul3A_77 : i32
      %add3A_79 = arith.addi %add3A, %mul3A_78 : i32
      %dma_start3A_80 = tpu.memref_slice %arg3[%add3A_79] : memref<327680xi32, #tpu.memory_space<hbm>> -> memref<320xi32, #tpu.memory_space<hbm>>
      %dma_start3A_81 = tpu.memref_slice %arg3[%add3A_79] : memref<327680xi32, #tpu.memory_space<hbm>> -> memref<320xi32, #tpu.memory_space<hbm>>
      tpu.enqueue_dma source(%dma_start3A_81 : memref<320xi32, #tpu.memory_space<hbm>>) target(%arg10 : memref<320xi32, #tpu.memory_space<vmem>>) target_semaphore(%arg15 : memref<!tpu.dma_semaphore, #tpu.memory_space<semaphore_mem>>)
      %dma_start3A_82 = tpu.memref_slice %arg4[%add3A_79] : memref<327680xi32, #tpu.memory_space<hbm>> -> memref<320xi32, #tpu.memory_space<hbm>>
      %dma_start3A_83 = tpu.memref_slice %arg4[%add3A_79] : memref<327680xi32, #tpu.memory_space<hbm>> -> memref<320xi32, #tpu.memory_space<hbm>>
      tpu.enqueue_dma source(%dma_start3A_83 : memref<320xi32, #tpu.memory_space<hbm>>) target(%arg11 : memref<320xi32, #tpu.memory_space<vmem>>) target_semaphore(%arg15 : memref<!tpu.dma_semaphore, #tpu.memory_space<semaphore_mem>>)
      %add3A_84 = arith.constant 0 : i32
      %add3A_85 = arith.addi %mul3A_72, %add3A_84 : i32
      %mul3A_86 = arith.constant 320 : i32
      %mul3A_87 = arith.muli %add3A_85, %mul3A_86 : i32
      %add3A_88 = arith.addi %add3A, %mul3A_87 : i32
      %dma_wait3A_89 = tpu.memref_slice %arg3[%add3A_88] : memref<327680xi32, #tpu.memory_space<hbm>> -> memref<320xi32, #tpu.memory_space<hbm>>
      %dma_wait3A_90 = tpu.memref_slice %arg3[%add3A_88] : memref<327680xi32, #tpu.memory_space<hbm>> -> memref<320xi32, #tpu.memory_space<hbm>>
      tpu.wait_dma2 semaphore(%arg14 : memref<!tpu.dma_semaphore, #tpu.memory_space<semaphore_mem>>) src(%dma_wait3A_90 : memref<320xi32, #tpu.memory_space<hbm>>) dst(%arg8 : memref<320xi32, #tpu.memory_space<vmem>>)
      %dma_wait3A_91 = tpu.memref_slice %arg4[%add3A_88] : memref<327680xi32, #tpu.memory_space<hbm>> -> memref<320xi32, #tpu.memory_space<hbm>>
      %dma_wait3A_92 = tpu.memref_slice %arg4[%add3A_88] : memref<327680xi32, #tpu.memory_space<hbm>> -> memref<320xi32, #tpu.memory_space<hbm>>
      tpu.wait_dma2 semaphore(%arg14 : memref<!tpu.dma_semaphore, #tpu.memory_space<semaphore_mem>>) src(%dma_wait3A_92 : memref<320xi32, #tpu.memory_space<hbm>>) dst(%arg9 : memref<320xi32, #tpu.memory_space<vmem>>)
      %add3A_93 = arith.constant 0 : i32
      %add3A_94 = arith.addi %mul3A_72, %add3A_93 : i32
      %dma_start3A_95 = arith.constant 0 : i32
      %dma_start3A_96 = arith.constant 0 : i32
      %dma_start3A_97 = tpu.memref_slice %arg2[%dma_start3A_95, %dma_start3A_96] : memref<20480x128xf32, #tpu.memory_space<hbm>> -> memref<20480x128xf32, #tpu.memory_space<hbm>>
      tpu.enqueue_indirect_dma source(%dma_start3A_97 : memref<20480x128xf32, #tpu.memory_space<hbm>>) target(%arg12 : memref<320x128xf32, #tpu.memory_space<vmem>>) offsets(%arg8 : memref<320xi32, #tpu.memory_space<vmem>>) semaphore(%arg13 : memref<!tpu.dma_semaphore, #tpu.memory_space<semaphore_mem>>)
      %dma_wait3A_98 = arith.constant 0 : i32
      %dma_wait3A_99 = arith.constant 0 : i32
      %dma_wait3A_100 = tpu.memref_slice %arg2[%dma_wait3A_98, %dma_wait3A_99] : memref<20480x128xf32, #tpu.memory_space<hbm>> -> memref<20480x128xf32, #tpu.memory_space<hbm>>
      tpu.wait_indirect_dma semaphore(%arg13 : memref<!tpu.dma_semaphore, #tpu.memory_space<semaphore_mem>>) src(%dma_wait3A_100 : memref<20480x128xf32, #tpu.memory_space<hbm>>) dst(%arg12 : memref<320x128xf32, #tpu.memory_space<vmem>>)
      "tpu.region"() ({
        %run_scoped3A = tpu.sem_alloc : memref<!tpu.dma_semaphore, #tpu.memory_space<semaphore_mem>>
        %dma_start3A_129 = arith.constant 0 : i32
        %dma_start3A_130 = arith.constant 0 : i32
        %dma_start3A_131 = tpu.memref_slice %arg7[%dma_start3A_129, %dma_start3A_130] : memref<10240x128xf32, #tpu.memory_space<vmem_shared>> -> memref<10240x128xf32, #tpu.memory_space<vmem_shared>>
        tpu.enqueue_indirect_dma source(%arg12 : memref<320x128xf32, #tpu.memory_space<vmem>>) target(%dma_start3A_131 : memref<10240x128xf32, #tpu.memory_space<vmem_shared>>) offsets(%arg9 : memref<320xi32, #tpu.memory_space<vmem>>) semaphore(%run_scoped3A : memref<!tpu.dma_semaphore, #tpu.memory_space<semaphore_mem>>) {add = true}
        %dma_wait3A_132 = arith.constant 0 : i32
        %dma_wait3A_133 = arith.constant 0 : i32
        %dma_wait3A_134 = tpu.memref_slice %arg7[%dma_wait3A_132, %dma_wait3A_133] : memref<10240x128xf32, #tpu.memory_space<vmem_shared>> -> memref<10240x128xf32, #tpu.memory_space<vmem_shared>>
        tpu.wait_indirect_dma semaphore(%run_scoped3A : memref<!tpu.dma_semaphore, #tpu.memory_space<semaphore_mem>>) src(%arg12 : memref<320x128xf32, #tpu.memory_space<vmem>>) dst(%dma_wait3A_134 : memref<10240x128xf32, #tpu.memory_space<vmem_shared>>)
        tpu.yield
      }) : () -> ()
      %add3A_101 = arith.constant 1 : i32
      %add3A_102 = arith.addi %mul3A_72, %add3A_101 : i32
      %add3A_103 = arith.constant 1 : i32
      %add3A_104 = arith.addi %add3A_102, %add3A_103 : i32
      %mul3A_105 = arith.constant 320 : i32
      %mul3A_106 = arith.muli %add3A_104, %mul3A_105 : i32
      %add3A_107 = arith.addi %add3A, %mul3A_106 : i32
      %dma_start3A_108 = tpu.memref_slice %arg3[%add3A_107] : memref<327680xi32, #tpu.memory_space<hbm>> -> memref<320xi32, #tpu.memory_space<hbm>>
      %dma_start3A_109 = tpu.memref_slice %arg3[%add3A_107] : memref<327680xi32, #tpu.memory_space<hbm>> -> memref<320xi32, #tpu.memory_space<hbm>>
      tpu.enqueue_dma source(%dma_start3A_109 : memref<320xi32, #tpu.memory_space<hbm>>) target(%arg8 : memref<320xi32, #tpu.memory_space<vmem>>) target_semaphore(%arg14 : memref<!tpu.dma_semaphore, #tpu.memory_space<semaphore_mem>>)
      %dma_start3A_110 = tpu.memref_slice %arg4[%add3A_107] : memref<327680xi32, #tpu.memory_space<hbm>> -> memref<320xi32, #tpu.memory_space<hbm>>
      %dma_start3A_111 = tpu.memref_slice %arg4[%add3A_107] : memref<327680xi32, #tpu.memory_space<hbm>> -> memref<320xi32, #tpu.memory_space<hbm>>
      tpu.enqueue_dma source(%dma_start3A_111 : memref<320xi32, #tpu.memory_space<hbm>>) target(%arg9 : memref<320xi32, #tpu.memory_space<vmem>>) target_semaphore(%arg14 : memref<!tpu.dma_semaphore, #tpu.memory_space<semaphore_mem>>)
      %add3A_112 = arith.constant 1 : i32
      %add3A_113 = arith.addi %mul3A_72, %add3A_112 : i32
      %mul3A_114 = arith.constant 320 : i32
      %mul3A_115 = arith.muli %add3A_113, %mul3A_114 : i32
      %add3A_116 = arith.addi %add3A, %mul3A_115 : i32
      %dma_wait3A_117 = tpu.memref_slice %arg3[%add3A_116] : memref<327680xi32, #tpu.memory_space<hbm>> -> memref<320xi32, #tpu.memory_space<hbm>>
      %dma_wait3A_118 = tpu.memref_slice %arg3[%add3A_116] : memref<327680xi32, #tpu.memory_space<hbm>> -> memref<320xi32, #tpu.memory_space<hbm>>
      tpu.wait_dma2 semaphore(%arg15 : memref<!tpu.dma_semaphore, #tpu.memory_space<semaphore_mem>>) src(%dma_wait3A_118 : memref<320xi32, #tpu.memory_space<hbm>>) dst(%arg10 : memref<320xi32, #tpu.memory_space<vmem>>)
      %dma_wait3A_119 = tpu.memref_slice %arg4[%add3A_116] : memref<327680xi32, #tpu.memory_space<hbm>> -> memref<320xi32, #tpu.memory_space<hbm>>
      %dma_wait3A_120 = tpu.memref_slice %arg4[%add3A_116] : memref<327680xi32, #tpu.memory_space<hbm>> -> memref<320xi32, #tpu.memory_space<hbm>>
      tpu.wait_dma2 semaphore(%arg15 : memref<!tpu.dma_semaphore, #tpu.memory_space<semaphore_mem>>) src(%dma_wait3A_120 : memref<320xi32, #tpu.memory_space<hbm>>) dst(%arg11 : memref<320xi32, #tpu.memory_space<vmem>>)
      %add3A_121 = arith.constant 1 : i32
      %add3A_122 = arith.addi %mul3A_72, %add3A_121 : i32
      %dma_start3A_123 = arith.constant 0 : i32
      %dma_start3A_124 = arith.constant 0 : i32
      %dma_start3A_125 = tpu.memref_slice %arg2[%dma_start3A_123, %dma_start3A_124] : memref<20480x128xf32, #tpu.memory_space<hbm>> -> memref<20480x128xf32, #tpu.memory_space<hbm>>
      tpu.enqueue_indirect_dma source(%dma_start3A_125 : memref<20480x128xf32, #tpu.memory_space<hbm>>) target(%arg12 : memref<320x128xf32, #tpu.memory_space<vmem>>) offsets(%arg10 : memref<320xi32, #tpu.memory_space<vmem>>) semaphore(%arg13 : memref<!tpu.dma_semaphore, #tpu.memory_space<semaphore_mem>>)
      %dma_wait3A_126 = arith.constant 0 : i32
      %dma_wait3A_127 = arith.constant 0 : i32
      %dma_wait3A_128 = tpu.memref_slice %arg2[%dma_wait3A_126, %dma_wait3A_127] : memref<20480x128xf32, #tpu.memory_space<hbm>> -> memref<20480x128xf32, #tpu.memory_space<hbm>>
      tpu.wait_indirect_dma semaphore(%arg13 : memref<!tpu.dma_semaphore, #tpu.memory_space<semaphore_mem>>) src(%dma_wait3A_128 : memref<20480x128xf32, #tpu.memory_space<hbm>>) dst(%arg12 : memref<320x128xf32, #tpu.memory_space<vmem>>)
      "tpu.region"() ({
        %run_scoped3A = tpu.sem_alloc : memref<!tpu.dma_semaphore, #tpu.memory_space<semaphore_mem>>
        %dma_start3A_129 = arith.constant 0 : i32
        %dma_start3A_130 = arith.constant 0 : i32
        %dma_start3A_131 = tpu.memref_slice %arg7[%dma_start3A_129, %dma_start3A_130] : memref<10240x128xf32, #tpu.memory_space<vmem_shared>> -> memref<10240x128xf32, #tpu.memory_space<vmem_shared>>
        tpu.enqueue_indirect_dma source(%arg12 : memref<320x128xf32, #tpu.memory_space<vmem>>) target(%dma_start3A_131 : memref<10240x128xf32, #tpu.memory_space<vmem_shared>>) offsets(%arg11 : memref<320xi32, #tpu.memory_space<vmem>>) semaphore(%run_scoped3A : memref<!tpu.dma_semaphore, #tpu.memory_space<semaphore_mem>>) {add = true}
        %dma_wait3A_132 = arith.constant 0 : i32
        %dma_wait3A_133 = arith.constant 0 : i32
        %dma_wait3A_134 = tpu.memref_slice %arg7[%dma_wait3A_132, %dma_wait3A_133] : memref<10240x128xf32, #tpu.memory_space<vmem_shared>> -> memref<10240x128xf32, #tpu.memory_space<vmem_shared>>
        tpu.wait_indirect_dma semaphore(%run_scoped3A : memref<!tpu.dma_semaphore, #tpu.memory_space<semaphore_mem>>) src(%arg12 : memref<320x128xf32, #tpu.memory_space<vmem>>) dst(%dma_wait3A_134 : memref<10240x128xf32, #tpu.memory_space<vmem_shared>>)
        tpu.yield
      }) : () -> ()
    }
    %scan3A_14 = arith.constant 15 : i32
    %add3A_15 = arith.constant 9920 : i32
    %add3A_16 = arith.addi %add3A, %add3A_15 : i32
    %dma_start3A_17 = tpu.memref_slice %arg3[%add3A_16] : memref<327680xi32, #tpu.memory_space<hbm>> -> memref<320xi32, #tpu.memory_space<hbm>>
    %dma_start3A_18 = tpu.memref_slice %arg3[%add3A_16] : memref<327680xi32, #tpu.memory_space<hbm>> -> memref<320xi32, #tpu.memory_space<hbm>>
    tpu.enqueue_dma source(%dma_start3A_18 : memref<320xi32, #tpu.memory_space<hbm>>) target(%arg10 : memref<320xi32, #tpu.memory_space<vmem>>) target_semaphore(%arg15 : memref<!tpu.dma_semaphore, #tpu.memory_space<semaphore_mem>>)
    %dma_start3A_19 = tpu.memref_slice %arg4[%add3A_16] : memref<327680xi32, #tpu.memory_space<hbm>> -> memref<320xi32, #tpu.memory_space<hbm>>
    %dma_start3A_20 = tpu.memref_slice %arg4[%add3A_16] : memref<327680xi32, #tpu.memory_space<hbm>> -> memref<320xi32, #tpu.memory_space<hbm>>
    tpu.enqueue_dma source(%dma_start3A_20 : memref<320xi32, #tpu.memory_space<hbm>>) target(%arg11 : memref<320xi32, #tpu.memory_space<vmem>>) target_semaphore(%arg15 : memref<!tpu.dma_semaphore, #tpu.memory_space<semaphore_mem>>)
    %add3A_21 = arith.constant 9600 : i32
    %add3A_22 = arith.addi %add3A, %add3A_21 : i32
    %dma_wait3A = tpu.memref_slice %arg3[%add3A_22] : memref<327680xi32, #tpu.memory_space<hbm>> -> memref<320xi32, #tpu.memory_space<hbm>>
    %dma_wait3A_23 = tpu.memref_slice %arg3[%add3A_22] : memref<327680xi32, #tpu.memory_space<hbm>> -> memref<320xi32, #tpu.memory_space<hbm>>
    tpu.wait_dma2 semaphore(%arg14 : memref<!tpu.dma_semaphore, #tpu.memory_space<semaphore_mem>>) src(%dma_wait3A_23 : memref<320xi32, #tpu.memory_space<hbm>>) dst(%arg8 : memref<320xi32, #tpu.memory_space<vmem>>)
    %dma_wait3A_24 = tpu.memref_slice %arg4[%add3A_22] : memref<327680xi32, #tpu.memory_space<hbm>> -> memref<320xi32, #tpu.memory_space<hbm>>
    %dma_wait3A_25 = tpu.memref_slice %arg4[%add3A_22] : memref<327680xi32, #tpu.memory_space<hbm>> -> memref<320xi32, #tpu.memory_space<hbm>>
    tpu.wait_dma2 semaphore(%arg14 : memref<!tpu.dma_semaphore, #tpu.memory_space<semaphore_mem>>) src(%dma_wait3A_25 : memref<320xi32, #tpu.memory_space<hbm>>) dst(%arg9 : memref<320xi32, #tpu.memory_space<vmem>>)
    %dma_start3A_26 = arith.constant 0 : i32
    %dma_start3A_27 = arith.constant 0 : i32
    %dma_start3A_28 = tpu.memref_slice %arg2[%dma_start3A_26, %dma_start3A_27] : memref<20480x128xf32, #tpu.memory_space<hbm>> -> memref<20480x128xf32, #tpu.memory_space<hbm>>
    tpu.enqueue_indirect_dma source(%dma_start3A_28 : memref<20480x128xf32, #tpu.memory_space<hbm>>) target(%arg12 : memref<320x128xf32, #tpu.memory_space<vmem>>) offsets(%arg8 : memref<320xi32, #tpu.memory_space<vmem>>) semaphore(%arg13 : memref<!tpu.dma_semaphore, #tpu.memory_space<semaphore_mem>>)
    %dma_wait3A_29 = arith.constant 0 : i32
    %dma_wait3A_30 = arith.constant 0 : i32
    %dma_wait3A_31 = tpu.memref_slice %arg2[%dma_wait3A_29, %dma_wait3A_30] : memref<20480x128xf32, #tpu.memory_space<hbm>> -> memref<20480x128xf32, #tpu.memory_space<hbm>>
    tpu.wait_indirect_dma semaphore(%arg13 : memref<!tpu.dma_semaphore, #tpu.memory_space<semaphore_mem>>) src(%dma_wait3A_31 : memref<20480x128xf32, #tpu.memory_space<hbm>>) dst(%arg12 : memref<320x128xf32, #tpu.memory_space<vmem>>)
    "tpu.region"() ({
      %run_scoped3A = tpu.sem_alloc : memref<!tpu.dma_semaphore, #tpu.memory_space<semaphore_mem>>
      %dma_start3A_70 = arith.constant 0 : i32
      %dma_start3A_71 = arith.constant 0 : i32
      %dma_start3A_72 = tpu.memref_slice %arg7[%dma_start3A_70, %dma_start3A_71] : memref<10240x128xf32, #tpu.memory_space<vmem_shared>> -> memref<10240x128xf32, #tpu.memory_space<vmem_shared>>
      tpu.enqueue_indirect_dma source(%arg12 : memref<320x128xf32, #tpu.memory_space<vmem>>) target(%dma_start3A_72 : memref<10240x128xf32, #tpu.memory_space<vmem_shared>>) offsets(%arg9 : memref<320xi32, #tpu.memory_space<vmem>>) semaphore(%run_scoped3A : memref<!tpu.dma_semaphore, #tpu.memory_space<semaphore_mem>>) {add = true}
      %dma_wait3A_73 = arith.constant 0 : i32
      %dma_wait3A_74 = arith.constant 0 : i32
      %dma_wait3A_75 = tpu.memref_slice %arg7[%dma_wait3A_73, %dma_wait3A_74] : memref<10240x128xf32, #tpu.memory_space<vmem_shared>> -> memref<10240x128xf32, #tpu.memory_space<vmem_shared>>
      tpu.wait_indirect_dma semaphore(%run_scoped3A : memref<!tpu.dma_semaphore, #tpu.memory_space<semaphore_mem>>) src(%arg12 : memref<320x128xf32, #tpu.memory_space<vmem>>) dst(%dma_wait3A_75 : memref<10240x128xf32, #tpu.memory_space<vmem_shared>>)
      tpu.yield
    }) : () -> ()
    %add3A_32 = arith.constant 9920 : i32
    %add3A_33 = arith.addi %add3A, %add3A_32 : i32
    %dma_wait3A_34 = tpu.memref_slice %arg3[%add3A_33] : memref<327680xi32, #tpu.memory_space<hbm>> -> memref<320xi32, #tpu.memory_space<hbm>>
    %dma_wait3A_35 = tpu.memref_slice %arg3[%add3A_33] : memref<327680xi32, #tpu.memory_space<hbm>> -> memref<320xi32, #tpu.memory_space<hbm>>
    tpu.wait_dma2 semaphore(%arg15 : memref<!tpu.dma_semaphore, #tpu.memory_space<semaphore_mem>>) src(%dma_wait3A_35 : memref<320xi32, #tpu.memory_space<hbm>>) dst(%arg10 : memref<320xi32, #tpu.memory_space<vmem>>)
    %dma_wait3A_36 = tpu.memref_slice %arg4[%add3A_33] : memref<327680xi32, #tpu.memory_space<hbm>> -> memref<320xi32, #tpu.memory_space<hbm>>
    %dma_wait3A_37 = tpu.memref_slice %arg4[%add3A_33] : memref<327680xi32, #tpu.memory_space<hbm>> -> memref<320xi32, #tpu.memory_space<hbm>>
    tpu.wait_dma2 semaphore(%arg15 : memref<!tpu.dma_semaphore, #tpu.memory_space<semaphore_mem>>) src(%dma_wait3A_37 : memref<320xi32, #tpu.memory_space<hbm>>) dst(%arg11 : memref<320xi32, #tpu.memory_space<vmem>>)
    %dma_start3A_38 = arith.constant 0 : i32
    %dma_start3A_39 = arith.constant 0 : i32
    %dma_start3A_40 = tpu.memref_slice %arg2[%dma_start3A_38, %dma_start3A_39] : memref<20480x128xf32, #tpu.memory_space<hbm>> -> memref<20480x128xf32, #tpu.memory_space<hbm>>
    tpu.enqueue_indirect_dma source(%dma_start3A_40 : memref<20480x128xf32, #tpu.memory_space<hbm>>) target(%arg12 : memref<320x128xf32, #tpu.memory_space<vmem>>) offsets(%arg10 : memref<320xi32, #tpu.memory_space<vmem>>) semaphore(%arg13 : memref<!tpu.dma_semaphore, #tpu.memory_space<semaphore_mem>>)
    %dma_wait3A_41 = arith.constant 0 : i32
    %dma_wait3A_42 = arith.constant 0 : i32
    %dma_wait3A_43 = tpu.memref_slice %arg2[%dma_wait3A_41, %dma_wait3A_42] : memref<20480x128xf32, #tpu.memory_space<hbm>> -> memref<20480x128xf32, #tpu.memory_space<hbm>>
    tpu.wait_indirect_dma semaphore(%arg13 : memref<!tpu.dma_semaphore, #tpu.memory_space<semaphore_mem>>) src(%dma_wait3A_43 : memref<20480x128xf32, #tpu.memory_space<hbm>>) dst(%arg12 : memref<320x128xf32, #tpu.memory_space<vmem>>)
    "tpu.region"() ({
      %run_scoped3A = tpu.sem_alloc : memref<!tpu.dma_semaphore, #tpu.memory_space<semaphore_mem>>
      %dma_start3A_70 = arith.constant 0 : i32
      %dma_start3A_71 = arith.constant 0 : i32
      %dma_start3A_72 = tpu.memref_slice %arg7[%dma_start3A_70, %dma_start3A_71] : memref<10240x128xf32, #tpu.memory_space<vmem_shared>> -> memref<10240x128xf32, #tpu.memory_space<vmem_shared>>
      tpu.enqueue_indirect_dma source(%arg12 : memref<320x128xf32, #tpu.memory_space<vmem>>) target(%dma_start3A_72 : memref<10240x128xf32, #tpu.memory_space<vmem_shared>>) offsets(%arg11 : memref<320xi32, #tpu.memory_space<vmem>>) semaphore(%run_scoped3A : memref<!tpu.dma_semaphore, #tpu.memory_space<semaphore_mem>>) {add = true}
      %dma_wait3A_73 = arith.constant 0 : i32
      %dma_wait3A_74 = arith.constant 0 : i32
      %dma_wait3A_75 = tpu.memref_slice %arg7[%dma_wait3A_73, %dma_wait3A_74] : memref<10240x128xf32, #tpu.memory_space<vmem_shared>> -> memref<10240x128xf32, #tpu.memory_space<vmem_shared>>
      tpu.wait_indirect_dma semaphore(%run_scoped3A : memref<!tpu.dma_semaphore, #tpu.memory_space<semaphore_mem>>) src(%arg12 : memref<320x128xf32, #tpu.memory_space<vmem>>) dst(%dma_wait3A_75 : memref<10240x128xf32, #tpu.memory_space<vmem_shared>>)
      tpu.yield
    }) : () -> ()
    %barrier3A_44 = arith.constant 0 : index
    tpu.barrier barrier_id(%barrier3A_44)
    %add3A_45 = arith.constant 0 : i32
    %add3A_46 = arith.addi %mul3A_0, %add3A_45 : i32
    "tpu.region"() ({
      %run_scoped3A = tpu.sem_alloc : memref<!tpu.dma_semaphore, #tpu.memory_space<semaphore_mem>>
      %dma_start3A_70 = arith.constant 0 : i32
      %dma_start3A_71 = arith.constant 0 : i32
      %dma_start3A_72 = tpu.memref_slice %arg12[%dma_start3A_70, %dma_start3A_71] : memref<320x128xf32, #tpu.memory_space<vmem>> -> memref<128x128xf32, #tpu.memory_space<vmem>>
      %dma_start3A_73 = arith.constant 0 : i32
      %dma_start3A_74 = tpu.memref_slice %arg7[%add3A_46, %dma_start3A_73] : memref<10240x128xf32, #tpu.memory_space<vmem_shared>> -> memref<128x128xf32, #tpu.memory_space<vmem_shared>>
      %dma_start3A_75 = arith.constant 0 : i32
      %dma_start3A_76 = arith.constant 0 : i32
      %dma_start3A_77 = tpu.memref_slice %arg12[%dma_start3A_75, %dma_start3A_76] : memref<320x128xf32, #tpu.memory_space<vmem>> -> memref<128x128xf32, #tpu.memory_space<vmem>>
      %dma_start3A_78 = arith.constant 0 : i32
      %dma_start3A_79 = tpu.memref_slice %arg7[%add3A_46, %dma_start3A_78] : memref<10240x128xf32, #tpu.memory_space<vmem_shared>> -> memref<128x128xf32, #tpu.memory_space<vmem_shared>>
      tpu.enqueue_dma source(%dma_start3A_79 : memref<128x128xf32, #tpu.memory_space<vmem_shared>>) target(%dma_start3A_77 : memref<128x128xf32, #tpu.memory_space<vmem>>) target_semaphore(%run_scoped3A : memref<!tpu.dma_semaphore, #tpu.memory_space<semaphore_mem>>)
      %dma_wait3A_80 = arith.constant 0 : i32
      %dma_wait3A_81 = arith.constant 0 : i32
      %dma_wait3A_82 = tpu.memref_slice %arg12[%dma_wait3A_80, %dma_wait3A_81] : memref<320x128xf32, #tpu.memory_space<vmem>> -> memref<128x128xf32, #tpu.memory_space<vmem>>
      %dma_wait3A_83 = arith.constant 0 : i32
      %dma_wait3A_84 = tpu.memref_slice %arg7[%add3A_46, %dma_wait3A_83] : memref<10240x128xf32, #tpu.memory_space<vmem_shared>> -> memref<128x128xf32, #tpu.memory_space<vmem_shared>>
      %dma_wait3A_85 = arith.constant 0 : i32
      %dma_wait3A_86 = arith.constant 0 : i32
      %dma_wait3A_87 = tpu.memref_slice %arg12[%dma_wait3A_85, %dma_wait3A_86] : memref<320x128xf32, #tpu.memory_space<vmem>> -> memref<128x128xf32, #tpu.memory_space<vmem>>
      %dma_wait3A_88 = arith.constant 0 : i32
      %dma_wait3A_89 = tpu.memref_slice %arg7[%add3A_46, %dma_wait3A_88] : memref<10240x128xf32, #tpu.memory_space<vmem_shared>> -> memref<128x128xf32, #tpu.memory_space<vmem_shared>>
      tpu.wait_dma2 semaphore(%run_scoped3A : memref<!tpu.dma_semaphore, #tpu.memory_space<semaphore_mem>>) src(%dma_wait3A_89 : memref<128x128xf32, #tpu.memory_space<vmem_shared>>) dst(%dma_wait3A_87 : memref<128x128xf32, #tpu.memory_space<vmem>>)
      tpu.yield
    }) : () -> ()
    %mul3A_47 = arith.constant 10240 : i32
    %mul3A_48 = arith.muli %arg0, %mul3A_47 : i32
    %add3A_49 = arith.addi %mul3A_48, %add3A_46 : i32
    "tpu.region"() ({
      %run_scoped3A = tpu.sem_alloc : memref<!tpu.dma_semaphore, #tpu.memory_space<semaphore_mem>>
      %dma_start3A_70 = arith.constant 0 : i32
      %dma_start3A_71 = arith.constant 0 : i32
      %dma_start3A_72 = tpu.memref_slice %arg12[%dma_start3A_70, %dma_start3A_71] : memref<320x128xf32, #tpu.memory_space<vmem>> -> memref<128x128xf32, #tpu.memory_space<vmem>>
      %dma_start3A_73 = arith.constant 0 : i32
      %dma_start3A_74 = tpu.memref_slice %arg6[%add3A_49, %dma_start3A_73] : memref<20480x128xf32, #tpu.memory_space<hbm>> -> memref<128x128xf32, #tpu.memory_space<hbm>>
      %dma_start3A_75 = arith.constant 0 : i32
      %dma_start3A_76 = tpu.memref_slice %arg6[%add3A_49, %dma_start3A_75] : memref<20480x128xf32, #tpu.memory_space<hbm>> -> memref<128x128xf32, #tpu.memory_space<hbm>>
      %dma_start3A_77 = arith.constant 0 : i32
      %dma_start3A_78 = arith.constant 0 : i32
      %dma_start3A_79 = tpu.memref_slice %arg12[%dma_start3A_77, %dma_start3A_78] : memref<320x128xf32, #tpu.memory_space<vmem>> -> memref<128x128xf32, #tpu.memory_space<vmem>>
      tpu.enqueue_dma source(%dma_start3A_79 : memref<128x128xf32, #tpu.memory_space<vmem>>) target(%dma_start3A_76 : memref<128x128xf32, #tpu.memory_space<hbm>>) target_semaphore(%run_scoped3A : memref<!tpu.dma_semaphore, #tpu.memory_space<semaphore_mem>>)
      %dma_wait3A_80 = arith.constant 0 : i32
      %dma_wait3A_81 = arith.constant 0 : i32
      %dma_wait3A_82 = tpu.memref_slice %arg12[%dma_wait3A_80, %dma_wait3A_81] : memref<320x128xf32, #tpu.memory_space<vmem>> -> memref<128x128xf32, #tpu.memory_space<vmem>>
      %dma_wait3A_83 = arith.constant 0 : i32
      %dma_wait3A_84 = tpu.memref_slice %arg6[%add3A_49, %dma_wait3A_83] : memref<20480x128xf32, #tpu.memory_space<hbm>> -> memref<128x128xf32, #tpu.memory_space<hbm>>
      %dma_wait3A_85 = arith.constant 0 : i32
      %dma_wait3A_86 = tpu.memref_slice %arg6[%add3A_49, %dma_wait3A_85] : memref<20480x128xf32, #tpu.memory_space<hbm>> -> memref<128x128xf32, #tpu.memory_space<hbm>>
      %dma_wait3A_87 = arith.constant 0 : i32
      %dma_wait3A_88 = arith.constant 0 : i32
      %dma_wait3A_89 = tpu.memref_slice %arg12[%dma_wait3A_87, %dma_wait3A_88] : memref<320x128xf32, #tpu.memory_space<vmem>> -> memref<128x128xf32, #tpu.memory_space<vmem>>
      tpu.wait_dma2 semaphore(%run_scoped3A : memref<!tpu.dma_semaphore, #tpu.memory_space<semaphore_mem>>) src(%dma_wait3A_89 : memref<128x128xf32, #tpu.memory_space<vmem>>) dst(%dma_wait3A_86 : memref<128x128xf32, #tpu.memory_space<hbm>>)
      tpu.yield
    }) : () -> ()
    %add3A_50 = arith.constant 128 : i32
    %add3A_51 = arith.addi %mul3A_0, %add3A_50 : i32
    "tpu.region"() ({
      %run_scoped3A = tpu.sem_alloc : memref<!tpu.dma_semaphore, #tpu.memory_space<semaphore_mem>>
      %dma_start3A_70 = arith.constant 0 : i32
      %dma_start3A_71 = arith.constant 0 : i32
      %dma_start3A_72 = tpu.memref_slice %arg12[%dma_start3A_70, %dma_start3A_71] : memref<320x128xf32, #tpu.memory_space<vmem>> -> memref<128x128xf32, #tpu.memory_space<vmem>>
      %dma_start3A_73 = arith.constant 0 : i32
      %dma_start3A_74 = tpu.memref_slice %arg7[%add3A_51, %dma_start3A_73] : memref<10240x128xf32, #tpu.memory_space<vmem_shared>> -> memref<128x128xf32, #tpu.memory_space<vmem_shared>>
      %dma_start3A_75 = arith.constant 0 : i32
      %dma_start3A_76 = arith.constant 0 : i32
      %dma_start3A_77 = tpu.memref_slice %arg12[%dma_start3A_75, %dma_start3A_76] : memref<320x128xf32, #tpu.memory_space<vmem>> -> memref<128x128xf32, #tpu.memory_space<vmem>>
      %dma_start3A_78 = arith.constant 0 : i32
      %dma_start3A_79 = tpu.memref_slice %arg7[%add3A_51, %dma_start3A_78] : memref<10240x128xf32, #tpu.memory_space<vmem_shared>> -> memref<128x128xf32, #tpu.memory_space<vmem_shared>>
      tpu.enqueue_dma source(%dma_start3A_79 : memref<128x128xf32, #tpu.memory_space<vmem_shared>>) target(%dma_start3A_77 : memref<128x128xf32, #tpu.memory_space<vmem>>) target_semaphore(%run_scoped3A : memref<!tpu.dma_semaphore, #tpu.memory_space<semaphore_mem>>)
      %dma_wait3A_80 = arith.constant 0 : i32
      %dma_wait3A_81 = arith.constant 0 : i32
      %dma_wait3A_82 = tpu.memref_slice %arg12[%dma_wait3A_80, %dma_wait3A_81] : memref<320x128xf32, #tpu.memory_space<vmem>> -> memref<128x128xf32, #tpu.memory_space<vmem>>
      %dma_wait3A_83 = arith.constant 0 : i32
      %dma_wait3A_84 = tpu.memref_slice %arg7[%add3A_51, %dma_wait3A_83] : memref<10240x128xf32, #tpu.memory_space<vmem_shared>> -> memref<128x128xf32, #tpu.memory_space<vmem_shared>>
      %dma_wait3A_85 = arith.constant 0 : i32
      %dma_wait3A_86 = arith.constant 0 : i32
      %dma_wait3A_87 = tpu.memref_slice %arg12[%dma_wait3A_85, %dma_wait3A_86] : memref<320x128xf32, #tpu.memory_space<vmem>> -> memref<128x128xf32, #tpu.memory_space<vmem>>
      %dma_wait3A_88 = arith.constant 0 : i32
      %dma_wait3A_89 = tpu.memref_slice %arg7[%add3A_51, %dma_wait3A_88] : memref<10240x128xf32, #tpu.memory_space<vmem_shared>> -> memref<128x128xf32, #tpu.memory_space<vmem_shared>>
      tpu.wait_dma2 semaphore(%run_scoped3A : memref<!tpu.dma_semaphore, #tpu.memory_space<semaphore_mem>>) src(%dma_wait3A_89 : memref<128x128xf32, #tpu.memory_space<vmem_shared>>) dst(%dma_wait3A_87 : memref<128x128xf32, #tpu.memory_space<vmem>>)
      tpu.yield
    }) : () -> ()
    %mul3A_52 = arith.constant 10240 : i32
    %mul3A_53 = arith.muli %arg0, %mul3A_52 : i32
    %add3A_54 = arith.addi %mul3A_53, %add3A_51 : i32
    "tpu.region"() ({
      %run_scoped3A = tpu.sem_alloc : memref<!tpu.dma_semaphore, #tpu.memory_space<semaphore_mem>>
      %dma_start3A_70 = arith.constant 0 : i32
      %dma_start3A_71 = arith.constant 0 : i32
      %dma_start3A_72 = tpu.memref_slice %arg12[%dma_start3A_70, %dma_start3A_71] : memref<320x128xf32, #tpu.memory_space<vmem>> -> memref<128x128xf32, #tpu.memory_space<vmem>>
      %dma_start3A_73 = arith.constant 0 : i32
      %dma_start3A_74 = tpu.memref_slice %arg6[%add3A_54, %dma_start3A_73] : memref<20480x128xf32, #tpu.memory_space<hbm>> -> memref<128x128xf32, #tpu.memory_space<hbm>>
      %dma_start3A_75 = arith.constant 0 : i32
      %dma_start3A_76 = tpu.memref_slice %arg6[%add3A_54, %dma_start3A_75] : memref<20480x128xf32, #tpu.memory_space<hbm>> -> memref<128x128xf32, #tpu.memory_space<hbm>>
      %dma_start3A_77 = arith.constant 0 : i32
      %dma_start3A_78 = arith.constant 0 : i32
      %dma_start3A_79 = tpu.memref_slice %arg12[%dma_start3A_77, %dma_start3A_78] : memref<320x128xf32, #tpu.memory_space<vmem>> -> memref<128x128xf32, #tpu.memory_space<vmem>>
      tpu.enqueue_dma source(%dma_start3A_79 : memref<128x128xf32, #tpu.memory_space<vmem>>) target(%dma_start3A_76 : memref<128x128xf32, #tpu.memory_space<hbm>>) target_semaphore(%run_scoped3A : memref<!tpu.dma_semaphore, #tpu.memory_space<semaphore_mem>>)
      %dma_wait3A_80 = arith.constant 0 : i32
      %dma_wait3A_81 = arith.constant 0 : i32
      %dma_wait3A_82 = tpu.memref_slice %arg12[%dma_wait3A_80, %dma_wait3A_81] : memref<320x128xf32, #tpu.memory_space<vmem>> -> memref<128x128xf32, #tpu.memory_space<vmem>>
      %dma_wait3A_83 = arith.constant 0 : i32
      %dma_wait3A_84 = tpu.memref_slice %arg6[%add3A_54, %dma_wait3A_83] : memref<20480x128xf32, #tpu.memory_space<hbm>> -> memref<128x128xf32, #tpu.memory_space<hbm>>
      %dma_wait3A_85 = arith.constant 0 : i32
      %dma_wait3A_86 = tpu.memref_slice %arg6[%add3A_54, %dma_wait3A_85] : memref<20480x128xf32, #tpu.memory_space<hbm>> -> memref<128x128xf32, #tpu.memory_space<hbm>>
      %dma_wait3A_87 = arith.constant 0 : i32
      %dma_wait3A_88 = arith.constant 0 : i32
      %dma_wait3A_89 = tpu.memref_slice %arg12[%dma_wait3A_87, %dma_wait3A_88] : memref<320x128xf32, #tpu.memory_space<vmem>> -> memref<128x128xf32, #tpu.memory_space<vmem>>
      tpu.wait_dma2 semaphore(%run_scoped3A : memref<!tpu.dma_semaphore, #tpu.memory_space<semaphore_mem>>) src(%dma_wait3A_89 : memref<128x128xf32, #tpu.memory_space<vmem>>) dst(%dma_wait3A_86 : memref<128x128xf32, #tpu.memory_space<hbm>>)
      tpu.yield
    }) : () -> ()
    %add3A_55 = arith.constant 256 : i32
    %add3A_56 = arith.addi %mul3A_0, %add3A_55 : i32
    "tpu.region"() ({
      %run_scoped3A = tpu.sem_alloc : memref<!tpu.dma_semaphore, #tpu.memory_space<semaphore_mem>>
      %dma_start3A_70 = arith.constant 0 : i32
      %dma_start3A_71 = arith.constant 0 : i32
      %dma_start3A_72 = tpu.memref_slice %arg12[%dma_start3A_70, %dma_start3A_71] : memref<320x128xf32, #tpu.memory_space<vmem>> -> memref<128x128xf32, #tpu.memory_space<vmem>>
      %dma_start3A_73 = arith.constant 0 : i32
      %dma_start3A_74 = tpu.memref_slice %arg7[%add3A_56, %dma_start3A_73] : memref<10240x128xf32, #tpu.memory_space<vmem_shared>> -> memref<128x128xf32, #tpu.memory_space<vmem_shared>>
      %dma_start3A_75 = arith.constant 0 : i32
      %dma_start3A_76 = arith.constant 0 : i32
      %dma_start3A_77 = tpu.memref_slice %arg12[%dma_start3A_75, %dma_start3A_76] : memref<320x128xf32, #tpu.memory_space<vmem>> -> memref<128x128xf32, #tpu.memory_space<vmem>>
      %dma_start3A_78 = arith.constant 0 : i32
      %dma_start3A_79 = tpu.memref_slice %arg7[%add3A_56, %dma_start3A_78] : memref<10240x128xf32, #tpu.memory_space<vmem_shared>> -> memref<128x128xf32, #tpu.memory_space<vmem_shared>>
      tpu.enqueue_dma source(%dma_start3A_79 : memref<128x128xf32, #tpu.memory_space<vmem_shared>>) target(%dma_start3A_77 : memref<128x128xf32, #tpu.memory_space<vmem>>) target_semaphore(%run_scoped3A : memref<!tpu.dma_semaphore, #tpu.memory_space<semaphore_mem>>)
      %dma_wait3A_80 = arith.constant 0 : i32
      %dma_wait3A_81 = arith.constant 0 : i32
      %dma_wait3A_82 = tpu.memref_slice %arg12[%dma_wait3A_80, %dma_wait3A_81] : memref<320x128xf32, #tpu.memory_space<vmem>> -> memref<128x128xf32, #tpu.memory_space<vmem>>
      %dma_wait3A_83 = arith.constant 0 : i32
      %dma_wait3A_84 = tpu.memref_slice %arg7[%add3A_56, %dma_wait3A_83] : memref<10240x128xf32, #tpu.memory_space<vmem_shared>> -> memref<128x128xf32, #tpu.memory_space<vmem_shared>>
      %dma_wait3A_85 = arith.constant 0 : i32
      %dma_wait3A_86 = arith.constant 0 : i32
      %dma_wait3A_87 = tpu.memref_slice %arg12[%dma_wait3A_85, %dma_wait3A_86] : memref<320x128xf32, #tpu.memory_space<vmem>> -> memref<128x128xf32, #tpu.memory_space<vmem>>
      %dma_wait3A_88 = arith.constant 0 : i32
      %dma_wait3A_89 = tpu.memref_slice %arg7[%add3A_56, %dma_wait3A_88] : memref<10240x128xf32, #tpu.memory_space<vmem_shared>> -> memref<128x128xf32, #tpu.memory_space<vmem_shared>>
      tpu.wait_dma2 semaphore(%run_scoped3A : memref<!tpu.dma_semaphore, #tpu.memory_space<semaphore_mem>>) src(%dma_wait3A_89 : memref<128x128xf32, #tpu.memory_space<vmem_shared>>) dst(%dma_wait3A_87 : memref<128x128xf32, #tpu.memory_space<vmem>>)
      tpu.yield
    }) : () -> ()
    %mul3A_57 = arith.constant 10240 : i32
    %mul3A_58 = arith.muli %arg0, %mul3A_57 : i32
    %add3A_59 = arith.addi %mul3A_58, %add3A_56 : i32
    "tpu.region"() ({
      %run_scoped3A = tpu.sem_alloc : memref<!tpu.dma_semaphore, #tpu.memory_space<semaphore_mem>>
      %dma_start3A_70 = arith.constant 0 : i32
      %dma_start3A_71 = arith.constant 0 : i32
      %dma_start3A_72 = tpu.memref_slice %arg12[%dma_start3A_70, %dma_start3A_71] : memref<320x128xf32, #tpu.memory_space<vmem>> -> memref<128x128xf32, #tpu.memory_space<vmem>>
      %dma_start3A_73 = arith.constant 0 : i32
      %dma_start3A_74 = tpu.memref_slice %arg6[%add3A_59, %dma_start3A_73] : memref<20480x128xf32, #tpu.memory_space<hbm>> -> memref<128x128xf32, #tpu.memory_space<hbm>>
      %dma_start3A_75 = arith.constant 0 : i32
      %dma_start3A_76 = tpu.memref_slice %arg6[%add3A_59, %dma_start3A_75] : memref<20480x128xf32, #tpu.memory_space<hbm>> -> memref<128x128xf32, #tpu.memory_space<hbm>>
      %dma_start3A_77 = arith.constant 0 : i32
      %dma_start3A_78 = arith.constant 0 : i32
      %dma_start3A_79 = tpu.memref_slice %arg12[%dma_start3A_77, %dma_start3A_78] : memref<320x128xf32, #tpu.memory_space<vmem>> -> memref<128x128xf32, #tpu.memory_space<vmem>>
      tpu.enqueue_dma source(%dma_start3A_79 : memref<128x128xf32, #tpu.memory_space<vmem>>) target(%dma_start3A_76 : memref<128x128xf32, #tpu.memory_space<hbm>>) target_semaphore(%run_scoped3A : memref<!tpu.dma_semaphore, #tpu.memory_space<semaphore_mem>>)
      %dma_wait3A_80 = arith.constant 0 : i32
      %dma_wait3A_81 = arith.constant 0 : i32
      %dma_wait3A_82 = tpu.memref_slice %arg12[%dma_wait3A_80, %dma_wait3A_81] : memref<320x128xf32, #tpu.memory_space<vmem>> -> memref<128x128xf32, #tpu.memory_space<vmem>>
      %dma_wait3A_83 = arith.constant 0 : i32
      %dma_wait3A_84 = tpu.memref_slice %arg6[%add3A_59, %dma_wait3A_83] : memref<20480x128xf32, #tpu.memory_space<hbm>> -> memref<128x128xf32, #tpu.memory_space<hbm>>
      %dma_wait3A_85 = arith.constant 0 : i32
      %dma_wait3A_86 = tpu.memref_slice %arg6[%add3A_59, %dma_wait3A_85] : memref<20480x128xf32, #tpu.memory_space<hbm>> -> memref<128x128xf32, #tpu.memory_space<hbm>>
      %dma_wait3A_87 = arith.constant 0 : i32
      %dma_wait3A_88 = arith.constant 0 : i32
      %dma_wait3A_89 = tpu.memref_slice %arg12[%dma_wait3A_87, %dma_wait3A_88] : memref<320x128xf32, #tpu.memory_space<vmem>> -> memref<128x128xf32, #tpu.memory_space<vmem>>
      tpu.wait_dma2 semaphore(%run_scoped3A : memref<!tpu.dma_semaphore, #tpu.memory_space<semaphore_mem>>) src(%dma_wait3A_89 : memref<128x128xf32, #tpu.memory_space<vmem>>) dst(%dma_wait3A_86 : memref<128x128xf32, #tpu.memory_space<hbm>>)
      tpu.yield
    }) : () -> ()
    %add3A_60 = arith.constant 384 : i32
    %add3A_61 = arith.addi %mul3A_0, %add3A_60 : i32
    "tpu.region"() ({
      %run_scoped3A = tpu.sem_alloc : memref<!tpu.dma_semaphore, #tpu.memory_space<semaphore_mem>>
      %dma_start3A_70 = arith.constant 0 : i32
      %dma_start3A_71 = arith.constant 0 : i32
      %dma_start3A_72 = tpu.memref_slice %arg12[%dma_start3A_70, %dma_start3A_71] : memref<320x128xf32, #tpu.memory_space<vmem>> -> memref<128x128xf32, #tpu.memory_space<vmem>>
      %dma_start3A_73 = arith.constant 0 : i32
      %dma_start3A_74 = tpu.memref_slice %arg7[%add3A_61, %dma_start3A_73] : memref<10240x128xf32, #tpu.memory_space<vmem_shared>> -> memref<128x128xf32, #tpu.memory_space<vmem_shared>>
      %dma_start3A_75 = arith.constant 0 : i32
      %dma_start3A_76 = arith.constant 0 : i32
      %dma_start3A_77 = tpu.memref_slice %arg12[%dma_start3A_75, %dma_start3A_76] : memref<320x128xf32, #tpu.memory_space<vmem>> -> memref<128x128xf32, #tpu.memory_space<vmem>>
      %dma_start3A_78 = arith.constant 0 : i32
      %dma_start3A_79 = tpu.memref_slice %arg7[%add3A_61, %dma_start3A_78] : memref<10240x128xf32, #tpu.memory_space<vmem_shared>> -> memref<128x128xf32, #tpu.memory_space<vmem_shared>>
      tpu.enqueue_dma source(%dma_start3A_79 : memref<128x128xf32, #tpu.memory_space<vmem_shared>>) target(%dma_start3A_77 : memref<128x128xf32, #tpu.memory_space<vmem>>) target_semaphore(%run_scoped3A : memref<!tpu.dma_semaphore, #tpu.memory_space<semaphore_mem>>)
      %dma_wait3A_80 = arith.constant 0 : i32
      %dma_wait3A_81 = arith.constant 0 : i32
      %dma_wait3A_82 = tpu.memref_slice %arg12[%dma_wait3A_80, %dma_wait3A_81] : memref<320x128xf32, #tpu.memory_space<vmem>> -> memref<128x128xf32, #tpu.memory_space<vmem>>
      %dma_wait3A_83 = arith.constant 0 : i32
      %dma_wait3A_84 = tpu.memref_slice %arg7[%add3A_61, %dma_wait3A_83] : memref<10240x128xf32, #tpu.memory_space<vmem_shared>> -> memref<128x128xf32, #tpu.memory_space<vmem_shared>>
      %dma_wait3A_85 = arith.constant 0 : i32
      %dma_wait3A_86 = arith.constant 0 : i32
      %dma_wait3A_87 = tpu.memref_slice %arg12[%dma_wait3A_85, %dma_wait3A_86] : memref<320x128xf32, #tpu.memory_space<vmem>> -> memref<128x128xf32, #tpu.memory_space<vmem>>
      %dma_wait3A_88 = arith.constant 0 : i32
      %dma_wait3A_89 = tpu.memref_slice %arg7[%add3A_61, %dma_wait3A_88] : memref<10240x128xf32, #tpu.memory_space<vmem_shared>> -> memref<128x128xf32, #tpu.memory_space<vmem_shared>>
      tpu.wait_dma2 semaphore(%run_scoped3A : memref<!tpu.dma_semaphore, #tpu.memory_space<semaphore_mem>>) src(%dma_wait3A_89 : memref<128x128xf32, #tpu.memory_space<vmem_shared>>) dst(%dma_wait3A_87 : memref<128x128xf32, #tpu.memory_space<vmem>>)
      tpu.yield
    }) : () -> ()
    %mul3A_62 = arith.constant 10240 : i32
    %mul3A_63 = arith.muli %arg0, %mul3A_62 : i32
    %add3A_64 = arith.addi %mul3A_63, %add3A_61 : i32
    "tpu.region"() ({
      %run_scoped3A = tpu.sem_alloc : memref<!tpu.dma_semaphore, #tpu.memory_space<semaphore_mem>>
      %dma_start3A_70 = arith.constant 0 : i32
      %dma_start3A_71 = arith.constant 0 : i32
      %dma_start3A_72 = tpu.memref_slice %arg12[%dma_start3A_70, %dma_start3A_71] : memref<320x128xf32, #tpu.memory_space<vmem>> -> memref<128x128xf32, #tpu.memory_space<vmem>>
      %dma_start3A_73 = arith.constant 0 : i32
      %dma_start3A_74 = tpu.memref_slice %arg6[%add3A_64, %dma_start3A_73] : memref<20480x128xf32, #tpu.memory_space<hbm>> -> memref<128x128xf32, #tpu.memory_space<hbm>>
      %dma_start3A_75 = arith.constant 0 : i32
      %dma_start3A_76 = tpu.memref_slice %arg6[%add3A_64, %dma_start3A_75] : memref<20480x128xf32, #tpu.memory_space<hbm>> -> memref<128x128xf32, #tpu.memory_space<hbm>>
      %dma_start3A_77 = arith.constant 0 : i32
      %dma_start3A_78 = arith.constant 0 : i32
      %dma_start3A_79 = tpu.memref_slice %arg12[%dma_start3A_77, %dma_start3A_78] : memref<320x128xf32, #tpu.memory_space<vmem>> -> memref<128x128xf32, #tpu.memory_space<vmem>>
      tpu.enqueue_dma source(%dma_start3A_79 : memref<128x128xf32, #tpu.memory_space<vmem>>) target(%dma_start3A_76 : memref<128x128xf32, #tpu.memory_space<hbm>>) target_semaphore(%run_scoped3A : memref<!tpu.dma_semaphore, #tpu.memory_space<semaphore_mem>>)
      %dma_wait3A_80 = arith.constant 0 : i32
      %dma_wait3A_81 = arith.constant 0 : i32
      %dma_wait3A_82 = tpu.memref_slice %arg12[%dma_wait3A_80, %dma_wait3A_81] : memref<320x128xf32, #tpu.memory_space<vmem>> -> memref<128x128xf32, #tpu.memory_space<vmem>>
      %dma_wait3A_83 = arith.constant 0 : i32
      %dma_wait3A_84 = tpu.memref_slice %arg6[%add3A_64, %dma_wait3A_83] : memref<20480x128xf32, #tpu.memory_space<hbm>> -> memref<128x128xf32, #tpu.memory_space<hbm>>
      %dma_wait3A_85 = arith.constant 0 : i32
      %dma_wait3A_86 = tpu.memref_slice %arg6[%add3A_64, %dma_wait3A_85] : memref<20480x128xf32, #tpu.memory_space<hbm>> -> memref<128x128xf32, #tpu.memory_space<hbm>>
      %dma_wait3A_87 = arith.constant 0 : i32
      %dma_wait3A_88 = arith.constant 0 : i32
      %dma_wait3A_89 = tpu.memref_slice %arg12[%dma_wait3A_87, %dma_wait3A_88] : memref<320x128xf32, #tpu.memory_space<vmem>> -> memref<128x128xf32, #tpu.memory_space<vmem>>
      tpu.wait_dma2 semaphore(%run_scoped3A : memref<!tpu.dma_semaphore, #tpu.memory_space<semaphore_mem>>) src(%dma_wait3A_89 : memref<128x128xf32, #tpu.memory_space<vmem>>) dst(%dma_wait3A_86 : memref<128x128xf32, #tpu.memory_space<hbm>>)
      tpu.yield
    }) : () -> ()
    %add3A_65 = arith.constant 512 : i32
    %add3A_66 = arith.addi %mul3A_0, %add3A_65 : i32
    "tpu.region"() ({
      %run_scoped3A = tpu.sem_alloc : memref<!tpu.dma_semaphore, #tpu.memory_space<semaphore_mem>>
      %dma_start3A_70 = arith.constant 0 : i32
      %dma_start3A_71 = arith.constant 0 : i32
      %dma_start3A_72 = tpu.memref_slice %arg12[%dma_start3A_70, %dma_start3A_71] : memref<320x128xf32, #tpu.memory_space<vmem>> -> memref<128x128xf32, #tpu.memory_space<vmem>>
      %dma_start3A_73 = arith.constant 0 : i32
      %dma_start3A_74 = tpu.memref_slice %arg7[%add3A_66, %dma_start3A_73] : memref<10240x128xf32, #tpu.memory_space<vmem_shared>> -> memref<128x128xf32, #tpu.memory_space<vmem_shared>>
      %dma_start3A_75 = arith.constant 0 : i32
      %dma_start3A_76 = arith.constant 0 : i32
      %dma_start3A_77 = tpu.memref_slice %arg12[%dma_start3A_75, %dma_start3A_76] : memref<320x128xf32, #tpu.memory_space<vmem>> -> memref<128x128xf32, #tpu.memory_space<vmem>>
      %dma_start3A_78 = arith.constant 0 : i32
      %dma_start3A_79 = tpu.memref_slice %arg7[%add3A_66, %dma_start3A_78] : memref<10240x128xf32, #tpu.memory_space<vmem_shared>> -> memref<128x128xf32, #tpu.memory_space<vmem_shared>>
      tpu.enqueue_dma source(%dma_start3A_79 : memref<128x128xf32, #tpu.memory_space<vmem_shared>>) target(%dma_start3A_77 : memref<128x128xf32, #tpu.memory_space<vmem>>) target_semaphore(%run_scoped3A : memref<!tpu.dma_semaphore, #tpu.memory_space<semaphore_mem>>)
      %dma_wait3A_80 = arith.constant 0 : i32
      %dma_wait3A_81 = arith.constant 0 : i32
      %dma_wait3A_82 = tpu.memref_slice %arg12[%dma_wait3A_80, %dma_wait3A_81] : memref<320x128xf32, #tpu.memory_space<vmem>> -> memref<128x128xf32, #tpu.memory_space<vmem>>
      %dma_wait3A_83 = arith.constant 0 : i32
      %dma_wait3A_84 = tpu.memref_slice %arg7[%add3A_66, %dma_wait3A_83] : memref<10240x128xf32, #tpu.memory_space<vmem_shared>> -> memref<128x128xf32, #tpu.memory_space<vmem_shared>>
      %dma_wait3A_85 = arith.constant 0 : i32
      %dma_wait3A_86 = arith.constant 0 : i32
      %dma_wait3A_87 = tpu.memref_slice %arg12[%dma_wait3A_85, %dma_wait3A_86] : memref<320x128xf32, #tpu.memory_space<vmem>> -> memref<128x128xf32, #tpu.memory_space<vmem>>
      %dma_wait3A_88 = arith.constant 0 : i32
      %dma_wait3A_89 = tpu.memref_slice %arg7[%add3A_66, %dma_wait3A_88] : memref<10240x128xf32, #tpu.memory_space<vmem_shared>> -> memref<128x128xf32, #tpu.memory_space<vmem_shared>>
      tpu.wait_dma2 semaphore(%run_scoped3A : memref<!tpu.dma_semaphore, #tpu.memory_space<semaphore_mem>>) src(%dma_wait3A_89 : memref<128x128xf32, #tpu.memory_space<vmem_shared>>) dst(%dma_wait3A_87 : memref<128x128xf32, #tpu.memory_space<vmem>>)
      tpu.yield
    }) : () -> ()
    %mul3A_67 = arith.constant 10240 : i32
    %mul3A_68 = arith.muli %arg0, %mul3A_67 : i32
    %add3A_69 = arith.addi %mul3A_68, %add3A_66 : i32
    "tpu.region"() ({
      %run_scoped3A = tpu.sem_alloc : memref<!tpu.dma_semaphore, #tpu.memory_space<semaphore_mem>>
      %dma_start3A_70 = arith.constant 0 : i32
      %dma_start3A_71 = arith.constant 0 : i32
      %dma_start3A_72 = tpu.memref_slice %arg12[%dma_start3A_70, %dma_start3A_71] : memref<320x128xf32, #tpu.memory_space<vmem>> -> memref<128x128xf32, #tpu.memory_space<vmem>>
      %dma_start3A_73 = arith.constant 0 : i32
      %dma_start3A_74 = tpu.memref_slice %arg6[%add3A_69, %dma_start3A_73] : memref<20480x128xf32, #tpu.memory_space<hbm>> -> memref<128x128xf32, #tpu.memory_space<hbm>>
      %dma_start3A_75 = arith.constant 0 : i32
      %dma_start3A_76 = tpu.memref_slice %arg6[%add3A_69, %dma_start3A_75] : memref<20480x128xf32, #tpu.memory_space<hbm>> -> memref<128x128xf32, #tpu.memory_space<hbm>>
      %dma_start3A_77 = arith.constant 0 : i32
      %dma_start3A_78 = arith.constant 0 : i32
      %dma_start3A_79 = tpu.memref_slice %arg12[%dma_start3A_77, %dma_start3A_78] : memref<320x128xf32, #tpu.memory_space<vmem>> -> memref<128x128xf32, #tpu.memory_space<vmem>>
      tpu.enqueue_dma source(%dma_start3A_79 : memref<128x128xf32, #tpu.memory_space<vmem>>) target(%dma_start3A_76 : memref<128x128xf32, #tpu.memory_space<hbm>>) target_semaphore(%run_scoped3A : memref<!tpu.dma_semaphore, #tpu.memory_space<semaphore_mem>>)
      %dma_wait3A_80 = arith.constant 0 : i32
      %dma_wait3A_81 = arith.constant 0 : i32
      %dma_wait3A_82 = tpu.memref_slice %arg12[%dma_wait3A_80, %dma_wait3A_81] : memref<320x128xf32, #tpu.memory_space<vmem>> -> memref<128x128xf32, #tpu.memory_space<vmem>>
      %dma_wait3A_83 = arith.constant 0 : i32
      %dma_wait3A_84 = tpu.memref_slice %arg6[%add3A_69, %dma_wait3A_83] : memref<20480x128xf32, #tpu.memory_space<hbm>> -> memref<128x128xf32, #tpu.memory_space<hbm>>
      %dma_wait3A_85 = arith.constant 0 : i32
      %dma_wait3A_86 = tpu.memref_slice %arg6[%add3A_69, %dma_wait3A_85] : memref<20480x128xf32, #tpu.memory_space<hbm>> -> memref<128x128xf32, #tpu.memory_space<hbm>>
      %dma_wait3A_87 = arith.constant 0 : i32
      %dma_wait3A_88 = arith.constant 0 : i32
      %dma_wait3A_89 = tpu.memref_slice %arg12[%dma_wait3A_87, %dma_wait3A_88] : memref<320x128xf32, #tpu.memory_space<vmem>> -> memref<128x128xf32, #tpu.memory_space<vmem>>
      tpu.wait_dma2 semaphore(%run_scoped3A : memref<!tpu.dma_semaphore, #tpu.memory_space<semaphore_mem>>) src(%dma_wait3A_89 : memref<128x128xf32, #tpu.memory_space<vmem>>) dst(%dma_wait3A_86 : memref<128x128xf32, #tpu.memory_space<hbm>>)
      tpu.yield
    }) : () -> ()
    return
  }
}

#map = affine_map<(d0, d1) -> (0, 0)>
#map1 = affine_map<(d0, d1) -> (0)>
module attributes {stable_mosaic.version = 14 : i64} {
  func.func @_sc_scatter(%arg0: i32, %arg1: i32, %arg2: memref<20480x128xf32, #tpu.memory_space<hbm>>, %arg3: memref<327680xi32, #tpu.memory_space<hbm>>, %arg4: memref<327680xi32, #tpu.memory_space<hbm>>, %arg5: memref<640x128xf32, #tpu.memory_space<hbm>>, %arg6: memref<20480x128xf32, #tpu.memory_space<hbm>>, %arg7: memref<10240x128xf32, #tpu.memory_space<vmem_shared>>, %arg8: memref<320xi32, #tpu.memory_space<vmem>>, %arg9: memref<320xi32, #tpu.memory_space<vmem>>, %arg10: memref<320xi32, #tpu.memory_space<vmem>>, %arg11: memref<320xi32, #tpu.memory_space<vmem>>, %arg12: memref<320x128xf32, #tpu.memory_space<vmem>>, %arg13: memref<!tpu.dma_semaphore, #tpu.memory_space<semaphore_mem>>, %arg14: memref<!tpu.dma_semaphore, #tpu.memory_space<semaphore_mem>>, %arg15: memref<!tpu.dma_semaphore, #tpu.memory_space<semaphore_mem>>) attributes {dimension_semantics = [#tpu.dimension_semantics<core_parallel>, #tpu.dimension_semantics<subcore_parallel>], iteration_bounds = array<i64: 2, 16>, scalar_prefetch = 0 : i64, scratch_operands = 9 : i64, tpu.core_type = #tpu.core_type<sc_vector_subcore>, window_params = [{transform_indices = #map}, {transform_indices = #map1}, {transform_indices = #map1}, {transform_indices = #map}, {transform_indices = #map}]} {
    %mul3A = arith.constant 640 : i32
    %mul3A_0 = arith.muli %arg1, %mul3A : i32
    %mul3A_1 = arith.constant 163840 : i32
    %mul3A_2 = arith.muli %arg0, %mul3A_1 : i32
    %mul3A_3 = arith.constant 10240 : i32
    %mul3A_4 = arith.muli %arg1, %mul3A_3 : i32
    %add3A = arith.addi %mul3A_2, %mul3A_4 : i32
    %add3A_5 = arith.constant 0 : i32
    %add3A_6 = arith.addi %add3A, %add3A_5 : i32
    %dma_start3A = tpu.memref_slice %arg3[%add3A_6] : memref<327680xi32, #tpu.memory_space<hbm>> -> memref<320xi32, #tpu.memory_space<hbm>>
    %dma_start3A_7 = tpu.memref_slice %arg3[%add3A_6] : memref<327680xi32, #tpu.memory_space<hbm>> -> memref<320xi32, #tpu.memory_space<hbm>>
    tpu.enqueue_dma source(%dma_start3A_7 : memref<320xi32, #tpu.memory_space<hbm>>) target(%arg8 : memref<320xi32, #tpu.memory_space<vmem>>) target_semaphore(%arg14 : memref<!tpu.dma_semaphore, #tpu.memory_space<semaphore_mem>>)
    %dma_start3A_8 = tpu.memref_slice %arg4[%add3A_6] : memref<327680xi32, #tpu.memory_space<hbm>> -> memref<320xi32, #tpu.memory_space<hbm>>
    %dma_start3A_9 = tpu.memref_slice %arg4[%add3A_6] : memref<327680xi32, #tpu.memory_space<hbm>> -> memref<320xi32, #tpu.memory_space<hbm>>
    tpu.enqueue_dma source(%dma_start3A_9 : memref<320xi32, #tpu.memory_space<hbm>>) target(%arg9 : memref<320xi32, #tpu.memory_space<vmem>>) target_semaphore(%arg14 : memref<!tpu.dma_semaphore, #tpu.memory_space<semaphore_mem>>)
    "tpu.region"() ({
      %run_scoped3A = tpu.sem_alloc : memref<!tpu.dma_semaphore, #tpu.memory_space<semaphore_mem>>
      %dma_start3A_70 = arith.constant 0 : i32
      %dma_start3A_71 = tpu.memref_slice %arg7[%mul3A_0, %dma_start3A_70] : memref<10240x128xf32, #tpu.memory_space<vmem_shared>> -> memref<640x128xf32, #tpu.memory_space<vmem_shared>>
      tpu.enqueue_dma source(%arg5 : memref<640x128xf32, #tpu.memory_space<hbm>>) target(%dma_start3A_71 : memref<640x128xf32, #tpu.memory_space<vmem_shared>>) target_semaphore(%run_scoped3A : memref<!tpu.dma_semaphore, #tpu.memory_space<semaphore_mem>>)
      %dma_wait3A_72 = arith.constant 0 : i32
      %dma_wait3A_73 = tpu.memref_slice %arg7[%mul3A_0, %dma_wait3A_72] : memref<10240x128xf32, #tpu.memory_space<vmem_shared>> -> memref<640x128xf32, #tpu.memory_space<vmem_shared>>
      tpu.wait_dma2 semaphore(%run_scoped3A : memref<!tpu.dma_semaphore, #tpu.memory_space<semaphore_mem>>) src(%arg5 : memref<640x128xf32, #tpu.memory_space<hbm>>) dst(%dma_wait3A_73 : memref<640x128xf32, #tpu.memory_space<vmem_shared>>)
      tpu.yield
    }) : () -> ()
    %barrier3A = arith.constant 0 : index
    tpu.barrier barrier_id(%barrier3A)
    %scan3A = arith.constant 0 : i32
    %scan3A_10 = arith.constant 0 : i32
    %scan3A_11 = arith.constant 15 : i32
    %scan3A_12 = arith.addi %scan3A_10, %scan3A_11 : i32
    %scan3A_13 = arith.constant 1 : i32
    scf.for %scan3A_70 = %scan3A_10 to %scan3A_12 step %scan3A_13  : i32 {
      %mul3A_71 = arith.constant 2 : i32
      %mul3A_72 = arith.muli %scan3A_70, %mul3A_71 : i32
      %add3A_73 = arith.constant 0 : i32
      %add3A_74 = arith.addi %mul3A_72, %add3A_73 : i32
      %add3A_75 = arith.constant 1 : i32
      %add3A_76 = arith.addi %add3A_74, %add3A_75 : i32
      %mul3A_77 = arith.constant 320 : i32
      %mul3A_78 = arith.muli %add3A_76, %mul3A_77 : i32
      %add3A_79 = arith.addi %add3A, %mul3A_78 : i32
      %dma_start3A_80 = tpu.memref_slice %arg3[%add3A_79] : memref<327680xi32, #tpu.memory_space<hbm>> -> memref<320xi32, #tpu.memory_space<hbm>>
      %dma_start3A_81 = tpu.memref_slice %arg3[%add3A_79] : memref<327680xi32, #tpu.memory_space<hbm>> -> memref<320xi32, #tpu.memory_space<hbm>>
      tpu.enqueue_dma source(%dma_start3A_81 : memref<320xi32, #tpu.memory_space<hbm>>) target(%arg10 : memref<320xi32, #tpu.memory_space<vmem>>) target_semaphore(%arg15 : memref<!tpu.dma_semaphore, #tpu.memory_space<semaphore_mem>>)
      %dma_start3A_82 = tpu.memref_slice %arg4[%add3A_79] : memref<327680xi32, #tpu.memory_space<hbm>> -> memref<320xi32, #tpu.memory_space<hbm>>
      %dma_start3A_83 = tpu.memref_slice %arg4[%add3A_79] : memref<327680xi32, #tpu.memory_space<hbm>> -> memref<320xi32, #tpu.memory_space<hbm>>
      tpu.enqueue_dma source(%dma_start3A_83 : memref<320xi32, #tpu.memory_space<hbm>>) target(%arg11 : memref<320xi32, #tpu.memory_space<vmem>>) target_semaphore(%arg15 : memref<!tpu.dma_semaphore, #tpu.memory_space<semaphore_mem>>)
      %add3A_84 = arith.constant 0 : i32
      %add3A_85 = arith.addi %mul3A_72, %add3A_84 : i32
      %mul3A_86 = arith.constant 320 : i32
      %mul3A_87 = arith.muli %add3A_85, %mul3A_86 : i32
      %add3A_88 = arith.addi %add3A, %mul3A_87 : i32
      %dma_wait3A_89 = tpu.memref_slice %arg3[%add3A_88] : memref<327680xi32, #tpu.memory_space<hbm>> -> memref<320xi32, #tpu.memory_space<hbm>>
      %dma_wait3A_90 = tpu.memref_slice %arg3[%add3A_88] : memref<327680xi32, #tpu.memory_space<hbm>> -> memref<320xi32, #tpu.memory_space<hbm>>
      tpu.wait_dma2 semaphore(%arg14 : memref<!tpu.dma_semaphore, #tpu.memory_space<semaphore_mem>>) src(%dma_wait3A_90 : memref<320xi32, #tpu.memory_space<hbm>>) dst(%arg8 : memref<320xi32, #tpu.memory_space<vmem>>)
      %dma_wait3A_91 = tpu.memref_slice %arg4[%add3A_88] : memref<327680xi32, #tpu.memory_space<hbm>> -> memref<320xi32, #tpu.memory_space<hbm>>
      %dma_wait3A_92 = tpu.memref_slice %arg4[%add3A_88] : memref<327680xi32, #tpu.memory_space<hbm>> -> memref<320xi32, #tpu.memory_space<hbm>>
      tpu.wait_dma2 semaphore(%arg14 : memref<!tpu.dma_semaphore, #tpu.memory_space<semaphore_mem>>) src(%dma_wait3A_92 : memref<320xi32, #tpu.memory_space<hbm>>) dst(%arg9 : memref<320xi32, #tpu.memory_space<vmem>>)
      %add3A_93 = arith.constant 0 : i32
      %add3A_94 = arith.addi %mul3A_72, %add3A_93 : i32
      %dma_start3A_95 = arith.constant 0 : i32
      %dma_start3A_96 = arith.constant 0 : i32
      %dma_start3A_97 = tpu.memref_slice %arg2[%dma_start3A_95, %dma_start3A_96] : memref<20480x128xf32, #tpu.memory_space<hbm>> -> memref<20480x128xf32, #tpu.memory_space<hbm>>
      tpu.enqueue_indirect_dma source(%dma_start3A_97 : memref<20480x128xf32, #tpu.memory_space<hbm>>) target(%arg12 : memref<320x128xf32, #tpu.memory_space<vmem>>) offsets(%arg8 : memref<320xi32, #tpu.memory_space<vmem>>) semaphore(%arg13 : memref<!tpu.dma_semaphore, #tpu.memory_space<semaphore_mem>>)
      %dma_wait3A_98 = arith.constant 0 : i32
      %dma_wait3A_99 = arith.constant 0 : i32
      %dma_wait3A_100 = tpu.memref_slice %arg2[%dma_wait3A_98, %dma_wait3A_99] : memref<20480x128xf32, #tpu.memory_space<hbm>> -> memref<20480x128xf32, #tpu.memory_space<hbm>>
      tpu.wait_indirect_dma semaphore(%arg13 : memref<!tpu.dma_semaphore, #tpu.memory_space<semaphore_mem>>) src(%dma_wait3A_100 : memref<20480x128xf32, #tpu.memory_space<hbm>>) dst(%arg12 : memref<320x128xf32, #tpu.memory_space<vmem>>)
      "tpu.region"() ({
        %run_scoped3A = tpu.sem_alloc : memref<!tpu.dma_semaphore, #tpu.memory_space<semaphore_mem>>
        %dma_start3A_129 = arith.constant 0 : i32
        %dma_start3A_130 = arith.constant 0 : i32
        %dma_start3A_131 = tpu.memref_slice %arg7[%dma_start3A_129, %dma_start3A_130] : memref<10240x128xf32, #tpu.memory_space<vmem_shared>> -> memref<10240x128xf32, #tpu.memory_space<vmem_shared>>
        tpu.enqueue_indirect_dma source(%arg12 : memref<320x128xf32, #tpu.memory_space<vmem>>) target(%dma_start3A_131 : memref<10240x128xf32, #tpu.memory_space<vmem_shared>>) offsets(%arg9 : memref<320xi32, #tpu.memory_space<vmem>>) semaphore(%run_scoped3A : memref<!tpu.dma_semaphore, #tpu.memory_space<semaphore_mem>>) {add = true}
        %dma_wait3A_132 = arith.constant 0 : i32
        %dma_wait3A_133 = arith.constant 0 : i32
        %dma_wait3A_134 = tpu.memref_slice %arg7[%dma_wait3A_132, %dma_wait3A_133] : memref<10240x128xf32, #tpu.memory_space<vmem_shared>> -> memref<10240x128xf32, #tpu.memory_space<vmem_shared>>
        tpu.wait_indirect_dma semaphore(%run_scoped3A : memref<!tpu.dma_semaphore, #tpu.memory_space<semaphore_mem>>) src(%arg12 : memref<320x128xf32, #tpu.memory_space<vmem>>) dst(%dma_wait3A_134 : memref<10240x128xf32, #tpu.memory_space<vmem_shared>>)
        tpu.yield
      }) : () -> ()
      %add3A_101 = arith.constant 1 : i32
      %add3A_102 = arith.addi %mul3A_72, %add3A_101 : i32
      %add3A_103 = arith.constant 1 : i32
      %add3A_104 = arith.addi %add3A_102, %add3A_103 : i32
      %mul3A_105 = arith.constant 320 : i32
      %mul3A_106 = arith.muli %add3A_104, %mul3A_105 : i32
      %add3A_107 = arith.addi %add3A, %mul3A_106 : i32
      %dma_start3A_108 = tpu.memref_slice %arg3[%add3A_107] : memref<327680xi32, #tpu.memory_space<hbm>> -> memref<320xi32, #tpu.memory_space<hbm>>
      %dma_start3A_109 = tpu.memref_slice %arg3[%add3A_107] : memref<327680xi32, #tpu.memory_space<hbm>> -> memref<320xi32, #tpu.memory_space<hbm>>
      tpu.enqueue_dma source(%dma_start3A_109 : memref<320xi32, #tpu.memory_space<hbm>>) target(%arg8 : memref<320xi32, #tpu.memory_space<vmem>>) target_semaphore(%arg14 : memref<!tpu.dma_semaphore, #tpu.memory_space<semaphore_mem>>)
      %dma_start3A_110 = tpu.memref_slice %arg4[%add3A_107] : memref<327680xi32, #tpu.memory_space<hbm>> -> memref<320xi32, #tpu.memory_space<hbm>>
      %dma_start3A_111 = tpu.memref_slice %arg4[%add3A_107] : memref<327680xi32, #tpu.memory_space<hbm>> -> memref<320xi32, #tpu.memory_space<hbm>>
      tpu.enqueue_dma source(%dma_start3A_111 : memref<320xi32, #tpu.memory_space<hbm>>) target(%arg9 : memref<320xi32, #tpu.memory_space<vmem>>) target_semaphore(%arg14 : memref<!tpu.dma_semaphore, #tpu.memory_space<semaphore_mem>>)
      %add3A_112 = arith.constant 1 : i32
      %add3A_113 = arith.addi %mul3A_72, %add3A_112 : i32
      %mul3A_114 = arith.constant 320 : i32
      %mul3A_115 = arith.muli %add3A_113, %mul3A_114 : i32
      %add3A_116 = arith.addi %add3A, %mul3A_115 : i32
      %dma_wait3A_117 = tpu.memref_slice %arg3[%add3A_116] : memref<327680xi32, #tpu.memory_space<hbm>> -> memref<320xi32, #tpu.memory_space<hbm>>
      %dma_wait3A_118 = tpu.memref_slice %arg3[%add3A_116] : memref<327680xi32, #tpu.memory_space<hbm>> -> memref<320xi32, #tpu.memory_space<hbm>>
      tpu.wait_dma2 semaphore(%arg15 : memref<!tpu.dma_semaphore, #tpu.memory_space<semaphore_mem>>) src(%dma_wait3A_118 : memref<320xi32, #tpu.memory_space<hbm>>) dst(%arg10 : memref<320xi32, #tpu.memory_space<vmem>>)
      %dma_wait3A_119 = tpu.memref_slice %arg4[%add3A_116] : memref<327680xi32, #tpu.memory_space<hbm>> -> memref<320xi32, #tpu.memory_space<hbm>>
      %dma_wait3A_120 = tpu.memref_slice %arg4[%add3A_116] : memref<327680xi32, #tpu.memory_space<hbm>> -> memref<320xi32, #tpu.memory_space<hbm>>
      tpu.wait_dma2 semaphore(%arg15 : memref<!tpu.dma_semaphore, #tpu.memory_space<semaphore_mem>>) src(%dma_wait3A_120 : memref<320xi32, #tpu.memory_space<hbm>>) dst(%arg11 : memref<320xi32, #tpu.memory_space<vmem>>)
      %add3A_121 = arith.constant 1 : i32
      %add3A_122 = arith.addi %mul3A_72, %add3A_121 : i32
      %dma_start3A_123 = arith.constant 0 : i32
      %dma_start3A_124 = arith.constant 0 : i32
      %dma_start3A_125 = tpu.memref_slice %arg2[%dma_start3A_123, %dma_start3A_124] : memref<20480x128xf32, #tpu.memory_space<hbm>> -> memref<20480x128xf32, #tpu.memory_space<hbm>>
      tpu.enqueue_indirect_dma source(%dma_start3A_125 : memref<20480x128xf32, #tpu.memory_space<hbm>>) target(%arg12 : memref<320x128xf32, #tpu.memory_space<vmem>>) offsets(%arg10 : memref<320xi32, #tpu.memory_space<vmem>>) semaphore(%arg13 : memref<!tpu.dma_semaphore, #tpu.memory_space<semaphore_mem>>)
      %dma_wait3A_126 = arith.constant 0 : i32
      %dma_wait3A_127 = arith.constant 0 : i32
      %dma_wait3A_128 = tpu.memref_slice %arg2[%dma_wait3A_126, %dma_wait3A_127] : memref<20480x128xf32, #tpu.memory_space<hbm>> -> memref<20480x128xf32, #tpu.memory_space<hbm>>
      tpu.wait_indirect_dma semaphore(%arg13 : memref<!tpu.dma_semaphore, #tpu.memory_space<semaphore_mem>>) src(%dma_wait3A_128 : memref<20480x128xf32, #tpu.memory_space<hbm>>) dst(%arg12 : memref<320x128xf32, #tpu.memory_space<vmem>>)
      "tpu.region"() ({
        %run_scoped3A = tpu.sem_alloc : memref<!tpu.dma_semaphore, #tpu.memory_space<semaphore_mem>>
        %dma_start3A_129 = arith.constant 0 : i32
        %dma_start3A_130 = arith.constant 0 : i32
        %dma_start3A_131 = tpu.memref_slice %arg7[%dma_start3A_129, %dma_start3A_130] : memref<10240x128xf32, #tpu.memory_space<vmem_shared>> -> memref<10240x128xf32, #tpu.memory_space<vmem_shared>>
        tpu.enqueue_indirect_dma source(%arg12 : memref<320x128xf32, #tpu.memory_space<vmem>>) target(%dma_start3A_131 : memref<10240x128xf32, #tpu.memory_space<vmem_shared>>) offsets(%arg11 : memref<320xi32, #tpu.memory_space<vmem>>) semaphore(%run_scoped3A : memref<!tpu.dma_semaphore, #tpu.memory_space<semaphore_mem>>) {add = true}
        %dma_wait3A_132 = arith.constant 0 : i32
        %dma_wait3A_133 = arith.constant 0 : i32
        %dma_wait3A_134 = tpu.memref_slice %arg7[%dma_wait3A_132, %dma_wait3A_133] : memref<10240x128xf32, #tpu.memory_space<vmem_shared>> -> memref<10240x128xf32, #tpu.memory_space<vmem_shared>>
        tpu.wait_indirect_dma semaphore(%run_scoped3A : memref<!tpu.dma_semaphore, #tpu.memory_space<semaphore_mem>>) src(%arg12 : memref<320x128xf32, #tpu.memory_space<vmem>>) dst(%dma_wait3A_134 : memref<10240x128xf32, #tpu.memory_space<vmem_shared>>)
        tpu.yield
      }) : () -> ()
    }
    %scan3A_14 = arith.constant 15 : i32
    %add3A_15 = arith.constant 9920 : i32
    %add3A_16 = arith.addi %add3A, %add3A_15 : i32
    %dma_start3A_17 = tpu.memref_slice %arg3[%add3A_16] : memref<327680xi32, #tpu.memory_space<hbm>> -> memref<320xi32, #tpu.memory_space<hbm>>
    %dma_start3A_18 = tpu.memref_slice %arg3[%add3A_16] : memref<327680xi32, #tpu.memory_space<hbm>> -> memref<320xi32, #tpu.memory_space<hbm>>
    tpu.enqueue_dma source(%dma_start3A_18 : memref<320xi32, #tpu.memory_space<hbm>>) target(%arg10 : memref<320xi32, #tpu.memory_space<vmem>>) target_semaphore(%arg15 : memref<!tpu.dma_semaphore, #tpu.memory_space<semaphore_mem>>)
    %dma_start3A_19 = tpu.memref_slice %arg4[%add3A_16] : memref<327680xi32, #tpu.memory_space<hbm>> -> memref<320xi32, #tpu.memory_space<hbm>>
    %dma_start3A_20 = tpu.memref_slice %arg4[%add3A_16] : memref<327680xi32, #tpu.memory_space<hbm>> -> memref<320xi32, #tpu.memory_space<hbm>>
    tpu.enqueue_dma source(%dma_start3A_20 : memref<320xi32, #tpu.memory_space<hbm>>) target(%arg11 : memref<320xi32, #tpu.memory_space<vmem>>) target_semaphore(%arg15 : memref<!tpu.dma_semaphore, #tpu.memory_space<semaphore_mem>>)
    %add3A_21 = arith.constant 9600 : i32
    %add3A_22 = arith.addi %add3A, %add3A_21 : i32
    %dma_wait3A = tpu.memref_slice %arg3[%add3A_22] : memref<327680xi32, #tpu.memory_space<hbm>> -> memref<320xi32, #tpu.memory_space<hbm>>
    %dma_wait3A_23 = tpu.memref_slice %arg3[%add3A_22] : memref<327680xi32, #tpu.memory_space<hbm>> -> memref<320xi32, #tpu.memory_space<hbm>>
    tpu.wait_dma2 semaphore(%arg14 : memref<!tpu.dma_semaphore, #tpu.memory_space<semaphore_mem>>) src(%dma_wait3A_23 : memref<320xi32, #tpu.memory_space<hbm>>) dst(%arg8 : memref<320xi32, #tpu.memory_space<vmem>>)
    %dma_wait3A_24 = tpu.memref_slice %arg4[%add3A_22] : memref<327680xi32, #tpu.memory_space<hbm>> -> memref<320xi32, #tpu.memory_space<hbm>>
    %dma_wait3A_25 = tpu.memref_slice %arg4[%add3A_22] : memref<327680xi32, #tpu.memory_space<hbm>> -> memref<320xi32, #tpu.memory_space<hbm>>
    tpu.wait_dma2 semaphore(%arg14 : memref<!tpu.dma_semaphore, #tpu.memory_space<semaphore_mem>>) src(%dma_wait3A_25 : memref<320xi32, #tpu.memory_space<hbm>>) dst(%arg9 : memref<320xi32, #tpu.memory_space<vmem>>)
    %dma_start3A_26 = arith.constant 0 : i32
    %dma_start3A_27 = arith.constant 0 : i32
    %dma_start3A_28 = tpu.memref_slice %arg2[%dma_start3A_26, %dma_start3A_27] : memref<20480x128xf32, #tpu.memory_space<hbm>> -> memref<20480x128xf32, #tpu.memory_space<hbm>>
    tpu.enqueue_indirect_dma source(%dma_start3A_28 : memref<20480x128xf32, #tpu.memory_space<hbm>>) target(%arg12 : memref<320x128xf32, #tpu.memory_space<vmem>>) offsets(%arg8 : memref<320xi32, #tpu.memory_space<vmem>>) semaphore(%arg13 : memref<!tpu.dma_semaphore, #tpu.memory_space<semaphore_mem>>)
    %dma_wait3A_29 = arith.constant 0 : i32
    %dma_wait3A_30 = arith.constant 0 : i32
    %dma_wait3A_31 = tpu.memref_slice %arg2[%dma_wait3A_29, %dma_wait3A_30] : memref<20480x128xf32, #tpu.memory_space<hbm>> -> memref<20480x128xf32, #tpu.memory_space<hbm>>
    tpu.wait_indirect_dma semaphore(%arg13 : memref<!tpu.dma_semaphore, #tpu.memory_space<semaphore_mem>>) src(%dma_wait3A_31 : memref<20480x128xf32, #tpu.memory_space<hbm>>) dst(%arg12 : memref<320x128xf32, #tpu.memory_space<vmem>>)
    "tpu.region"() ({
      %run_scoped3A = tpu.sem_alloc : memref<!tpu.dma_semaphore, #tpu.memory_space<semaphore_mem>>
      %dma_start3A_70 = arith.constant 0 : i32
      %dma_start3A_71 = arith.constant 0 : i32
      %dma_start3A_72 = tpu.memref_slice %arg7[%dma_start3A_70, %dma_start3A_71] : memref<10240x128xf32, #tpu.memory_space<vmem_shared>> -> memref<10240x128xf32, #tpu.memory_space<vmem_shared>>
      tpu.enqueue_indirect_dma source(%arg12 : memref<320x128xf32, #tpu.memory_space<vmem>>) target(%dma_start3A_72 : memref<10240x128xf32, #tpu.memory_space<vmem_shared>>) offsets(%arg9 : memref<320xi32, #tpu.memory_space<vmem>>) semaphore(%run_scoped3A : memref<!tpu.dma_semaphore, #tpu.memory_space<semaphore_mem>>) {add = true}
      %dma_wait3A_73 = arith.constant 0 : i32
      %dma_wait3A_74 = arith.constant 0 : i32
      %dma_wait3A_75 = tpu.memref_slice %arg7[%dma_wait3A_73, %dma_wait3A_74] : memref<10240x128xf32, #tpu.memory_space<vmem_shared>> -> memref<10240x128xf32, #tpu.memory_space<vmem_shared>>
      tpu.wait_indirect_dma semaphore(%run_scoped3A : memref<!tpu.dma_semaphore, #tpu.memory_space<semaphore_mem>>) src(%arg12 : memref<320x128xf32, #tpu.memory_space<vmem>>) dst(%dma_wait3A_75 : memref<10240x128xf32, #tpu.memory_space<vmem_shared>>)
      tpu.yield
    }) : () -> ()
    %add3A_32 = arith.constant 9920 : i32
    %add3A_33 = arith.addi %add3A, %add3A_32 : i32
    %dma_wait3A_34 = tpu.memref_slice %arg3[%add3A_33] : memref<327680xi32, #tpu.memory_space<hbm>> -> memref<320xi32, #tpu.memory_space<hbm>>
    %dma_wait3A_35 = tpu.memref_slice %arg3[%add3A_33] : memref<327680xi32, #tpu.memory_space<hbm>> -> memref<320xi32, #tpu.memory_space<hbm>>
    tpu.wait_dma2 semaphore(%arg15 : memref<!tpu.dma_semaphore, #tpu.memory_space<semaphore_mem>>) src(%dma_wait3A_35 : memref<320xi32, #tpu.memory_space<hbm>>) dst(%arg10 : memref<320xi32, #tpu.memory_space<vmem>>)
    %dma_wait3A_36 = tpu.memref_slice %arg4[%add3A_33] : memref<327680xi32, #tpu.memory_space<hbm>> -> memref<320xi32, #tpu.memory_space<hbm>>
    %dma_wait3A_37 = tpu.memref_slice %arg4[%add3A_33] : memref<327680xi32, #tpu.memory_space<hbm>> -> memref<320xi32, #tpu.memory_space<hbm>>
    tpu.wait_dma2 semaphore(%arg15 : memref<!tpu.dma_semaphore, #tpu.memory_space<semaphore_mem>>) src(%dma_wait3A_37 : memref<320xi32, #tpu.memory_space<hbm>>) dst(%arg11 : memref<320xi32, #tpu.memory_space<vmem>>)
    %dma_start3A_38 = arith.constant 0 : i32
    %dma_start3A_39 = arith.constant 0 : i32
    %dma_start3A_40 = tpu.memref_slice %arg2[%dma_start3A_38, %dma_start3A_39] : memref<20480x128xf32, #tpu.memory_space<hbm>> -> memref<20480x128xf32, #tpu.memory_space<hbm>>
    tpu.enqueue_indirect_dma source(%dma_start3A_40 : memref<20480x128xf32, #tpu.memory_space<hbm>>) target(%arg12 : memref<320x128xf32, #tpu.memory_space<vmem>>) offsets(%arg10 : memref<320xi32, #tpu.memory_space<vmem>>) semaphore(%arg13 : memref<!tpu.dma_semaphore, #tpu.memory_space<semaphore_mem>>)
    %dma_wait3A_41 = arith.constant 0 : i32
    %dma_wait3A_42 = arith.constant 0 : i32
    %dma_wait3A_43 = tpu.memref_slice %arg2[%dma_wait3A_41, %dma_wait3A_42] : memref<20480x128xf32, #tpu.memory_space<hbm>> -> memref<20480x128xf32, #tpu.memory_space<hbm>>
    tpu.wait_indirect_dma semaphore(%arg13 : memref<!tpu.dma_semaphore, #tpu.memory_space<semaphore_mem>>) src(%dma_wait3A_43 : memref<20480x128xf32, #tpu.memory_space<hbm>>) dst(%arg12 : memref<320x128xf32, #tpu.memory_space<vmem>>)
    "tpu.region"() ({
      %run_scoped3A = tpu.sem_alloc : memref<!tpu.dma_semaphore, #tpu.memory_space<semaphore_mem>>
      %dma_start3A_70 = arith.constant 0 : i32
      %dma_start3A_71 = arith.constant 0 : i32
      %dma_start3A_72 = tpu.memref_slice %arg7[%dma_start3A_70, %dma_start3A_71] : memref<10240x128xf32, #tpu.memory_space<vmem_shared>> -> memref<10240x128xf32, #tpu.memory_space<vmem_shared>>
      tpu.enqueue_indirect_dma source(%arg12 : memref<320x128xf32, #tpu.memory_space<vmem>>) target(%dma_start3A_72 : memref<10240x128xf32, #tpu.memory_space<vmem_shared>>) offsets(%arg11 : memref<320xi32, #tpu.memory_space<vmem>>) semaphore(%run_scoped3A : memref<!tpu.dma_semaphore, #tpu.memory_space<semaphore_mem>>) {add = true}
      %dma_wait3A_73 = arith.constant 0 : i32
      %dma_wait3A_74 = arith.constant 0 : i32
      %dma_wait3A_75 = tpu.memref_slice %arg7[%dma_wait3A_73, %dma_wait3A_74] : memref<10240x128xf32, #tpu.memory_space<vmem_shared>> -> memref<10240x128xf32, #tpu.memory_space<vmem_shared>>
      tpu.wait_indirect_dma semaphore(%run_scoped3A : memref<!tpu.dma_semaphore, #tpu.memory_space<semaphore_mem>>) src(%arg12 : memref<320x128xf32, #tpu.memory_space<vmem>>) dst(%dma_wait3A_75 : memref<10240x128xf32, #tpu.memory_space<vmem_shared>>)
      tpu.yield
    }) : () -> ()
    %barrier3A_44 = arith.constant 0 : index
    tpu.barrier barrier_id(%barrier3A_44)
    %add3A_45 = arith.constant 0 : i32
    %add3A_46 = arith.addi %mul3A_0, %add3A_45 : i32
    "tpu.region"() ({
      %run_scoped3A = tpu.sem_alloc : memref<!tpu.dma_semaphore, #tpu.memory_space<semaphore_mem>>
      %dma_start3A_70 = arith.constant 0 : i32
      %dma_start3A_71 = arith.constant 0 : i32
      %dma_start3A_72 = tpu.memref_slice %arg12[%dma_start3A_70, %dma_start3A_71] : memref<320x128xf32, #tpu.memory_space<vmem>> -> memref<128x128xf32, #tpu.memory_space<vmem>>
      %dma_start3A_73 = arith.constant 0 : i32
      %dma_start3A_74 = tpu.memref_slice %arg7[%add3A_46, %dma_start3A_73] : memref<10240x128xf32, #tpu.memory_space<vmem_shared>> -> memref<128x128xf32, #tpu.memory_space<vmem_shared>>
      %dma_start3A_75 = arith.constant 0 : i32
      %dma_start3A_76 = arith.constant 0 : i32
      %dma_start3A_77 = tpu.memref_slice %arg12[%dma_start3A_75, %dma_start3A_76] : memref<320x128xf32, #tpu.memory_space<vmem>> -> memref<128x128xf32, #tpu.memory_space<vmem>>
      %dma_start3A_78 = arith.constant 0 : i32
      %dma_start3A_79 = tpu.memref_slice %arg7[%add3A_46, %dma_start3A_78] : memref<10240x128xf32, #tpu.memory_space<vmem_shared>> -> memref<128x128xf32, #tpu.memory_space<vmem_shared>>
      tpu.enqueue_dma source(%dma_start3A_79 : memref<128x128xf32, #tpu.memory_space<vmem_shared>>) target(%dma_start3A_77 : memref<128x128xf32, #tpu.memory_space<vmem>>) target_semaphore(%run_scoped3A : memref<!tpu.dma_semaphore, #tpu.memory_space<semaphore_mem>>)
      %dma_wait3A_80 = arith.constant 0 : i32
      %dma_wait3A_81 = arith.constant 0 : i32
      %dma_wait3A_82 = tpu.memref_slice %arg12[%dma_wait3A_80, %dma_wait3A_81] : memref<320x128xf32, #tpu.memory_space<vmem>> -> memref<128x128xf32, #tpu.memory_space<vmem>>
      %dma_wait3A_83 = arith.constant 0 : i32
      %dma_wait3A_84 = tpu.memref_slice %arg7[%add3A_46, %dma_wait3A_83] : memref<10240x128xf32, #tpu.memory_space<vmem_shared>> -> memref<128x128xf32, #tpu.memory_space<vmem_shared>>
      %dma_wait3A_85 = arith.constant 0 : i32
      %dma_wait3A_86 = arith.constant 0 : i32
      %dma_wait3A_87 = tpu.memref_slice %arg12[%dma_wait3A_85, %dma_wait3A_86] : memref<320x128xf32, #tpu.memory_space<vmem>> -> memref<128x128xf32, #tpu.memory_space<vmem>>
      %dma_wait3A_88 = arith.constant 0 : i32
      %dma_wait3A_89 = tpu.memref_slice %arg7[%add3A_46, %dma_wait3A_88] : memref<10240x128xf32, #tpu.memory_space<vmem_shared>> -> memref<128x128xf32, #tpu.memory_space<vmem_shared>>
      tpu.wait_dma2 semaphore(%run_scoped3A : memref<!tpu.dma_semaphore, #tpu.memory_space<semaphore_mem>>) src(%dma_wait3A_89 : memref<128x128xf32, #tpu.memory_space<vmem_shared>>) dst(%dma_wait3A_87 : memref<128x128xf32, #tpu.memory_space<vmem>>)
      tpu.yield
    }) : () -> ()
    %mul3A_47 = arith.constant 10240 : i32
    %mul3A_48 = arith.muli %arg0, %mul3A_47 : i32
    %add3A_49 = arith.addi %mul3A_48, %add3A_46 : i32
    "tpu.region"() ({
      %run_scoped3A = tpu.sem_alloc : memref<!tpu.dma_semaphore, #tpu.memory_space<semaphore_mem>>
      %dma_start3A_70 = arith.constant 0 : i32
      %dma_start3A_71 = arith.constant 0 : i32
      %dma_start3A_72 = tpu.memref_slice %arg12[%dma_start3A_70, %dma_start3A_71] : memref<320x128xf32, #tpu.memory_space<vmem>> -> memref<128x128xf32, #tpu.memory_space<vmem>>
      %dma_start3A_73 = arith.constant 0 : i32
      %dma_start3A_74 = tpu.memref_slice %arg6[%add3A_49, %dma_start3A_73] : memref<20480x128xf32, #tpu.memory_space<hbm>> -> memref<128x128xf32, #tpu.memory_space<hbm>>
      %dma_start3A_75 = arith.constant 0 : i32
      %dma_start3A_76 = tpu.memref_slice %arg6[%add3A_49, %dma_start3A_75] : memref<20480x128xf32, #tpu.memory_space<hbm>> -> memref<128x128xf32, #tpu.memory_space<hbm>>
      %dma_start3A_77 = arith.constant 0 : i32
      %dma_start3A_78 = arith.constant 0 : i32
      %dma_start3A_79 = tpu.memref_slice %arg12[%dma_start3A_77, %dma_start3A_78] : memref<320x128xf32, #tpu.memory_space<vmem>> -> memref<128x128xf32, #tpu.memory_space<vmem>>
      tpu.enqueue_dma source(%dma_start3A_79 : memref<128x128xf32, #tpu.memory_space<vmem>>) target(%dma_start3A_76 : memref<128x128xf32, #tpu.memory_space<hbm>>) target_semaphore(%run_scoped3A : memref<!tpu.dma_semaphore, #tpu.memory_space<semaphore_mem>>)
      %dma_wait3A_80 = arith.constant 0 : i32
      %dma_wait3A_81 = arith.constant 0 : i32
      %dma_wait3A_82 = tpu.memref_slice %arg12[%dma_wait3A_80, %dma_wait3A_81] : memref<320x128xf32, #tpu.memory_space<vmem>> -> memref<128x128xf32, #tpu.memory_space<vmem>>
      %dma_wait3A_83 = arith.constant 0 : i32
      %dma_wait3A_84 = tpu.memref_slice %arg6[%add3A_49, %dma_wait3A_83] : memref<20480x128xf32, #tpu.memory_space<hbm>> -> memref<128x128xf32, #tpu.memory_space<hbm>>
      %dma_wait3A_85 = arith.constant 0 : i32
      %dma_wait3A_86 = tpu.memref_slice %arg6[%add3A_49, %dma_wait3A_85] : memref<20480x128xf32, #tpu.memory_space<hbm>> -> memref<128x128xf32, #tpu.memory_space<hbm>>
      %dma_wait3A_87 = arith.constant 0 : i32
      %dma_wait3A_88 = arith.constant 0 : i32
      %dma_wait3A_89 = tpu.memref_slice %arg12[%dma_wait3A_87, %dma_wait3A_88] : memref<320x128xf32, #tpu.memory_space<vmem>> -> memref<128x128xf32, #tpu.memory_space<vmem>>
      tpu.wait_dma2 semaphore(%run_scoped3A : memref<!tpu.dma_semaphore, #tpu.memory_space<semaphore_mem>>) src(%dma_wait3A_89 : memref<128x128xf32, #tpu.memory_space<vmem>>) dst(%dma_wait3A_86 : memref<128x128xf32, #tpu.memory_space<hbm>>)
      tpu.yield
    }) : () -> ()
    %add3A_50 = arith.constant 128 : i32
    %add3A_51 = arith.addi %mul3A_0, %add3A_50 : i32
    "tpu.region"() ({
      %run_scoped3A = tpu.sem_alloc : memref<!tpu.dma_semaphore, #tpu.memory_space<semaphore_mem>>
      %dma_start3A_70 = arith.constant 0 : i32
      %dma_start3A_71 = arith.constant 0 : i32
      %dma_start3A_72 = tpu.memref_slice %arg12[%dma_start3A_70, %dma_start3A_71] : memref<320x128xf32, #tpu.memory_space<vmem>> -> memref<128x128xf32, #tpu.memory_space<vmem>>
      %dma_start3A_73 = arith.constant 0 : i32
      %dma_start3A_74 = tpu.memref_slice %arg7[%add3A_51, %dma_start3A_73] : memref<10240x128xf32, #tpu.memory_space<vmem_shared>> -> memref<128x128xf32, #tpu.memory_space<vmem_shared>>
      %dma_start3A_75 = arith.constant 0 : i32
      %dma_start3A_76 = arith.constant 0 : i32
      %dma_start3A_77 = tpu.memref_slice %arg12[%dma_start3A_75, %dma_start3A_76] : memref<320x128xf32, #tpu.memory_space<vmem>> -> memref<128x128xf32, #tpu.memory_space<vmem>>
      %dma_start3A_78 = arith.constant 0 : i32
      %dma_start3A_79 = tpu.memref_slice %arg7[%add3A_51, %dma_start3A_78] : memref<10240x128xf32, #tpu.memory_space<vmem_shared>> -> memref<128x128xf32, #tpu.memory_space<vmem_shared>>
      tpu.enqueue_dma source(%dma_start3A_79 : memref<128x128xf32, #tpu.memory_space<vmem_shared>>) target(%dma_start3A_77 : memref<128x128xf32, #tpu.memory_space<vmem>>) target_semaphore(%run_scoped3A : memref<!tpu.dma_semaphore, #tpu.memory_space<semaphore_mem>>)
      %dma_wait3A_80 = arith.constant 0 : i32
      %dma_wait3A_81 = arith.constant 0 : i32
      %dma_wait3A_82 = tpu.memref_slice %arg12[%dma_wait3A_80, %dma_wait3A_81] : memref<320x128xf32, #tpu.memory_space<vmem>> -> memref<128x128xf32, #tpu.memory_space<vmem>>
      %dma_wait3A_83 = arith.constant 0 : i32
      %dma_wait3A_84 = tpu.memref_slice %arg7[%add3A_51, %dma_wait3A_83] : memref<10240x128xf32, #tpu.memory_space<vmem_shared>> -> memref<128x128xf32, #tpu.memory_space<vmem_shared>>
      %dma_wait3A_85 = arith.constant 0 : i32
      %dma_wait3A_86 = arith.constant 0 : i32
      %dma_wait3A_87 = tpu.memref_slice %arg12[%dma_wait3A_85, %dma_wait3A_86] : memref<320x128xf32, #tpu.memory_space<vmem>> -> memref<128x128xf32, #tpu.memory_space<vmem>>
      %dma_wait3A_88 = arith.constant 0 : i32
      %dma_wait3A_89 = tpu.memref_slice %arg7[%add3A_51, %dma_wait3A_88] : memref<10240x128xf32, #tpu.memory_space<vmem_shared>> -> memref<128x128xf32, #tpu.memory_space<vmem_shared>>
      tpu.wait_dma2 semaphore(%run_scoped3A : memref<!tpu.dma_semaphore, #tpu.memory_space<semaphore_mem>>) src(%dma_wait3A_89 : memref<128x128xf32, #tpu.memory_space<vmem_shared>>) dst(%dma_wait3A_87 : memref<128x128xf32, #tpu.memory_space<vmem>>)
      tpu.yield
    }) : () -> ()
    %mul3A_52 = arith.constant 10240 : i32
    %mul3A_53 = arith.muli %arg0, %mul3A_52 : i32
    %add3A_54 = arith.addi %mul3A_53, %add3A_51 : i32
    "tpu.region"() ({
      %run_scoped3A = tpu.sem_alloc : memref<!tpu.dma_semaphore, #tpu.memory_space<semaphore_mem>>
      %dma_start3A_70 = arith.constant 0 : i32
      %dma_start3A_71 = arith.constant 0 : i32
      %dma_start3A_72 = tpu.memref_slice %arg12[%dma_start3A_70, %dma_start3A_71] : memref<320x128xf32, #tpu.memory_space<vmem>> -> memref<128x128xf32, #tpu.memory_space<vmem>>
      %dma_start3A_73 = arith.constant 0 : i32
      %dma_start3A_74 = tpu.memref_slice %arg6[%add3A_54, %dma_start3A_73] : memref<20480x128xf32, #tpu.memory_space<hbm>> -> memref<128x128xf32, #tpu.memory_space<hbm>>
      %dma_start3A_75 = arith.constant 0 : i32
      %dma_start3A_76 = tpu.memref_slice %arg6[%add3A_54, %dma_start3A_75] : memref<20480x128xf32, #tpu.memory_space<hbm>> -> memref<128x128xf32, #tpu.memory_space<hbm>>
      %dma_start3A_77 = arith.constant 0 : i32
      %dma_start3A_78 = arith.constant 0 : i32
      %dma_start3A_79 = tpu.memref_slice %arg12[%dma_start3A_77, %dma_start3A_78] : memref<320x128xf32, #tpu.memory_space<vmem>> -> memref<128x128xf32, #tpu.memory_space<vmem>>
      tpu.enqueue_dma source(%dma_start3A_79 : memref<128x128xf32, #tpu.memory_space<vmem>>) target(%dma_start3A_76 : memref<128x128xf32, #tpu.memory_space<hbm>>) target_semaphore(%run_scoped3A : memref<!tpu.dma_semaphore, #tpu.memory_space<semaphore_mem>>)
      %dma_wait3A_80 = arith.constant 0 : i32
      %dma_wait3A_81 = arith.constant 0 : i32
      %dma_wait3A_82 = tpu.memref_slice %arg12[%dma_wait3A_80, %dma_wait3A_81] : memref<320x128xf32, #tpu.memory_space<vmem>> -> memref<128x128xf32, #tpu.memory_space<vmem>>
      %dma_wait3A_83 = arith.constant 0 : i32
      %dma_wait3A_84 = tpu.memref_slice %arg6[%add3A_54, %dma_wait3A_83] : memref<20480x128xf32, #tpu.memory_space<hbm>> -> memref<128x128xf32, #tpu.memory_space<hbm>>
      %dma_wait3A_85 = arith.constant 0 : i32
      %dma_wait3A_86 = tpu.memref_slice %arg6[%add3A_54, %dma_wait3A_85] : memref<20480x128xf32, #tpu.memory_space<hbm>> -> memref<128x128xf32, #tpu.memory_space<hbm>>
      %dma_wait3A_87 = arith.constant 0 : i32
      %dma_wait3A_88 = arith.constant 0 : i32
      %dma_wait3A_89 = tpu.memref_slice %arg12[%dma_wait3A_87, %dma_wait3A_88] : memref<320x128xf32, #tpu.memory_space<vmem>> -> memref<128x128xf32, #tpu.memory_space<vmem>>
      tpu.wait_dma2 semaphore(%run_scoped3A : memref<!tpu.dma_semaphore, #tpu.memory_space<semaphore_mem>>) src(%dma_wait3A_89 : memref<128x128xf32, #tpu.memory_space<vmem>>) dst(%dma_wait3A_86 : memref<128x128xf32, #tpu.memory_space<hbm>>)
      tpu.yield
    }) : () -> ()
    %add3A_55 = arith.constant 256 : i32
    %add3A_56 = arith.addi %mul3A_0, %add3A_55 : i32
    "tpu.region"() ({
      %run_scoped3A = tpu.sem_alloc : memref<!tpu.dma_semaphore, #tpu.memory_space<semaphore_mem>>
      %dma_start3A_70 = arith.constant 0 : i32
      %dma_start3A_71 = arith.constant 0 : i32
      %dma_start3A_72 = tpu.memref_slice %arg12[%dma_start3A_70, %dma_start3A_71] : memref<320x128xf32, #tpu.memory_space<vmem>> -> memref<128x128xf32, #tpu.memory_space<vmem>>
      %dma_start3A_73 = arith.constant 0 : i32
      %dma_start3A_74 = tpu.memref_slice %arg7[%add3A_56, %dma_start3A_73] : memref<10240x128xf32, #tpu.memory_space<vmem_shared>> -> memref<128x128xf32, #tpu.memory_space<vmem_shared>>
      %dma_start3A_75 = arith.constant 0 : i32
      %dma_start3A_76 = arith.constant 0 : i32
      %dma_start3A_77 = tpu.memref_slice %arg12[%dma_start3A_75, %dma_start3A_76] : memref<320x128xf32, #tpu.memory_space<vmem>> -> memref<128x128xf32, #tpu.memory_space<vmem>>
      %dma_start3A_78 = arith.constant 0 : i32
      %dma_start3A_79 = tpu.memref_slice %arg7[%add3A_56, %dma_start3A_78] : memref<10240x128xf32, #tpu.memory_space<vmem_shared>> -> memref<128x128xf32, #tpu.memory_space<vmem_shared>>
      tpu.enqueue_dma source(%dma_start3A_79 : memref<128x128xf32, #tpu.memory_space<vmem_shared>>) target(%dma_start3A_77 : memref<128x128xf32, #tpu.memory_space<vmem>>) target_semaphore(%run_scoped3A : memref<!tpu.dma_semaphore, #tpu.memory_space<semaphore_mem>>)
      %dma_wait3A_80 = arith.constant 0 : i32
      %dma_wait3A_81 = arith.constant 0 : i32
      %dma_wait3A_82 = tpu.memref_slice %arg12[%dma_wait3A_80, %dma_wait3A_81] : memref<320x128xf32, #tpu.memory_space<vmem>> -> memref<128x128xf32, #tpu.memory_space<vmem>>
      %dma_wait3A_83 = arith.constant 0 : i32
      %dma_wait3A_84 = tpu.memref_slice %arg7[%add3A_56, %dma_wait3A_83] : memref<10240x128xf32, #tpu.memory_space<vmem_shared>> -> memref<128x128xf32, #tpu.memory_space<vmem_shared>>
      %dma_wait3A_85 = arith.constant 0 : i32
      %dma_wait3A_86 = arith.constant 0 : i32
      %dma_wait3A_87 = tpu.memref_slice %arg12[%dma_wait3A_85, %dma_wait3A_86] : memref<320x128xf32, #tpu.memory_space<vmem>> -> memref<128x128xf32, #tpu.memory_space<vmem>>
      %dma_wait3A_88 = arith.constant 0 : i32
      %dma_wait3A_89 = tpu.memref_slice %arg7[%add3A_56, %dma_wait3A_88] : memref<10240x128xf32, #tpu.memory_space<vmem_shared>> -> memref<128x128xf32, #tpu.memory_space<vmem_shared>>
      tpu.wait_dma2 semaphore(%run_scoped3A : memref<!tpu.dma_semaphore, #tpu.memory_space<semaphore_mem>>) src(%dma_wait3A_89 : memref<128x128xf32, #tpu.memory_space<vmem_shared>>) dst(%dma_wait3A_87 : memref<128x128xf32, #tpu.memory_space<vmem>>)
      tpu.yield
    }) : () -> ()
    %mul3A_57 = arith.constant 10240 : i32
    %mul3A_58 = arith.muli %arg0, %mul3A_57 : i32
    %add3A_59 = arith.addi %mul3A_58, %add3A_56 : i32
    "tpu.region"() ({
      %run_scoped3A = tpu.sem_alloc : memref<!tpu.dma_semaphore, #tpu.memory_space<semaphore_mem>>
      %dma_start3A_70 = arith.constant 0 : i32
      %dma_start3A_71 = arith.constant 0 : i32
      %dma_start3A_72 = tpu.memref_slice %arg12[%dma_start3A_70, %dma_start3A_71] : memref<320x128xf32, #tpu.memory_space<vmem>> -> memref<128x128xf32, #tpu.memory_space<vmem>>
      %dma_start3A_73 = arith.constant 0 : i32
      %dma_start3A_74 = tpu.memref_slice %arg6[%add3A_59, %dma_start3A_73] : memref<20480x128xf32, #tpu.memory_space<hbm>> -> memref<128x128xf32, #tpu.memory_space<hbm>>
      %dma_start3A_75 = arith.constant 0 : i32
      %dma_start3A_76 = tpu.memref_slice %arg6[%add3A_59, %dma_start3A_75] : memref<20480x128xf32, #tpu.memory_space<hbm>> -> memref<128x128xf32, #tpu.memory_space<hbm>>
      %dma_start3A_77 = arith.constant 0 : i32
      %dma_start3A_78 = arith.constant 0 : i32
      %dma_start3A_79 = tpu.memref_slice %arg12[%dma_start3A_77, %dma_start3A_78] : memref<320x128xf32, #tpu.memory_space<vmem>> -> memref<128x128xf32, #tpu.memory_space<vmem>>
      tpu.enqueue_dma source(%dma_start3A_79 : memref<128x128xf32, #tpu.memory_space<vmem>>) target(%dma_start3A_76 : memref<128x128xf32, #tpu.memory_space<hbm>>) target_semaphore(%run_scoped3A : memref<!tpu.dma_semaphore, #tpu.memory_space<semaphore_mem>>)
      %dma_wait3A_80 = arith.constant 0 : i32
      %dma_wait3A_81 = arith.constant 0 : i32
      %dma_wait3A_82 = tpu.memref_slice %arg12[%dma_wait3A_80, %dma_wait3A_81] : memref<320x128xf32, #tpu.memory_space<vmem>> -> memref<128x128xf32, #tpu.memory_space<vmem>>
      %dma_wait3A_83 = arith.constant 0 : i32
      %dma_wait3A_84 = tpu.memref_slice %arg6[%add3A_59, %dma_wait3A_83] : memref<20480x128xf32, #tpu.memory_space<hbm>> -> memref<128x128xf32, #tpu.memory_space<hbm>>
      %dma_wait3A_85 = arith.constant 0 : i32
      %dma_wait3A_86 = tpu.memref_slice %arg6[%add3A_59, %dma_wait3A_85] : memref<20480x128xf32, #tpu.memory_space<hbm>> -> memref<128x128xf32, #tpu.memory_space<hbm>>
      %dma_wait3A_87 = arith.constant 0 : i32
      %dma_wait3A_88 = arith.constant 0 : i32
      %dma_wait3A_89 = tpu.memref_slice %arg12[%dma_wait3A_87, %dma_wait3A_88] : memref<320x128xf32, #tpu.memory_space<vmem>> -> memref<128x128xf32, #tpu.memory_space<vmem>>
      tpu.wait_dma2 semaphore(%run_scoped3A : memref<!tpu.dma_semaphore, #tpu.memory_space<semaphore_mem>>) src(%dma_wait3A_89 : memref<128x128xf32, #tpu.memory_space<vmem>>) dst(%dma_wait3A_86 : memref<128x128xf32, #tpu.memory_space<hbm>>)
      tpu.yield
    }) : () -> ()
    %add3A_60 = arith.constant 384 : i32
    %add3A_61 = arith.addi %mul3A_0, %add3A_60 : i32
    "tpu.region"() ({
      %run_scoped3A = tpu.sem_alloc : memref<!tpu.dma_semaphore, #tpu.memory_space<semaphore_mem>>
      %dma_start3A_70 = arith.constant 0 : i32
      %dma_start3A_71 = arith.constant 0 : i32
      %dma_start3A_72 = tpu.memref_slice %arg12[%dma_start3A_70, %dma_start3A_71] : memref<320x128xf32, #tpu.memory_space<vmem>> -> memref<128x128xf32, #tpu.memory_space<vmem>>
      %dma_start3A_73 = arith.constant 0 : i32
      %dma_start3A_74 = tpu.memref_slice %arg7[%add3A_61, %dma_start3A_73] : memref<10240x128xf32, #tpu.memory_space<vmem_shared>> -> memref<128x128xf32, #tpu.memory_space<vmem_shared>>
      %dma_start3A_75 = arith.constant 0 : i32
      %dma_start3A_76 = arith.constant 0 : i32
      %dma_start3A_77 = tpu.memref_slice %arg12[%dma_start3A_75, %dma_start3A_76] : memref<320x128xf32, #tpu.memory_space<vmem>> -> memref<128x128xf32, #tpu.memory_space<vmem>>
      %dma_start3A_78 = arith.constant 0 : i32
      %dma_start3A_79 = tpu.memref_slice %arg7[%add3A_61, %dma_start3A_78] : memref<10240x128xf32, #tpu.memory_space<vmem_shared>> -> memref<128x128xf32, #tpu.memory_space<vmem_shared>>
      tpu.enqueue_dma source(%dma_start3A_79 : memref<128x128xf32, #tpu.memory_space<vmem_shared>>) target(%dma_start3A_77 : memref<128x128xf32, #tpu.memory_space<vmem>>) target_semaphore(%run_scoped3A : memref<!tpu.dma_semaphore, #tpu.memory_space<semaphore_mem>>)
      %dma_wait3A_80 = arith.constant 0 : i32
      %dma_wait3A_81 = arith.constant 0 : i32
      %dma_wait3A_82 = tpu.memref_slice %arg12[%dma_wait3A_80, %dma_wait3A_81] : memref<320x128xf32, #tpu.memory_space<vmem>> -> memref<128x128xf32, #tpu.memory_space<vmem>>
      %dma_wait3A_83 = arith.constant 0 : i32
      %dma_wait3A_84 = tpu.memref_slice %arg7[%add3A_61, %dma_wait3A_83] : memref<10240x128xf32, #tpu.memory_space<vmem_shared>> -> memref<128x128xf32, #tpu.memory_space<vmem_shared>>
      %dma_wait3A_85 = arith.constant 0 : i32
      %dma_wait3A_86 = arith.constant 0 : i32
      %dma_wait3A_87 = tpu.memref_slice %arg12[%dma_wait3A_85, %dma_wait3A_86] : memref<320x128xf32, #tpu.memory_space<vmem>> -> memref<128x128xf32, #tpu.memory_space<vmem>>
      %dma_wait3A_88 = arith.constant 0 : i32
      %dma_wait3A_89 = tpu.memref_slice %arg7[%add3A_61, %dma_wait3A_88] : memref<10240x128xf32, #tpu.memory_space<vmem_shared>> -> memref<128x128xf32, #tpu.memory_space<vmem_shared>>
      tpu.wait_dma2 semaphore(%run_scoped3A : memref<!tpu.dma_semaphore, #tpu.memory_space<semaphore_mem>>) src(%dma_wait3A_89 : memref<128x128xf32, #tpu.memory_space<vmem_shared>>) dst(%dma_wait3A_87 : memref<128x128xf32, #tpu.memory_space<vmem>>)
      tpu.yield
    }) : () -> ()
    %mul3A_62 = arith.constant 10240 : i32
    %mul3A_63 = arith.muli %arg0, %mul3A_62 : i32
    %add3A_64 = arith.addi %mul3A_63, %add3A_61 : i32
    "tpu.region"() ({
      %run_scoped3A = tpu.sem_alloc : memref<!tpu.dma_semaphore, #tpu.memory_space<semaphore_mem>>
      %dma_start3A_70 = arith.constant 0 : i32
      %dma_start3A_71 = arith.constant 0 : i32
      %dma_start3A_72 = tpu.memref_slice %arg12[%dma_start3A_70, %dma_start3A_71] : memref<320x128xf32, #tpu.memory_space<vmem>> -> memref<128x128xf32, #tpu.memory_space<vmem>>
      %dma_start3A_73 = arith.constant 0 : i32
      %dma_start3A_74 = tpu.memref_slice %arg6[%add3A_64, %dma_start3A_73] : memref<20480x128xf32, #tpu.memory_space<hbm>> -> memref<128x128xf32, #tpu.memory_space<hbm>>
      %dma_start3A_75 = arith.constant 0 : i32
      %dma_start3A_76 = tpu.memref_slice %arg6[%add3A_64, %dma_start3A_75] : memref<20480x128xf32, #tpu.memory_space<hbm>> -> memref<128x128xf32, #tpu.memory_space<hbm>>
      %dma_start3A_77 = arith.constant 0 : i32
      %dma_start3A_78 = arith.constant 0 : i32
      %dma_start3A_79 = tpu.memref_slice %arg12[%dma_start3A_77, %dma_start3A_78] : memref<320x128xf32, #tpu.memory_space<vmem>> -> memref<128x128xf32, #tpu.memory_space<vmem>>
      tpu.enqueue_dma source(%dma_start3A_79 : memref<128x128xf32, #tpu.memory_space<vmem>>) target(%dma_start3A_76 : memref<128x128xf32, #tpu.memory_space<hbm>>) target_semaphore(%run_scoped3A : memref<!tpu.dma_semaphore, #tpu.memory_space<semaphore_mem>>)
      %dma_wait3A_80 = arith.constant 0 : i32
      %dma_wait3A_81 = arith.constant 0 : i32
      %dma_wait3A_82 = tpu.memref_slice %arg12[%dma_wait3A_80, %dma_wait3A_81] : memref<320x128xf32, #tpu.memory_space<vmem>> -> memref<128x128xf32, #tpu.memory_space<vmem>>
      %dma_wait3A_83 = arith.constant 0 : i32
      %dma_wait3A_84 = tpu.memref_slice %arg6[%add3A_64, %dma_wait3A_83] : memref<20480x128xf32, #tpu.memory_space<hbm>> -> memref<128x128xf32, #tpu.memory_space<hbm>>
      %dma_wait3A_85 = arith.constant 0 : i32
      %dma_wait3A_86 = tpu.memref_slice %arg6[%add3A_64, %dma_wait3A_85] : memref<20480x128xf32, #tpu.memory_space<hbm>> -> memref<128x128xf32, #tpu.memory_space<hbm>>
      %dma_wait3A_87 = arith.constant 0 : i32
      %dma_wait3A_88 = arith.constant 0 : i32
      %dma_wait3A_89 = tpu.memref_slice %arg12[%dma_wait3A_87, %dma_wait3A_88] : memref<320x128xf32, #tpu.memory_space<vmem>> -> memref<128x128xf32, #tpu.memory_space<vmem>>
      tpu.wait_dma2 semaphore(%run_scoped3A : memref<!tpu.dma_semaphore, #tpu.memory_space<semaphore_mem>>) src(%dma_wait3A_89 : memref<128x128xf32, #tpu.memory_space<vmem>>) dst(%dma_wait3A_86 : memref<128x128xf32, #tpu.memory_space<hbm>>)
      tpu.yield
    }) : () -> ()
    %add3A_65 = arith.constant 512 : i32
    %add3A_66 = arith.addi %mul3A_0, %add3A_65 : i32
    "tpu.region"() ({
      %run_scoped3A = tpu.sem_alloc : memref<!tpu.dma_semaphore, #tpu.memory_space<semaphore_mem>>
      %dma_start3A_70 = arith.constant 0 : i32
      %dma_start3A_71 = arith.constant 0 : i32
      %dma_start3A_72 = tpu.memref_slice %arg12[%dma_start3A_70, %dma_start3A_71] : memref<320x128xf32, #tpu.memory_space<vmem>> -> memref<128x128xf32, #tpu.memory_space<vmem>>
      %dma_start3A_73 = arith.constant 0 : i32
      %dma_start3A_74 = tpu.memref_slice %arg7[%add3A_66, %dma_start3A_73] : memref<10240x128xf32, #tpu.memory_space<vmem_shared>> -> memref<128x128xf32, #tpu.memory_space<vmem_shared>>
      %dma_start3A_75 = arith.constant 0 : i32
      %dma_start3A_76 = arith.constant 0 : i32
      %dma_start3A_77 = tpu.memref_slice %arg12[%dma_start3A_75, %dma_start3A_76] : memref<320x128xf32, #tpu.memory_space<vmem>> -> memref<128x128xf32, #tpu.memory_space<vmem>>
      %dma_start3A_78 = arith.constant 0 : i32
      %dma_start3A_79 = tpu.memref_slice %arg7[%add3A_66, %dma_start3A_78] : memref<10240x128xf32, #tpu.memory_space<vmem_shared>> -> memref<128x128xf32, #tpu.memory_space<vmem_shared>>
      tpu.enqueue_dma source(%dma_start3A_79 : memref<128x128xf32, #tpu.memory_space<vmem_shared>>) target(%dma_start3A_77 : memref<128x128xf32, #tpu.memory_space<vmem>>) target_semaphore(%run_scoped3A : memref<!tpu.dma_semaphore, #tpu.memory_space<semaphore_mem>>)
      %dma_wait3A_80 = arith.constant 0 : i32
      %dma_wait3A_81 = arith.constant 0 : i32
      %dma_wait3A_82 = tpu.memref_slice %arg12[%dma_wait3A_80, %dma_wait3A_81] : memref<320x128xf32, #tpu.memory_space<vmem>> -> memref<128x128xf32, #tpu.memory_space<vmem>>
      %dma_wait3A_83 = arith.constant 0 : i32
      %dma_wait3A_84 = tpu.memref_slice %arg7[%add3A_66, %dma_wait3A_83] : memref<10240x128xf32, #tpu.memory_space<vmem_shared>> -> memref<128x128xf32, #tpu.memory_space<vmem_shared>>
      %dma_wait3A_85 = arith.constant 0 : i32
      %dma_wait3A_86 = arith.constant 0 : i32
      %dma_wait3A_87 = tpu.memref_slice %arg12[%dma_wait3A_85, %dma_wait3A_86] : memref<320x128xf32, #tpu.memory_space<vmem>> -> memref<128x128xf32, #tpu.memory_space<vmem>>
      %dma_wait3A_88 = arith.constant 0 : i32
      %dma_wait3A_89 = tpu.memref_slice %arg7[%add3A_66, %dma_wait3A_88] : memref<10240x128xf32, #tpu.memory_space<vmem_shared>> -> memref<128x128xf32, #tpu.memory_space<vmem_shared>>
      tpu.wait_dma2 semaphore(%run_scoped3A : memref<!tpu.dma_semaphore, #tpu.memory_space<semaphore_mem>>) src(%dma_wait3A_89 : memref<128x128xf32, #tpu.memory_space<vmem_shared>>) dst(%dma_wait3A_87 : memref<128x128xf32, #tpu.memory_space<vmem>>)
      tpu.yield
    }) : () -> ()
    %mul3A_67 = arith.constant 10240 : i32
    %mul3A_68 = arith.muli %arg0, %mul3A_67 : i32
    %add3A_69 = arith.addi %mul3A_68, %add3A_66 : i32
    "tpu.region"() ({
      %run_scoped3A = tpu.sem_alloc : memref<!tpu.dma_semaphore, #tpu.memory_space<semaphore_mem>>
      %dma_start3A_70 = arith.constant 0 : i32
      %dma_start3A_71 = arith.constant 0 : i32
      %dma_start3A_72 = tpu.memref_slice %arg12[%dma_start3A_70, %dma_start3A_71] : memref<320x128xf32, #tpu.memory_space<vmem>> -> memref<128x128xf32, #tpu.memory_space<vmem>>
      %dma_start3A_73 = arith.constant 0 : i32
      %dma_start3A_74 = tpu.memref_slice %arg6[%add3A_69, %dma_start3A_73] : memref<20480x128xf32, #tpu.memory_space<hbm>> -> memref<128x128xf32, #tpu.memory_space<hbm>>
      %dma_start3A_75 = arith.constant 0 : i32
      %dma_start3A_76 = tpu.memref_slice %arg6[%add3A_69, %dma_start3A_75] : memref<20480x128xf32, #tpu.memory_space<hbm>> -> memref<128x128xf32, #tpu.memory_space<hbm>>
      %dma_start3A_77 = arith.constant 0 : i32
      %dma_start3A_78 = arith.constant 0 : i32
      %dma_start3A_79 = tpu.memref_slice %arg12[%dma_start3A_77, %dma_start3A_78] : memref<320x128xf32, #tpu.memory_space<vmem>> -> memref<128x128xf32, #tpu.memory_space<vmem>>
      tpu.enqueue_dma source(%dma_start3A_79 : memref<128x128xf32, #tpu.memory_space<vmem>>) target(%dma_start3A_76 : memref<128x128xf32, #tpu.memory_space<hbm>>) target_semaphore(%run_scoped3A : memref<!tpu.dma_semaphore, #tpu.memory_space<semaphore_mem>>)
      %dma_wait3A_80 = arith.constant 0 : i32
      %dma_wait3A_81 = arith.constant 0 : i32
      %dma_wait3A_82 = tpu.memref_slice %arg12[%dma_wait3A_80, %dma_wait3A_81] : memref<320x128xf32, #tpu.memory_space<vmem>> -> memref<128x128xf32, #tpu.memory_space<vmem>>
      %dma_wait3A_83 = arith.constant 0 : i32
      %dma_wait3A_84 = tpu.memref_slice %arg6[%add3A_69, %dma_wait3A_83] : memref<20480x128xf32, #tpu.memory_space<hbm>> -> memref<128x128xf32, #tpu.memory_space<hbm>>
      %dma_wait3A_85 = arith.constant 0 : i32
      %dma_wait3A_86 = tpu.memref_slice %arg6[%add3A_69, %dma_wait3A_85] : memref<20480x128xf32, #tpu.memory_space<hbm>> -> memref<128x128xf32, #tpu.memory_space<hbm>>
      %dma_wait3A_87 = arith.constant 0 : i32
      %dma_wait3A_88 = arith.constant 0 : i32
      %dma_wait3A_89 = tpu.memref_slice %arg12[%dma_wait3A_87, %dma_wait3A_88] : memref<320x128xf32, #tpu.memory_space<vmem>> -> memref<128x128xf32, #tpu.memory_space<vmem>>
      tpu.wait_dma2 semaphore(%run_scoped3A : memref<!tpu.dma_semaphore, #tpu.memory_space<semaphore_mem>>) src(%dma_wait3A_89 : memref<128x128xf32, #tpu.memory_space<vmem>>) dst(%dma_wait3A_86 : memref<128x128xf32, #tpu.memory_space<hbm>>)
      tpu.yield
    }) : () -> ()
    return
  }
}

module attributes {stable_mosaic.version = 14 : i64} {
  func.func @_tc1_body(%arg0: i32, %arg1: memref<1024x128xf32, #tpu.memory_space<vmem>>, %arg2: memref<128x256xf32, #tpu.memory_space<vmem>>, %arg3: memref<2x1024x128xf32, #tpu.memory_space<vmem>>, %arg4: memref<2x1024x128xf32, #tpu.memory_space<vmem>>, %arg5: memref<1024x256xf32, #tpu.memory_space<vmem>>, %arg6: memref<1024x1xf32, #tpu.memory_space<vmem>>) attributes {dimension_semantics = [#tpu.dimension_semantics<arbitrary>], iteration_bounds = array<i64: 10>, scalar_prefetch = 0 : i64, scratch_operands = 0 : i64, tpu.core_type = #tpu.core_type<tc>, window_params = [{transform_indices = @transform_0, window_bounds = array<i64: 1024, 128>}, {pipeline_mode = #tpu.pipeline_mode<synchronous>, transform_indices = @transform_1, window_bounds = array<i64: 128, 256>}, {transform_indices = @transform_2, window_bounds = array<i64: 2, 1024, 128>}, {transform_indices = @transform_3, window_bounds = array<i64: 2, 1024, 128>}, {transform_indices = @transform_4, window_bounds = array<i64: 1024, 256>}, {transform_indices = @transform_5, window_bounds = array<i64: 1024, 1>}]} {
    %get3A = arith.constant 0 : index
    %get3A_0 = arith.constant 0 : index
    %get3A_1 = arith.constant 0 : index
    %get3A_2 = vector.load %arg3[%get3A, %get3A_0, %get3A_1] : memref<2x1024x128xf32, #tpu.memory_space<vmem>>, vector<1x1024x1xf32>
    %get3A_3 = vector.shape_cast %get3A_2 : vector<1x1024x1xf32> to vector<1024x1xf32>
    %get3A_4 = arith.constant 1 : index
    %get3A_5 = arith.constant 0 : index
    %get3A_6 = arith.constant 0 : index
    %get3A_7 = vector.load %arg3[%get3A_4, %get3A_5, %get3A_6] : memref<2x1024x128xf32, #tpu.memory_space<vmem>>, vector<1x1024x1xf32>
    %get3A_8 = vector.shape_cast %get3A_7 : vector<1x1024x1xf32> to vector<1024x1xf32>
    %add3A = arith.addf %get3A_3, %get3A_8 : vector<1024x1xf32>
    %add3A_9 = arith.constant 1.000000e+00 : f32
    %add3A_10 = vector.broadcast %add3A_9 : f32 to vector<1024x1xf32>
    %add3A_11 = arith.addf %add3A, %add3A_10 : vector<1024x1xf32>
    %rsqrt3A = math.rsqrt %add3A_11 : vector<1024x1xf32>
    %get3A_12 = arith.constant 0 : index
    %get3A_13 = arith.constant 0 : index
    %get3A_14 = vector.load %arg1[%get3A_12, %get3A_13] : memref<1024x128xf32, #tpu.memory_space<vmem>>, vector<1024x128xf32>
    %get3A_15 = arith.constant 0 : index
    %get3A_16 = arith.constant 0 : index
    %get3A_17 = vector.load %arg2[%get3A_15, %get3A_16] : memref<128x256xf32, #tpu.memory_space<vmem>>, vector<128x256xf32>
    %dot_general3A = arith.constant dense<0.000000e+00> : vector<1024x256xf32>
    %dot_general3A_18 = tpu.matmul %get3A_14, %get3A_17, %dot_general3A {dimension_numbers = #tpu.dot_dimension_numbers<[1], [0], [0], [1], [0, 0, 1, 1], [], []>, transpose_lhs_hint = false} : vector<1024x128xf32>, vector<128x256xf32>, vector<1024x256xf32> -> vector<1024x256xf32>
    %mul3A = vector.broadcast %rsqrt3A : vector<1024x1xf32> to vector<1024x256xf32>
    %mul3A_19 = arith.mulf %dot_general3A_18, %mul3A : vector<1024x256xf32>
    %slice3A = vector.extract_strided_slice %mul3A_19 {offsets = [0, 0], sizes = [1024, 128], strides = [1, 1]} : vector<1024x256xf32> to vector<1024x128xf32>
    %swap3A = arith.constant 0 : index
    %swap3A_20 = arith.constant 0 : index
    %swap3A_21 = arith.constant 0 : index
    %swap3A_22 = vector.load %arg4[%swap3A, %swap3A_20, %swap3A_21] : memref<2x1024x128xf32, #tpu.memory_space<vmem>>, vector<1x1024x128xf32>
    %swap3A_23 = vector.shape_cast %swap3A_22 : vector<1x1024x128xf32> to vector<1024x128xf32>
    %swap3A_24 = vector.shape_cast %slice3A : vector<1024x128xf32> to vector<1x1024x128xf32>
    tpu.vector_store %arg4[%swap3A, %swap3A_20, %swap3A_21], %swap3A_24 {strides = array<i32>} : memref<2x1024x128xf32, #tpu.memory_space<vmem>>, vector<1x1024x128xf32>,
    %slice3A_25 = vector.extract_strided_slice %mul3A_19 {offsets = [0, 128], sizes = [1024, 128], strides = [1, 1]} : vector<1024x256xf32> to vector<1024x128xf32>
    %swap3A_26 = arith.constant 1 : index
    %swap3A_27 = arith.constant 0 : index
    %swap3A_28 = arith.constant 0 : index
    %swap3A_29 = vector.load %arg4[%swap3A_26, %swap3A_27, %swap3A_28] : memref<2x1024x128xf32, #tpu.memory_space<vmem>>, vector<1x1024x128xf32>
    %swap3A_30 = vector.shape_cast %swap3A_29 : vector<1x1024x128xf32> to vector<1024x128xf32>
    %swap3A_31 = vector.shape_cast %slice3A_25 : vector<1024x128xf32> to vector<1x1024x128xf32>
    tpu.vector_store %arg4[%swap3A_26, %swap3A_27, %swap3A_28], %swap3A_31 {strides = array<i32>} : memref<2x1024x128xf32, #tpu.memory_space<vmem>>, vector<1x1024x128xf32>,
    %swap3A_32 = arith.constant 0 : index
    %swap3A_33 = arith.constant 0 : index
    %swap3A_34 = vector.load %arg5[%swap3A_32, %swap3A_33] : memref<1024x256xf32, #tpu.memory_space<vmem>>, vector<1024x256xf32>
    tpu.vector_store %arg5[%swap3A_32, %swap3A_33], %mul3A_19 {strides = array<i32>} : memref<1024x256xf32, #tpu.memory_space<vmem>>, vector<1024x256xf32>,
    %swap3A_35 = arith.constant 0 : index
    %swap3A_36 = arith.constant 0 : index
    %swap3A_37 = vector.load %arg6[%swap3A_35, %swap3A_36] : memref<1024x1xf32, #tpu.memory_space<vmem>>, vector<1024x1xf32>
    tpu.vector_store %arg6[%swap3A_35, %swap3A_36], %rsqrt3A {strides = array<i32>} : memref<1024x1xf32, #tpu.memory_space<vmem>>, vector<1024x1xf32>,
    return
  }
  func.func @transform_0(%arg0: i32) -> (i32, i32) {
    %c0_i32 = arith.constant 0 : i32
    %c0_i32_0 = arith.constant 0 : i32
    return %arg0, %c0_i32 : i32, i32
  }
  func.func @transform_1(%arg0: i32) -> (i32, i32) {
    %c0_i32 = arith.constant 0 : i32
    %c0_i32_0 = arith.constant 0 : i32
    %c0_i32_1 = arith.constant 0 : i32
    return %c0_i32, %c0_i32_0 : i32, i32
  }
  func.func @transform_2(%arg0: i32) -> (i32, i32, i32) {
    %c0_i32 = arith.constant 0 : i32
    %c0_i32_0 = arith.constant 0 : i32
    %c0_i32_1 = arith.constant 0 : i32
    return %c0_i32, %arg0, %c0_i32_0 : i32, i32, i32
  }
  func.func @transform_3(%arg0: i32) -> (i32, i32, i32) {
    %c0_i32 = arith.constant 0 : i32
    %c0_i32_0 = arith.constant 0 : i32
    %c0_i32_1 = arith.constant 0 : i32
    return %c0_i32, %arg0, %c0_i32_0 : i32, i32, i32
  }
  func.func @transform_4(%arg0: i32) -> (i32, i32) {
    %c0_i32 = arith.constant 0 : i32
    %c0_i32_0 = arith.constant 0 : i32
    return %arg0, %c0_i32 : i32, i32
  }
  func.func @transform_5(%arg0: i32) -> (i32, i32) {
    %c0_i32 = arith.constant 0 : i32
    %c0_i32_0 = arith.constant 0 : i32
    return %arg0, %c0_i32 : i32, i32
  }
}

module attributes {stable_mosaic.version = 14 : i64} {
  func.func @_tc2_body(%arg0: i32, %arg1: memref<2x1024x128xf32, #tpu.memory_space<vmem>>, %arg2: memref<2x1024x128xf32, #tpu.memory_space<vmem>>, %arg3: memref<1024x256xf32, #tpu.memory_space<vmem>>, %arg4: memref<1024x1xf32, #tpu.memory_space<vmem>>, %arg5: memref<1x256xf32, #tpu.memory_space<vmem>>, %arg6: memref<256x128xf32, #tpu.memory_space<vmem>>, %arg7: memref<1024x128xf32, #tpu.memory_space<vmem>>) attributes {dimension_semantics = [#tpu.dimension_semantics<arbitrary>], iteration_bounds = array<i64: 10>, scalar_prefetch = 0 : i64, scratch_operands = 0 : i64, tpu.core_type = #tpu.core_type<tc>, window_params = [{transform_indices = @transform_0, window_bounds = array<i64: 2, 1024, 128>}, {transform_indices = @transform_1, window_bounds = array<i64: 2, 1024, 128>}, {transform_indices = @transform_2, window_bounds = array<i64: 1024, 256>}, {transform_indices = @transform_3, window_bounds = array<i64: 1024, 1>}, {pipeline_mode = #tpu.pipeline_mode<synchronous>, transform_indices = @transform_4, window_bounds = array<i64: 1, 256>}, {pipeline_mode = #tpu.pipeline_mode<synchronous>, transform_indices = @transform_5, window_bounds = array<i64: 256, 128>}, {transform_indices = @transform_6, window_bounds = array<i64: 1024, 128>}]} {
    %get3A = arith.constant 0 : index
    %get3A_0 = arith.constant 0 : index
    %get3A_1 = arith.constant 0 : index
    %get3A_2 = vector.load %arg1[%get3A, %get3A_0, %get3A_1] : memref<2x1024x128xf32, #tpu.memory_space<vmem>>, vector<1x1024x128xf32>
    %get3A_3 = vector.shape_cast %get3A_2 : vector<1x1024x128xf32> to vector<1024x128xf32>
    %get3A_4 = arith.constant 0 : index
    %get3A_5 = arith.constant 0 : index
    %get3A_6 = arith.constant 0 : index
    %get3A_7 = vector.load %arg2[%get3A_4, %get3A_5, %get3A_6] : memref<2x1024x128xf32, #tpu.memory_space<vmem>>, vector<1x1024x128xf32>
    %get3A_8 = vector.shape_cast %get3A_7 : vector<1x1024x128xf32> to vector<1024x128xf32>
    %add3A = arith.addf %get3A_3, %get3A_8 : vector<1024x128xf32>
    %get3A_9 = arith.constant 1 : index
    %get3A_10 = arith.constant 0 : index
    %get3A_11 = arith.constant 0 : index
    %get3A_12 = vector.load %arg1[%get3A_9, %get3A_10, %get3A_11] : memref<2x1024x128xf32, #tpu.memory_space<vmem>>, vector<1x1024x128xf32>
    %get3A_13 = vector.shape_cast %get3A_12 : vector<1x1024x128xf32> to vector<1024x128xf32>
    %get3A_14 = arith.constant 1 : index
    %get3A_15 = arith.constant 0 : index
    %get3A_16 = arith.constant 0 : index
    %get3A_17 = vector.load %arg2[%get3A_14, %get3A_15, %get3A_16] : memref<2x1024x128xf32, #tpu.memory_space<vmem>>, vector<1x1024x128xf32>
    %get3A_18 = vector.shape_cast %get3A_17 : vector<1x1024x128xf32> to vector<1024x128xf32>
    %add3A_19 = arith.addf %get3A_13, %get3A_18 : vector<1024x128xf32>
    %concatenate3A = tpu.concatenate %add3A, %add3A_19 in 1 : vector<1024x128xf32>, vector<1024x128xf32> -> vector<1024x256xf32>
    %get3A_20 = arith.constant 0 : index
    %get3A_21 = arith.constant 0 : index
    %get3A_22 = vector.load %arg4[%get3A_20, %get3A_21] : memref<1024x1xf32, #tpu.memory_space<vmem>>, vector<1024x1xf32>
    %get3A_23 = arith.constant 0 : index
    %get3A_24 = arith.constant 0 : index
    %get3A_25 = vector.load %arg3[%get3A_23, %get3A_24] : memref<1024x256xf32, #tpu.memory_space<vmem>>, vector<1024x256xf32>
    %add3A_26 = arith.addf %concatenate3A, %get3A_25 : vector<1024x256xf32>
    %mul3A = vector.broadcast %get3A_22 : vector<1024x1xf32> to vector<1024x256xf32>
    %mul3A_27 = arith.mulf %mul3A, %add3A_26 : vector<1024x256xf32>
    %get3A_28 = arith.constant 0 : index
    %get3A_29 = arith.constant 0 : index
    %get3A_30 = vector.load %arg5[%get3A_28, %get3A_29] : memref<1x256xf32, #tpu.memory_space<vmem>>, vector<1x256xf32>
    %add3A_31 = vector.broadcast %get3A_30 : vector<1x256xf32> to vector<1024x256xf32>
    %add3A_32 = arith.addf %mul3A_27, %add3A_31 : vector<1024x256xf32>
    %max3A = arith.constant 0.000000e+00 : f32
    %max3A_33 = vector.broadcast %max3A : f32 to vector<1024x256xf32>
    %max3A_34 = arith.maximumf %add3A_32, %max3A_33 : vector<1024x256xf32>
    %get3A_35 = arith.constant 0 : index
    %get3A_36 = arith.constant 0 : index
    %get3A_37 = vector.load %arg6[%get3A_35, %get3A_36] : memref<256x128xf32, #tpu.memory_space<vmem>>, vector<256x128xf32>
    %dot_general3A = arith.constant dense<0.000000e+00> : vector<1024x128xf32>
    %dot_general3A_38 = tpu.matmul %max3A_34, %get3A_37, %dot_general3A {dimension_numbers = #tpu.dot_dimension_numbers<[1], [0], [0], [1], [0, 0, 1, 1], [], []>, transpose_lhs_hint = false} : vector<1024x256xf32>, vector<256x128xf32>, vector<1024x128xf32> -> vector<1024x128xf32>
    %mul3A_39 = vector.broadcast %get3A_22 : vector<1024x1xf32> to vector<1024x128xf32>
    %mul3A_40 = arith.mulf %dot_general3A_38, %mul3A_39 : vector<1024x128xf32>
    %swap3A = arith.constant 0 : index
    %swap3A_41 = arith.constant 0 : index
    %swap3A_42 = vector.load %arg7[%swap3A, %swap3A_41] : memref<1024x128xf32, #tpu.memory_space<vmem>>, vector<1024x128xf32>
    tpu.vector_store %arg7[%swap3A, %swap3A_41], %mul3A_40 {strides = array<i32>} : memref<1024x128xf32, #tpu.memory_space<vmem>>, vector<1024x128xf32>,
    return
  }
  func.func @transform_0(%arg0: i32) -> (i32, i32, i32) {
    %c0_i32 = arith.constant 0 : i32
    %c0_i32_0 = arith.constant 0 : i32
    %c0_i32_1 = arith.constant 0 : i32
    return %c0_i32, %arg0, %c0_i32_0 : i32, i32, i32
  }
  func.func @transform_1(%arg0: i32) -> (i32, i32, i32) {
    %c0_i32 = arith.constant 0 : i32
    %c0_i32_0 = arith.constant 0 : i32
    %c0_i32_1 = arith.constant 0 : i32
    return %c0_i32, %arg0, %c0_i32_0 : i32, i32, i32
  }
  func.func @transform_2(%arg0: i32) -> (i32, i32) {
    %c0_i32 = arith.constant 0 : i32
    %c0_i32_0 = arith.constant 0 : i32
    return %arg0, %c0_i32 : i32, i32
  }
  func.func @transform_3(%arg0: i32) -> (i32, i32) {
    %c0_i32 = arith.constant 0 : i32
    %c0_i32_0 = arith.constant 0 : i32
    return %arg0, %c0_i32 : i32, i32
  }
  func.func @transform_4(%arg0: i32) -> (i32, i32) {
    %c0_i32 = arith.constant 0 : i32
    %c0_i32_0 = arith.constant 0 : i32
    %c0_i32_1 = arith.constant 0 : i32
    return %c0_i32, %c0_i32_0 : i32, i32
  }
  func.func @transform_5(%arg0: i32) -> (i32, i32) {
    %c0_i32 = arith.constant 0 : i32
    %c0_i32_0 = arith.constant 0 : i32
    %c0_i32_1 = arith.constant 0 : i32
    return %c0_i32, %c0_i32_0 : i32, i32
  }
  func.func @transform_6(%arg0: i32) -> (i32, i32) {
    %c0_i32 = arith.constant 0 : i32
    %c0_i32_0 = arith.constant 0 : i32
    return %arg0, %c0_i32 : i32, i32
  }
}

module attributes {stable_mosaic.version = 14 : i64} {
  func.func @_tc3_body(%arg0: i32, %arg1: memref<2x1024x128xf32, #tpu.memory_space<vmem>>, %arg2: memref<1024x128xf32, #tpu.memory_space<vmem>>, %arg3: memref<1024x1xf32, #tpu.memory_space<vmem>>, %arg4: memref<1x128xf32, #tpu.memory_space<vmem>>, %arg5: memref<1024x128xf32, #tpu.memory_space<vmem>>) attributes {dimension_semantics = [#tpu.dimension_semantics<arbitrary>], iteration_bounds = array<i64: 10>, scalar_prefetch = 0 : i64, scratch_operands = 0 : i64, tpu.core_type = #tpu.core_type<tc>, window_params = [{transform_indices = @transform_0, window_bounds = array<i64: 2, 1024, 128>}, {transform_indices = @transform_1, window_bounds = array<i64: 1024, 128>}, {transform_indices = @transform_2, window_bounds = array<i64: 1024, 1>}, {pipeline_mode = #tpu.pipeline_mode<synchronous>, transform_indices = @transform_3, window_bounds = array<i64: 1, 128>}, {transform_indices = @transform_4, window_bounds = array<i64: 1024, 128>}]} {
    %get3A = arith.constant 0 : index
    %get3A_0 = arith.constant 0 : index
    %get3A_1 = arith.constant 0 : index
    %get3A_2 = vector.load %arg1[%get3A, %get3A_0, %get3A_1] : memref<2x1024x128xf32, #tpu.memory_space<vmem>>, vector<1x1024x128xf32>
    %get3A_3 = vector.shape_cast %get3A_2 : vector<1x1024x128xf32> to vector<1024x128xf32>
    %get3A_4 = arith.constant 1 : index
    %get3A_5 = arith.constant 0 : index
    %get3A_6 = arith.constant 0 : index
    %get3A_7 = vector.load %arg1[%get3A_4, %get3A_5, %get3A_6] : memref<2x1024x128xf32, #tpu.memory_space<vmem>>, vector<1x1024x128xf32>
    %get3A_8 = vector.shape_cast %get3A_7 : vector<1x1024x128xf32> to vector<1024x128xf32>
    %add3A = arith.addf %get3A_3, %get3A_8 : vector<1024x128xf32>
    %get3A_9 = arith.constant 0 : index
    %get3A_10 = arith.constant 0 : index
    %get3A_11 = vector.load %arg3[%get3A_9, %get3A_10] : memref<1024x1xf32, #tpu.memory_space<vmem>>, vector<1024x1xf32>
    %get3A_12 = arith.constant 0 : index
    %get3A_13 = arith.constant 0 : index
    %get3A_14 = vector.load %arg2[%get3A_12, %get3A_13] : memref<1024x128xf32, #tpu.memory_space<vmem>>, vector<1024x128xf32>
    %add3A_15 = arith.addf %add3A, %get3A_14 : vector<1024x128xf32>
    %mul3A = vector.broadcast %get3A_11 : vector<1024x1xf32> to vector<1024x128xf32>
    %mul3A_16 = arith.mulf %mul3A, %add3A_15 : vector<1024x128xf32>
    %get3A_17 = arith.constant 0 : index
    %get3A_18 = arith.constant 0 : index
    %get3A_19 = vector.load %arg4[%get3A_17, %get3A_18] : memref<1x128xf32, #tpu.memory_space<vmem>>, vector<1x128xf32>
    %add3A_20 = vector.broadcast %get3A_19 : vector<1x128xf32> to vector<1024x128xf32>
    %add3A_21 = arith.addf %mul3A_16, %add3A_20 : vector<1024x128xf32>
    %swap3A = arith.constant 0 : index
    %swap3A_22 = arith.constant 0 : index
    %swap3A_23 = vector.load %arg5[%swap3A, %swap3A_22] : memref<1024x128xf32, #tpu.memory_space<vmem>>, vector<1024x128xf32>
    tpu.vector_store %arg5[%swap3A, %swap3A_22], %add3A_21 {strides = array<i32>} : memref<1024x128xf32, #tpu.memory_space<vmem>>, vector<1024x128xf32>,
    return
  }
  func.func @transform_0(%arg0: i32) -> (i32, i32, i32) {
    %c0_i32 = arith.constant 0 : i32
    %c0_i32_0 = arith.constant 0 : i32
    %c0_i32_1 = arith.constant 0 : i32
    return %c0_i32, %arg0, %c0_i32_0 : i32, i32, i32
  }
  func.func @transform_1(%arg0: i32) -> (i32, i32) {
    %c0_i32 = arith.constant 0 : i32
    %c0_i32_0 = arith.constant 0 : i32
    return %arg0, %c0_i32 : i32, i32
  }
  func.func @transform_2(%arg0: i32) -> (i32, i32) {
    %c0_i32 = arith.constant 0 : i32
    %c0_i32_0 = arith.constant 0 : i32
    return %arg0, %c0_i32 : i32, i32
  }
  func.func @transform_3(%arg0: i32) -> (i32, i32) {
    %c0_i32 = arith.constant 0 : i32
    %c0_i32_0 = arith.constant 0 : i32
    %c0_i32_1 = arith.constant 0 : i32
    return %c0_i32, %c0_i32_0 : i32, i32
  }
  func.func @transform_4(%arg0: i32) -> (i32, i32) {
    %c0_i32 = arith.constant 0 : i32
    %c0_i32_0 = arith.constant 0 : i32
    return %arg0, %c0_i32 : i32, i32
  }
}

</mosaic_0001>

<sc_bundles>
// kernel: _run.12.cloned.1.call-start
scs
__scs_entry_jumppad:
0x0: {  	(pc) =	sbr.rel $0x88, $3  }
0x1: {  	(tag) =	ssettag $0x0;
	lr =	simm.s32 $0x1  }
0x2: {  	[smem:$0x3F9B] =	sst lr;
	_ =	strace $0xD0000000  }
0x3: {  	_ = 	snop  }
0x4: {  	_ = 	snop  }
0x5: {  	_ = 	snop  }
0x6: {  	_ = 	snop  }
0x7: {  	_ = 	snop  }
__scs_overlays_trampoline_lowered:
0x8: {  	[smem:$0x3FAA] =	sst s0  }
0x9: {  	[smem:$0x3FAB] =	sst s1  }
0xa: {  	[smem:$0x3FAC] =	sst s2  }
0xb: {  	[smem:$0x3FAD] =	sst s3  }
0xc: {  	[smem:$0x3FAE] =	sst s4  }
0xd: {  	[smem:$0x3FAF] =	sst s5  }
0xe: {  	[smem:$0x3FB0] =	sst s6  }
0xf: {  	[smem:$0x3FB1] =	sst s7  }
0x10: {  	[smem:$0x3FB2] =	sst s8  }
0x11: {  	[smem:$0x3FB3] =	sst s9;
	s0 =	simm.s32 @!p0 $0x0  }
0x12: {  	s1 =	sld [smem:$0x3F99];
	s0 =	simm.s32 @p0 $0x1  }
0x13: {  	[smem:$0x3FB4] =	sst s0;
	s0 =	simm.s32 @!p1 $0x0  }
0x14: {  	s2 =	sld [smem:$0x3F98];
	s0 =	simm.s32 @p1 $0x1  }
0x15: {  	[smem:$0x3FB5] =	sst s0;
	s0 =	simm.s32 @!p2 $0x0  }
0x16: {  	s3 =	sld [smem:$0x3FDB];
	s0 =	simm.s32 @p2 $0x1  }
0x17: {  	s4 =	simm.s32 $0x1BF5;
	[smem:$0x3FB7] =	sst s0  }
0x18: {  	s0 =	sld [smem:$0x3F9A];
	_ =	swait.ge [sflag:s4], $0x0  }
0x19: {  	s7 =	sld [smem:$0x3F9B]  }
0x1a: {  	s8 =	sadd.s32 $0xFFFFE003, lr  }
0x1b: {  	s9 =	sadd.s32 $0xFFFFFEF7, lr;
	s5 =	simm.s32 $0xFFFFFFFF;
	p2 =	slt.u32 s8, $0xFFFFF086  }
0x1c: {  	p1 =	slt.u32 s9, $0xF7A;
	s5 =	simm.s32 @!p2 $0x0  }
0x1d: {  	s5 =	simm.s32 @p1 $0x1;
	p0 =	seq.s32 s7, s2  }
0x1e: {  	s7 =	smul.u32 @!p0 $0xF7A, s2;
	p2 =	seq.s32 @!p0 s5, $0x0  }
0x1f: {  	s9 =	smul.u32 $0xF7A, s1;
	s8 =	simm.s32 @!p0 $0x1BF5;
	p2 =	por !p2, p0  }
0x20: {  	[sflag:s8] =	ssyncset.s32 @!p0 $0xFFFFF086;
	s6 =	sadd.s32 @!p0 s3, s7;
	s7 =	simm.s32 @!p0 $0x108  }
0x21: {  	s3 =	sadd.s32 s3, s9;
	s6 =	sadd.s32 @!p0 $0x88, s6;
	s7 =	simm.s32 @p2 $0x1082  }
0x22: {  	[simem:s7], [sflag:s8] =	dma.local @!p0 [hbm:s6], $0xF7A  }
0x23: {  	s9 =	sor.u32 $0xD0000000, s2;
	s6 =	simm.s32 $0x108;
	_ =	swait.ge @!p0 [sflag:s8], $0x0  }
0x24: {  	s3 =	sadd.s32 $0x88, s3;
	s6 =	simm.s32 @!p1 $0x1082;
	[sflag:s4] =	ssyncset.s32 $0xFFFFF086  }
0x25: {  	[simem:s6], [sflag:s4] =	dma.local [hbm:s3], $0xF7A  }
0x26: {  	[smem:$0x3F9B] =	sst s1;
	(tag) =	ssettag s2;
	_ =	strace s9  }
0x27: {  	s1 =	sld [smem:$0x3FAB]  }
0x28: {  	s2 =	sld [smem:$0x3FAC]  }
0x29: {  	s4 =	sld [smem:$0x3FAE]  }
0x2a: {  	p0 =	seq.s32 s5, $0x0;
	s5 =	sld [smem:$0x3FAF]  }
0x2b: {  	s6 =	sld [smem:$0x3FB0]  }
0x2c: {  	s7 =	sld [smem:$0x3FB1]  }
0x2d: {  	s3 =	simm.s32 $0x108;
	s8 =	sld [smem:$0x3FB2]  }
0x2e: {  	s3 =	simm.s32 @!p0 $0x1082;
	s9 =	sld [smem:$0x3FB3]  }
0x2f: {  	lr =	sadd.s32 s0, s3;
	s0 =	sld [smem:$0x3FAA]  }
0x30: {  	s3 =	sld [smem:$0x3FAD]  }
0x31: {  	[smem:$0x3FB6] =	sst s10  }
0x32: {  	s10 =	sld [smem:$0x3FB4];
	_ =	sdelay $0x3  }
0x33: {  	p0 =	seq.s32 s10, $0x1;
	s10 =	sld [smem:$0x3FB6];
	_ =	sdelay $0x3  }
0x34: {  	[smem:$0x3FB6] =	sst s10  }
0x35: {  	s10 =	sld [smem:$0x3FB5];
	_ =	sdelay $0x3  }
0x36: {  	p1 =	seq.s32 s10, $0x1;
	s10 =	sld [smem:$0x3FB6];
	_ =	sdelay $0x3  }
0x37: {  	[smem:$0x3FB6] =	sst s10  }
0x38: {  	s10 =	sld [smem:$0x3FB7]  }
0x39: {  	_ = 	snop;
	(pc) =	sbr.ind lr, $3  }
0x3a: {  	_ = 	snop  }
0x3b: {  	_ = 	snop  }
0x3c: {  	p2 =	seq.s32 s10, $0x1;
	s10 =	sld [smem:$0x3FB6]  }
0x3d: {  	_ =	shalt  }
0x3e: {  	_ =	shalt  }
0x3f: {  	_ =	shalt  }
0x40: {  	_ =	shalt  }
0x41: {  	_ =	shalt  }
0x42: {  	_ =	shalt  }
0x43: {  	_ =	shalt  }
0x44: {  	_ =	shalt  }
0x45: {  	_ =	shalt  }
0x46: {  	_ =	shalt  }
0x47: {  	_ =	shalt  }
0x48: {  	_ =	shalt  }
0x49: {  	_ =	shalt  }
0x4a: {  	_ =	shalt  }
0x4b: {  	_ =	shalt  }
0x4c: {  	_ =	shalt  }
0x4d: {  	_ =	shalt  }
0x4e: {  	_ =	shalt  }
0x4f: {  	_ =	shalt  }
0x50: {  	_ =	shalt  }
0x51: {  	_ =	shalt  }
0x52: {  	_ =	shalt  }
0x53: {  	_ =	shalt  }
0x54: {  	_ =	shalt  }
0x55: {  	_ =	shalt  }
0x56: {  	_ =	shalt  }
0x57: {  	_ =	shalt  }
0x58: {  	_ =	shalt  }
0x59: {  	_ =	shalt  }
0x5a: {  	_ =	shalt  }
0x5b: {  	_ =	shalt  }
0x5c: {  	_ =	shalt  }
0x5d: {  	_ =	shalt  }
0x5e: {  	_ =	shalt  }
0x5f: {  	_ =	shalt  }
0x60: {  	_ =	shalt  }
0x61: {  	_ =	shalt  }
0x62: {  	_ =	shalt  }
0x63: {  	_ =	shalt  }
0x64: {  	_ =	shalt  }
0x65: {  	_ =	shalt  }
0x66: {  	_ =	shalt  }
0x67: {  	_ =	shalt  }
0x68: {  	_ =	shalt  }
0x69: {  	_ =	shalt  }
0x6a: {  	_ =	shalt  }
0x6b: {  	_ =	shalt  }
0x6c: {  	_ =	shalt  }
0x6d: {  	_ =	shalt  }
0x6e: {  	_ =	shalt  }
0x6f: {  	_ =	shalt  }
0x70: {  	_ =	shalt  }
0x71: {  	_ =	shalt  }
0x72: {  	_ =	shalt  }
0x73: {  	_ =	shalt  }
0x74: {  	_ =	shalt  }
0x75: {  	_ =	shalt  }
0x76: {  	_ =	shalt  }
0x77: {  	_ =	shalt  }
0x78: {  	_ =	shalt  }
0x79: {  	_ =	shalt  }
0x7a: {  	_ =	shalt  }
0x7b: {  	_ =	shalt  }
0x7c: {  	_ =	shalt  }
0x7d: {  	_ =	shalt  }
0x7e: {  	_ =	shalt  }
0x7f: {  	_ =	shalt  }
0x80: {  	_ =	shalt  }
0x81: {  	_ =	shalt  }
0x82: {  	_ =	shalt  }
0x83: {  	_ =	shalt  }
0x84: {  	_ =	shalt  }
0x85: {  	_ =	shalt  }
0x86: {  	_ =	shalt  }
0x87: {  	_ =	shalt  }
.Lfunc_end0:
.L_simem_size_0:
called_computation.1_lowered:
.L_overlay_start_0:
0x88: {  	s2 =	sld [smem:$0x3FD9]  }
0x89: {  	s3 =	sld [smem:$0x3FFE];
	_ =	sdelay $0x1  }
0x8a: {  	s1 =	srdreg.scid  }
0x8b: {  	s0 =	sand.u32 $0x1, s1  }
0x8c: {  	s17 =	sshll.u32 s0, $0xA;
	s2 =	sadd.s32 s3, s2  }
0x8d: {  	s2 =	sadd.s32 s2, s17  }
0x8e: {  	[smem:$0x3FC2] =	sst s2  }
0x8f: {  	_ = 	snop  }
0x90: {  	(tm) =	ssettm $0x1  }
0x91: {  	s18 =	sld [smem:$0x3FFB];
	_ =	sdelay $0x3  }
0x92: {  	_ =	strace s18  }
0x93: {  	s2 =	sld [smem:$0x3FFC];
	_ =	sdelay $0x3  }
0x94: {  	_ =	strace s2  }
0x95: {  	s2 =	sld [smem:$0x3FFD];
	_ =	sdelay $0x3  }
0x96: {  	_ =	strace s2  }
0x97: {  	_ =	strace $0x8FFFFFFF  }
0x98: {  	s19 =	sld [smem:$0x3FDB];
	_ =	sdelay $0x1  }
0x99: {  	s20 =	simm.s32 $_scs_section_size  }
0x9a: {  	s4 =	simm.s32 $_size__tile_overlayer_lowered;
	s5 =	simm.s32 $_tile_overlayer_lowered  }
0x9b: {  	s6 =	simm.s32 $0x1BFF;
	s21 =	sshll.u32 s5, $0x1;
	s3 =	sadd.s32 s20, s19  }
0x9c: {  	s22 =	simm.s32 $0x0;
	s4 =	sshll.u32 s4, $0x1;
	s5 =	sadd.s32 s21, s3  }
0x9d: {  	[timem:s22], [sflag:s6] =	dma.local [hbm:s5], s4  }
0x9e: {  	_ =	swait.ge [sflag:s6], s4  }
0x9f: {  	s4 =	ssub.s32 $0x0, s4;
	[sflag:s6] =	ssyncset.done $0x0  }
0xa0: {  	[sflag:s6] =	ssyncadd.s32 s4;
	_ =	sdelay $0x1  }
0xa1: {  	s23 =	simm.s32 $0x1B8B  }
0xa2: {  	_ =	swait.ge [sflag:s23], $0x1  }
0xa3: {  	[sflag:s23] =	ssyncset.done $0x0  }
0xa4: {  	[sflag:s23] =	ssyncadd.s32 $0xFFFFFFFF  }
0xa5: {  	s4 =	sld [smem:$0x0]  }
0xa6: {  	s5 =	sand.u32 $0xFFFFFFFE, s1  }
0xa7: {  	p0 =	sne.s32 s1, s5  }
0xa8: {  	s5 =	sshll.u32 @p0 s5, $0xE  }
0xa9: {  	s5 =	sadd.s32 @p0 $0x11B8D, s5;
	s6 =	sshll.u32 @p0 s4, $0x11  }
0xaa: {  	s5 =	sor.u32 @p0 s6, s5  }
0xab: {  	[sflag:s5] =	ssyncadd.remote.s32 @p0 $0x1;
	_ =	sdelay $0x1  }
0xac: {  	s5 =	simm.s32 @p0 $0x1B8D  }
0xad: {  	_ =	swait.eq @p0 [sflag:s5], $0x1  }
0xae: {  	[sflag:s5] =	ssyncadd.s32 @p0 $0xFFFFFFFF  }
0xaf: {  	s6 =	sshll.u32 @!p0 s1, $0xE  }
0xb0: {  	s6 =	sor.u32 @!p0 $0x4000, s6;
	s5 =	simm.s32 @!p0 $0x1B8D  }
0xb1: {  	s4 =	sshll.u32 @!p0 s4, $0x11;
	s6 =	sadd.s32 @!p0 $0x11B8D, s6;
	_ =	swait.eq @!p0 [sflag:s5], $0x1  }
0xb2: {  	s4 =	sor.u32 @!p0 s4, s6;
	[sflag:s5] =	ssyncadd.s32 @!p0 $0xFFFFFFFF  }
0xb3: {  	s25 =	simm.s32 $0x1B8E;
	s24 =	sld [smem:$0x3FFE];
	[sflag:s4] =	ssyncadd.remote.s32 @!p0 $0x1  }
0xb4: {  	s26 =	simm.s32 $execute0_lowered;
	[smem:$0x3FD2] =	sst s25  }
0xb5: {  	s5 =	sshll.u32 s26, $0x1;
	_ =	strace $0x8000004C;
	[dreg:$0x1] =	wrdreg $0xFFFFFFFF  }
0xb6: {  	s28 =	simm.s32 $_size_execute0_lowered;
	s3 =	sadd.s32 s3, s5;
	[dreg:$0x0] =	wrdreg $0x0  }
0xb7: {  	s5 =	sshll.u32 s28, $0x1;
	[dreg:$0x2] =	wrdreg s3  }
0xb8: {  	[dreg:$0x3] =	wrdreg s5  }
0xb9: {  	[dreg:$0x4] =	wrdreg $0xC0  }
0xba: {  	_ =	task [dreg:s22], $0x5FFFF  }
0xbb: {  	[dreg:$0x1] =	wrdreg $0xFFFFFFFF  }
0xbc: {  	[dreg:$0x0] =	wrdreg $0x60  }
0xbd: {  	[dreg:$0x2] =	wrdreg s24  }
0xbe: {  	[dreg:$0x3] =	wrdreg $0x0  }
0xbf: {  	[dreg:$0x4] =	wrdreg $0x9  }
0xc0: {  	_ =	task.clear_ibuf [dreg:s22], $0x5FFFF;
	_ =	strace $0x9000004C  }
0xc1: {  	s29 =	simm.s32 $0x9;
	_ =	strace $0x8000004E  }
0xc2: {  	_ =	swait.ge [sflag:s29], $0x1  }
0xc3: {  	[sflag:s29] =	ssyncadd.s32 $0xFFFFFFFF  }
0xc4: {  	_ =	strace $0x9000004E  }
0xc5: {  	_ =	sfence  }
0xc6: {  	s30 =	sld [smem:$0x0];
	_ =	sdelay $0x2  }
0xc7: {  	s31 =	sshll.u32 s1, $0xD;
	s1 =	sshrl.u32 s1, $0x2  }
0xc8: {  	s4 =	sand.u32 $0x4000, s31;
	s1 =	sadd.s32 s1, s30  }
0xc9: {  	s0 =	sor.u32 s4, s0;
	s1 =	sshll.u32 s1, $0x11  }
0xca: {  	s0 =	sor.u32 s1, s0  }
0xcb: {  	s0 =	sadd.s32 $0x8F2B, s0  }
0xcc: {  	[sflag:s0] =	ssyncadd.remote.s32 $0x1  }
0xcd: {  	_ =	sfence.sel $0xFFFF  }
0xce: {  	[dreg:$0x0] =	wrdreg $0xFFFFFFFF;
	(pc) =	sbr.abs _section_cstart, $3  }
0xcf: {  	[dreg:$0x1] =	wrdreg $0xFFFFFFFF  }
0xd0: {  	_ =	task.clear_ibuf [dreg:s22], $0x2FFFF;
	_ =	strace $0x9FFFFFFF  }
0xd1: {  	(tm) =	ssettm $0x7FFFFFFF  }
tec
execute0_lowered:
.L_overlay_start_1:
0x0: {  	(tag) =	ssettag $0x1  }
0x1: {  	s0 =	rddreg [dreg:$0x0]  }
0x2: {  	s1 =	rddreg [dreg:$0x1];
	s2 =	simm.s32 $0x0;
	s3 =	srdreg.scid  }
0x3: {  	s20 =	stileid.u32;
	s28 =	simm.s32 $0x14180;
	s29 =	simm.s32 $0x4  }
0x4: {  	s30 =	simm.s32 $0x14300;
	s31 =	simm.s32 $0x14480;
	[smem:$0x7FF] =	sst s2  }
0x5: {  	s3 =	sand.u32 $0x1, s3;
	s4 =	sadd.s32 $0x85C00, s0;
	s8 =	smul.u32 $0x2800, s20  }
0x6: {  	s6 =	sadd.s32 $0x1400, s0;
	s7 =	sadd.s32 $0x1F400, s0;
	s18 =	smul.u32 $0x280, s20  }
0x7: {  	s9 =	sadd.s32 $0x83400, s0;
	s0 =	sadd.s32 $0x125C00, s0;
	s19 =	smul.u32 $0x50000, s20  }
0x8: {  	s20 =	sshll.u32 s20, $0x6;
	_ =	strace $0x8000004D;
	s5 =	smul.u32 $0x28000, s3  }
0x9: {  	[dreg:$0x3] =	wrdreg s9;
	s10 =	ssub.s32 $0x2, s3;
	s3 =	smul.u32 $0x2800, s3  }
0xa: {  	s20 =	sor.u32 $0x1C04, s20;
	s11 =	sshrl.u32 s10, $0x1;
	s9 =	sadd.s32 $0x200, s18  }
0xb: {  	s5 =	sadd.s32 s8, s5;
	s10 =	ssub.s32 s10, s11;
	s8 =	sshrl.u32 s19, $0x2  }
0xc: {  	s24 =	sadd.s32 s18, s3;
	s19 =	sadd.s32 $0x80, s18;
	s12 =	sshrl.u32 s5, $0x3  }
0xd: {  	s26 =	sadd.s32 s3, s19;
	s16 =	sor.u32 $0x280, s5;
	s5 =	sor.u32 $0x140, s5  }
0xe: {  	s21 =	sadd.s32 s6, s12;
	s22 =	sadd.s32 s7, s12;
	s23 =	sadd.s32 $0x4D8, s12  }
0xf: {  	s12 =	sshll.u32 s24, $0x4;
	s17 =	sshrl.u32 s16, $0x3;
	[dreg:$0x4] =	wrdreg s21  }
0x10: {  	[dreg:$0x5] =	wrdreg s22;
	s13 =	sadd.s32 s6, s23;
	s11 =	sadd.s32 s7, s23  }
0x11: {  	s25 =	sadd.s32 s0, s12;
	s22 =	sadd.s32 $0x100, s18;
	s23 =	sadd.s32 $0x180, s18  }
0x12: {  	s18 =	sshrl.u32 s5, $0x3;
	s16 =	sadd.s32 s17, s6;
	[dreg:$0x6] =	wrdreg s13  }
0x13: {  	s21 =	sshll.u32 s19, $0x7;
	s19 =	sadd.s32 s8, s1;
	[dreg:$0x7] =	wrdreg s11  }
0x14: {  	s5 =	simm.s32 $0x14600;
	s8 =	simm.s32 $0x0;
	[dreg:$0x8] =	wrdreg s25  }
0x15: {  	s11 =	sshll.u32 s26, $0x4;
	s12 =	sadd.s32 s3, s22;
	s13 =	sadd.s32 s3, s23  }
0x16: {  	s3 =	sadd.s32 s3, s9;
	s21 =	sadd.s32 s21, s1;
	s24 =	sshll.u32 s22, $0x7  }
0x17: {  	s25 =	sshll.u32 s23, $0x7;
	s26 =	sshll.u32 s9, $0x7;
	s11 =	sadd.s32 s0, s11  }
0x18: {  	s14 =	sshll.u32 s13, $0x4;
	s3 =	sshll.u32 s3, $0x4;
	s22 =	sadd.s32 s24, s1  }
0x19: {  	s23 =	sadd.s32 s25, s1;
	s24 =	sadd.s32 s26, s1;
	s25 =	smax.u32 s10, $0x1  }
0x1a: {  	s26 =	simm.s32 $0x14000;
	[dreg:$0x9] =	wrdreg s11;
	s11 =	sshll.u32 s12, $0x4  }
0x1b: {  	s15 =	sadd.s32 s0, s14;
	s14 =	sadd.s32 s0, s3;
	s3 =	simm.s32 $0x140  }
0x1c: {  	s11 =	sadd.s32 s0, s11;
	[dreg:$0xb] =	wrdreg s15;
	s15 =	sadd.s32 s17, s7  }
0x1d: {  	s17 =	sadd.s32 s18, s7;
	s18 =	sadd.s32 s18, s6;
	s0 =	simm.s32 $0x2  }
0x1e: {  	s6 =	simm.s32 $0x1;
	s7 =	simm.s32 $0x3;
	[dreg:$0xa] =	wrdreg s11  }
.LBB2_1:
0x1f: {  	s9 =	rddreg [dreg:$0x4]  }
0x20: {  	s12 =	rddreg [dreg:$0x5]  }
0x21: {  	[tilespmem:s26], [sflag:$0x2] =	stream.linear.gather [hbm4b:s9+s2], $0x140, $0x38;
	[tilespmem:$0x1E600] =	vst v63  }
0x22: {  	s13 =	sshrl.u32 s19, $0x3;
	s10 =	rddreg [dreg:$0x3]  }
0x23: {  	[tilespmem:s28], [sflag:$0x2] =	stream.linear.gather [hbm4b:s12+s2], $0x140, $0x38;
	[tilespmem:$0x1E600] =	vst v63  }
0x24: {  	[spmem:s13], [sflag:s20] =	dma.local [hbm:s10], $0x2800  }
0x25: {  	_ =	swait.ge [sflag:s29], $0x2800  }
0x26: {  	[sflag:s29] =	ssyncset.done $0x0  }
0x27: {  	[sflag:s29] =	ssyncadd.s32 $0xFFFFD800  }
0x28: {  	s10 =	sadd.s32 $0x0, s18;
	[bflag:$0x0] =	sbarrier.arrive $0xFFFF  }
0x29: {  	[tilespmem:s30], [sflag:$0x3] =	stream.linear.gather [hbm4b:s10+s2], $0x140, $0x38;
	[tilespmem:$0x1E600] =	vst v63  }
0x2a: {  	s11 =	sadd.s32 $0x0, s17  }
0x2b: {  	[tilespmem:s31], [sflag:$0x3] =	stream.linear.gather [hbm4b:s11+s2], $0x140, $0x38;
	[tilespmem:$0x1E600] =	vst v63  }
0x2c: {  	_ =	swait.ge [sflag:s0], $0x140  }
0x2d: {  	[sflag:s0] =	ssyncset.done $0x0  }
0x2e: {  	[sflag:s0] =	ssyncadd.s32 $0xFFFFFEC0  }
0x2f: {  	_ =	swait.ge [sflag:s0], $0x140  }
0x30: {  	[sflag:s0] =	ssyncset.done $0x0  }
0x31: {  	[sflag:s0] =	ssyncadd.s32 $0xFFFFFEC0  }
0x32: {  	[tilespmem:s5], [sflag:$0x1] =	stream.indirect.gather [hbm4b:s4+s3], $0x80, s26, s3, $0xb8;
	[tilespmem:$0x1E600] =	vst v63  }
0x33: {  	_ =	swait.ge [sflag:s6], $0xA000  }
0x34: {  	[sflag:s6] =	ssyncset.done $0x0  }
0x35: {  	[sflag:s6] =	ssyncadd.s32 $0xFFFF6000  }
0x36: {  	[spmem:s1] =	stream.indirect.scatter.add.f32 [tilespmem:s5], [sflag:$0x4], $0x80, s28, s3, $0xb8;
	[tilespmem:$0x1E600] =	vst v63  }
0x37: {  	_ =	swait.ge [sflag:s29], $0xA000  }
0x38: {  	[sflag:s29] =	ssyncset.done $0x0  }
0x39: {  	s12 =	sadd.s32 $0x0, s16;
	[sflag:s29] =	ssyncadd.s32 $0xFFFF6000  }
0x3a: {  	[tilespmem:s26], [sflag:$0x2] =	stream.linear.gather [hbm4b:s12+s2], $0x140, $0x38;
	[tilespmem:$0x1E600] =	vst v63  }
0x3b: {  	s13 =	sadd.s32 $0x0, s15  }
0x3c: {  	[tilespmem:s28], [sflag:$0x2] =	stream.linear.gather [hbm4b:s13+s2], $0x140, $0x38;
	[tilespmem:$0x1E600] =	vst v63  }
0x3d: {  	_ =	swait.ge [sflag:s7], $0x140  }
0x3e: {  	[sflag:s7] =	ssyncset.done $0x0  }
0x3f: {  	[sflag:s7] =	ssyncadd.s32 $0xFFFFFEC0  }
0x40: {  	_ =	swait.ge [sflag:s7], $0x140  }
0x41: {  	[sflag:s7] =	ssyncset.done $0x0  }
0x42: {  	[sflag:s7] =	ssyncadd.s32 $0xFFFFFEC0  }
0x43: {  	[tilespmem:s5], [sflag:$0x1] =	stream.indirect.gather [hbm4b:s4+s3], $0x80, s30, s3, $0xb8;
	[tilespmem:$0x1E600] =	vst v63  }
0x44: {  	_ =	swait.ge [sflag:s6], $0xA000  }
0x45: {  	[sflag:s6] =	ssyncset.done $0x0  }
0x46: {  	[sflag:s6] =	ssyncadd.s32 $0xFFFF6000  }
0x47: {  	[spmem:s1] =	stream.indirect.scatter.add.f32 [tilespmem:s5], [sflag:$0x4], $0x80, s31, s3, $0xb8;
	[tilespmem:$0x1E600] =	vst v63  }
0x48: {  	_ =	swait.ge [sflag:s29], $0xA000  }
0x49: {  	s9 =	simm.s32 $0x50;
	s10 =	simm.s32 $0xA0;
	[sflag:s29] =	ssyncset.done $0x0  }
.LBB2_2:
0x4a: {  	s12 =	sadd.s32 s9, s18  }
0x4b: {  	[sflag:s29] =	ssyncadd.s32 $0xFFFF6000;
	s13 =	smov.u32 s10;
	s11 =	sadd.s32 $0x50, s10  }
0x4c: {  	[tilespmem:s30], [sflag:$0x3] =	stream.linear.gather [hbm4b:s12+s2], $0x140, $0x38;
	[tilespmem:$0x1E600] =	vst v63  }
0x4d: {  	p0 =	sne.s32 s10, $0x460;
	s10 =	sadd.s32 s9, s17  }
0x4e: {  	[tilespmem:s31], [sflag:$0x3] =	stream.linear.gather [hbm4b:s10+s2], $0x140, $0x38;
	[tilespmem:$0x1E600] =	vst v63  }
0x4f: {  	_ =	swait.ge [sflag:s0], $0x140  }
0x50: {  	[sflag:s0] =	ssyncset.done $0x0  }
0x51: {  	[sflag:s0] =	ssyncadd.s32 $0xFFFFFEC0  }
0x52: {  	_ =	swait.ge [sflag:s0], $0x140  }
0x53: {  	[sflag:s0] =	ssyncset.done $0x0  }
0x54: {  	[sflag:s0] =	ssyncadd.s32 $0xFFFFFEC0  }
0x55: {  	[tilespmem:s5], [sflag:$0x1] =	stream.indirect.gather [hbm4b:s4+s3], $0x80, s26, s3, $0xb8;
	[tilespmem:$0x1E600] =	vst v63  }
0x56: {  	_ =	swait.ge [sflag:s6], $0xA000  }
0x57: {  	[sflag:s6] =	ssyncset.done $0x0  }
0x58: {  	[sflag:s6] =	ssyncadd.s32 $0xFFFF6000  }
0x59: {  	[spmem:s1] =	stream.indirect.scatter.add.f32 [tilespmem:s5], [sflag:$0x4], $0x80, s28, s3, $0xb8;
	[tilespmem:$0x1E600] =	vst v63  }
0x5a: {  	_ =	swait.ge [sflag:s29], $0xA000  }
0x5b: {  	[sflag:s29] =	ssyncset.done $0x0  }
0x5c: {  	s10 =	sadd.s32 s9, s16;
	[sflag:s29] =	ssyncadd.s32 $0xFFFF6000  }
0x5d: {  	[tilespmem:s26], [sflag:$0x2] =	stream.linear.gather [hbm4b:s10+s2], $0x140, $0x38;
	[tilespmem:$0x1E600] =	vst v63  }
0x5e: {  	s10 =	sadd.s32 s9, s15;
	s9 =	smov.u32 s13  }
0x5f: {  	[tilespmem:s28], [sflag:$0x2] =	stream.linear.gather [hbm4b:s10+s2], $0x140, $0x38;
	[tilespmem:$0x1E600] =	vst v63  }
0x60: {  	_ =	swait.ge [sflag:s7], $0x140  }
0x61: {  	[sflag:s7] =	ssyncset.done $0x0  }
0x62: {  	[sflag:s7] =	ssyncadd.s32 $0xFFFFFEC0  }
0x63: {  	_ =	swait.ge [sflag:s7], $0x140  }
0x64: {  	[sflag:s7] =	ssyncset.done $0x0  }
0x65: {  	[sflag:s7] =	ssyncadd.s32 $0xFFFFFEC0  }
0x66: {  	[tilespmem:s5], [sflag:$0x1] =	stream.indirect.gather [hbm4b:s4+s3], $0x80, s30, s3, $0xb8;
	[tilespmem:$0x1E600] =	vst v63  }
0x67: {  	_ =	swait.ge [sflag:s6], $0xA000  }
.Ltmp0:
0x68: {  	[sflag:s6] =	ssyncset.done $0x0;
	(pc) =	sbr.rel @p0 .LBB2_2-.Ltmp0, $4  }
0x69: {  	[sflag:s6] =	ssyncadd.s32 $0xFFFF6000  }
0x6a: {  	[spmem:s1] =	stream.indirect.scatter.add.f32 [tilespmem:s5], [sflag:$0x4], $0x80, s31, s3, $0xb8;
	[tilespmem:$0x1E600] =	vst v63  }
0x6b: {  	_ =	swait.ge [sflag:s29], $0xA000  }
0x6c: {  	s10 =	smov.u32 s11;
	[sflag:s29] =	ssyncset.done $0x0  }
0x6d: {  	s10 =	sadd.s32 s9, s18;
	[sflag:s29] =	ssyncadd.s32 $0xFFFF6000  }
0x6e: {  	[tilespmem:s30], [sflag:$0x3] =	stream.linear.gather [hbm4b:s10+s2], $0x140, $0x38;
	[tilespmem:$0x1E600] =	vst v63  }
0x6f: {  	s12 =	sadd.s32 s9, s17  }
0x70: {  	[tilespmem:s31], [sflag:$0x3] =	stream.linear.gather [hbm4b:s12+s2], $0x140, $0x38;
	[tilespmem:$0x1E600] =	vst v63  }
0x71: {  	_ =	swait.ge [sflag:s0], $0x140  }
0x72: {  	[sflag:s0] =	ssyncset.done $0x0  }
0x73: {  	[sflag:s0] =	ssyncadd.s32 $0xFFFFFEC0  }
0x74: {  	_ =	swait.ge [sflag:s0], $0x140  }
0x75: {  	[sflag:s0] =	ssyncset.done $0x0  }
0x76: {  	[sflag:s0] =	ssyncadd.s32 $0xFFFFFEC0  }
0x77: {  	[tilespmem:s5], [sflag:$0x1] =	stream.indirect.gather [hbm4b:s4+s3], $0x80, s26, s3, $0xb8;
	[tilespmem:$0x1E600] =	vst v63  }
0x78: {  	_ =	swait.ge [sflag:s6], $0xA000  }
0x79: {  	[sflag:s6] =	ssyncset.done $0x0  }
0x7a: {  	[sflag:s6] =	ssyncadd.s32 $0xFFFF6000  }
0x7b: {  	[spmem:s1] =	stream.indirect.scatter.add.f32 [tilespmem:s5], [sflag:$0x4], $0x80, s28, s3, $0xb8;
	[tilespmem:$0x1E600] =	vst v63  }
0x7c: {  	_ =	swait.ge [sflag:s29], $0xA000  }
0x7d: {  	[sflag:s29] =	ssyncset.done $0x0  }
0x7e: {  	s13 =	sadd.s32 s9, s16;
	[sflag:s29] =	ssyncadd.s32 $0xFFFF6000  }
0x7f: {  	[tilespmem:s26], [sflag:$0x2] =	stream.linear.gather [hbm4b:s13+s2], $0x140, $0x38;
	[tilespmem:$0x1E600] =	vst v63  }
0x80: {  	s11 =	sadd.s32 s9, s15  }
0x81: {  	[tilespmem:s28], [sflag:$0x2] =	stream.linear.gather [hbm4b:s11+s2], $0x140, $0x38;
	[tilespmem:$0x1E600] =	vst v63  }
0x82: {  	_ =	swait.ge [sflag:s7], $0x140  }
0x83: {  	[sflag:s7] =	ssyncset.done $0x0  }
0x84: {  	[sflag:s7] =	ssyncadd.s32 $0xFFFFFEC0  }
0x85: {  	_ =	swait.ge [sflag:s7], $0x140  }
0x86: {  	[sflag:s7] =	ssyncset.done $0x0  }
0x87: {  	[sflag:s7] =	ssyncadd.s32 $0xFFFFFEC0  }
0x88: {  	[tilespmem:s5], [sflag:$0x1] =	stream.indirect.gather [hbm4b:s4+s3], $0x80, s30, s3, $0xb8;
	[tilespmem:$0x1E600] =	vst v63  }
0x89: {  	_ =	swait.ge [sflag:s6], $0xA000  }
0x8a: {  	[sflag:s6] =	ssyncset.done $0x0  }
0x8b: {  	[sflag:s6] =	ssyncadd.s32 $0xFFFF6000  }
0x8c: {  	[spmem:s1] =	stream.indirect.scatter.add.f32 [tilespmem:s5], [sflag:$0x4], $0x80, s31, s3, $0xb8;
	[tilespmem:$0x1E600] =	vst v63  }
0x8d: {  	_ =	swait.ge [sflag:s29], $0xA000  }
0x8e: {  	[sflag:s29] =	ssyncset.done $0x0  }
0x8f: {  	s12 =	rddreg [dreg:$0x6];
	[sflag:s29] =	ssyncadd.s32 $0xFFFF6000  }
0x90: {  	[tilespmem:s30], [sflag:$0x3] =	stream.linear.gather [hbm4b:s12+s2], $0x140, $0x38;
	[tilespmem:$0x1E600] =	vst v63  }
0x91: {  	s13 =	rddreg [dreg:$0x7]  }
0x92: {  	[tilespmem:s31], [sflag:$0x3] =	stream.linear.gather [hbm4b:s13+s2], $0x140, $0x38;
	[tilespmem:$0x1E600] =	vst v63  }
0x93: {  	_ =	swait.ge [sflag:s0], $0x140  }
0x94: {  	[sflag:s0] =	ssyncset.done $0x0  }
0x95: {  	[sflag:s0] =	ssyncadd.s32 $0xFFFFFEC0  }
0x96: {  	_ =	swait.ge [sflag:s0], $0x140  }
0x97: {  	[sflag:s0] =	ssyncset.done $0x0  }
0x98: {  	[sflag:s0] =	ssyncadd.s32 $0xFFFFFEC0  }
0x99: {  	[tilespmem:s5], [sflag:$0x1] =	stream.indirect.gather [hbm4b:s4+s3], $0x80, s26, s3, $0xb8;
	[tilespmem:$0x1E600] =	vst v63  }
0x9a: {  	_ =	swait.ge [sflag:s6], $0xA000  }
0x9b: {  	[sflag:s6] =	ssyncset.done $0x0  }
0x9c: {  	[sflag:s6] =	ssyncadd.s32 $0xFFFF6000  }
0x9d: {  	[spmem:s1] =	stream.indirect.scatter.add.f32 [tilespmem:s5], [sflag:$0x4], $0x80, s28, s3, $0xb8;
	[tilespmem:$0x1E600] =	vst v63  }
0x9e: {  	_ =	swait.ge [sflag:s29], $0xA000  }
0x9f: {  	[sflag:s29] =	ssyncset.done $0x0  }
0xa0: {  	[sflag:s29] =	ssyncadd.s32 $0xFFFF6000  }
0xa1: {  	_ =	swait.ge [sflag:s7], $0x140  }
0xa2: {  	[sflag:s7] =	ssyncset.done $0x0  }
0xa3: {  	[sflag:s7] =	ssyncadd.s32 $0xFFFFFEC0  }
0xa4: {  	_ =	swait.ge [sflag:s7], $0x140  }
0xa5: {  	[sflag:s7] =	ssyncset.done $0x0  }
0xa6: {  	[sflag:s7] =	ssyncadd.s32 $0xFFFFFEC0  }
0xa7: {  	[tilespmem:s5], [sflag:$0x1] =	stream.indirect.gather [hbm4b:s4+s3], $0x80, s30, s3, $0xb8;
	[tilespmem:$0x1E600] =	vst v63  }
0xa8: {  	_ =	swait.ge [sflag:s6], $0xA000  }
0xa9: {  	[sflag:s6] =	ssyncset.done $0x0  }
0xaa: {  	[sflag:s6] =	ssyncadd.s32 $0xFFFF6000  }
0xab: {  	[spmem:s1] =	stream.indirect.scatter.add.f32 [tilespmem:s5], [sflag:$0x4], $0x80, s31, s3, $0xb8;
	[tilespmem:$0x1E600] =	vst v63  }
0xac: {  	_ =	swait.ge [sflag:s29], $0xA000  }
0xad: {  	[sflag:s29] =	ssyncset.done $0x0  }
0xae: {  	[sflag:s29] =	ssyncadd.s32 $0xFFFF6000  }
0xaf: {  	[bflag:$0x0] =	sbarrier.arrive $0xFFFF  }
0xb0: {  	[tilespmem:s5], [sflag:$0x4] =	stream.linear.gather [spmem:s19], $0x4000, $0x38;
	[tilespmem:$0x1E600] =	vst v63  }
0xb1: {  	_ =	swait.ge [sflag:s29], $0x4000  }
0xb2: {  	[sflag:s29] =	ssyncset.done $0x0  }
0xb3: {  	s10 =	rddreg [dreg:$0x8];
	[sflag:s29] =	ssyncadd.s32 $0xFFFFC000  }
0xb4: {  	[hbm4b:s10+s2] =	stream.linear.scatter [tilespmem:s5], [sflag:$0x4], $0x4000, $0x38;
	[tilespmem:$0x1E600] =	vst v63  }
0xb5: {  	_ =	swait.ge [sflag:s29], $0x4000  }
0xb6: {  	[sflag:s29] =	ssyncset.done $0x0  }
0xb7: {  	[sflag:s29] =	ssyncadd.s32 $0xFFFFC000  }
0xb8: {  	[tilespmem:s5], [sflag:$0x4] =	stream.linear.gather [spmem:s21], $0x4000, $0x38;
	[tilespmem:$0x1E600] =	vst v63  }
0xb9: {  	_ =	swait.ge [sflag:s29], $0x4000  }
0xba: {  	[sflag:s29] =	ssyncset.done $0x0  }
0xbb: {  	s11 =	rddreg [dreg:$0x9];
	[sflag:s29] =	ssyncadd.s32 $0xFFFFC000  }
0xbc: {  	[hbm4b:s11+s2] =	stream.linear.scatter [tilespmem:s5], [sflag:$0x4], $0x4000, $0x38;
	[tilespmem:$0x1E600] =	vst v63  }
0xbd: {  	_ =	swait.ge [sflag:s29], $0x4000  }
0xbe: {  	[sflag:s29] =	ssyncset.done $0x0  }
0xbf: {  	[sflag:s29] =	ssyncadd.s32 $0xFFFFC000  }
0xc0: {  	[tilespmem:s5], [sflag:$0x4] =	stream.linear.gather [spmem:s22], $0x4000, $0x38;
	[tilespmem:$0x1E600] =	vst v63  }
0xc1: {  	_ =	swait.ge [sflag:s29], $0x4000  }
0xc2: {  	[sflag:s29] =	ssyncset.done $0x0  }
0xc3: {  	s12 =	rddreg [dreg:$0xa];
	[sflag:s29] =	ssyncadd.s32 $0xFFFFC000  }
0xc4: {  	[hbm4b:s12+s2] =	stream.linear.scatter [tilespmem:s5], [sflag:$0x4], $0x4000, $0x38;
	[tilespmem:$0x1E600] =	vst v63  }
0xc5: {  	_ =	swait.ge [sflag:s29], $0x4000  }
0xc6: {  	[sflag:s29] =	ssyncset.done $0x0  }
0xc7: {  	[sflag:s29] =	ssyncadd.s32 $0xFFFFC000  }
0xc8: {  	[tilespmem:s5], [sflag:$0x4] =	stream.linear.gather [spmem:s23], $0x4000, $0x38;
	[tilespmem:$0x1E600] =	vst v63  }
0xc9: {  	_ =	swait.ge [sflag:s29], $0x4000  }
0xca: {  	[sflag:s29] =	ssyncset.done $0x0  }
0xcb: {  	s13 =	rddreg [dreg:$0xb];
	[sflag:s29] =	ssyncadd.s32 $0xFFFFC000  }
0xcc: {  	[hbm4b:s13+s2] =	stream.linear.scatter [tilespmem:s5], [sflag:$0x4], $0x4000, $0x38;
	[tilespmem:$0x1E600] =	vst v63  }
0xcd: {  	_ =	swait.ge [sflag:s29], $0x4000  }
0xce: {  	[sflag:s29] =	ssyncset.done $0x0  }
0xcf: {  	[sflag:s29] =	ssyncadd.s32 $0xFFFFC000  }
0xd0: {  	[tilespmem:s5], [sflag:$0x4] =	stream.linear.gather [spmem:s24], $0x4000, $0x38;
	[tilespmem:$0x1E600] =	vst v63  }
0xd1: {  	s8 =	sadd.s32 $0x1, s8;
	_ =	swait.ge [sflag:s29], $0x4000  }
0xd2: {  	p0 =	sne.s32 s8, s25;
	[sflag:s29] =	ssyncset.done $0x0  }
.Ltmp1:
0xd3: {  	[sflag:s29] =	ssyncadd.s32 $0xFFFFC000;
	(pc) =	sbr.rel @p0 .LBB2_1-.Ltmp1, $4  }
0xd4: {  	[hbm4b:s14+s2] =	stream.linear.scatter [tilespmem:s5], [sflag:$0x4], $0x4000, $0x38;
	[tilespmem:$0x1E600] =	vst v63  }
0xd5: {  	_ =	swait.ge [sflag:s29], $0x4000  }
0xd6: {  	[sflag:s29] =	ssyncset.done $0x0  }
0xd7: {  	[sflag:s29] =	ssyncadd.s32 $0xFFFFC000  }
0xd8: {  	_ =	sfence.sel $0x180000  }
0xd9: {  	[bflag:$0x0] =	sbarrier.arrive $0xFFFF  }
0xda: {  	_ =	strace $0x9000004D  }
0xdb: {  	s0 =	stileid.u32;
	[bflag:$0x2] =	sbarrier.arrive $0xFFFF  }
0xdc: {  	p0 =	sne.s32 s0, $0x0;
	s0 =	rddreg [dreg:$0x2]  }
0xdd: {  	s0 =	sadd.s32 @!p0 $0x100000, s0  }
0xde: {  	[sflag:s0] =	ssyncadd.tile.s32 @!p0 $0x1;
	_ =	shalt  }
.Lfunc_end2:
_tile_overlayer_lowered:
.L_overlay_start_2:
0xdf: {  	(tag) =	ssettag $0x2  }
0xe0: {  	s0 =	rddreg [dreg:$0x0];
	s2 =	stileid.u32  }
0xe1: {  	s1 =	rddreg [dreg:$0x1];
	p0 =	sne.s32 s2, $0x0  }
0xe2: {  	s3 =	rddreg [dreg:$0x2];
	[bflag:$0x3] =	sbarrier.arrive $0xFFFF;
	s2 =	simm.s32 @!p0 $0x1C04  }
0xe3: {  	[timem:s3], [sflag:s2] =	dma.local @!p0 [hbm:s0], s1  }
0xe4: {  	s0 =	simm.s32 @!p0 $0x4  }
0xe5: {  	_ =	swait.ge @!p0 [sflag:s0], s1  }
0xe6: {  	s1 =	ssub.s32 @!p0 $0x0, s1;
	[sflag:s0] =	ssyncset.done @!p0 $0x0  }
0xe7: {  	[sflag:s0] =	ssyncadd.s32 @!p0 s1  }
0xe8: {  	[bflag:$0x3] =	sbarrier.arrive $0xFFFF  }
0xe9: {  	_ =	shalt  }

// kernel: _run.15.cloned.1.call-start
scs
__scs_entry_jumppad:
0x0: {  	(pc) =	sbr.rel $0x88, $3  }
0x1: {  	(tag) =	ssettag $0x0;
	lr =	simm.s32 $0x1  }
0x2: {  	[smem:$0x3F9B] =	sst lr;
	_ =	strace $0xD0000000  }
0x3: {  	_ = 	snop  }
0x4: {  	_ = 	snop  }
0x5: {  	_ = 	snop  }
0x6: {  	_ = 	snop  }
0x7: {  	_ = 	snop  }
__scs_overlays_trampoline_lowered:
0x8: {  	[smem:$0x3FAA] =	sst s0  }
0x9: {  	[smem:$0x3FAB] =	sst s1  }
0xa: {  	[smem:$0x3FAC] =	sst s2  }
0xb: {  	[smem:$0x3FAD] =	sst s3  }
0xc: {  	[smem:$0x3FAE] =	sst s4  }
0xd: {  	[smem:$0x3FAF] =	sst s5  }
0xe: {  	[smem:$0x3FB0] =	sst s6  }
0xf: {  	[smem:$0x3FB1] =	sst s7  }
0x10: {  	[smem:$0x3FB2] =	sst s8  }
0x11: {  	[smem:$0x3FB3] =	sst s9;
	s0 =	simm.s32 @!p0 $0x0  }
0x12: {  	s1 =	sld [smem:$0x3F99];
	s0 =	simm.s32 @p0 $0x1  }
0x13: {  	[smem:$0x3FB4] =	sst s0;
	s0 =	simm.s32 @!p1 $0x0  }
0x14: {  	s2 =	sld [smem:$0x3F98];
	s0 =	simm.s32 @p1 $0x1  }
0x15: {  	[smem:$0x3FB5] =	sst s0;
	s0 =	simm.s32 @!p2 $0x0  }
0x16: {  	s3 =	sld [smem:$0x3FDB];
	s0 =	simm.s32 @p2 $0x1  }
0x17: {  	s4 =	simm.s32 $0x1BF5;
	[smem:$0x3FB7] =	sst s0  }
0x18: {  	s0 =	sld [smem:$0x3F9A];
	_ =	swait.ge [sflag:s4], $0x0  }
0x19: {  	s7 =	sld [smem:$0x3F9B]  }
0x1a: {  	s8 =	sadd.s32 $0xFFFFE003, lr  }
0x1b: {  	s9 =	sadd.s32 $0xFFFFFEF7, lr;
	s5 =	simm.s32 $0xFFFFFFFF;
	p2 =	slt.u32 s8, $0xFFFFF086  }
0x1c: {  	p1 =	slt.u32 s9, $0xF7A;
	s5 =	simm.s32 @!p2 $0x0  }
0x1d: {  	s5 =	simm.s32 @p1 $0x1;
	p0 =	seq.s32 s7, s2  }
0x1e: {  	s7 =	smul.u32 @!p0 $0xF7A, s2;
	p2 =	seq.s32 @!p0 s5, $0x0  }
0x1f: {  	s9 =	smul.u32 $0xF7A, s1;
	s8 =	simm.s32 @!p0 $0x1BF5;
	p2 =	por !p2, p0  }
0x20: {  	[sflag:s8] =	ssyncset.s32 @!p0 $0xFFFFF086;
	s6 =	sadd.s32 @!p0 s3, s7;
	s7 =	simm.s32 @!p0 $0x108  }
0x21: {  	s3 =	sadd.s32 s3, s9;
	s6 =	sadd.s32 @!p0 $0x88, s6;
	s7 =	simm.s32 @p2 $0x1082  }
0x22: {  	[simem:s7], [sflag:s8] =	dma.local @!p0 [hbm:s6], $0xF7A  }
0x23: {  	s9 =	sor.u32 $0xD0000000, s2;
	s6 =	simm.s32 $0x108;
	_ =	swait.ge @!p0 [sflag:s8], $0x0  }
0x24: {  	s3 =	sadd.s32 $0x88, s3;
	s6 =	simm.s32 @!p1 $0x1082;
	[sflag:s4] =	ssyncset.s32 $0xFFFFF086  }
0x25: {  	[simem:s6], [sflag:s4] =	dma.local [hbm:s3], $0xF7A  }
0x26: {  	[smem:$0x3F9B] =	sst s1;
	(tag) =	ssettag s2;
	_ =	strace s9  }
0x27: {  	s1 =	sld [smem:$0x3FAB]  }
0x28: {  	s2 =	sld [smem:$0x3FAC]  }
0x29: {  	s4 =	sld [smem:$0x3FAE]  }
0x2a: {  	p0 =	seq.s32 s5, $0x0;
	s5 =	sld [smem:$0x3FAF]  }
0x2b: {  	s6 =	sld [smem:$0x3FB0]  }
0x2c: {  	s7 =	sld [smem:$0x3FB1]  }
0x2d: {  	s3 =	simm.s32 $0x108;
	s8 =	sld [smem:$0x3FB2]  }
0x2e: {  	s3 =	simm.s32 @!p0 $0x1082;
	s9 =	sld [smem:$0x3FB3]  }
0x2f: {  	lr =	sadd.s32 s0, s3;
	s0 =	sld [smem:$0x3FAA]  }
0x30: {  	s3 =	sld [smem:$0x3FAD]  }
0x31: {  	[smem:$0x3FB6] =	sst s10  }
0x32: {  	s10 =	sld [smem:$0x3FB4];
	_ =	sdelay $0x3  }
0x33: {  	p0 =	seq.s32 s10, $0x1;
	s10 =	sld [smem:$0x3FB6];
	_ =	sdelay $0x3  }
0x34: {  	[smem:$0x3FB6] =	sst s10  }
0x35: {  	s10 =	sld [smem:$0x3FB5];
	_ =	sdelay $0x3  }
0x36: {  	p1 =	seq.s32 s10, $0x1;
	s10 =	sld [smem:$0x3FB6];
	_ =	sdelay $0x3  }
0x37: {  	[smem:$0x3FB6] =	sst s10  }
0x38: {  	s10 =	sld [smem:$0x3FB7]  }
0x39: {  	_ = 	snop;
	(pc) =	sbr.ind lr, $3  }
0x3a: {  	_ = 	snop  }
0x3b: {  	_ = 	snop  }
0x3c: {  	p2 =	seq.s32 s10, $0x1;
	s10 =	sld [smem:$0x3FB6]  }
0x3d: {  	_ =	shalt  }
0x3e: {  	_ =	shalt  }
0x3f: {  	_ =	shalt  }
0x40: {  	_ =	shalt  }
0x41: {  	_ =	shalt  }
0x42: {  	_ =	shalt  }
0x43: {  	_ =	shalt  }
0x44: {  	_ =	shalt  }
0x45: {  	_ =	shalt  }
0x46: {  	_ =	shalt  }
0x47: {  	_ =	shalt  }
0x48: {  	_ =	shalt  }
0x49: {  	_ =	shalt  }
0x4a: {  	_ =	shalt  }
0x4b: {  	_ =	shalt  }
0x4c: {  	_ =	shalt  }
0x4d: {  	_ =	shalt  }
0x4e: {  	_ =	shalt  }
0x4f: {  	_ =	shalt  }
0x50: {  	_ =	shalt  }
0x51: {  	_ =	shalt  }
0x52: {  	_ =	shalt  }
0x53: {  	_ =	shalt  }
0x54: {  	_ =	shalt  }
0x55: {  	_ =	shalt  }
0x56: {  	_ =	shalt  }
0x57: {  	_ =	shalt  }
0x58: {  	_ =	shalt  }
0x59: {  	_ =	shalt  }
0x5a: {  	_ =	shalt  }
0x5b: {  	_ =	shalt  }
0x5c: {  	_ =	shalt  }
0x5d: {  	_ =	shalt  }
0x5e: {  	_ =	shalt  }
0x5f: {  	_ =	shalt  }
0x60: {  	_ =	shalt  }
0x61: {  	_ =	shalt  }
0x62: {  	_ =	shalt  }
0x63: {  	_ =	shalt  }
0x64: {  	_ =	shalt  }
0x65: {  	_ =	shalt  }
0x66: {  	_ =	shalt  }
0x67: {  	_ =	shalt  }
0x68: {  	_ =	shalt  }
0x69: {  	_ =	shalt  }
0x6a: {  	_ =	shalt  }
0x6b: {  	_ =	shalt  }
0x6c: {  	_ =	shalt  }
0x6d: {  	_ =	shalt  }
0x6e: {  	_ =	shalt  }
0x6f: {  	_ =	shalt  }
0x70: {  	_ =	shalt  }
0x71: {  	_ =	shalt  }
0x72: {  	_ =	shalt  }
0x73: {  	_ =	shalt  }
0x74: {  	_ =	shalt  }
0x75: {  	_ =	shalt  }
0x76: {  	_ =	shalt  }
0x77: {  	_ =	shalt  }
0x78: {  	_ =	shalt  }
0x79: {  	_ =	shalt  }
0x7a: {  	_ =	shalt  }
0x7b: {  	_ =	shalt  }
0x7c: {  	_ =	shalt  }
0x7d: {  	_ =	shalt  }
0x7e: {  	_ =	shalt  }
0x7f: {  	_ =	shalt  }
0x80: {  	_ =	shalt  }
0x81: {  	_ =	shalt  }
0x82: {  	_ =	shalt  }
0x83: {  	_ =	shalt  }
0x84: {  	_ =	shalt  }
0x85: {  	_ =	shalt  }
0x86: {  	_ =	shalt  }
0x87: {  	_ =	shalt  }
.Lfunc_end0:
.L_simem_size_0:
called_computation.2_lowered:
.L_overlay_start_0:
0x88: {  	s2 =	sld [smem:$0x3FD9]  }
0x89: {  	s3 =	sld [smem:$0x3FFE];
	_ =	sdelay $0x1  }
0x8a: {  	s1 =	srdreg.scid  }
0x8b: {  	s0 =	sand.u32 $0x1, s1  }
0x8c: {  	s17 =	sshll.u32 s0, $0xA;
	s2 =	sadd.s32 s3, s2  }
0x8d: {  	s2 =	sadd.s32 s2, s17  }
0x8e: {  	[smem:$0x3FC2] =	sst s2  }
0x8f: {  	_ = 	snop  }
0x90: {  	s2 =	sld [smem:$0x3FD0];
	(tm) =	ssettm $0x1  }
0x91: {  	s18 =	sld [smem:$0x3FFB];
	_ =	sdelay $0x3  }
0x92: {  	_ =	strace s18  }
0x93: {  	s3 =	sld [smem:$0x3FFC];
	_ =	sdelay $0x3  }
0x94: {  	_ =	strace s3  }
0x95: {  	s3 =	sld [smem:$0x3FFD];
	_ =	sdelay $0x3  }
0x96: {  	_ =	strace s3  }
0x97: {  	_ =	strace $0x8FFFFFFF  }
0x98: {  	s19 =	sld [smem:$0x3FDB];
	_ =	sdelay $0x1  }
0x99: {  	s4 =	simm.s32 $_scs_section_size  }
0x9a: {  	s5 =	simm.s32 $_size__tile_overlayer_lowered;
	s6 =	simm.s32 $_tile_overlayer_lowered  }
0x9b: {  	s22 =	simm.s32 $0x1BFF;
	s21 =	sshll.u32 s6, $0x1;
	s3 =	sadd.s32 s4, s19  }
0x9c: {  	s7 =	simm.s32 $0x0;
	s20 =	sshll.u32 s5, $0x1;
	s5 =	sadd.s32 s21, s3  }
0x9d: {  	[timem:s7], [sflag:s22] =	dma.local [hbm:s5], s20  }
0x9e: {  	_ =	swait.ge [sflag:s22], s20  }
0x9f: {  	s4 =	ssub.s32 $0x0, s20;
	[sflag:s22] =	ssyncset.done $0x0  }
0xa0: {  	[sflag:s22] =	ssyncadd.s32 s4;
	_ =	sdelay $0x1  }
0xa1: {  	s23 =	simm.s32 $0x1B8B  }
0xa2: {  	_ =	swait.ge [sflag:s23], $0x1  }
0xa3: {  	[sflag:s23] =	ssyncset.done $0x0  }
0xa4: {  	s25 =	simm.s32 $0x1B8E;
	s24 =	sld [smem:$0x3FFE];
	[sflag:s23] =	ssyncadd.s32 $0xFFFFFFFF  }
0xa5: {  	s26 =	simm.s32 $execute0_lowered;
	[smem:$0x3FD2] =	sst s25  }
0xa6: {  	s5 =	sshll.u32 s26, $0x1;
	_ =	strace $0x80000049;
	[dreg:$0x1] =	wrdreg $0xFFFFFFFF  }
0xa7: {  	s28 =	simm.s32 $_size_execute0_lowered;
	s3 =	sadd.s32 s3, s5;
	[dreg:$0x0] =	wrdreg $0x0  }
0xa8: {  	s5 =	sshll.u32 s28, $0x1;
	[dreg:$0x2] =	wrdreg s3  }
0xa9: {  	[dreg:$0x3] =	wrdreg s5  }
0xaa: {  	[dreg:$0x4] =	wrdreg $0xC0  }
0xab: {  	_ =	task [dreg:s7], $0x5FFFF  }
0xac: {  	[dreg:$0x1] =	wrdreg $0xFFFFFFFF  }
0xad: {  	[dreg:$0x0] =	wrdreg $0x60  }
0xae: {  	[dreg:$0x2] =	wrdreg s24  }
0xaf: {  	[dreg:$0x3] =	wrdreg s2  }
0xb0: {  	[dreg:$0x4] =	wrdreg $0x0  }
0xb1: {  	[dreg:$0x5] =	wrdreg $0xA  }
0xb2: {  	_ =	task.clear_ibuf [dreg:s7], $0x6FFFF;
	_ =	strace $0x90000049  }
0xb3: {  	s29 =	simm.s32 $0xA;
	_ =	strace $0x8000004B  }
0xb4: {  	_ =	swait.ge [sflag:s29], $0x1  }
0xb5: {  	[sflag:s29] =	ssyncadd.s32 $0xFFFFFFFF  }
0xb6: {  	_ =	strace $0x9000004B  }
0xb7: {  	_ =	sfence  }
0xb8: {  	s30 =	sld [smem:$0x0];
	_ =	sdelay $0x2  }
0xb9: {  	s31 =	sshll.u32 s1, $0xD;
	s1 =	sshrl.u32 s1, $0x2  }
0xba: {  	s3 =	sand.u32 $0x4000, s31;
	s1 =	sadd.s32 s1, s30  }
0xbb: {  	s0 =	sor.u32 s3, s0;
	s1 =	sshll.u32 s1, $0x11  }
0xbc: {  	s0 =	sor.u32 s1, s0  }
0xbd: {  	s0 =	sadd.s32 $0x8F2B, s0  }
0xbe: {  	[sflag:s0] =	ssyncadd.remote.s32 $0x1  }
0xbf: {  	_ =	sfence.sel $0xFFFF  }
0xc0: {  	[dreg:$0x0] =	wrdreg $0xFFFFFFFF;
	(pc) =	sbr.abs _section_cstart, $3  }
0xc1: {  	[dreg:$0x1] =	wrdreg $0xFFFFFFFF  }
0xc2: {  	_ =	task.clear_ibuf [dreg:s7], $0x2FFFF;
	_ =	strace $0x9FFFFFFF  }
0xc3: {  	(tm) =	ssettm $0x7FFFFFFF  }
tec
execute0_lowered:
.L_overlay_start_1:
0x0: {  	(tag) =	ssettag $0x1  }
0x1: {  	s0 =	rddreg [dreg:$0x0]  }
0x2: {  	s3 =	rddreg [dreg:$0x1]  }
0x3: {  	s1 =	rddreg [dreg:$0x2];
	s2 =	simm.s32 $0x0  }
0x4: {  	s4 =	srdreg.scid;
	s20 =	stileid.u32;
	s28 =	simm.s32 $0x14180  }
0x5: {  	s29 =	simm.s32 $0x4;
	s30 =	simm.s32 $0x14300;
	s31 =	simm.s32 $0x14480  }
0x6: {  	[smem:$0x7FF] =	sst s2;
	s5 =	sand.u32 $0x1, s4;
	s8 =	smul.u32 $0x2800, s20  }
0x7: {  	s4 =	sadd.s32 $0x85C00, s0;
	s7 =	sadd.s32 $0x15400, s0;
	s18 =	smul.u32 $0x280, s20  }
0x8: {  	s9 =	sadd.s32 $0x83400, s0;
	s0 =	sadd.s32 $0xD5C00, s0;
	s19 =	smul.u32 $0x50000, s20  }
0x9: {  	s20 =	sshll.u32 s20, $0x6;
	_ =	strace $0x8000004A;
	s6 =	smul.u32 $0x28000, s5  }
0xa: {  	[dreg:$0x4] =	wrdreg s9;
	s10 =	ssub.s32 $0x2, s5;
	s5 =	smul.u32 $0x2800, s5  }
0xb: {  	s20 =	sor.u32 $0x1C04, s20;
	s11 =	sshrl.u32 s10, $0x1;
	s9 =	sadd.s32 $0x200, s18  }
0xc: {  	s6 =	sadd.s32 s8, s6;
	s10 =	ssub.s32 s10, s11;
	s8 =	sshrl.u32 s19, $0x2  }
0xd: {  	s24 =	sadd.s32 s18, s5;
	s19 =	sadd.s32 $0x80, s18;
	s12 =	sshrl.u32 s6, $0x3  }
0xe: {  	s26 =	sadd.s32 s5, s19;
	s16 =	sor.u32 $0x280, s6;
	s6 =	sor.u32 $0x140, s6  }
0xf: {  	s21 =	sadd.s32 s3, s12;
	s22 =	sadd.s32 s7, s12;
	s23 =	sadd.s32 $0x4D8, s12  }
0x10: {  	s12 =	sshll.u32 s24, $0x4;
	s17 =	sshrl.u32 s16, $0x3;
	[dreg:$0x5] =	wrdreg s21  }
0x11: {  	[dreg:$0x6] =	wrdreg s22;
	s13 =	sadd.s32 s3, s23;
	s11 =	sadd.s32 s7, s23  }
0x12: {  	s25 =	sadd.s32 s0, s12;
	s22 =	sadd.s32 $0x100, s18;
	s23 =	sadd.s32 $0x180, s18  }
0x13: {  	s18 =	sshrl.u32 s6, $0x3;
	s16 =	sadd.s32 s17, s3;
	[dreg:$0x7] =	wrdreg s13  }
0x14: {  	s21 =	sshll.u32 s19, $0x7;
	s19 =	sadd.s32 s8, s1;
	[dreg:$0x8] =	wrdreg s11  }
0x15: {  	s6 =	simm.s32 $0x1;
	s8 =	simm.s32 $0x0;
	[dreg:$0x9] =	wrdreg s25  }
0x16: {  	s11 =	sshll.u32 s26, $0x4;
	s12 =	sadd.s32 s5, s22;
	s13 =	sadd.s32 s5, s23  }
0x17: {  	s5 =	sadd.s32 s5, s9;
	s21 =	sadd.s32 s21, s1;
	s24 =	sshll.u32 s22, $0x7  }
0x18: {  	s25 =	sshll.u32 s23, $0x7;
	s26 =	sshll.u32 s9, $0x7;
	s11 =	sadd.s32 s0, s11  }
0x19: {  	s14 =	sshll.u32 s13, $0x4;
	s5 =	sshll.u32 s5, $0x4;
	s22 =	sadd.s32 s24, s1  }
0x1a: {  	s23 =	sadd.s32 s25, s1;
	s24 =	sadd.s32 s26, s1;
	s25 =	smax.u32 s10, $0x1  }
0x1b: {  	s26 =	simm.s32 $0x14000;
	[dreg:$0xa] =	wrdreg s11;
	s11 =	sshll.u32 s12, $0x4  }
0x1c: {  	s15 =	sadd.s32 s0, s14;
	s14 =	sadd.s32 s0, s5;
	s5 =	simm.s32 $0x14600  }
0x1d: {  	s11 =	sadd.s32 s0, s11;
	[dreg:$0xc] =	wrdreg s15;
	s15 =	sadd.s32 s17, s7  }
0x1e: {  	s17 =	sadd.s32 s18, s7;
	s18 =	sadd.s32 s18, s3;
	s0 =	simm.s32 $0x2  }
0x1f: {  	s3 =	simm.s32 $0x140;
	s7 =	simm.s32 $0x3;
	[dreg:$0xb] =	wrdreg s11  }
.LBB2_1:
0x20: {  	s9 =	rddreg [dreg:$0x5]  }
0x21: {  	s12 =	rddreg [dreg:$0x6]  }
0x22: {  	[tilespmem:s26], [sflag:$0x2] =	stream.linear.gather [hbm4b:s9+s2], $0x140, $0x38;
	[tilespmem:$0x1E600] =	vst v63  }
0x23: {  	s13 =	sshrl.u32 s19, $0x3;
	s10 =	rddreg [dreg:$0x4]  }
0x24: {  	[tilespmem:s28], [sflag:$0x2] =	stream.linear.gather [hbm4b:s12+s2], $0x140, $0x38;
	[tilespmem:$0x1E600] =	vst v63  }
0x25: {  	[spmem:s13], [sflag:s20] =	dma.local [hbm:s10], $0x2800  }
0x26: {  	_ =	swait.ge [sflag:s29], $0x2800  }
0x27: {  	[sflag:s29] =	ssyncset.done $0x0  }
0x28: {  	[sflag:s29] =	ssyncadd.s32 $0xFFFFD800  }
0x29: {  	s10 =	sadd.s32 $0x0, s18;
	[bflag:$0x0] =	sbarrier.arrive $0xFFFF  }
0x2a: {  	[tilespmem:s30], [sflag:$0x3] =	stream.linear.gather [hbm4b:s10+s2], $0x140, $0x38;
	[tilespmem:$0x1E600] =	vst v63  }
0x2b: {  	s11 =	sadd.s32 $0x0, s17  }
0x2c: {  	[tilespmem:s31], [sflag:$0x3] =	stream.linear.gather [hbm4b:s11+s2], $0x140, $0x38;
	[tilespmem:$0x1E600] =	vst v63  }
0x2d: {  	_ =	swait.ge [sflag:s0], $0x140  }
0x2e: {  	[sflag:s0] =	ssyncset.done $0x0  }
0x2f: {  	[sflag:s0] =	ssyncadd.s32 $0xFFFFFEC0  }
0x30: {  	_ =	swait.ge [sflag:s0], $0x140  }
0x31: {  	[sflag:s0] =	ssyncset.done $0x0  }
0x32: {  	[sflag:s0] =	ssyncadd.s32 $0xFFFFFEC0  }
0x33: {  	[tilespmem:s5], [sflag:$0x1] =	stream.indirect.gather [hbm4b:s4+s3], $0x80, s26, s3, $0xb8;
	[tilespmem:$0x1E600] =	vst v63  }
0x34: {  	_ =	swait.ge [sflag:s6], $0xA000  }
0x35: {  	[sflag:s6] =	ssyncset.done $0x0  }
0x36: {  	[sflag:s6] =	ssyncadd.s32 $0xFFFF6000  }
0x37: {  	[spmem:s1] =	stream.indirect.scatter.add.f32 [tilespmem:s5], [sflag:$0x4], $0x80, s28, s3, $0xb8;
	[tilespmem:$0x1E600] =	vst v63  }
0x38: {  	_ =	swait.ge [sflag:s29], $0xA000  }
0x39: {  	[sflag:s29] =	ssyncset.done $0x0  }
0x3a: {  	s12 =	sadd.s32 $0x0, s16;
	[sflag:s29] =	ssyncadd.s32 $0xFFFF6000  }
0x3b: {  	[tilespmem:s26], [sflag:$0x2] =	stream.linear.gather [hbm4b:s12+s2], $0x140, $0x38;
	[tilespmem:$0x1E600] =	vst v63  }
0x3c: {  	s13 =	sadd.s32 $0x0, s15  }
0x3d: {  	[tilespmem:s28], [sflag:$0x2] =	stream.linear.gather [hbm4b:s13+s2], $0x140, $0x38;
	[tilespmem:$0x1E600] =	vst v63  }
0x3e: {  	_ =	swait.ge [sflag:s7], $0x140  }
0x3f: {  	[sflag:s7] =	ssyncset.done $0x0  }
0x40: {  	[sflag:s7] =	ssyncadd.s32 $0xFFFFFEC0  }
0x41: {  	_ =	swait.ge [sflag:s7], $0x140  }
0x42: {  	[sflag:s7] =	ssyncset.done $0x0  }
0x43: {  	[sflag:s7] =	ssyncadd.s32 $0xFFFFFEC0  }
0x44: {  	[tilespmem:s5], [sflag:$0x1] =	stream.indirect.gather [hbm4b:s4+s3], $0x80, s30, s3, $0xb8;
	[tilespmem:$0x1E600] =	vst v63  }
0x45: {  	_ =	swait.ge [sflag:s6], $0xA000  }
0x46: {  	[sflag:s6] =	ssyncset.done $0x0  }
0x47: {  	[sflag:s6] =	ssyncadd.s32 $0xFFFF6000  }
0x48: {  	[spmem:s1] =	stream.indirect.scatter.add.f32 [tilespmem:s5], [sflag:$0x4], $0x80, s31, s3, $0xb8;
	[tilespmem:$0x1E600] =	vst v63  }
0x49: {  	_ =	swait.ge [sflag:s29], $0xA000  }
0x4a: {  	s9 =	simm.s32 $0x50;
	s10 =	simm.s32 $0xA0;
	[sflag:s29] =	ssyncset.done $0x0  }
.LBB2_2:
0x4b: {  	s12 =	sadd.s32 s9, s18  }
0x4c: {  	[sflag:s29] =	ssyncadd.s32 $0xFFFF6000;
	s13 =	smov.u32 s10;
	s11 =	sadd.s32 $0x50, s10  }
0x4d: {  	[tilespmem:s30], [sflag:$0x3] =	stream.linear.gather [hbm4b:s12+s2], $0x140, $0x38;
	[tilespmem:$0x1E600] =	vst v63  }
0x4e: {  	p0 =	sne.s32 s10, $0x460;
	s10 =	sadd.s32 s9, s17  }
0x4f: {  	[tilespmem:s31], [sflag:$0x3] =	stream.linear.gather [hbm4b:s10+s2], $0x140, $0x38;
	[tilespmem:$0x1E600] =	vst v63  }
0x50: {  	_ =	swait.ge [sflag:s0], $0x140  }
0x51: {  	[sflag:s0] =	ssyncset.done $0x0  }
0x52: {  	[sflag:s0] =	ssyncadd.s32 $0xFFFFFEC0  }
0x53: {  	_ =	swait.ge [sflag:s0], $0x140  }
0x54: {  	[sflag:s0] =	ssyncset.done $0x0  }
0x55: {  	[sflag:s0] =	ssyncadd.s32 $0xFFFFFEC0  }
0x56: {  	[tilespmem:s5], [sflag:$0x1] =	stream.indirect.gather [hbm4b:s4+s3], $0x80, s26, s3, $0xb8;
	[tilespmem:$0x1E600] =	vst v63  }
0x57: {  	_ =	swait.ge [sflag:s6], $0xA000  }
0x58: {  	[sflag:s6] =	ssyncset.done $0x0  }
0x59: {  	[sflag:s6] =	ssyncadd.s32 $0xFFFF6000  }
0x5a: {  	[spmem:s1] =	stream.indirect.scatter.add.f32 [tilespmem:s5], [sflag:$0x4], $0x80, s28, s3, $0xb8;
	[tilespmem:$0x1E600] =	vst v63  }
0x5b: {  	_ =	swait.ge [sflag:s29], $0xA000  }
0x5c: {  	[sflag:s29] =	ssyncset.done $0x0  }
0x5d: {  	s10 =	sadd.s32 s9, s16;
	[sflag:s29] =	ssyncadd.s32 $0xFFFF6000  }
0x5e: {  	[tilespmem:s26], [sflag:$0x2] =	stream.linear.gather [hbm4b:s10+s2], $0x140, $0x38;
	[tilespmem:$0x1E600] =	vst v63  }
0x5f: {  	s10 =	sadd.s32 s9, s15;
	s9 =	smov.u32 s13  }
0x60: {  	[tilespmem:s28], [sflag:$0x2] =	stream.linear.gather [hbm4b:s10+s2], $0x140, $0x38;
	[tilespmem:$0x1E600] =	vst v63  }
0x61: {  	_ =	swait.ge [sflag:s7], $0x140  }
0x62: {  	[sflag:s7] =	ssyncset.done $0x0  }
0x63: {  	[sflag:s7] =	ssyncadd.s32 $0xFFFFFEC0  }
0x64: {  	_ =	swait.ge [sflag:s7], $0x140  }
0x65: {  	[sflag:s7] =	ssyncset.done $0x0  }
0x66: {  	[sflag:s7] =	ssyncadd.s32 $0xFFFFFEC0  }
0x67: {  	[tilespmem:s5], [sflag:$0x1] =	stream.indirect.gather [hbm4b:s4+s3], $0x80, s30, s3, $0xb8;
	[tilespmem:$0x1E600] =	vst v63  }
0x68: {  	_ =	swait.ge [sflag:s6], $0xA000  }
.Ltmp0:
0x69: {  	[sflag:s6] =	ssyncset.done $0x0;
	(pc) =	sbr.rel @p0 .LBB2_2-.Ltmp0, $4  }
0x6a: {  	[sflag:s6] =	ssyncadd.s32 $0xFFFF6000  }
0x6b: {  	[spmem:s1] =	stream.indirect.scatter.add.f32 [tilespmem:s5], [sflag:$0x4], $0x80, s31, s3, $0xb8;
	[tilespmem:$0x1E600] =	vst v63  }
0x6c: {  	_ =	swait.ge [sflag:s29], $0xA000  }
0x6d: {  	s10 =	smov.u32 s11;
	[sflag:s29] =	ssyncset.done $0x0  }
0x6e: {  	s10 =	sadd.s32 s9, s18;
	[sflag:s29] =	ssyncadd.s32 $0xFFFF6000  }
0x6f: {  	[tilespmem:s30], [sflag:$0x3] =	stream.linear.gather [hbm4b:s10+s2], $0x140, $0x38;
	[tilespmem:$0x1E600] =	vst v63  }
0x70: {  	s12 =	sadd.s32 s9, s17  }
0x71: {  	[tilespmem:s31], [sflag:$0x3] =	stream.linear.gather [hbm4b:s12+s2], $0x140, $0x38;
	[tilespmem:$0x1E600] =	vst v63  }
0x72: {  	_ =	swait.ge [sflag:s0], $0x140  }
0x73: {  	[sflag:s0] =	ssyncset.done $0x0  }
0x74: {  	[sflag:s0] =	ssyncadd.s32 $0xFFFFFEC0  }
0x75: {  	_ =	swait.ge [sflag:s0], $0x140  }
0x76: {  	[sflag:s0] =	ssyncset.done $0x0  }
0x77: {  	[sflag:s0] =	ssyncadd.s32 $0xFFFFFEC0  }
0x78: {  	[tilespmem:s5], [sflag:$0x1] =	stream.indirect.gather [hbm4b:s4+s3], $0x80, s26, s3, $0xb8;
	[tilespmem:$0x1E600] =	vst v63  }
0x79: {  	_ =	swait.ge [sflag:s6], $0xA000  }
0x7a: {  	[sflag:s6] =	ssyncset.done $0x0  }
0x7b: {  	[sflag:s6] =	ssyncadd.s32 $0xFFFF6000  }
0x7c: {  	[spmem:s1] =	stream.indirect.scatter.add.f32 [tilespmem:s5], [sflag:$0x4], $0x80, s28, s3, $0xb8;
	[tilespmem:$0x1E600] =	vst v63  }
0x7d: {  	_ =	swait.ge [sflag:s29], $0xA000  }
0x7e: {  	[sflag:s29] =	ssyncset.done $0x0  }
0x7f: {  	s13 =	sadd.s32 s9, s16;
	[sflag:s29] =	ssyncadd.s32 $0xFFFF6000  }
0x80: {  	[tilespmem:s26], [sflag:$0x2] =	stream.linear.gather [hbm4b:s13+s2], $0x140, $0x38;
	[tilespmem:$0x1E600] =	vst v63  }
0x81: {  	s11 =	sadd.s32 s9, s15  }
0x82: {  	[tilespmem:s28], [sflag:$0x2] =	stream.linear.gather [hbm4b:s11+s2], $0x140, $0x38;
	[tilespmem:$0x1E600] =	vst v63  }
0x83: {  	_ =	swait.ge [sflag:s7], $0x140  }
0x84: {  	[sflag:s7] =	ssyncset.done $0x0  }
0x85: {  	[sflag:s7] =	ssyncadd.s32 $0xFFFFFEC0  }
0x86: {  	_ =	swait.ge [sflag:s7], $0x140  }
0x87: {  	[sflag:s7] =	ssyncset.done $0x0  }
0x88: {  	[sflag:s7] =	ssyncadd.s32 $0xFFFFFEC0  }
0x89: {  	[tilespmem:s5], [sflag:$0x1] =	stream.indirect.gather [hbm4b:s4+s3], $0x80, s30, s3, $0xb8;
	[tilespmem:$0x1E600] =	vst v63  }
0x8a: {  	_ =	swait.ge [sflag:s6], $0xA000  }
0x8b: {  	[sflag:s6] =	ssyncset.done $0x0  }
0x8c: {  	[sflag:s6] =	ssyncadd.s32 $0xFFFF6000  }
0x8d: {  	[spmem:s1] =	stream.indirect.scatter.add.f32 [tilespmem:s5], [sflag:$0x4], $0x80, s31, s3, $0xb8;
	[tilespmem:$0x1E600] =	vst v63  }
0x8e: {  	_ =	swait.ge [sflag:s29], $0xA000  }
0x8f: {  	[sflag:s29] =	ssyncset.done $0x0  }
0x90: {  	s12 =	rddreg [dreg:$0x7];
	[sflag:s29] =	ssyncadd.s32 $0xFFFF6000  }
0x91: {  	[tilespmem:s30], [sflag:$0x3] =	stream.linear.gather [hbm4b:s12+s2], $0x140, $0x38;
	[tilespmem:$0x1E600] =	vst v63  }
0x92: {  	s13 =	rddreg [dreg:$0x8]  }
0x93: {  	[tilespmem:s31], [sflag:$0x3] =	stream.linear.gather [hbm4b:s13+s2], $0x140, $0x38;
	[tilespmem:$0x1E600] =	vst v63  }
0x94: {  	_ =	swait.ge [sflag:s0], $0x140  }
0x95: {  	[sflag:s0] =	ssyncset.done $0x0  }
0x96: {  	[sflag:s0] =	ssyncadd.s32 $0xFFFFFEC0  }
0x97: {  	_ =	swait.ge [sflag:s0], $0x140  }
0x98: {  	[sflag:s0] =	ssyncset.done $0x0  }
0x99: {  	[sflag:s0] =	ssyncadd.s32 $0xFFFFFEC0  }
0x9a: {  	[tilespmem:s5], [sflag:$0x1] =	stream.indirect.gather [hbm4b:s4+s3], $0x80, s26, s3, $0xb8;
	[tilespmem:$0x1E600] =	vst v63  }
0x9b: {  	_ =	swait.ge [sflag:s6], $0xA000  }
0x9c: {  	[sflag:s6] =	ssyncset.done $0x0  }
0x9d: {  	[sflag:s6] =	ssyncadd.s32 $0xFFFF6000  }
0x9e: {  	[spmem:s1] =	stream.indirect.scatter.add.f32 [tilespmem:s5], [sflag:$0x4], $0x80, s28, s3, $0xb8;
	[tilespmem:$0x1E600] =	vst v63  }
0x9f: {  	_ =	swait.ge [sflag:s29], $0xA000  }
0xa0: {  	[sflag:s29] =	ssyncset.done $0x0  }
0xa1: {  	[sflag:s29] =	ssyncadd.s32 $0xFFFF6000  }
0xa2: {  	_ =	swait.ge [sflag:s7], $0x140  }
0xa3: {  	[sflag:s7] =	ssyncset.done $0x0  }
0xa4: {  	[sflag:s7] =	ssyncadd.s32 $0xFFFFFEC0  }
0xa5: {  	_ =	swait.ge [sflag:s7], $0x140  }
0xa6: {  	[sflag:s7] =	ssyncset.done $0x0  }
0xa7: {  	[sflag:s7] =	ssyncadd.s32 $0xFFFFFEC0  }
0xa8: {  	[tilespmem:s5], [sflag:$0x1] =	stream.indirect.gather [hbm4b:s4+s3], $0x80, s30, s3, $0xb8;
	[tilespmem:$0x1E600] =	vst v63  }
0xa9: {  	_ =	swait.ge [sflag:s6], $0xA000  }
0xaa: {  	[sflag:s6] =	ssyncset.done $0x0  }
0xab: {  	[sflag:s6] =	ssyncadd.s32 $0xFFFF6000  }
0xac: {  	[spmem:s1] =	stream.indirect.scatter.add.f32 [tilespmem:s5], [sflag:$0x4], $0x80, s31, s3, $0xb8;
	[tilespmem:$0x1E600] =	vst v63  }
0xad: {  	_ =	swait.ge [sflag:s29], $0xA000  }
0xae: {  	[sflag:s29] =	ssyncset.done $0x0  }
0xaf: {  	[sflag:s29] =	ssyncadd.s32 $0xFFFF6000  }
0xb0: {  	[bflag:$0x0] =	sbarrier.arrive $0xFFFF  }
0xb1: {  	[tilespmem:s5], [sflag:$0x4] =	stream.linear.gather [spmem:s19], $0x4000, $0x38;
	[tilespmem:$0x1E600] =	vst v63  }
0xb2: {  	_ =	swait.ge [sflag:s29], $0x4000  }
0xb3: {  	[sflag:s29] =	ssyncset.done $0x0  }
0xb4: {  	s10 =	rddreg [dreg:$0x9];
	[sflag:s29] =	ssyncadd.s32 $0xFFFFC000  }
0xb5: {  	[hbm4b:s10+s2] =	stream.linear.scatter [tilespmem:s5], [sflag:$0x4], $0x4000, $0x38;
	[tilespmem:$0x1E600] =	vst v63  }
0xb6: {  	_ =	swait.ge [sflag:s29], $0x4000  }
0xb7: {  	[sflag:s29] =	ssyncset.done $0x0  }
0xb8: {  	[sflag:s29] =	ssyncadd.s32 $0xFFFFC000  }
0xb9: {  	[tilespmem:s5], [sflag:$0x4] =	stream.linear.gather [spmem:s21], $0x4000, $0x38;
	[tilespmem:$0x1E600] =	vst v63  }
0xba: {  	_ =	swait.ge [sflag:s29], $0x4000  }
0xbb: {  	[sflag:s29] =	ssyncset.done $0x0  }
0xbc: {  	s11 =	rddreg [dreg:$0xa];
	[sflag:s29] =	ssyncadd.s32 $0xFFFFC000  }
0xbd: {  	[hbm4b:s11+s2] =	stream.linear.scatter [tilespmem:s5], [sflag:$0x4], $0x4000, $0x38;
	[tilespmem:$0x1E600] =	vst v63  }
0xbe: {  	_ =	swait.ge [sflag:s29], $0x4000  }
0xbf: {  	[sflag:s29] =	ssyncset.done $0x0  }
0xc0: {  	[sflag:s29] =	ssyncadd.s32 $0xFFFFC000  }
0xc1: {  	[tilespmem:s5], [sflag:$0x4] =	stream.linear.gather [spmem:s22], $0x4000, $0x38;
	[tilespmem:$0x1E600] =	vst v63  }
0xc2: {  	_ =	swait.ge [sflag:s29], $0x4000  }
0xc3: {  	[sflag:s29] =	ssyncset.done $0x0  }
0xc4: {  	s12 =	rddreg [dreg:$0xb];
	[sflag:s29] =	ssyncadd.s32 $0xFFFFC000  }
0xc5: {  	[hbm4b:s12+s2] =	stream.linear.scatter [tilespmem:s5], [sflag:$0x4], $0x4000, $0x38;
	[tilespmem:$0x1E600] =	vst v63  }
0xc6: {  	_ =	swait.ge [sflag:s29], $0x4000  }
0xc7: {  	[sflag:s29] =	ssyncset.done $0x0  }
0xc8: {  	[sflag:s29] =	ssyncadd.s32 $0xFFFFC000  }
0xc9: {  	[tilespmem:s5], [sflag:$0x4] =	stream.linear.gather [spmem:s23], $0x4000, $0x38;
	[tilespmem:$0x1E600] =	vst v63  }
0xca: {  	_ =	swait.ge [sflag:s29], $0x4000  }
0xcb: {  	[sflag:s29] =	ssyncset.done $0x0  }
0xcc: {  	s13 =	rddreg [dreg:$0xc];
	[sflag:s29] =	ssyncadd.s32 $0xFFFFC000  }
0xcd: {  	[hbm4b:s13+s2] =	stream.linear.scatter [tilespmem:s5], [sflag:$0x4], $0x4000, $0x38;
	[tilespmem:$0x1E600] =	vst v63  }
0xce: {  	_ =	swait.ge [sflag:s29], $0x4000  }
0xcf: {  	[sflag:s29] =	ssyncset.done $0x0  }
0xd0: {  	[sflag:s29] =	ssyncadd.s32 $0xFFFFC000  }
0xd1: {  	[tilespmem:s5], [sflag:$0x4] =	stream.linear.gather [spmem:s24], $0x4000, $0x38;
	[tilespmem:$0x1E600] =	vst v63  }
0xd2: {  	s8 =	sadd.s32 $0x1, s8;
	_ =	swait.ge [sflag:s29], $0x4000  }
0xd3: {  	p0 =	sne.s32 s8, s25;
	[sflag:s29] =	ssyncset.done $0x0  }
.Ltmp1:
0xd4: {  	[sflag:s29] =	ssyncadd.s32 $0xFFFFC000;
	(pc) =	sbr.rel @p0 .LBB2_1-.Ltmp1, $4  }
0xd5: {  	[hbm4b:s14+s2] =	stream.linear.scatter [tilespmem:s5], [sflag:$0x4], $0x4000, $0x38;
	[tilespmem:$0x1E600] =	vst v63  }
0xd6: {  	_ =	swait.ge [sflag:s29], $0x4000  }
0xd7: {  	[sflag:s29] =	ssyncset.done $0x0  }
0xd8: {  	[sflag:s29] =	ssyncadd.s32 $0xFFFFC000  }
0xd9: {  	_ =	sfence.sel $0x180000  }
0xda: {  	[bflag:$0x0] =	sbarrier.arrive $0xFFFF  }
0xdb: {  	_ =	strace $0x9000004A  }
0xdc: {  	s0 =	stileid.u32;
	[bflag:$0x2] =	sbarrier.arrive $0xFFFF  }
0xdd: {  	p0 =	sne.s32 s0, $0x0;
	s0 =	rddreg [dreg:$0x3]  }
0xde: {  	s0 =	sadd.s32 @!p0 $0x100000, s0  }
0xdf: {  	[sflag:s0] =	ssyncadd.tile.s32 @!p0 $0x1;
	_ =	shalt  }
.Lfunc_end2:
_tile_overlayer_lowered:
.L_overlay_start_2:
0xe0: {  	(tag) =	ssettag $0x2  }
0xe1: {  	s0 =	rddreg [dreg:$0x0];
	s2 =	stileid.u32  }
0xe2: {  	s1 =	rddreg [dreg:$0x1];
	p0 =	sne.s32 s2, $0x0  }
0xe3: {  	s3 =	rddreg [dreg:$0x2];
	[bflag:$0x3] =	sbarrier.arrive $0xFFFF;
	s2 =	simm.s32 @!p0 $0x1C04  }
0xe4: {  	[timem:s3], [sflag:s2] =	dma.local @!p0 [hbm:s0], s1  }
0xe5: {  	s0 =	simm.s32 @!p0 $0x4  }
0xe6: {  	_ =	swait.ge @!p0 [sflag:s0], s1  }
0xe7: {  	s1 =	ssub.s32 @!p0 $0x0, s1;
	[sflag:s0] =	ssyncset.done @!p0 $0x0  }
0xe8: {  	[sflag:s0] =	ssyncadd.s32 @!p0 s1  }
0xe9: {  	[bflag:$0x3] =	sbarrier.arrive $0xFFFF  }
0xea: {  	_ =	shalt  }

// kernel: _run.18.cloned.1.call-start
scs
__scs_entry_jumppad:
0x0: {  	(pc) =	sbr.rel $0x88, $3  }
0x1: {  	(tag) =	ssettag $0x0;
	lr =	simm.s32 $0x1  }
0x2: {  	[smem:$0x3F9B] =	sst lr;
	_ =	strace $0xD0000000  }
0x3: {  	_ = 	snop  }
0x4: {  	_ = 	snop  }
0x5: {  	_ = 	snop  }
0x6: {  	_ = 	snop  }
0x7: {  	_ = 	snop  }
__scs_overlays_trampoline_lowered:
0x8: {  	[smem:$0x3FAA] =	sst s0  }
0x9: {  	[smem:$0x3FAB] =	sst s1  }
0xa: {  	[smem:$0x3FAC] =	sst s2  }
0xb: {  	[smem:$0x3FAD] =	sst s3  }
0xc: {  	[smem:$0x3FAE] =	sst s4  }
0xd: {  	[smem:$0x3FAF] =	sst s5  }
0xe: {  	[smem:$0x3FB0] =	sst s6  }
0xf: {  	[smem:$0x3FB1] =	sst s7  }
0x10: {  	[smem:$0x3FB2] =	sst s8  }
0x11: {  	[smem:$0x3FB3] =	sst s9;
	s0 =	simm.s32 @!p0 $0x0  }
0x12: {  	s1 =	sld [smem:$0x3F99];
	s0 =	simm.s32 @p0 $0x1  }
0x13: {  	[smem:$0x3FB4] =	sst s0;
	s0 =	simm.s32 @!p1 $0x0  }
0x14: {  	s2 =	sld [smem:$0x3F98];
	s0 =	simm.s32 @p1 $0x1  }
0x15: {  	[smem:$0x3FB5] =	sst s0;
	s0 =	simm.s32 @!p2 $0x0  }
0x16: {  	s3 =	sld [smem:$0x3FDB];
	s0 =	simm.s32 @p2 $0x1  }
0x17: {  	s4 =	simm.s32 $0x1BF5;
	[smem:$0x3FB7] =	sst s0  }
0x18: {  	s0 =	sld [smem:$0x3F9A];
	_ =	swait.ge [sflag:s4], $0x0  }
0x19: {  	s7 =	sld [smem:$0x3F9B]  }
0x1a: {  	s8 =	sadd.s32 $0xFFFFE003, lr  }
0x1b: {  	s9 =	sadd.s32 $0xFFFFFEF7, lr;
	s5 =	simm.s32 $0xFFFFFFFF;
	p2 =	slt.u32 s8, $0xFFFFF086  }
0x1c: {  	p1 =	slt.u32 s9, $0xF7A;
	s5 =	simm.s32 @!p2 $0x0  }
0x1d: {  	s5 =	simm.s32 @p1 $0x1;
	p0 =	seq.s32 s7, s2  }
0x1e: {  	s7 =	smul.u32 @!p0 $0xF7A, s2;
	p2 =	seq.s32 @!p0 s5, $0x0  }
0x1f: {  	s9 =	smul.u32 $0xF7A, s1;
	s8 =	simm.s32 @!p0 $0x1BF5;
	p2 =	por !p2, p0  }
0x20: {  	[sflag:s8] =	ssyncset.s32 @!p0 $0xFFFFF086;
	s6 =	sadd.s32 @!p0 s3, s7;
	s7 =	simm.s32 @!p0 $0x108  }
0x21: {  	s3 =	sadd.s32 s3, s9;
	s6 =	sadd.s32 @!p0 $0x88, s6;
	s7 =	simm.s32 @p2 $0x1082  }
0x22: {  	[simem:s7], [sflag:s8] =	dma.local @!p0 [hbm:s6], $0xF7A  }
0x23: {  	s9 =	sor.u32 $0xD0000000, s2;
	s6 =	simm.s32 $0x108;
	_ =	swait.ge @!p0 [sflag:s8], $0x0  }
0x24: {  	s3 =	sadd.s32 $0x88, s3;
	s6 =	simm.s32 @!p1 $0x1082;
	[sflag:s4] =	ssyncset.s32 $0xFFFFF086  }
0x25: {  	[simem:s6], [sflag:s4] =	dma.local [hbm:s3], $0xF7A  }
0x26: {  	[smem:$0x3F9B] =	sst s1;
	(tag) =	ssettag s2;
	_ =	strace s9  }
0x27: {  	s1 =	sld [smem:$0x3FAB]  }
0x28: {  	s2 =	sld [smem:$0x3FAC]  }
0x29: {  	s4 =	sld [smem:$0x3FAE]  }
0x2a: {  	p0 =	seq.s32 s5, $0x0;
	s5 =	sld [smem:$0x3FAF]  }
0x2b: {  	s6 =	sld [smem:$0x3FB0]  }
0x2c: {  	s7 =	sld [smem:$0x3FB1]  }
0x2d: {  	s3 =	simm.s32 $0x108;
	s8 =	sld [smem:$0x3FB2]  }
0x2e: {  	s3 =	simm.s32 @!p0 $0x1082;
	s9 =	sld [smem:$0x3FB3]  }
0x2f: {  	lr =	sadd.s32 s0, s3;
	s0 =	sld [smem:$0x3FAA]  }
0x30: {  	s3 =	sld [smem:$0x3FAD]  }
0x31: {  	[smem:$0x3FB6] =	sst s10  }
0x32: {  	s10 =	sld [smem:$0x3FB4];
	_ =	sdelay $0x3  }
0x33: {  	p0 =	seq.s32 s10, $0x1;
	s10 =	sld [smem:$0x3FB6];
	_ =	sdelay $0x3  }
0x34: {  	[smem:$0x3FB6] =	sst s10  }
0x35: {  	s10 =	sld [smem:$0x3FB5];
	_ =	sdelay $0x3  }
0x36: {  	p1 =	seq.s32 s10, $0x1;
	s10 =	sld [smem:$0x3FB6];
	_ =	sdelay $0x3  }
0x37: {  	[smem:$0x3FB6] =	sst s10  }
0x38: {  	s10 =	sld [smem:$0x3FB7]  }
0x39: {  	_ = 	snop;
	(pc) =	sbr.ind lr, $3  }
0x3a: {  	_ = 	snop  }
0x3b: {  	_ = 	snop  }
0x3c: {  	p2 =	seq.s32 s10, $0x1;
	s10 =	sld [smem:$0x3FB6]  }
0x3d: {  	_ =	shalt  }
0x3e: {  	_ =	shalt  }
0x3f: {  	_ =	shalt  }
0x40: {  	_ =	shalt  }
0x41: {  	_ =	shalt  }
0x42: {  	_ =	shalt  }
0x43: {  	_ =	shalt  }
0x44: {  	_ =	shalt  }
0x45: {  	_ =	shalt  }
0x46: {  	_ =	shalt  }
0x47: {  	_ =	shalt  }
0x48: {  	_ =	shalt  }
0x49: {  	_ =	shalt  }
0x4a: {  	_ =	shalt  }
0x4b: {  	_ =	shalt  }
0x4c: {  	_ =	shalt  }
0x4d: {  	_ =	shalt  }
0x4e: {  	_ =	shalt  }
0x4f: {  	_ =	shalt  }
0x50: {  	_ =	shalt  }
0x51: {  	_ =	shalt  }
0x52: {  	_ =	shalt  }
0x53: {  	_ =	shalt  }
0x54: {  	_ =	shalt  }
0x55: {  	_ =	shalt  }
0x56: {  	_ =	shalt  }
0x57: {  	_ =	shalt  }
0x58: {  	_ =	shalt  }
0x59: {  	_ =	shalt  }
0x5a: {  	_ =	shalt  }
0x5b: {  	_ =	shalt  }
0x5c: {  	_ =	shalt  }
0x5d: {  	_ =	shalt  }
0x5e: {  	_ =	shalt  }
0x5f: {  	_ =	shalt  }
0x60: {  	_ =	shalt  }
0x61: {  	_ =	shalt  }
0x62: {  	_ =	shalt  }
0x63: {  	_ =	shalt  }
0x64: {  	_ =	shalt  }
0x65: {  	_ =	shalt  }
0x66: {  	_ =	shalt  }
0x67: {  	_ =	shalt  }
0x68: {  	_ =	shalt  }
0x69: {  	_ =	shalt  }
0x6a: {  	_ =	shalt  }
0x6b: {  	_ =	shalt  }
0x6c: {  	_ =	shalt  }
0x6d: {  	_ =	shalt  }
0x6e: {  	_ =	shalt  }
0x6f: {  	_ =	shalt  }
0x70: {  	_ =	shalt  }
0x71: {  	_ =	shalt  }
0x72: {  	_ =	shalt  }
0x73: {  	_ =	shalt  }
0x74: {  	_ =	shalt  }
0x75: {  	_ =	shalt  }
0x76: {  	_ =	shalt  }
0x77: {  	_ =	shalt  }
0x78: {  	_ =	shalt  }
0x79: {  	_ =	shalt  }
0x7a: {  	_ =	shalt  }
0x7b: {  	_ =	shalt  }
0x7c: {  	_ =	shalt  }
0x7d: {  	_ =	shalt  }
0x7e: {  	_ =	shalt  }
0x7f: {  	_ =	shalt  }
0x80: {  	_ =	shalt  }
0x81: {  	_ =	shalt  }
0x82: {  	_ =	shalt  }
0x83: {  	_ =	shalt  }
0x84: {  	_ =	shalt  }
0x85: {  	_ =	shalt  }
0x86: {  	_ =	shalt  }
0x87: {  	_ =	shalt  }
.Lfunc_end0:
.L_simem_size_0:
called_computation.3_lowered:
.L_overlay_start_0:
0x88: {  	s2 =	sld [smem:$0x3FD9]  }
0x89: {  	s3 =	sld [smem:$0x3FFE];
	_ =	sdelay $0x1  }
0x8a: {  	s1 =	srdreg.scid  }
0x8b: {  	s0 =	sand.u32 $0x1, s1  }
0x8c: {  	s16 =	sshll.u32 s0, $0xA;
	s2 =	sadd.s32 s3, s2  }
0x8d: {  	s2 =	sadd.s32 s2, s16  }
0x8e: {  	[smem:$0x3FC2] =	sst s2  }
0x8f: {  	_ = 	snop  }
0x90: {  	(tm) =	ssettm $0x1  }
0x91: {  	s17 =	sld [smem:$0x3FFB];
	_ =	sdelay $0x3  }
0x92: {  	_ =	strace s17  }
0x93: {  	s2 =	sld [smem:$0x3FFC];
	_ =	sdelay $0x3  }
0x94: {  	_ =	strace s2  }
0x95: {  	s2 =	sld [smem:$0x3FFD];
	_ =	sdelay $0x3  }
0x96: {  	_ =	strace s2  }
0x97: {  	_ =	strace $0x8FFFFFFF  }
0x98: {  	s18 =	sld [smem:$0x3FDB];
	_ =	sdelay $0x1  }
0x99: {  	s19 =	simm.s32 $_scs_section_size  }
0x9a: {  	s4 =	simm.s32 $_size__tile_overlayer_lowered;
	s5 =	simm.s32 $_tile_overlayer_lowered  }
0x9b: {  	s22 =	simm.s32 $0x1BFF;
	s21 =	sshll.u32 s5, $0x1;
	s2 =	sadd.s32 s19, s18  }
0x9c: {  	s6 =	simm.s32 $0x0;
	s20 =	sshll.u32 s4, $0x1;
	s4 =	sadd.s32 s21, s2  }
0x9d: {  	[timem:s6], [sflag:s22] =	dma.local [hbm:s4], s20  }
0x9e: {  	_ =	swait.ge [sflag:s22], s20  }
0x9f: {  	s3 =	ssub.s32 $0x0, s20;
	[sflag:s22] =	ssyncset.done $0x0  }
0xa0: {  	[sflag:s22] =	ssyncadd.s32 s3;
	_ =	sdelay $0x1  }
0xa1: {  	s23 =	simm.s32 $0x1B8B  }
0xa2: {  	_ =	swait.ge [sflag:s23], $0x1  }
0xa3: {  	[sflag:s23] =	ssyncset.done $0x0  }
0xa4: {  	s25 =	simm.s32 $0x1B8E;
	s24 =	sld [smem:$0x3FFE];
	[sflag:s23] =	ssyncadd.s32 $0xFFFFFFFF  }
0xa5: {  	s26 =	simm.s32 $execute0_lowered;
	[smem:$0x3FD2] =	sst s25  }
0xa6: {  	s4 =	sshll.u32 s26, $0x1;
	_ =	strace $0x8000004F;
	[dreg:$0x1] =	wrdreg $0xFFFFFFFF  }
0xa7: {  	s28 =	simm.s32 $_size_execute0_lowered;
	s2 =	sadd.s32 s2, s4;
	[dreg:$0x0] =	wrdreg $0x0  }
0xa8: {  	s4 =	sshll.u32 s28, $0x1;
	[dreg:$0x2] =	wrdreg s2  }
0xa9: {  	[dreg:$0x3] =	wrdreg s4  }
0xaa: {  	[dreg:$0x4] =	wrdreg $0xC0  }
0xab: {  	_ =	task [dreg:s6], $0x5FFFF  }
0xac: {  	[dreg:$0x1] =	wrdreg $0xFFFFFFFF  }
0xad: {  	[dreg:$0x0] =	wrdreg $0x60  }
0xae: {  	[dreg:$0x2] =	wrdreg s24  }
0xaf: {  	[dreg:$0x3] =	wrdreg $0x0  }
0xb0: {  	[dreg:$0x4] =	wrdreg $0x9  }
0xb1: {  	_ =	task.clear_ibuf [dreg:s6], $0x5FFFF;
	_ =	strace $0x9000004F  }
0xb2: {  	s29 =	simm.s32 $0x9;
	_ =	strace $0x80000051  }
0xb3: {  	_ =	swait.ge [sflag:s29], $0x1  }
0xb4: {  	[sflag:s29] =	ssyncadd.s32 $0xFFFFFFFF  }
0xb5: {  	_ =	strace $0x90000051  }
0xb6: {  	_ =	sfence  }
0xb7: {  	s30 =	sld [smem:$0x0];
	_ =	sdelay $0x2  }
0xb8: {  	s31 =	sshll.u32 s1, $0xD;
	s1 =	sshrl.u32 s1, $0x2  }
0xb9: {  	s3 =	sand.u32 $0x4000, s31;
	s1 =	sadd.s32 s1, s30  }
0xba: {  	s0 =	sor.u32 s3, s0;
	s1 =	sshll.u32 s1, $0x11  }
0xbb: {  	s0 =	sor.u32 s1, s0  }
0xbc: {  	s0 =	sadd.s32 $0x8F2B, s0  }
0xbd: {  	[sflag:s0] =	ssyncadd.remote.s32 $0x1  }
0xbe: {  	_ =	sfence.sel $0xFFFF  }
0xbf: {  	[dreg:$0x0] =	wrdreg $0xFFFFFFFF;
	(pc) =	sbr.abs _section_cstart, $3  }
0xc0: {  	[dreg:$0x1] =	wrdreg $0xFFFFFFFF  }
0xc1: {  	_ =	task.clear_ibuf [dreg:s6], $0x2FFFF;
	_ =	strace $0x9FFFFFFF  }
0xc2: {  	(tm) =	ssettm $0x7FFFFFFF  }
0xc3: {  	_ =	shalt  }
tec
execute0_lowered:
.L_overlay_start_1:
0x0: {  	(tag) =	ssettag $0x1  }
0x1: {  	s0 =	rddreg [dreg:$0x0]  }
0x2: {  	s1 =	rddreg [dreg:$0x1];
	s2 =	simm.s32 $0x0;
	s3 =	srdreg.scid  }
0x3: {  	s20 =	stileid.u32;
	s28 =	simm.s32 $0x14180;
	s29 =	simm.s32 $0x4  }
0x4: {  	s30 =	simm.s32 $0x14300;
	s31 =	simm.s32 $0x14480;
	[smem:$0x7FF] =	sst s2  }
0x5: {  	s3 =	sand.u32 $0x1, s3;
	s4 =	sadd.s32 $0x33400, s0;
	s8 =	smul.u32 $0x2800, s20  }
0x6: {  	s6 =	sadd.s32 $0xB400, s0;
	s7 =	sadd.s32 $0x29400, s0;
	s18 =	smul.u32 $0x280, s20  }
0x7: {  	s9 =	sadd.s32 $0x83400, s0;
	s0 =	sadd.s32 $0x85C00, s0;
	s19 =	smul.u32 $0x50000, s20  }
0x8: {  	s20 =	sshll.u32 s20, $0x6;
	_ =	strace $0x80000050;
	s5 =	smul.u32 $0x28000, s3  }
0x9: {  	[dreg:$0x3] =	wrdreg s9;
	s10 =	ssub.s32 $0x2, s3;
	s3 =	smul.u32 $0x2800, s3  }
0xa: {  	s20 =	sor.u32 $0x1C04, s20;
	s11 =	sshrl.u32 s10, $0x1;
	s9 =	sadd.s32 $0x200, s18  }
0xb: {  	s5 =	sadd.s32 s8, s5;
	s10 =	ssub.s32 s10, s11;
	s8 =	sshrl.u32 s19, $0x2  }
0xc: {  	s24 =	sadd.s32 s18, s3;
	s19 =	sadd.s32 $0x80, s18;
	s12 =	sshrl.u32 s5, $0x3  }
0xd: {  	s26 =	sadd.s32 s3, s19;
	s16 =	sor.u32 $0x280, s5;
	s5 =	sor.u32 $0x140, s5  }
0xe: {  	s21 =	sadd.s32 s6, s12;
	s22 =	sadd.s32 s7, s12;
	s23 =	sadd.s32 $0x4D8, s12  }
0xf: {  	s12 =	sshll.u32 s24, $0x4;
	s17 =	sshrl.u32 s16, $0x3;
	[dreg:$0x4] =	wrdreg s21  }
0x10: {  	[dreg:$0x5] =	wrdreg s22;
	s13 =	sadd.s32 s6, s23;
	s11 =	sadd.s32 s7, s23  }
0x11: {  	s25 =	sadd.s32 s0, s12;
	s22 =	sadd.s32 $0x100, s18;
	s23 =	sadd.s32 $0x180, s18  }
0x12: {  	s18 =	sshrl.u32 s5, $0x3;
	s16 =	sadd.s32 s17, s6;
	[dreg:$0x6] =	wrdreg s13  }
0x13: {  	s21 =	sshll.u32 s19, $0x7;
	s19 =	sadd.s32 s8, s1;
	[dreg:$0x7] =	wrdreg s11  }
0x14: {  	s5 =	simm.s32 $0x14600;
	s8 =	simm.s32 $0x0;
	[dreg:$0x8] =	wrdreg s25  }
0x15: {  	s11 =	sshll.u32 s26, $0x4;
	s12 =	sadd.s32 s3, s22;
	s13 =	sadd.s32 s3, s23  }
0x16: {  	s3 =	sadd.s32 s3, s9;
	s21 =	sadd.s32 s21, s1;
	s24 =	sshll.u32 s22, $0x7  }
0x17: {  	s25 =	sshll.u32 s23, $0x7;
	s26 =	sshll.u32 s9, $0x7;
	s11 =	sadd.s32 s0, s11  }
0x18: {  	s14 =	sshll.u32 s13, $0x4;
	s3 =	sshll.u32 s3, $0x4;
	s22 =	sadd.s32 s24, s1  }
0x19: {  	s23 =	sadd.s32 s25, s1;
	s24 =	sadd.s32 s26, s1;
	s25 =	smax.u32 s10, $0x1  }
0x1a: {  	s26 =	simm.s32 $0x14000;
	[dreg:$0x9] =	wrdreg s11;
	s11 =	sshll.u32 s12, $0x4  }
0x1b: {  	s15 =	sadd.s32 s0, s14;
	s14 =	sadd.s32 s0, s3;
	s3 =	simm.s32 $0x140  }
0x1c: {  	s11 =	sadd.s32 s0, s11;
	[dreg:$0xb] =	wrdreg s15;
	s15 =	sadd.s32 s17, s7  }
0x1d: {  	s17 =	sadd.s32 s18, s7;
	s18 =	sadd.s32 s18, s6;
	s0 =	simm.s32 $0x2  }
0x1e: {  	s6 =	simm.s32 $0x1;
	s7 =	simm.s32 $0x3;
	[dreg:$0xa] =	wrdreg s11  }
.LBB2_1:
0x1f: {  	s9 =	rddreg [dreg:$0x4]  }
0x20: {  	s12 =	rddreg [dreg:$0x5]  }
0x21: {  	[tilespmem:s26], [sflag:$0x2] =	stream.linear.gather [hbm4b:s9+s2], $0x140, $0x38;
	[tilespmem:$0x1E600] =	vst v63  }
0x22: {  	s13 =	sshrl.u32 s19, $0x3;
	s10 =	rddreg [dreg:$0x3]  }
0x23: {  	[tilespmem:s28], [sflag:$0x2] =	stream.linear.gather [hbm4b:s12+s2], $0x140, $0x38;
	[tilespmem:$0x1E600] =	vst v63  }
0x24: {  	[spmem:s13], [sflag:s20] =	dma.local [hbm:s10], $0x2800  }
0x25: {  	_ =	swait.ge [sflag:s29], $0x2800  }
0x26: {  	[sflag:s29] =	ssyncset.done $0x0  }
0x27: {  	[sflag:s29] =	ssyncadd.s32 $0xFFFFD800  }
0x28: {  	s10 =	sadd.s32 $0x0, s18;
	[bflag:$0x0] =	sbarrier.arrive $0xFFFF  }
0x29: {  	[tilespmem:s30], [sflag:$0x3] =	stream.linear.gather [hbm4b:s10+s2], $0x140, $0x38;
	[tilespmem:$0x1E600] =	vst v63  }
0x2a: {  	s11 =	sadd.s32 $0x0, s17  }
0x2b: {  	[tilespmem:s31], [sflag:$0x3] =	stream.linear.gather [hbm4b:s11+s2], $0x140, $0x38;
	[tilespmem:$0x1E600] =	vst v63  }
0x2c: {  	_ =	swait.ge [sflag:s0], $0x140  }
0x2d: {  	[sflag:s0] =	ssyncset.done $0x0  }
0x2e: {  	[sflag:s0] =	ssyncadd.s32 $0xFFFFFEC0  }
0x2f: {  	_ =	swait.ge [sflag:s0], $0x140  }
0x30: {  	[sflag:s0] =	ssyncset.done $0x0  }
0x31: {  	[sflag:s0] =	ssyncadd.s32 $0xFFFFFEC0  }
0x32: {  	[tilespmem:s5], [sflag:$0x1] =	stream.indirect.gather [hbm4b:s4+s3], $0x80, s26, s3, $0xb8;
	[tilespmem:$0x1E600] =	vst v63  }
0x33: {  	_ =	swait.ge [sflag:s6], $0xA000  }
0x34: {  	[sflag:s6] =	ssyncset.done $0x0  }
0x35: {  	[sflag:s6] =	ssyncadd.s32 $0xFFFF6000  }
0x36: {  	[spmem:s1] =	stream.indirect.scatter.add.f32 [tilespmem:s5], [sflag:$0x4], $0x80, s28, s3, $0xb8;
	[tilespmem:$0x1E600] =	vst v63  }
0x37: {  	_ =	swait.ge [sflag:s29], $0xA000  }
0x38: {  	[sflag:s29] =	ssyncset.done $0x0  }
0x39: {  	s12 =	sadd.s32 $0x0, s16;
	[sflag:s29] =	ssyncadd.s32 $0xFFFF6000  }
0x3a: {  	[tilespmem:s26], [sflag:$0x2] =	stream.linear.gather [hbm4b:s12+s2], $0x140, $0x38;
	[tilespmem:$0x1E600] =	vst v63  }
0x3b: {  	s13 =	sadd.s32 $0x0, s15  }
0x3c: {  	[tilespmem:s28], [sflag:$0x2] =	stream.linear.gather [hbm4b:s13+s2], $0x140, $0x38;
	[tilespmem:$0x1E600] =	vst v63  }
0x3d: {  	_ =	swait.ge [sflag:s7], $0x140  }
0x3e: {  	[sflag:s7] =	ssyncset.done $0x0  }
0x3f: {  	[sflag:s7] =	ssyncadd.s32 $0xFFFFFEC0  }
0x40: {  	_ =	swait.ge [sflag:s7], $0x140  }
0x41: {  	[sflag:s7] =	ssyncset.done $0x0  }
0x42: {  	[sflag:s7] =	ssyncadd.s32 $0xFFFFFEC0  }
0x43: {  	[tilespmem:s5], [sflag:$0x1] =	stream.indirect.gather [hbm4b:s4+s3], $0x80, s30, s3, $0xb8;
	[tilespmem:$0x1E600] =	vst v63  }
0x44: {  	_ =	swait.ge [sflag:s6], $0xA000  }
0x45: {  	[sflag:s6] =	ssyncset.done $0x0  }
0x46: {  	[sflag:s6] =	ssyncadd.s32 $0xFFFF6000  }
0x47: {  	[spmem:s1] =	stream.indirect.scatter.add.f32 [tilespmem:s5], [sflag:$0x4], $0x80, s31, s3, $0xb8;
	[tilespmem:$0x1E600] =	vst v63  }
0x48: {  	_ =	swait.ge [sflag:s29], $0xA000  }
0x49: {  	s9 =	simm.s32 $0x50;
	s10 =	simm.s32 $0xA0;
	[sflag:s29] =	ssyncset.done $0x0  }
.LBB2_2:
0x4a: {  	s12 =	sadd.s32 s9, s18  }
0x4b: {  	[sflag:s29] =	ssyncadd.s32 $0xFFFF6000;
	s13 =	smov.u32 s10;
	s11 =	sadd.s32 $0x50, s10  }
0x4c: {  	[tilespmem:s30], [sflag:$0x3] =	stream.linear.gather [hbm4b:s12+s2], $0x140, $0x38;
	[tilespmem:$0x1E600] =	vst v63  }
0x4d: {  	p0 =	sne.s32 s10, $0x460;
	s10 =	sadd.s32 s9, s17  }
0x4e: {  	[tilespmem:s31], [sflag:$0x3] =	stream.linear.gather [hbm4b:s10+s2], $0x140, $0x38;
	[tilespmem:$0x1E600] =	vst v63  }
0x4f: {  	_ =	swait.ge [sflag:s0], $0x140  }
0x50: {  	[sflag:s0] =	ssyncset.done $0x0  }
0x51: {  	[sflag:s0] =	ssyncadd.s32 $0xFFFFFEC0  }
0x52: {  	_ =	swait.ge [sflag:s0], $0x140  }
0x53: {  	[sflag:s0] =	ssyncset.done $0x0  }
0x54: {  	[sflag:s0] =	ssyncadd.s32 $0xFFFFFEC0  }
0x55: {  	[tilespmem:s5], [sflag:$0x1] =	stream.indirect.gather [hbm4b:s4+s3], $0x80, s26, s3, $0xb8;
	[tilespmem:$0x1E600] =	vst v63  }
0x56: {  	_ =	swait.ge [sflag:s6], $0xA000  }
0x57: {  	[sflag:s6] =	ssyncset.done $0x0  }
0x58: {  	[sflag:s6] =	ssyncadd.s32 $0xFFFF6000  }
0x59: {  	[spmem:s1] =	stream.indirect.scatter.add.f32 [tilespmem:s5], [sflag:$0x4], $0x80, s28, s3, $0xb8;
	[tilespmem:$0x1E600] =	vst v63  }
0x5a: {  	_ =	swait.ge [sflag:s29], $0xA000  }
0x5b: {  	[sflag:s29] =	ssyncset.done $0x0  }
0x5c: {  	s10 =	sadd.s32 s9, s16;
	[sflag:s29] =	ssyncadd.s32 $0xFFFF6000  }
0x5d: {  	[tilespmem:s26], [sflag:$0x2] =	stream.linear.gather [hbm4b:s10+s2], $0x140, $0x38;
	[tilespmem:$0x1E600] =	vst v63  }
0x5e: {  	s10 =	sadd.s32 s9, s15;
	s9 =	smov.u32 s13  }
0x5f: {  	[tilespmem:s28], [sflag:$0x2] =	stream.linear.gather [hbm4b:s10+s2], $0x140, $0x38;
	[tilespmem:$0x1E600] =	vst v63  }
0x60: {  	_ =	swait.ge [sflag:s7], $0x140  }
0x61: {  	[sflag:s7] =	ssyncset.done $0x0  }
0x62: {  	[sflag:s7] =	ssyncadd.s32 $0xFFFFFEC0  }
0x63: {  	_ =	swait.ge [sflag:s7], $0x140  }
0x64: {  	[sflag:s7] =	ssyncset.done $0x0  }
0x65: {  	[sflag:s7] =	ssyncadd.s32 $0xFFFFFEC0  }
0x66: {  	[tilespmem:s5], [sflag:$0x1] =	stream.indirect.gather [hbm4b:s4+s3], $0x80, s30, s3, $0xb8;
	[tilespmem:$0x1E600] =	vst v63  }
0x67: {  	_ =	swait.ge [sflag:s6], $0xA000  }
.Ltmp0:
0x68: {  	[sflag:s6] =	ssyncset.done $0x0;
	(pc) =	sbr.rel @p0 .LBB2_2-.Ltmp0, $4  }
0x69: {  	[sflag:s6] =	ssyncadd.s32 $0xFFFF6000  }
0x6a: {  	[spmem:s1] =	stream.indirect.scatter.add.f32 [tilespmem:s5], [sflag:$0x4], $0x80, s31, s3, $0xb8;
	[tilespmem:$0x1E600] =	vst v63  }
0x6b: {  	_ =	swait.ge [sflag:s29], $0xA000  }
0x6c: {  	s10 =	smov.u32 s11;
	[sflag:s29] =	ssyncset.done $0x0  }
0x6d: {  	s10 =	sadd.s32 s9, s18;
	[sflag:s29] =	ssyncadd.s32 $0xFFFF6000  }
0x6e: {  	[tilespmem:s30], [sflag:$0x3] =	stream.linear.gather [hbm4b:s10+s2], $0x140, $0x38;
	[tilespmem:$0x1E600] =	vst v63  }
0x6f: {  	s12 =	sadd.s32 s9, s17  }
0x70: {  	[tilespmem:s31], [sflag:$0x3] =	stream.linear.gather [hbm4b:s12+s2], $0x140, $0x38;
	[tilespmem:$0x1E600] =	vst v63  }
0x71: {  	_ =	swait.ge [sflag:s0], $0x140  }
0x72: {  	[sflag:s0] =	ssyncset.done $0x0  }
0x73: {  	[sflag:s0] =	ssyncadd.s32 $0xFFFFFEC0  }
0x74: {  	_ =	swait.ge [sflag:s0], $0x140  }
0x75: {  	[sflag:s0] =	ssyncset.done $0x0  }
0x76: {  	[sflag:s0] =	ssyncadd.s32 $0xFFFFFEC0  }
0x77: {  	[tilespmem:s5], [sflag:$0x1] =	stream.indirect.gather [hbm4b:s4+s3], $0x80, s26, s3, $0xb8;
	[tilespmem:$0x1E600] =	vst v63  }
0x78: {  	_ =	swait.ge [sflag:s6], $0xA000  }
0x79: {  	[sflag:s6] =	ssyncset.done $0x0  }
0x7a: {  	[sflag:s6] =	ssyncadd.s32 $0xFFFF6000  }
0x7b: {  	[spmem:s1] =	stream.indirect.scatter.add.f32 [tilespmem:s5], [sflag:$0x4], $0x80, s28, s3, $0xb8;
	[tilespmem:$0x1E600] =	vst v63  }
0x7c: {  	_ =	swait.ge [sflag:s29], $0xA000  }
0x7d: {  	[sflag:s29] =	ssyncset.done $0x0  }
0x7e: {  	s13 =	sadd.s32 s9, s16;
	[sflag:s29] =	ssyncadd.s32 $0xFFFF6000  }
0x7f: {  	[tilespmem:s26], [sflag:$0x2] =	stream.linear.gather [hbm4b:s13+s2], $0x140, $0x38;
	[tilespmem:$0x1E600] =	vst v63  }
0x80: {  	s11 =	sadd.s32 s9, s15  }
0x81: {  	[tilespmem:s28], [sflag:$0x2] =	stream.linear.gather [hbm4b:s11+s2], $0x140, $0x38;
	[tilespmem:$0x1E600] =	vst v63  }
0x82: {  	_ =	swait.ge [sflag:s7], $0x140  }
0x83: {  	[sflag:s7] =	ssyncset.done $0x0  }
0x84: {  	[sflag:s7] =	ssyncadd.s32 $0xFFFFFEC0  }
0x85: {  	_ =	swait.ge [sflag:s7], $0x140  }
0x86: {  	[sflag:s7] =	ssyncset.done $0x0  }
0x87: {  	[sflag:s7] =	ssyncadd.s32 $0xFFFFFEC0  }
0x88: {  	[tilespmem:s5], [sflag:$0x1] =	stream.indirect.gather [hbm4b:s4+s3], $0x80, s30, s3, $0xb8;
	[tilespmem:$0x1E600] =	vst v63  }
0x89: {  	_ =	swait.ge [sflag:s6], $0xA000  }
0x8a: {  	[sflag:s6] =	ssyncset.done $0x0  }
0x8b: {  	[sflag:s6] =	ssyncadd.s32 $0xFFFF6000  }
0x8c: {  	[spmem:s1] =	stream.indirect.scatter.add.f32 [tilespmem:s5], [sflag:$0x4], $0x80, s31, s3, $0xb8;
	[tilespmem:$0x1E600] =	vst v63  }
0x8d: {  	_ =	swait.ge [sflag:s29], $0xA000  }
0x8e: {  	[sflag:s29] =	ssyncset.done $0x0  }
0x8f: {  	s12 =	rddreg [dreg:$0x6];
	[sflag:s29] =	ssyncadd.s32 $0xFFFF6000  }
0x90: {  	[tilespmem:s30], [sflag:$0x3] =	stream.linear.gather [hbm4b:s12+s2], $0x140, $0x38;
	[tilespmem:$0x1E600] =	vst v63  }
0x91: {  	s13 =	rddreg [dreg:$0x7]  }
0x92: {  	[tilespmem:s31], [sflag:$0x3] =	stream.linear.gather [hbm4b:s13+s2], $0x140, $0x38;
	[tilespmem:$0x1E600] =	vst v63  }
0x93: {  	_ =	swait.ge [sflag:s0], $0x140  }
0x94: {  	[sflag:s0] =	ssyncset.done $0x0  }
0x95: {  	[sflag:s0] =	ssyncadd.s32 $0xFFFFFEC0  }
0x96: {  	_ =	swait.ge [sflag:s0], $0x140  }
0x97: {  	[sflag:s0] =	ssyncset.done $0x0  }
0x98: {  	[sflag:s0] =	ssyncadd.s32 $0xFFFFFEC0  }
0x99: {  	[tilespmem:s5], [sflag:$0x1] =	stream.indirect.gather [hbm4b:s4+s3], $0x80, s26, s3, $0xb8;
	[tilespmem:$0x1E600] =	vst v63  }
0x9a: {  	_ =	swait.ge [sflag:s6], $0xA000  }
0x9b: {  	[sflag:s6] =	ssyncset.done $0x0  }
0x9c: {  	[sflag:s6] =	ssyncadd.s32 $0xFFFF6000  }
0x9d: {  	[spmem:s1] =	stream.indirect.scatter.add.f32 [tilespmem:s5], [sflag:$0x4], $0x80, s28, s3, $0xb8;
	[tilespmem:$0x1E600] =	vst v63  }
0x9e: {  	_ =	swait.ge [sflag:s29], $0xA000  }
0x9f: {  	[sflag:s29] =	ssyncset.done $0x0  }
0xa0: {  	[sflag:s29] =	ssyncadd.s32 $0xFFFF6000  }
0xa1: {  	_ =	swait.ge [sflag:s7], $0x140  }
0xa2: {  	[sflag:s7] =	ssyncset.done $0x0  }
0xa3: {  	[sflag:s7] =	ssyncadd.s32 $0xFFFFFEC0  }
0xa4: {  	_ =	swait.ge [sflag:s7], $0x140  }
0xa5: {  	[sflag:s7] =	ssyncset.done $0x0  }
0xa6: {  	[sflag:s7] =	ssyncadd.s32 $0xFFFFFEC0  }
0xa7: {  	[tilespmem:s5], [sflag:$0x1] =	stream.indirect.gather [hbm4b:s4+s3], $0x80, s30, s3, $0xb8;
	[tilespmem:$0x1E600] =	vst v63  }
0xa8: {  	_ =	swait.ge [sflag:s6], $0xA000  }
0xa9: {  	[sflag:s6] =	ssyncset.done $0x0  }
0xaa: {  	[sflag:s6] =	ssyncadd.s32 $0xFFFF6000  }
0xab: {  	[spmem:s1] =	stream.indirect.scatter.add.f32 [tilespmem:s5], [sflag:$0x4], $0x80, s31, s3, $0xb8;
	[tilespmem:$0x1E600] =	vst v63  }
0xac: {  	_ =	swait.ge [sflag:s29], $0xA000  }
0xad: {  	[sflag:s29] =	ssyncset.done $0x0  }
0xae: {  	[sflag:s29] =	ssyncadd.s32 $0xFFFF6000  }
0xaf: {  	[bflag:$0x0] =	sbarrier.arrive $0xFFFF  }
0xb0: {  	[tilespmem:s5], [sflag:$0x4] =	stream.linear.gather [spmem:s19], $0x4000, $0x38;
	[tilespmem:$0x1E600] =	vst v63  }
0xb1: {  	_ =	swait.ge [sflag:s29], $0x4000  }
0xb2: {  	[sflag:s29] =	ssyncset.done $0x0  }
0xb3: {  	s10 =	rddreg [dreg:$0x8];
	[sflag:s29] =	ssyncadd.s32 $0xFFFFC000  }
0xb4: {  	[hbm4b:s10+s2] =	stream.linear.scatter [tilespmem:s5], [sflag:$0x4], $0x4000, $0x38;
	[tilespmem:$0x1E600] =	vst v63  }
0xb5: {  	_ =	swait.ge [sflag:s29], $0x4000  }
0xb6: {  	[sflag:s29] =	ssyncset.done $0x0  }
0xb7: {  	[sflag:s29] =	ssyncadd.s32 $0xFFFFC000  }
0xb8: {  	[tilespmem:s5], [sflag:$0x4] =	stream.linear.gather [spmem:s21], $0x4000, $0x38;
	[tilespmem:$0x1E600] =	vst v63  }
0xb9: {  	_ =	swait.ge [sflag:s29], $0x4000  }
0xba: {  	[sflag:s29] =	ssyncset.done $0x0  }
0xbb: {  	s11 =	rddreg [dreg:$0x9];
	[sflag:s29] =	ssyncadd.s32 $0xFFFFC000  }
0xbc: {  	[hbm4b:s11+s2] =	stream.linear.scatter [tilespmem:s5], [sflag:$0x4], $0x4000, $0x38;
	[tilespmem:$0x1E600] =	vst v63  }
0xbd: {  	_ =	swait.ge [sflag:s29], $0x4000  }
0xbe: {  	[sflag:s29] =	ssyncset.done $0x0  }
0xbf: {  	[sflag:s29] =	ssyncadd.s32 $0xFFFFC000  }
0xc0: {  	[tilespmem:s5], [sflag:$0x4] =	stream.linear.gather [spmem:s22], $0x4000, $0x38;
	[tilespmem:$0x1E600] =	vst v63  }
0xc1: {  	_ =	swait.ge [sflag:s29], $0x4000  }
0xc2: {  	[sflag:s29] =	ssyncset.done $0x0  }
0xc3: {  	s12 =	rddreg [dreg:$0xa];
	[sflag:s29] =	ssyncadd.s32 $0xFFFFC000  }
0xc4: {  	[hbm4b:s12+s2] =	stream.linear.scatter [tilespmem:s5], [sflag:$0x4], $0x4000, $0x38;
	[tilespmem:$0x1E600] =	vst v63  }
0xc5: {  	_ =	swait.ge [sflag:s29], $0x4000  }
0xc6: {  	[sflag:s29] =	ssyncset.done $0x0  }
0xc7: {  	[sflag:s29] =	ssyncadd.s32 $0xFFFFC000  }
0xc8: {  	[tilespmem:s5], [sflag:$0x4] =	stream.linear.gather [spmem:s23], $0x4000, $0x38;
	[tilespmem:$0x1E600] =	vst v63  }
0xc9: {  	_ =	swait.ge [sflag:s29], $0x4000  }
0xca: {  	[sflag:s29] =	ssyncset.done $0x0  }
0xcb: {  	s13 =	rddreg [dreg:$0xb];
	[sflag:s29] =	ssyncadd.s32 $0xFFFFC000  }
0xcc: {  	[hbm4b:s13+s2] =	stream.linear.scatter [tilespmem:s5], [sflag:$0x4], $0x4000, $0x38;
	[tilespmem:$0x1E600] =	vst v63  }
0xcd: {  	_ =	swait.ge [sflag:s29], $0x4000  }
0xce: {  	[sflag:s29] =	ssyncset.done $0x0  }
0xcf: {  	[sflag:s29] =	ssyncadd.s32 $0xFFFFC000  }
0xd0: {  	[tilespmem:s5], [sflag:$0x4] =	stream.linear.gather [spmem:s24], $0x4000, $0x38;
	[tilespmem:$0x1E600] =	vst v63  }
0xd1: {  	s8 =	sadd.s32 $0x1, s8;
	_ =	swait.ge [sflag:s29], $0x4000  }
0xd2: {  	p0 =	sne.s32 s8, s25;
	[sflag:s29] =	ssyncset.done $0x0  }
.Ltmp1:
0xd3: {  	[sflag:s29] =	ssyncadd.s32 $0xFFFFC000;
	(pc) =	sbr.rel @p0 .LBB2_1-.Ltmp1, $4  }
0xd4: {  	[hbm4b:s14+s2] =	stream.linear.scatter [tilespmem:s5], [sflag:$0x4], $0x4000, $0x38;
	[tilespmem:$0x1E600] =	vst v63  }
0xd5: {  	_ =	swait.ge [sflag:s29], $0x4000  }
0xd6: {  	[sflag:s29] =	ssyncset.done $0x0  }
0xd7: {  	[sflag:s29] =	ssyncadd.s32 $0xFFFFC000  }
0xd8: {  	_ =	sfence.sel $0x180000  }
0xd9: {  	[bflag:$0x0] =	sbarrier.arrive $0xFFFF  }
0xda: {  	_ =	strace $0x90000050  }
0xdb: {  	s0 =	stileid.u32;
	[bflag:$0x2] =	sbarrier.arrive $0xFFFF  }
0xdc: {  	p0 =	sne.s32 s0, $0x0;
	s0 =	rddreg [dreg:$0x2]  }
0xdd: {  	s0 =	sadd.s32 @!p0 $0x100000, s0  }
0xde: {  	[sflag:s0] =	ssyncadd.tile.s32 @!p0 $0x1;
	_ =	shalt  }
.Lfunc_end2:
_tile_overlayer_lowered:
.L_overlay_start_2:
0xdf: {  	(tag) =	ssettag $0x2  }
0xe0: {  	s0 =	rddreg [dreg:$0x0];
	s2 =	stileid.u32  }
0xe1: {  	s1 =	rddreg [dreg:$0x1];
	p0 =	sne.s32 s2, $0x0  }
0xe2: {  	s3 =	rddreg [dreg:$0x2];
	[bflag:$0x3] =	sbarrier.arrive $0xFFFF;
	s2 =	simm.s32 @!p0 $0x1C04  }
0xe3: {  	[timem:s3], [sflag:s2] =	dma.local @!p0 [hbm:s0], s1  }
0xe4: {  	s0 =	simm.s32 @!p0 $0x4  }
0xe5: {  	_ =	swait.ge @!p0 [sflag:s0], s1  }
0xe6: {  	s1 =	ssub.s32 @!p0 $0x0, s1;
	[sflag:s0] =	ssyncset.done @!p0 $0x0  }
0xe7: {  	[sflag:s0] =	ssyncadd.s32 @!p0 s1  }
0xe8: {  	[bflag:$0x3] =	sbarrier.arrive $0xFFFF  }
0xe9: {  	_ =	shalt  }

// kernel: _run.9.cloned.1.call-start
scs
__scs_entry_jumppad:
0x0: {  	(pc) =	sbr.rel $0x88, $3  }
0x1: {  	(tag) =	ssettag $0x0;
	lr =	simm.s32 $0x1  }
0x2: {  	[smem:$0x3F9B] =	sst lr;
	_ =	strace $0xD0000000  }
0x3: {  	_ = 	snop  }
0x4: {  	_ = 	snop  }
0x5: {  	_ = 	snop  }
0x6: {  	_ = 	snop  }
0x7: {  	_ = 	snop  }
__scs_overlays_trampoline_lowered:
0x8: {  	[smem:$0x3FAA] =	sst s0  }
0x9: {  	[smem:$0x3FAB] =	sst s1  }
0xa: {  	[smem:$0x3FAC] =	sst s2  }
0xb: {  	[smem:$0x3FAD] =	sst s3  }
0xc: {  	[smem:$0x3FAE] =	sst s4  }
0xd: {  	[smem:$0x3FAF] =	sst s5  }
0xe: {  	[smem:$0x3FB0] =	sst s6  }
0xf: {  	[smem:$0x3FB1] =	sst s7  }
0x10: {  	[smem:$0x3FB2] =	sst s8  }
0x11: {  	[smem:$0x3FB3] =	sst s9;
	s0 =	simm.s32 @!p0 $0x0  }
0x12: {  	s1 =	sld [smem:$0x3F99];
	s0 =	simm.s32 @p0 $0x1  }
0x13: {  	[smem:$0x3FB4] =	sst s0;
	s0 =	simm.s32 @!p1 $0x0  }
0x14: {  	s2 =	sld [smem:$0x3F98];
	s0 =	simm.s32 @p1 $0x1  }
0x15: {  	[smem:$0x3FB5] =	sst s0;
	s0 =	simm.s32 @!p2 $0x0  }
0x16: {  	s3 =	sld [smem:$0x3FDB];
	s0 =	simm.s32 @p2 $0x1  }
0x17: {  	s4 =	simm.s32 $0x1BF5;
	[smem:$0x3FB7] =	sst s0  }
0x18: {  	s0 =	sld [smem:$0x3F9A];
	_ =	swait.ge [sflag:s4], $0x0  }
0x19: {  	s7 =	sld [smem:$0x3F9B]  }
0x1a: {  	s8 =	sadd.s32 $0xFFFFE003, lr  }
0x1b: {  	s9 =	sadd.s32 $0xFFFFFEF7, lr;
	s5 =	simm.s32 $0xFFFFFFFF;
	p2 =	slt.u32 s8, $0xFFFFF086  }
0x1c: {  	p1 =	slt.u32 s9, $0xF7A;
	s5 =	simm.s32 @!p2 $0x0  }
0x1d: {  	s5 =	simm.s32 @p1 $0x1;
	p0 =	seq.s32 s7, s2  }
0x1e: {  	s7 =	smul.u32 @!p0 $0xF7A, s2;
	p2 =	seq.s32 @!p0 s5, $0x0  }
0x1f: {  	s9 =	smul.u32 $0xF7A, s1;
	s8 =	simm.s32 @!p0 $0x1BF5;
	p2 =	por !p2, p0  }
0x20: {  	[sflag:s8] =	ssyncset.s32 @!p0 $0xFFFFF086;
	s6 =	sadd.s32 @!p0 s3, s7;
	s7 =	simm.s32 @!p0 $0x108  }
0x21: {  	s3 =	sadd.s32 s3, s9;
	s6 =	sadd.s32 @!p0 $0x88, s6;
	s7 =	simm.s32 @p2 $0x1082  }
0x22: {  	[simem:s7], [sflag:s8] =	dma.local @!p0 [hbm:s6], $0xF7A  }
0x23: {  	s9 =	sor.u32 $0xD0000000, s2;
	s6 =	simm.s32 $0x108;
	_ =	swait.ge @!p0 [sflag:s8], $0x0  }
0x24: {  	s3 =	sadd.s32 $0x88, s3;
	s6 =	simm.s32 @!p1 $0x1082;
	[sflag:s4] =	ssyncset.s32 $0xFFFFF086  }
0x25: {  	[simem:s6], [sflag:s4] =	dma.local [hbm:s3], $0xF7A  }
0x26: {  	[smem:$0x3F9B] =	sst s1;
	(tag) =	ssettag s2;
	_ =	strace s9  }
0x27: {  	s1 =	sld [smem:$0x3FAB]  }
0x28: {  	s2 =	sld [smem:$0x3FAC]  }
0x29: {  	s4 =	sld [smem:$0x3FAE]  }
0x2a: {  	p0 =	seq.s32 s5, $0x0;
	s5 =	sld [smem:$0x3FAF]  }
0x2b: {  	s6 =	sld [smem:$0x3FB0]  }
0x2c: {  	s7 =	sld [smem:$0x3FB1]  }
0x2d: {  	s3 =	simm.s32 $0x108;
	s8 =	sld [smem:$0x3FB2]  }
0x2e: {  	s3 =	simm.s32 @!p0 $0x1082;
	s9 =	sld [smem:$0x3FB3]  }
0x2f: {  	lr =	sadd.s32 s0, s3;
	s0 =	sld [smem:$0x3FAA]  }
0x30: {  	s3 =	sld [smem:$0x3FAD]  }
0x31: {  	[smem:$0x3FB6] =	sst s10  }
0x32: {  	s10 =	sld [smem:$0x3FB4];
	_ =	sdelay $0x3  }
0x33: {  	p0 =	seq.s32 s10, $0x1;
	s10 =	sld [smem:$0x3FB6];
	_ =	sdelay $0x3  }
0x34: {  	[smem:$0x3FB6] =	sst s10  }
0x35: {  	s10 =	sld [smem:$0x3FB5];
	_ =	sdelay $0x3  }
0x36: {  	p1 =	seq.s32 s10, $0x1;
	s10 =	sld [smem:$0x3FB6];
	_ =	sdelay $0x3  }
0x37: {  	[smem:$0x3FB6] =	sst s10  }
0x38: {  	s10 =	sld [smem:$0x3FB7]  }
0x39: {  	_ = 	snop;
	(pc) =	sbr.ind lr, $3  }
0x3a: {  	_ = 	snop  }
0x3b: {  	_ = 	snop  }
0x3c: {  	p2 =	seq.s32 s10, $0x1;
	s10 =	sld [smem:$0x3FB6]  }
0x3d: {  	_ =	shalt  }
0x3e: {  	_ =	shalt  }
0x3f: {  	_ =	shalt  }
0x40: {  	_ =	shalt  }
0x41: {  	_ =	shalt  }
0x42: {  	_ =	shalt  }
0x43: {  	_ =	shalt  }
0x44: {  	_ =	shalt  }
0x45: {  	_ =	shalt  }
0x46: {  	_ =	shalt  }
0x47: {  	_ =	shalt  }
0x48: {  	_ =	shalt  }
0x49: {  	_ =	shalt  }
0x4a: {  	_ =	shalt  }
0x4b: {  	_ =	shalt  }
0x4c: {  	_ =	shalt  }
0x4d: {  	_ =	shalt  }
0x4e: {  	_ =	shalt  }
0x4f: {  	_ =	shalt  }
0x50: {  	_ =	shalt  }
0x51: {  	_ =	shalt  }
0x52: {  	_ =	shalt  }
0x53: {  	_ =	shalt  }
0x54: {  	_ =	shalt  }
0x55: {  	_ =	shalt  }
0x56: {  	_ =	shalt  }
0x57: {  	_ =	shalt  }
0x58: {  	_ =	shalt  }
0x59: {  	_ =	shalt  }
0x5a: {  	_ =	shalt  }
0x5b: {  	_ =	shalt  }
0x5c: {  	_ =	shalt  }
0x5d: {  	_ =	shalt  }
0x5e: {  	_ =	shalt  }
0x5f: {  	_ =	shalt  }
0x60: {  	_ =	shalt  }
0x61: {  	_ =	shalt  }
0x62: {  	_ =	shalt  }
0x63: {  	_ =	shalt  }
0x64: {  	_ =	shalt  }
0x65: {  	_ =	shalt  }
0x66: {  	_ =	shalt  }
0x67: {  	_ =	shalt  }
0x68: {  	_ =	shalt  }
0x69: {  	_ =	shalt  }
0x6a: {  	_ =	shalt  }
0x6b: {  	_ =	shalt  }
0x6c: {  	_ =	shalt  }
0x6d: {  	_ =	shalt  }
0x6e: {  	_ =	shalt  }
0x6f: {  	_ =	shalt  }
0x70: {  	_ =	shalt  }
0x71: {  	_ =	shalt  }
0x72: {  	_ =	shalt  }
0x73: {  	_ =	shalt  }
0x74: {  	_ =	shalt  }
0x75: {  	_ =	shalt  }
0x76: {  	_ =	shalt  }
0x77: {  	_ =	shalt  }
0x78: {  	_ =	shalt  }
0x79: {  	_ =	shalt  }
0x7a: {  	_ =	shalt  }
0x7b: {  	_ =	shalt  }
0x7c: {  	_ =	shalt  }
0x7d: {  	_ =	shalt  }
0x7e: {  	_ =	shalt  }
0x7f: {  	_ =	shalt  }
0x80: {  	_ =	shalt  }
0x81: {  	_ =	shalt  }
0x82: {  	_ =	shalt  }
0x83: {  	_ =	shalt  }
0x84: {  	_ =	shalt  }
0x85: {  	_ =	shalt  }
0x86: {  	_ =	shalt  }
0x87: {  	_ =	shalt  }
.Lfunc_end0:
.L_simem_size_0:
called_computation_lowered:
.L_overlay_start_0:
0x88: {  	s2 =	sld [smem:$0x3FD9]  }
0x89: {  	s3 =	sld [smem:$0x3FFE];
	_ =	sdelay $0x1  }
0x8a: {  	s1 =	srdreg.scid  }
0x8b: {  	s0 =	sand.u32 $0x1, s1  }
0x8c: {  	s16 =	sshll.u32 s0, $0xA;
	s2 =	sadd.s32 s3, s2  }
0x8d: {  	s2 =	sadd.s32 s2, s16  }
0x8e: {  	[smem:$0x3FC2] =	sst s2  }
0x8f: {  	_ = 	snop  }
0x90: {  	(tm) =	ssettm $0x1  }
0x91: {  	s17 =	sld [smem:$0x3FFB];
	_ =	sdelay $0x3  }
0x92: {  	_ =	strace s17  }
0x93: {  	s2 =	sld [smem:$0x3FFC];
	_ =	sdelay $0x3  }
0x94: {  	_ =	strace s2  }
0x95: {  	s2 =	sld [smem:$0x3FFD];
	_ =	sdelay $0x3  }
0x96: {  	_ =	strace s2  }
0x97: {  	_ =	strace $0x8FFFFFFF  }
0x98: {  	s18 =	sld [smem:$0x3FDB];
	_ =	sdelay $0x1  }
0x99: {  	s19 =	simm.s32 $_scs_section_size  }
0x9a: {  	s4 =	simm.s32 $_size__tile_overlayer_lowered;
	s5 =	simm.s32 $_tile_overlayer_lowered  }
0x9b: {  	s22 =	simm.s32 $0x1BFF;
	s21 =	sshll.u32 s5, $0x1;
	s2 =	sadd.s32 s19, s18  }
0x9c: {  	s6 =	simm.s32 $0x0;
	s20 =	sshll.u32 s4, $0x1;
	s4 =	sadd.s32 s21, s2  }
0x9d: {  	[timem:s6], [sflag:s22] =	dma.local [hbm:s4], s20  }
0x9e: {  	_ =	swait.ge [sflag:s22], s20  }
0x9f: {  	s3 =	ssub.s32 $0x0, s20;
	[sflag:s22] =	ssyncset.done $0x0  }
0xa0: {  	[sflag:s22] =	ssyncadd.s32 s3;
	_ =	sdelay $0x1  }
0xa1: {  	s23 =	simm.s32 $0x1B8B  }
0xa2: {  	_ =	swait.ge [sflag:s23], $0x1  }
0xa3: {  	[sflag:s23] =	ssyncset.done $0x0  }
0xa4: {  	s25 =	simm.s32 $0x1B8E;
	s24 =	sld [smem:$0x3FFE];
	[sflag:s23] =	ssyncadd.s32 $0xFFFFFFFF  }
0xa5: {  	s26 =	simm.s32 $execute0_lowered;
	[smem:$0x3FD2] =	sst s25  }
0xa6: {  	s4 =	sshll.u32 s26, $0x1;
	_ =	strace $0x80000046;
	[dreg:$0x1] =	wrdreg $0xFFFFFFFF  }
0xa7: {  	s28 =	simm.s32 $_size_execute0_lowered;
	s2 =	sadd.s32 s2, s4;
	[dreg:$0x0] =	wrdreg $0x0  }
0xa8: {  	s4 =	sshll.u32 s28, $0x1;
	[dreg:$0x2] =	wrdreg s2  }
0xa9: {  	[dreg:$0x3] =	wrdreg s4  }
0xaa: {  	[dreg:$0x4] =	wrdreg $0xC0  }
0xab: {  	_ =	task [dreg:s6], $0x5FFFF  }
0xac: {  	[dreg:$0x1] =	wrdreg $0xFFFFFFFF  }
0xad: {  	[dreg:$0x0] =	wrdreg $0x60  }
0xae: {  	[dreg:$0x2] =	wrdreg s24  }
0xaf: {  	[dreg:$0x3] =	wrdreg $0x0  }
0xb0: {  	[dreg:$0x4] =	wrdreg $0x9  }
0xb1: {  	_ =	task.clear_ibuf [dreg:s6], $0x5FFFF;
	_ =	strace $0x90000046  }
0xb2: {  	s29 =	simm.s32 $0x9;
	_ =	strace $0x80000048  }
0xb3: {  	_ =	swait.ge [sflag:s29], $0x1  }
0xb4: {  	[sflag:s29] =	ssyncadd.s32 $0xFFFFFFFF  }
0xb5: {  	_ =	strace $0x90000048  }
0xb6: {  	_ =	sfence  }
0xb7: {  	s30 =	sld [smem:$0x0];
	_ =	sdelay $0x2  }
0xb8: {  	s31 =	sshll.u32 s1, $0xD;
	s1 =	sshrl.u32 s1, $0x2  }
0xb9: {  	s3 =	sand.u32 $0x4000, s31;
	s1 =	sadd.s32 s1, s30  }
0xba: {  	s0 =	sor.u32 s3, s0;
	s1 =	sshll.u32 s1, $0x11  }
0xbb: {  	s0 =	sor.u32 s1, s0  }
0xbc: {  	s0 =	sadd.s32 $0x8F2B, s0  }
0xbd: {  	[sflag:s0] =	ssyncadd.remote.s32 $0x1  }
0xbe: {  	_ =	sfence.sel $0xFFFF  }
0xbf: {  	[dreg:$0x0] =	wrdreg $0xFFFFFFFF;
	(pc) =	sbr.abs _section_cstart, $3  }
0xc0: {  	[dreg:$0x1] =	wrdreg $0xFFFFFFFF  }
0xc1: {  	_ =	task.clear_ibuf [dreg:s6], $0x2FFFF;
	_ =	strace $0x9FFFFFFF  }
0xc2: {  	(tm) =	ssettm $0x7FFFFFFF  }
0xc3: {  	_ =	shalt  }
tec
execute0_lowered:
.L_overlay_start_1:
0x0: {  	(tag) =	ssettag $0x1  }
0x1: {  	s0 =	rddreg [dreg:$0x0]  }
0x2: {  	s1 =	rddreg [dreg:$0x1];
	s2 =	simm.s32 $0x0;
	s3 =	srdreg.scid  }
0x3: {  	s20 =	stileid.u32;
	s28 =	simm.s32 $0x14180;
	s29 =	simm.s32 $0x4  }
0x4: {  	s30 =	simm.s32 $0x14300;
	s31 =	simm.s32 $0x14480;
	[smem:$0x7FF] =	sst s2  }
0x5: {  	s3 =	sand.u32 $0x1, s3;
	s4 =	sadd.s32 $0x33400, s0;
	s8 =	smul.u32 $0x2800, s20  }
0x6: {  	s6 =	sadd.s32 $0xB400, s0;
	s7 =	sadd.s32 $0x29400, s0;
	s18 =	smul.u32 $0x280, s20  }
0x7: {  	s9 =	sadd.s32 $0x83400, s0;
	s0 =	sadd.s32 $0x85C00, s0;
	s19 =	smul.u32 $0x50000, s20  }
0x8: {  	s20 =	sshll.u32 s20, $0x6;
	_ =	strace $0x80000047;
	s5 =	smul.u32 $0x28000, s3  }
0x9: {  	[dreg:$0x3] =	wrdreg s9;
	s10 =	ssub.s32 $0x2, s3;
	s3 =	smul.u32 $0x2800, s3  }
0xa: {  	s20 =	sor.u32 $0x1C04, s20;
	s11 =	sshrl.u32 s10, $0x1;
	s9 =	sadd.s32 $0x200, s18  }
0xb: {  	s5 =	sadd.s32 s8, s5;
	s10 =	ssub.s32 s10, s11;
	s8 =	sshrl.u32 s19, $0x2  }
0xc: {  	s24 =	sadd.s32 s18, s3;
	s19 =	sadd.s32 $0x80, s18;
	s12 =	sshrl.u32 s5, $0x3  }
0xd: {  	s26 =	sadd.s32 s3, s19;
	s16 =	sor.u32 $0x280, s5;
	s5 =	sor.u32 $0x140, s5  }
0xe: {  	s21 =	sadd.s32 s6, s12;
	s22 =	sadd.s32 s7, s12;
	s23 =	sadd.s32 $0x4D8, s12  }
0xf: {  	s12 =	sshll.u32 s24, $0x4;
	s17 =	sshrl.u32 s16, $0x3;
	[dreg:$0x4] =	wrdreg s21  }
0x10: {  	[dreg:$0x5] =	wrdreg s22;
	s13 =	sadd.s32 s6, s23;
	s11 =	sadd.s32 s7, s23  }
0x11: {  	s25 =	sadd.s32 s0, s12;
	s22 =	sadd.s32 $0x100, s18;
	s23 =	sadd.s32 $0x180, s18  }
0x12: {  	s18 =	sshrl.u32 s5, $0x3;
	s16 =	sadd.s32 s17, s6;
	[dreg:$0x6] =	wrdreg s13  }
0x13: {  	s21 =	sshll.u32 s19, $0x7;
	s19 =	sadd.s32 s8, s1;
	[dreg:$0x7] =	wrdreg s11  }
0x14: {  	s5 =	simm.s32 $0x14600;
	s8 =	simm.s32 $0x0;
	[dreg:$0x8] =	wrdreg s25  }
0x15: {  	s11 =	sshll.u32 s26, $0x4;
	s12 =	sadd.s32 s3, s22;
	s13 =	sadd.s32 s3, s23  }
0x16: {  	s3 =	sadd.s32 s3, s9;
	s21 =	sadd.s32 s21, s1;
	s24 =	sshll.u32 s22, $0x7  }
0x17: {  	s25 =	sshll.u32 s23, $0x7;
	s26 =	sshll.u32 s9, $0x7;
	s11 =	sadd.s32 s0, s11  }
0x18: {  	s14 =	sshll.u32 s13, $0x4;
	s3 =	sshll.u32 s3, $0x4;
	s22 =	sadd.s32 s24, s1  }
0x19: {  	s23 =	sadd.s32 s25, s1;
	s24 =	sadd.s32 s26, s1;
	s25 =	smax.u32 s10, $0x1  }
0x1a: {  	s26 =	simm.s32 $0x14000;
	[dreg:$0x9] =	wrdreg s11;
	s11 =	sshll.u32 s12, $0x4  }
0x1b: {  	s15 =	sadd.s32 s0, s14;
	s14 =	sadd.s32 s0, s3;
	s3 =	simm.s32 $0x140  }
0x1c: {  	s11 =	sadd.s32 s0, s11;
	[dreg:$0xb] =	wrdreg s15;
	s15 =	sadd.s32 s17, s7  }
0x1d: {  	s17 =	sadd.s32 s18, s7;
	s18 =	sadd.s32 s18, s6;
	s0 =	simm.s32 $0x2  }
0x1e: {  	s6 =	simm.s32 $0x1;
	s7 =	simm.s32 $0x3;
	[dreg:$0xa] =	wrdreg s11  }
.LBB2_1:
0x1f: {  	s9 =	rddreg [dreg:$0x4]  }
0x20: {  	s12 =	rddreg [dreg:$0x5]  }
0x21: {  	[tilespmem:s26], [sflag:$0x2] =	stream.linear.gather [hbm4b:s9+s2], $0x140, $0x38;
	[tilespmem:$0x1E600] =	vst v63  }
0x22: {  	s13 =	sshrl.u32 s19, $0x3;
	s10 =	rddreg [dreg:$0x3]  }
0x23: {  	[tilespmem:s28], [sflag:$0x2] =	stream.linear.gather [hbm4b:s12+s2], $0x140, $0x38;
	[tilespmem:$0x1E600] =	vst v63  }
0x24: {  	[spmem:s13], [sflag:s20] =	dma.local [hbm:s10], $0x2800  }
0x25: {  	_ =	swait.ge [sflag:s29], $0x2800  }
0x26: {  	[sflag:s29] =	ssyncset.done $0x0  }
0x27: {  	[sflag:s29] =	ssyncadd.s32 $0xFFFFD800  }
0x28: {  	s10 =	sadd.s32 $0x0, s18;
	[bflag:$0x0] =	sbarrier.arrive $0xFFFF  }
0x29: {  	[tilespmem:s30], [sflag:$0x3] =	stream.linear.gather [hbm4b:s10+s2], $0x140, $0x38;
	[tilespmem:$0x1E600] =	vst v63  }
0x2a: {  	s11 =	sadd.s32 $0x0, s17  }
0x2b: {  	[tilespmem:s31], [sflag:$0x3] =	stream.linear.gather [hbm4b:s11+s2], $0x140, $0x38;
	[tilespmem:$0x1E600] =	vst v63  }
0x2c: {  	_ =	swait.ge [sflag:s0], $0x140  }
0x2d: {  	[sflag:s0] =	ssyncset.done $0x0  }
0x2e: {  	[sflag:s0] =	ssyncadd.s32 $0xFFFFFEC0  }
0x2f: {  	_ =	swait.ge [sflag:s0], $0x140  }
0x30: {  	[sflag:s0] =	ssyncset.done $0x0  }
0x31: {  	[sflag:s0] =	ssyncadd.s32 $0xFFFFFEC0  }
0x32: {  	[tilespmem:s5], [sflag:$0x1] =	stream.indirect.gather [hbm4b:s4+s3], $0x80, s26, s3, $0xb8;
	[tilespmem:$0x1E600] =	vst v63  }
0x33: {  	_ =	swait.ge [sflag:s6], $0xA000  }
0x34: {  	[sflag:s6] =	ssyncset.done $0x0  }
0x35: {  	[sflag:s6] =	ssyncadd.s32 $0xFFFF6000  }
0x36: {  	[spmem:s1] =	stream.indirect.scatter.add.f32 [tilespmem:s5], [sflag:$0x4], $0x80, s28, s3, $0xb8;
	[tilespmem:$0x1E600] =	vst v63  }
0x37: {  	_ =	swait.ge [sflag:s29], $0xA000  }
0x38: {  	[sflag:s29] =	ssyncset.done $0x0  }
0x39: {  	s12 =	sadd.s32 $0x0, s16;
	[sflag:s29] =	ssyncadd.s32 $0xFFFF6000  }
0x3a: {  	[tilespmem:s26], [sflag:$0x2] =	stream.linear.gather [hbm4b:s12+s2], $0x140, $0x38;
	[tilespmem:$0x1E600] =	vst v63  }
0x3b: {  	s13 =	sadd.s32 $0x0, s15  }
0x3c: {  	[tilespmem:s28], [sflag:$0x2] =	stream.linear.gather [hbm4b:s13+s2], $0x140, $0x38;
	[tilespmem:$0x1E600] =	vst v63  }
0x3d: {  	_ =	swait.ge [sflag:s7], $0x140  }
0x3e: {  	[sflag:s7] =	ssyncset.done $0x0  }
0x3f: {  	[sflag:s7] =	ssyncadd.s32 $0xFFFFFEC0  }
0x40: {  	_ =	swait.ge [sflag:s7], $0x140  }
0x41: {  	[sflag:s7] =	ssyncset.done $0x0  }
0x42: {  	[sflag:s7] =	ssyncadd.s32 $0xFFFFFEC0  }
0x43: {  	[tilespmem:s5], [sflag:$0x1] =	stream.indirect.gather [hbm4b:s4+s3], $0x80, s30, s3, $0xb8;
	[tilespmem:$0x1E600] =	vst v63  }
0x44: {  	_ =	swait.ge [sflag:s6], $0xA000  }
0x45: {  	[sflag:s6] =	ssyncset.done $0x0  }
0x46: {  	[sflag:s6] =	ssyncadd.s32 $0xFFFF6000  }
0x47: {  	[spmem:s1] =	stream.indirect.scatter.add.f32 [tilespmem:s5], [sflag:$0x4], $0x80, s31, s3, $0xb8;
	[tilespmem:$0x1E600] =	vst v63  }
0x48: {  	_ =	swait.ge [sflag:s29], $0xA000  }
0x49: {  	s9 =	simm.s32 $0x50;
	s10 =	simm.s32 $0xA0;
	[sflag:s29] =	ssyncset.done $0x0  }
.LBB2_2:
0x4a: {  	s12 =	sadd.s32 s9, s18  }
0x4b: {  	[sflag:s29] =	ssyncadd.s32 $0xFFFF6000;
	s13 =	smov.u32 s10;
	s11 =	sadd.s32 $0x50, s10  }
0x4c: {  	[tilespmem:s30], [sflag:$0x3] =	stream.linear.gather [hbm4b:s12+s2], $0x140, $0x38;
	[tilespmem:$0x1E600] =	vst v63  }
0x4d: {  	p0 =	sne.s32 s10, $0x460;
	s10 =	sadd.s32 s9, s17  }
0x4e: {  	[tilespmem:s31], [sflag:$0x3] =	stream.linear.gather [hbm4b:s10+s2], $0x140, $0x38;
	[tilespmem:$0x1E600] =	vst v63  }
0x4f: {  	_ =	swait.ge [sflag:s0], $0x140  }
0x50: {  	[sflag:s0] =	ssyncset.done $0x0  }
0x51: {  	[sflag:s0] =	ssyncadd.s32 $0xFFFFFEC0  }
0x52: {  	_ =	swait.ge [sflag:s0], $0x140  }
0x53: {  	[sflag:s0] =	ssyncset.done $0x0  }
0x54: {  	[sflag:s0] =	ssyncadd.s32 $0xFFFFFEC0  }
0x55: {  	[tilespmem:s5], [sflag:$0x1] =	stream.indirect.gather [hbm4b:s4+s3], $0x80, s26, s3, $0xb8;
	[tilespmem:$0x1E600] =	vst v63  }
0x56: {  	_ =	swait.ge [sflag:s6], $0xA000  }
0x57: {  	[sflag:s6] =	ssyncset.done $0x0  }
0x58: {  	[sflag:s6] =	ssyncadd.s32 $0xFFFF6000  }
0x59: {  	[spmem:s1] =	stream.indirect.scatter.add.f32 [tilespmem:s5], [sflag:$0x4], $0x80, s28, s3, $0xb8;
	[tilespmem:$0x1E600] =	vst v63  }
0x5a: {  	_ =	swait.ge [sflag:s29], $0xA000  }
0x5b: {  	[sflag:s29] =	ssyncset.done $0x0  }
0x5c: {  	s10 =	sadd.s32 s9, s16;
	[sflag:s29] =	ssyncadd.s32 $0xFFFF6000  }
0x5d: {  	[tilespmem:s26], [sflag:$0x2] =	stream.linear.gather [hbm4b:s10+s2], $0x140, $0x38;
	[tilespmem:$0x1E600] =	vst v63  }
0x5e: {  	s10 =	sadd.s32 s9, s15;
	s9 =	smov.u32 s13  }
0x5f: {  	[tilespmem:s28], [sflag:$0x2] =	stream.linear.gather [hbm4b:s10+s2], $0x140, $0x38;
	[tilespmem:$0x1E600] =	vst v63  }
0x60: {  	_ =	swait.ge [sflag:s7], $0x140  }
0x61: {  	[sflag:s7] =	ssyncset.done $0x0  }
0x62: {  	[sflag:s7] =	ssyncadd.s32 $0xFFFFFEC0  }
0x63: {  	_ =	swait.ge [sflag:s7], $0x140  }
0x64: {  	[sflag:s7] =	ssyncset.done $0x0  }
0x65: {  	[sflag:s7] =	ssyncadd.s32 $0xFFFFFEC0  }
0x66: {  	[tilespmem:s5], [sflag:$0x1] =	stream.indirect.gather [hbm4b:s4+s3], $0x80, s30, s3, $0xb8;
	[tilespmem:$0x1E600] =	vst v63  }
0x67: {  	_ =	swait.ge [sflag:s6], $0xA000  }
.Ltmp0:
0x68: {  	[sflag:s6] =	ssyncset.done $0x0;
	(pc) =	sbr.rel @p0 .LBB2_2-.Ltmp0, $4  }
0x69: {  	[sflag:s6] =	ssyncadd.s32 $0xFFFF6000  }
0x6a: {  	[spmem:s1] =	stream.indirect.scatter.add.f32 [tilespmem:s5], [sflag:$0x4], $0x80, s31, s3, $0xb8;
	[tilespmem:$0x1E600] =	vst v63  }
0x6b: {  	_ =	swait.ge [sflag:s29], $0xA000  }
0x6c: {  	s10 =	smov.u32 s11;
	[sflag:s29] =	ssyncset.done $0x0  }
0x6d: {  	s10 =	sadd.s32 s9, s18;
	[sflag:s29] =	ssyncadd.s32 $0xFFFF6000  }
0x6e: {  	[tilespmem:s30], [sflag:$0x3] =	stream.linear.gather [hbm4b:s10+s2], $0x140, $0x38;
	[tilespmem:$0x1E600] =	vst v63  }
0x6f: {  	s12 =	sadd.s32 s9, s17  }
0x70: {  	[tilespmem:s31], [sflag:$0x3] =	stream.linear.gather [hbm4b:s12+s2], $0x140, $0x38;
	[tilespmem:$0x1E600] =	vst v63  }
0x71: {  	_ =	swait.ge [sflag:s0], $0x140  }
0x72: {  	[sflag:s0] =	ssyncset.done $0x0  }
0x73: {  	[sflag:s0] =	ssyncadd.s32 $0xFFFFFEC0  }
0x74: {  	_ =	swait.ge [sflag:s0], $0x140  }
0x75: {  	[sflag:s0] =	ssyncset.done $0x0  }
0x76: {  	[sflag:s0] =	ssyncadd.s32 $0xFFFFFEC0  }
0x77: {  	[tilespmem:s5], [sflag:$0x1] =	stream.indirect.gather [hbm4b:s4+s3], $0x80, s26, s3, $0xb8;
	[tilespmem:$0x1E600] =	vst v63  }
0x78: {  	_ =	swait.ge [sflag:s6], $0xA000  }
0x79: {  	[sflag:s6] =	ssyncset.done $0x0  }
0x7a: {  	[sflag:s6] =	ssyncadd.s32 $0xFFFF6000  }
0x7b: {  	[spmem:s1] =	stream.indirect.scatter.add.f32 [tilespmem:s5], [sflag:$0x4], $0x80, s28, s3, $0xb8;
	[tilespmem:$0x1E600] =	vst v63  }
0x7c: {  	_ =	swait.ge [sflag:s29], $0xA000  }
0x7d: {  	[sflag:s29] =	ssyncset.done $0x0  }
0x7e: {  	s13 =	sadd.s32 s9, s16;
	[sflag:s29] =	ssyncadd.s32 $0xFFFF6000  }
0x7f: {  	[tilespmem:s26], [sflag:$0x2] =	stream.linear.gather [hbm4b:s13+s2], $0x140, $0x38;
	[tilespmem:$0x1E600] =	vst v63  }
0x80: {  	s11 =	sadd.s32 s9, s15  }
0x81: {  	[tilespmem:s28], [sflag:$0x2] =	stream.linear.gather [hbm4b:s11+s2], $0x140, $0x38;
	[tilespmem:$0x1E600] =	vst v63  }
0x82: {  	_ =	swait.ge [sflag:s7], $0x140  }
0x83: {  	[sflag:s7] =	ssyncset.done $0x0  }
0x84: {  	[sflag:s7] =	ssyncadd.s32 $0xFFFFFEC0  }
0x85: {  	_ =	swait.ge [sflag:s7], $0x140  }
0x86: {  	[sflag:s7] =	ssyncset.done $0x0  }
0x87: {  	[sflag:s7] =	ssyncadd.s32 $0xFFFFFEC0  }
0x88: {  	[tilespmem:s5], [sflag:$0x1] =	stream.indirect.gather [hbm4b:s4+s3], $0x80, s30, s3, $0xb8;
	[tilespmem:$0x1E600] =	vst v63  }
0x89: {  	_ =	swait.ge [sflag:s6], $0xA000  }
0x8a: {  	[sflag:s6] =	ssyncset.done $0x0  }
0x8b: {  	[sflag:s6] =	ssyncadd.s32 $0xFFFF6000  }
0x8c: {  	[spmem:s1] =	stream.indirect.scatter.add.f32 [tilespmem:s5], [sflag:$0x4], $0x80, s31, s3, $0xb8;
	[tilespmem:$0x1E600] =	vst v63  }
0x8d: {  	_ =	swait.ge [sflag:s29], $0xA000  }
0x8e: {  	[sflag:s29] =	ssyncset.done $0x0  }
0x8f: {  	s12 =	rddreg [dreg:$0x6];
	[sflag:s29] =	ssyncadd.s32 $0xFFFF6000  }
0x90: {  	[tilespmem:s30], [sflag:$0x3] =	stream.linear.gather [hbm4b:s12+s2], $0x140, $0x38;
	[tilespmem:$0x1E600] =	vst v63  }
0x91: {  	s13 =	rddreg [dreg:$0x7]  }
0x92: {  	[tilespmem:s31], [sflag:$0x3] =	stream.linear.gather [hbm4b:s13+s2], $0x140, $0x38;
	[tilespmem:$0x1E600] =	vst v63  }
0x93: {  	_ =	swait.ge [sflag:s0], $0x140  }
0x94: {  	[sflag:s0] =	ssyncset.done $0x0  }
0x95: {  	[sflag:s0] =	ssyncadd.s32 $0xFFFFFEC0  }
0x96: {  	_ =	swait.ge [sflag:s0], $0x140  }
0x97: {  	[sflag:s0] =	ssyncset.done $0x0  }
0x98: {  	[sflag:s0] =	ssyncadd.s32 $0xFFFFFEC0  }
0x99: {  	[tilespmem:s5], [sflag:$0x1] =	stream.indirect.gather [hbm4b:s4+s3], $0x80, s26, s3, $0xb8;
	[tilespmem:$0x1E600] =	vst v63  }
0x9a: {  	_ =	swait.ge [sflag:s6], $0xA000  }
0x9b: {  	[sflag:s6] =	ssyncset.done $0x0  }
0x9c: {  	[sflag:s6] =	ssyncadd.s32 $0xFFFF6000  }
0x9d: {  	[spmem:s1] =	stream.indirect.scatter.add.f32 [tilespmem:s5], [sflag:$0x4], $0x80, s28, s3, $0xb8;
	[tilespmem:$0x1E600] =	vst v63  }
0x9e: {  	_ =	swait.ge [sflag:s29], $0xA000  }
0x9f: {  	[sflag:s29] =	ssyncset.done $0x0  }
0xa0: {  	[sflag:s29] =	ssyncadd.s32 $0xFFFF6000  }
0xa1: {  	_ =	swait.ge [sflag:s7], $0x140  }
0xa2: {  	[sflag:s7] =	ssyncset.done $0x0  }
0xa3: {  	[sflag:s7] =	ssyncadd.s32 $0xFFFFFEC0  }
0xa4: {  	_ =	swait.ge [sflag:s7], $0x140  }
0xa5: {  	[sflag:s7] =	ssyncset.done $0x0  }
0xa6: {  	[sflag:s7] =	ssyncadd.s32 $0xFFFFFEC0  }
0xa7: {  	[tilespmem:s5], [sflag:$0x1] =	stream.indirect.gather [hbm4b:s4+s3], $0x80, s30, s3, $0xb8;
	[tilespmem:$0x1E600] =	vst v63  }
0xa8: {  	_ =	swait.ge [sflag:s6], $0xA000  }
0xa9: {  	[sflag:s6] =	ssyncset.done $0x0  }
0xaa: {  	[sflag:s6] =	ssyncadd.s32 $0xFFFF6000  }
0xab: {  	[spmem:s1] =	stream.indirect.scatter.add.f32 [tilespmem:s5], [sflag:$0x4], $0x80, s31, s3, $0xb8;
	[tilespmem:$0x1E600] =	vst v63  }
0xac: {  	_ =	swait.ge [sflag:s29], $0xA000  }
0xad: {  	[sflag:s29] =	ssyncset.done $0x0  }
0xae: {  	[sflag:s29] =	ssyncadd.s32 $0xFFFF6000  }
0xaf: {  	[bflag:$0x0] =	sbarrier.arrive $0xFFFF  }
0xb0: {  	[tilespmem:s5], [sflag:$0x4] =	stream.linear.gather [spmem:s19], $0x4000, $0x38;
	[tilespmem:$0x1E600] =	vst v63  }
0xb1: {  	_ =	swait.ge [sflag:s29], $0x4000  }
0xb2: {  	[sflag:s29] =	ssyncset.done $0x0  }
0xb3: {  	s10 =	rddreg [dreg:$0x8];
	[sflag:s29] =	ssyncadd.s32 $0xFFFFC000  }
0xb4: {  	[hbm4b:s10+s2] =	stream.linear.scatter [tilespmem:s5], [sflag:$0x4], $0x4000, $0x38;
	[tilespmem:$0x1E600] =	vst v63  }
0xb5: {  	_ =	swait.ge [sflag:s29], $0x4000  }
0xb6: {  	[sflag:s29] =	ssyncset.done $0x0  }
0xb7: {  	[sflag:s29] =	ssyncadd.s32 $0xFFFFC000  }
0xb8: {  	[tilespmem:s5], [sflag:$0x4] =	stream.linear.gather [spmem:s21], $0x4000, $0x38;
	[tilespmem:$0x1E600] =	vst v63  }
0xb9: {  	_ =	swait.ge [sflag:s29], $0x4000  }
0xba: {  	[sflag:s29] =	ssyncset.done $0x0  }
0xbb: {  	s11 =	rddreg [dreg:$0x9];
	[sflag:s29] =	ssyncadd.s32 $0xFFFFC000  }
0xbc: {  	[hbm4b:s11+s2] =	stream.linear.scatter [tilespmem:s5], [sflag:$0x4], $0x4000, $0x38;
	[tilespmem:$0x1E600] =	vst v63  }
0xbd: {  	_ =	swait.ge [sflag:s29], $0x4000  }
0xbe: {  	[sflag:s29] =	ssyncset.done $0x0  }
0xbf: {  	[sflag:s29] =	ssyncadd.s32 $0xFFFFC000  }
0xc0: {  	[tilespmem:s5], [sflag:$0x4] =	stream.linear.gather [spmem:s22], $0x4000, $0x38;
	[tilespmem:$0x1E600] =	vst v63  }
0xc1: {  	_ =	swait.ge [sflag:s29], $0x4000  }
0xc2: {  	[sflag:s29] =	ssyncset.done $0x0  }
0xc3: {  	s12 =	rddreg [dreg:$0xa];
	[sflag:s29] =	ssyncadd.s32 $0xFFFFC000  }
0xc4: {  	[hbm4b:s12+s2] =	stream.linear.scatter [tilespmem:s5], [sflag:$0x4], $0x4000, $0x38;
	[tilespmem:$0x1E600] =	vst v63  }
0xc5: {  	_ =	swait.ge [sflag:s29], $0x4000  }
0xc6: {  	[sflag:s29] =	ssyncset.done $0x0  }
0xc7: {  	[sflag:s29] =	ssyncadd.s32 $0xFFFFC000  }
0xc8: {  	[tilespmem:s5], [sflag:$0x4] =	stream.linear.gather [spmem:s23], $0x4000, $0x38;
	[tilespmem:$0x1E600] =	vst v63  }
0xc9: {  	_ =	swait.ge [sflag:s29], $0x4000  }
0xca: {  	[sflag:s29] =	ssyncset.done $0x0  }
0xcb: {  	s13 =	rddreg [dreg:$0xb];
	[sflag:s29] =	ssyncadd.s32 $0xFFFFC000  }
0xcc: {  	[hbm4b:s13+s2] =	stream.linear.scatter [tilespmem:s5], [sflag:$0x4], $0x4000, $0x38;
	[tilespmem:$0x1E600] =	vst v63  }
0xcd: {  	_ =	swait.ge [sflag:s29], $0x4000  }
0xce: {  	[sflag:s29] =	ssyncset.done $0x0  }
0xcf: {  	[sflag:s29] =	ssyncadd.s32 $0xFFFFC000  }
0xd0: {  	[tilespmem:s5], [sflag:$0x4] =	stream.linear.gather [spmem:s24], $0x4000, $0x38;
	[tilespmem:$0x1E600] =	vst v63  }
0xd1: {  	s8 =	sadd.s32 $0x1, s8;
	_ =	swait.ge [sflag:s29], $0x4000  }
0xd2: {  	p0 =	sne.s32 s8, s25;
	[sflag:s29] =	ssyncset.done $0x0  }
.Ltmp1:
0xd3: {  	[sflag:s29] =	ssyncadd.s32 $0xFFFFC000;
	(pc) =	sbr.rel @p0 .LBB2_1-.Ltmp1, $4  }
0xd4: {  	[hbm4b:s14+s2] =	stream.linear.scatter [tilespmem:s5], [sflag:$0x4], $0x4000, $0x38;
	[tilespmem:$0x1E600] =	vst v63  }
0xd5: {  	_ =	swait.ge [sflag:s29], $0x4000  }
0xd6: {  	[sflag:s29] =	ssyncset.done $0x0  }
0xd7: {  	[sflag:s29] =	ssyncadd.s32 $0xFFFFC000  }
0xd8: {  	_ =	sfence.sel $0x180000  }
0xd9: {  	[bflag:$0x0] =	sbarrier.arrive $0xFFFF  }
0xda: {  	_ =	strace $0x90000047  }
0xdb: {  	s0 =	stileid.u32;
	[bflag:$0x2] =	sbarrier.arrive $0xFFFF  }
0xdc: {  	p0 =	sne.s32 s0, $0x0;
	s0 =	rddreg [dreg:$0x2]  }
0xdd: {  	s0 =	sadd.s32 @!p0 $0x100000, s0  }
0xde: {  	[sflag:s0] =	ssyncadd.tile.s32 @!p0 $0x1;
	_ =	shalt  }
.Lfunc_end2:
_tile_overlayer_lowered:
.L_overlay_start_2:
0xdf: {  	(tag) =	ssettag $0x2  }
0xe0: {  	s0 =	rddreg [dreg:$0x0];
	s2 =	stileid.u32  }
0xe1: {  	s1 =	rddreg [dreg:$0x1];
	p0 =	sne.s32 s2, $0x0  }
0xe2: {  	s3 =	rddreg [dreg:$0x2];
	[bflag:$0x3] =	sbarrier.arrive $0xFFFF;
	s2 =	simm.s32 @!p0 $0x1C04  }
0xe3: {  	[timem:s3], [sflag:s2] =	dma.local @!p0 [hbm:s0], s1  }
0xe4: {  	s0 =	simm.s32 @!p0 $0x4  }
0xe5: {  	_ =	swait.ge @!p0 [sflag:s0], s1  }
0xe6: {  	s1 =	ssub.s32 @!p0 $0x0, s1;
	[sflag:s0] =	ssyncset.done @!p0 $0x0  }
0xe7: {  	[sflag:s0] =	ssyncadd.s32 @!p0 s1  }
0xe8: {  	[bflag:$0x3] =	sbarrier.arrive $0xFFFF  }
0xe9: {  	_ =	shalt  }

</sc_bundles>
